<compile_context>
chip_gen: v7x
topology: tpu7x:2x2x1
jax: 0.10.2.dev20260603
libtpu: 0.0.44.dev20260713+nightly
codegen_flags: <defaults>
</compile_context>

<pallas_src>
import functools

import jax
import jax.numpy as jnp
from jax import lax
from jax.experimental import pallas as pl
from jax.experimental.pallas import tpu as pltpu
from jax.experimental.pallas import tpu_sc as plsc

N = 10000
E = 320000
F = 128
FH = F // 2

NC = 2
NS = 16
NW = NC * NS

WIN = 80
NRING = 5

EPT = E // NS
NWIN = EPT // WIN
MP_NB = 50
MP_NBLK = NWIN // MP_NB


RPT = 632
NP = NS * RPT
RPT_LAST = N - 15 * RPT

_mesh = plsc.VectorSubcoreMesh(core_axis_name="c", subcore_axis_name="s")


DEG_RPT = 640
DEG_NP = NS * DEG_RPT


def _deg_body(dst_hbm, deg_out, dst_v, ones_w, zeros_w, deg, dsem):
    c = lax.axis_index("c")
    s = lax.axis_index("s")

    @pl.loop(0, WIN // 16)
    def _(i):
        ones_w[pl.ds(i * 16, 16)] = jnp.ones((16,), jnp.float32)

    @pl.loop(0, DEG_RPT // 16)
    def _(i):
        zeros_w[pl.ds(i * 16, 16)] = jnp.zeros((16,), jnp.float32)

    pltpu.sync_copy(zeros_w, deg.at[pl.ds(s * DEG_RPT, DEG_RPT)])
    plsc.subcore_barrier()

    @pl.loop(0, MP_NBLK)
    def _(b):
        take = jnp.logical_or(b == MP_NBLK - 1, lax.rem(b, 2) == c)

        @pl.when(take)
        def _():
            pltpu.sync_copy(dst_hbm.at[s, b], dst_v)
            last = b == MP_NBLK - 1
            lo = jnp.where(last, c * (MP_NB // 2), 0)
            hi = jnp.where(last, (c + 1) * (MP_NB // 2), MP_NB)

            @pl.loop(lo, hi)
            def _(j):
                pltpu.async_copy(ones_w, deg.at[dst_v.at[j]], dsem, add=True)

            @pl.when(jnp.logical_not(last))
            def _():
                pltpu.make_async_copy(dst_hbm.at[s, b], dst_v, dsem).wait()

            @pl.when(last)
            def _():
                pltpu.make_async_copy(
                    dst_hbm.at[s, b, pl.ds(0, MP_NB // 2)],
                    dst_v.at[pl.ds(0, MP_NB // 2)], dsem).wait()

    plsc.subcore_barrier()
    pltpu.sync_copy(deg.at[pl.ds(s * DEG_RPT, DEG_RPT)],
                    deg_out.at[c, pl.ds(s * DEG_RPT, DEG_RPT)])


_deg_kernel = functools.partial(
    pl.kernel,
    out_type=jax.ShapeDtypeStruct((NC, DEG_NP), jnp.float32),
    mesh=_mesh,
    scratch_types=[
        pltpu.VMEM((MP_NB, WIN), jnp.int32),
        pltpu.VMEM((WIN,), jnp.float32),
        pltpu.VMEM((DEG_RPT,), jnp.float32),
        pltpu.VMEM_SHARED((DEG_NP,), jnp.float32),
        pltpu.SemaphoreType.DMA,
    ],
    compiler_params=pltpu.CompilerParams(use_tc_tiling_on_sc=False),
)(_deg_body)


def _mp_half(hp_hbm, src_hbm, dst_hbm, out_hbm, src_b, dst_b, bufs, acc, sems, s):
    r0 = s * RPT

    def start_g(w, k):
        pltpu.async_copy(hp_hbm.at[src_b.at[w]], bufs[k], sems[k])

    def wait_g(w, k):
        pltpu.make_async_copy(hp_hbm.at[src_b.at[w]], bufs[k], sems[k]).wait()

    pltpu.sync_copy(src_hbm.at[s, 0], src_b)
    pltpu.sync_copy(dst_hbm.at[s, 0], dst_b)
    for k in range(NRING):
        start_g(k, k)

    @pl.when(s < NS - 1)
    def _():
        pltpu.sync_copy(hp_hbm.at[pl.ds(r0, RPT)], acc.at[pl.ds(r0, RPT)])

    @pl.when(s == NS - 1)
    def _():
        pltpu.sync_copy(hp_hbm.at[pl.ds(r0, RPT_LAST)],
                        acc.at[pl.ds(r0, RPT_LAST)])

    plsc.subcore_barrier()

    @pl.loop(0, MP_NBLK)
    def _(b):
        @pl.when(b > 0)
        def _():
            pltpu.sync_copy(src_hbm.at[s, b], src_b)
            pltpu.sync_copy(dst_hbm.at[s, b], dst_b)

            for k in range(NRING):
                start_g(k, k)

        @pl.loop(0, MP_NB, step=NRING)
        def _(j):
            for k in range(NRING):
                w = j + k
                wait_g(w, k)
                pltpu.sync_copy(bufs[k], acc.at[dst_b.at[w]], add=True)

                @pl.when(w + NRING < MP_NB)
                def _():
                    start_g(w + NRING, k)

    plsc.subcore_barrier()

    @pl.when(s < NS - 1)
    def _():
        pltpu.sync_copy(acc.at[pl.ds(r0, RPT)], out_hbm.at[pl.ds(r0, RPT)])

    @pl.when(s == NS - 1)
    def _():
        pltpu.sync_copy(acc.at[pl.ds(r0, RPT_LAST)],
                        out_hbm.at[pl.ds(r0, RPT_LAST)])


def _mp_body(hp0_hbm, hp1_hbm, src_hbm, dst_hbm, out0_hbm, out1_hbm,
             src_b, dst_b,
             b0, b1, b2, b3, b4, acc,
             s0, s1, s2, s3, s4):
    c = lax.axis_index("c")
    s = lax.axis_index("s")
    bufs = [b0, b1, b2, b3, b4]
    sems = [s0, s1, s2, s3, s4]

    @pl.when(c == 0)
    def _():
        _mp_half(hp0_hbm, src_hbm, dst_hbm, out0_hbm, src_b, dst_b,
                 bufs, acc, sems, s)

    @pl.when(c == 1)
    def _():
        _mp_half(hp1_hbm, src_hbm, dst_hbm, out1_hbm, src_b, dst_b,
                 bufs, acc, sems, s)


_mp_kernel = functools.partial(
    pl.kernel,
    out_type=[jax.ShapeDtypeStruct((NP, FH), jnp.float32),
              jax.ShapeDtypeStruct((NP, FH), jnp.float32)],
    mesh=_mesh,
    scratch_types=(
        [
            pltpu.VMEM((MP_NB, WIN), jnp.int32),
            pltpu.VMEM((MP_NB, WIN), jnp.int32),
        ]
        + [pltpu.VMEM((WIN, FH), jnp.float32) for _ in range(NRING)]
        + [pltpu.VMEM_SHARED((NP, FH), jnp.float32)]
        + [pltpu.SemaphoreType.DMA for _ in range(NRING)]
    ),
    compiler_params=pltpu.CompilerParams(use_tc_tiling_on_sc=False),
)(_mp_body)


BR = 2000
GRID = N // BR


def _prep_body(x_ref, w_ref, deg_ref, o0_ref, o1_ref):
    dinv = lax.rsqrt(deg_ref[0, :, 0] + deg_ref[1, :, 0] + 1.0)
    h = jnp.dot(x_ref[...], w_ref[...], preferred_element_type=jnp.float32)
    hp = h * dinv[:, None]
    o0_ref[...] = hp[:, :FH]
    o1_ref[...] = hp[:, FH:]


def _mid_body(acc0_ref, acc1_ref, deg_ref, b_ref, w_ref, o0_ref, o1_ref):
    dinv = lax.rsqrt(deg_ref[0, :, 0] + deg_ref[1, :, 0] + 1.0)
    accfull = jnp.concatenate([acc0_ref[...], acc1_ref[...]], axis=1)
    z = dinv[:, None] * accfull + b_ref[...][None, :]
    g = jax.nn.gelu(z)
    h = jnp.dot(g, w_ref[...], preferred_element_type=jnp.float32)
    hp = h * dinv[:, None]
    o0_ref[...] = hp[:, :FH]
    o1_ref[...] = hp[:, FH:]


def _final_body(acc0_ref, acc1_ref, deg_ref, b_ref, o_ref):
    dinv = lax.rsqrt(deg_ref[0, :, 0] + deg_ref[1, :, 0] + 1.0)
    accfull = jnp.concatenate([acc0_ref[...], acc1_ref[...]], axis=1)
    o_ref[...] = dinv[:, None] * accfull + b_ref[...][None, :]


_row_spec = pl.BlockSpec((BR, F), lambda i: (i, 0))
_half_spec = pl.BlockSpec((BR, FH), lambda i: (i, 0))
_deg_spec = pl.BlockSpec((NC, BR, 1), lambda i: (0, i, 0))
_acc_spec = pl.BlockSpec((BR, FH), lambda i: (i, 0))
_w_spec = pl.BlockSpec((F, F), lambda i: (0, 0))
_b_spec = pl.BlockSpec((F,), lambda i: (0,))

_half_shape = jax.ShapeDtypeStruct((N, FH), jnp.float32)

_prep_kernel = pl.pallas_call(
    _prep_body,
    grid=(GRID,),
    in_specs=[_row_spec, _w_spec, _deg_spec],
    out_specs=[_half_spec, _half_spec],
    out_shape=[_half_shape, _half_shape],
)

_mid_kernel = pl.pallas_call(
    _mid_body,
    grid=(GRID,),
    in_specs=[_acc_spec, _acc_spec, _deg_spec, _b_spec, _w_spec],
    out_specs=[_half_spec, _half_spec],
    out_shape=[_half_shape, _half_shape],
)

_final_kernel = pl.pallas_call(
    _final_body,
    grid=(GRID,),
    in_specs=[_acc_spec, _acc_spec, _deg_spec, _b_spec],
    out_specs=_row_spec,
    out_shape=jax.ShapeDtypeStruct((N, F), jnp.float32),
)


@jax.jit
def kernel(x, edge_index, W1, b1, W2, b2):
    src_mp = edge_index[0].reshape(NS, MP_NBLK, MP_NB, WIN)
    dst_mp = edge_index[1].reshape(NS, MP_NBLK, MP_NB, WIN)

    deg2 = _deg_kernel(dst_mp)[:, :N].reshape(NC, N, 1)
    h1p0, h1p1 = _prep_kernel(x, W1, deg2)
    a10, a11 = _mp_kernel(h1p0, h1p1, src_mp, dst_mp)
    h2p0, h2p1 = _mid_kernel(a10, a11, deg2, b1, W2)
    a20, a21 = _mp_kernel(h2p0, h2p1, src_mp, dst_mp)
    return _final_kernel(a20, a21, deg2, b2)

# --- scband reference (transcript-rebuilt; emitter-appended) ---
"""Pipeline reference for scband-gcnnet-12945031430852 (READ-ONLY COPY).

The authoritative reference and input builder live on the scoring server;
editing this copy changes nothing except your own understanding.
"""

import jax, jax.numpy as jnp
import numpy as np

N = 10000
E = 320000
PLANES = [128, 128, 128]


def glorot(key, shape):
    fan_in, fan_out = shape[0], shape[1]
    limit = np.sqrt(6.0 / (fan_in + fan_out))
    return jax.random.uniform(key, shape, dtype=jnp.float32, minval=-limit, maxval=limit)


def setup_inputs(seed: int = 0) -> dict:
    key = jax.random.key(seed)
    kx, ke, kw1, kw2 = jax.random.split(key, 4)
    x = jax.random.normal(kx, (N, PLANES[0]), dtype=jnp.float32)
    edge_index = jax.random.randint(ke, (2, E), 0, N, dtype=jnp.int32)
    W1 = glorot(kw1, (PLANES[0], PLANES[1]))
    b1 = jnp.zeros((PLANES[1],), dtype=jnp.float32)
    W2 = glorot(kw2, (PLANES[1], PLANES[2]))
    b2 = jnp.zeros((PLANES[2],), dtype=jnp.float32)
    return {"x": x, "edge_index": edge_index, "W1": W1, "b1": b1, "W2": W2, "b2": b2}


def gcn_conv(x, edge_index, W, b):
    # Faithful translation of torch_geometric GCNConv with add_self_loops=True,
    # normalize=True: out = D^{-1/2} (A + I) D^{-1/2} X W + b
    num_nodes = x.shape[0]
    src = edge_index[0]
    dst = edge_index[1]
    loop = jnp.arange(num_nodes, dtype=src.dtype)
    src = jnp.concatenate([src, loop])
    dst = jnp.concatenate([dst, loop])
    deg = jnp.zeros((num_nodes,), dtype=x.dtype).at[dst].add(1.0)
    deg_inv_sqrt = jnp.where(deg > 0, jax.lax.rsqrt(jnp.maximum(deg, 1e-12)), 0.0)
    norm = deg_inv_sqrt[src] * deg_inv_sqrt[dst]
    h = x @ W
    msg = jnp.take(h, src, axis=0) * norm[:, None]
    out = jnp.zeros((num_nodes, h.shape[1]), dtype=h.dtype).at[dst].add(msg)
    return out + b


def reference(x, edge_index, W1, b1, W2, b2):
    h = gcn_conv(x, edge_index, W1, b1)
    h = jax.nn.gelu(h)
    out = gcn_conv(h, edge_index, W2, b2)
    return out

if __name__ == "__main__":
    import jax
    _d = setup_inputs()
    print(jax.jit(kernel)(*tuple(_d.values())))

</pallas_src>

<mosaic_0001>
#map = affine_map<(d0, d1) -> (0, 0)>
#map1 = affine_map<(d0, d1) -> (0, 0, 0, 0)>
module attributes {stable_mosaic.version = 14 : i64} {
  func.func @_mp_body(%arg0: i32, %arg1: i32, %arg2: memref<10000x64xf32, #tpu.memory_space<hbm>>, %arg3: memref<10000x64xf32, #tpu.memory_space<hbm>>, %arg4: memref<16x5x50x80xi32, #tpu.memory_space<hbm>>, %arg5: memref<16x5x50x80xi32, #tpu.memory_space<hbm>>, %arg6: memref<10112x64xf32, #tpu.memory_space<hbm>>, %arg7: memref<10112x64xf32, #tpu.memory_space<hbm>>, %arg8: memref<50x80xi32, #tpu.memory_space<vmem>>, %arg9: memref<50x80xi32, #tpu.memory_space<vmem>>, %arg10: memref<80x64xf32, #tpu.memory_space<vmem>>, %arg11: memref<80x64xf32, #tpu.memory_space<vmem>>, %arg12: memref<80x64xf32, #tpu.memory_space<vmem>>, %arg13: memref<80x64xf32, #tpu.memory_space<vmem>>, %arg14: memref<80x64xf32, #tpu.memory_space<vmem>>, %arg15: memref<10112x64xf32, #tpu.memory_space<vmem_shared>>, %arg16: memref<!tpu.dma_semaphore, #tpu.memory_space<semaphore_mem>>, %arg17: memref<!tpu.dma_semaphore, #tpu.memory_space<semaphore_mem>>, %arg18: memref<!tpu.dma_semaphore, #tpu.memory_space<semaphore_mem>>, %arg19: memref<!tpu.dma_semaphore, #tpu.memory_space<semaphore_mem>>, %arg20: memref<!tpu.dma_semaphore, #tpu.memory_space<semaphore_mem>>) attributes {dimension_semantics = [#tpu.dimension_semantics<core_parallel>, #tpu.dimension_semantics<subcore_parallel>], iteration_bounds = array<i64: 2, 16>, scalar_prefetch = 0 : i64, scratch_operands = 13 : i64, tpu.core_type = #tpu.core_type<sc_vector_subcore>, window_params = [{transform_indices = #map}, {transform_indices = #map}, {transform_indices = #map1}, {transform_indices = #map1}, {transform_indices = #map}, {transform_indices = #map}]} {
    %eq3A = arith.constant 0 : i32
    %eq3A_0 = arith.cmpi eq, %arg0, %eq3A : i32
    %convert_element_type3A = arith.extui %eq3A_0 : i1 to i32
    %cond3A = arith.constant 0 : i32
    %cond3A_1 = arith.cmpi ne, %convert_element_type3A, %cond3A : i32
    scf.if %cond3A_1 {
      %mul3A = arith.constant 632 : i32
      %mul3A_7 = arith.muli %arg1, %mul3A : i32
      %run_scoped3A = arith.constant 0 : i32
      "tpu.region"() ({
        %run_scoped3A_67 = tpu.sem_alloc : memref<!tpu.dma_semaphore, #tpu.memory_space<semaphore_mem>>
        %dma_start3A_68 = arith.constant 0 : i32
        %dma_start3A_69 = arith.constant 0 : i32
        %dma_start3A_70 = tpu.memref_slice %arg4[%arg1, %run_scoped3A, %dma_start3A_68, %dma_start3A_69] : memref<16x5x50x80xi32, #tpu.memory_space<hbm>> -> memref<1x1x50x80xi32, #tpu.memory_space<hbm>>
        %dma_start3A_71 = tpu.memref_squeeze %dma_start3A_70 : memref<1x1x50x80xi32, #tpu.memory_space<hbm>> -> memref<50x80xi32, #tpu.memory_space<hbm>>
        %dma_start3A_72 = arith.constant 0 : i32
        %dma_start3A_73 = arith.constant 0 : i32
        %dma_start3A_74 = tpu.memref_slice %arg4[%arg1, %run_scoped3A, %dma_start3A_72, %dma_start3A_73] : memref<16x5x50x80xi32, #tpu.memory_space<hbm>> -> memref<1x1x50x80xi32, #tpu.memory_space<hbm>>
        %dma_start3A_75 = tpu.memref_squeeze %dma_start3A_74 : memref<1x1x50x80xi32, #tpu.memory_space<hbm>> -> memref<50x80xi32, #tpu.memory_space<hbm>>
        tpu.enqueue_dma source(%dma_start3A_75 : memref<50x80xi32, #tpu.memory_space<hbm>>) target(%arg8 : memref<50x80xi32, #tpu.memory_space<vmem>>) target_semaphore(%run_scoped3A_67 : memref<!tpu.dma_semaphore, #tpu.memory_space<semaphore_mem>>)
        %dma_wait3A = arith.constant 0 : i32
        %dma_wait3A_76 = arith.constant 0 : i32
        %dma_wait3A_77 = tpu.memref_slice %arg4[%arg1, %run_scoped3A, %dma_wait3A, %dma_wait3A_76] : memref<16x5x50x80xi32, #tpu.memory_space<hbm>> -> memref<1x1x50x80xi32, #tpu.memory_space<hbm>>
        %dma_wait3A_78 = tpu.memref_squeeze %dma_wait3A_77 : memref<1x1x50x80xi32, #tpu.memory_space<hbm>> -> memref<50x80xi32, #tpu.memory_space<hbm>>
        %dma_wait3A_79 = arith.constant 0 : i32
        %dma_wait3A_80 = arith.constant 0 : i32
        %dma_wait3A_81 = tpu.memref_slice %arg4[%arg1, %run_scoped3A, %dma_wait3A_79, %dma_wait3A_80] : memref<16x5x50x80xi32, #tpu.memory_space<hbm>> -> memref<1x1x50x80xi32, #tpu.memory_space<hbm>>
        %dma_wait3A_82 = tpu.memref_squeeze %dma_wait3A_81 : memref<1x1x50x80xi32, #tpu.memory_space<hbm>> -> memref<50x80xi32, #tpu.memory_space<hbm>>
        tpu.wait_dma2 semaphore(%run_scoped3A_67 : memref<!tpu.dma_semaphore, #tpu.memory_space<semaphore_mem>>) src(%dma_wait3A_82 : memref<50x80xi32, #tpu.memory_space<hbm>>) dst(%arg8 : memref<50x80xi32, #tpu.memory_space<vmem>>)
        tpu.yield
      }) : () -> ()
      %run_scoped3A_8 = arith.constant 0 : i32
      "tpu.region"() ({
        %run_scoped3A_67 = tpu.sem_alloc : memref<!tpu.dma_semaphore, #tpu.memory_space<semaphore_mem>>
        %dma_start3A_68 = arith.constant 0 : i32
        %dma_start3A_69 = arith.constant 0 : i32
        %dma_start3A_70 = tpu.memref_slice %arg5[%arg1, %run_scoped3A_8, %dma_start3A_68, %dma_start3A_69] : memref<16x5x50x80xi32, #tpu.memory_space<hbm>> -> memref<1x1x50x80xi32, #tpu.memory_space<hbm>>
        %dma_start3A_71 = tpu.memref_squeeze %dma_start3A_70 : memref<1x1x50x80xi32, #tpu.memory_space<hbm>> -> memref<50x80xi32, #tpu.memory_space<hbm>>
        %dma_start3A_72 = arith.constant 0 : i32
        %dma_start3A_73 = arith.constant 0 : i32
        %dma_start3A_74 = tpu.memref_slice %arg5[%arg1, %run_scoped3A_8, %dma_start3A_72, %dma_start3A_73] : memref<16x5x50x80xi32, #tpu.memory_space<hbm>> -> memref<1x1x50x80xi32, #tpu.memory_space<hbm>>
        %dma_start3A_75 = tpu.memref_squeeze %dma_start3A_74 : memref<1x1x50x80xi32, #tpu.memory_space<hbm>> -> memref<50x80xi32, #tpu.memory_space<hbm>>
        tpu.enqueue_dma source(%dma_start3A_75 : memref<50x80xi32, #tpu.memory_space<hbm>>) target(%arg9 : memref<50x80xi32, #tpu.memory_space<vmem>>) target_semaphore(%run_scoped3A_67 : memref<!tpu.dma_semaphore, #tpu.memory_space<semaphore_mem>>)
        %dma_wait3A = arith.constant 0 : i32
        %dma_wait3A_76 = arith.constant 0 : i32
        %dma_wait3A_77 = tpu.memref_slice %arg5[%arg1, %run_scoped3A_8, %dma_wait3A, %dma_wait3A_76] : memref<16x5x50x80xi32, #tpu.memory_space<hbm>> -> memref<1x1x50x80xi32, #tpu.memory_space<hbm>>
        %dma_wait3A_78 = tpu.memref_squeeze %dma_wait3A_77 : memref<1x1x50x80xi32, #tpu.memory_space<hbm>> -> memref<50x80xi32, #tpu.memory_space<hbm>>
        %dma_wait3A_79 = arith.constant 0 : i32
        %dma_wait3A_80 = arith.constant 0 : i32
        %dma_wait3A_81 = tpu.memref_slice %arg5[%arg1, %run_scoped3A_8, %dma_wait3A_79, %dma_wait3A_80] : memref<16x5x50x80xi32, #tpu.memory_space<hbm>> -> memref<1x1x50x80xi32, #tpu.memory_space<hbm>>
        %dma_wait3A_82 = tpu.memref_squeeze %dma_wait3A_81 : memref<1x1x50x80xi32, #tpu.memory_space<hbm>> -> memref<50x80xi32, #tpu.memory_space<hbm>>
        tpu.wait_dma2 semaphore(%run_scoped3A_67 : memref<!tpu.dma_semaphore, #tpu.memory_space<semaphore_mem>>) src(%dma_wait3A_82 : memref<50x80xi32, #tpu.memory_space<hbm>>) dst(%arg9 : memref<50x80xi32, #tpu.memory_space<vmem>>)
        tpu.yield
      }) : () -> ()
      %dma_start3A = arith.constant 0 : i32
      %dma_start3A_9 = arith.constant 0 : i32
      %dma_start3A_10 = tpu.memref_slice %arg8[%dma_start3A, %dma_start3A_9] : memref<50x80xi32, #tpu.memory_space<vmem>> -> memref<1x80xi32, #tpu.memory_space<vmem>>
      %dma_start3A_11 = tpu.memref_squeeze %dma_start3A_10 : memref<1x80xi32, #tpu.memory_space<vmem>> -> memref<80xi32, #tpu.memory_space<vmem>>
      %dma_start3A_12 = arith.constant 0 : i32
      %dma_start3A_13 = arith.constant 0 : i32
      %dma_start3A_14 = tpu.memref_slice %arg2[%dma_start3A_12, %dma_start3A_13] : memref<10000x64xf32, #tpu.memory_space<hbm>> -> memref<10000x64xf32, #tpu.memory_space<hbm>>
      tpu.enqueue_indirect_dma source(%dma_start3A_14 : memref<10000x64xf32, #tpu.memory_space<hbm>>) target(%arg10 : memref<80x64xf32, #tpu.memory_space<vmem>>) offsets(%dma_start3A_11 : memref<80xi32, #tpu.memory_space<vmem>>) semaphore(%arg16 : memref<!tpu.dma_semaphore, #tpu.memory_space<semaphore_mem>>)
      %dma_start3A_15 = arith.constant 1 : i32
      %dma_start3A_16 = arith.constant 0 : i32
      %dma_start3A_17 = tpu.memref_slice %arg8[%dma_start3A_15, %dma_start3A_16] : memref<50x80xi32, #tpu.memory_space<vmem>> -> memref<1x80xi32, #tpu.memory_space<vmem>>
      %dma_start3A_18 = tpu.memref_squeeze %dma_start3A_17 : memref<1x80xi32, #tpu.memory_space<vmem>> -> memref<80xi32, #tpu.memory_space<vmem>>
      %dma_start3A_19 = arith.constant 0 : i32
      %dma_start3A_20 = arith.constant 0 : i32
      %dma_start3A_21 = tpu.memref_slice %arg2[%dma_start3A_19, %dma_start3A_20] : memref<10000x64xf32, #tpu.memory_space<hbm>> -> memref<10000x64xf32, #tpu.memory_space<hbm>>
      tpu.enqueue_indirect_dma source(%dma_start3A_21 : memref<10000x64xf32, #tpu.memory_space<hbm>>) target(%arg11 : memref<80x64xf32, #tpu.memory_space<vmem>>) offsets(%dma_start3A_18 : memref<80xi32, #tpu.memory_space<vmem>>) semaphore(%arg17 : memref<!tpu.dma_semaphore, #tpu.memory_space<semaphore_mem>>)
      %dma_start3A_22 = arith.constant 2 : i32
      %dma_start3A_23 = arith.constant 0 : i32
      %dma_start3A_24 = tpu.memref_slice %arg8[%dma_start3A_22, %dma_start3A_23] : memref<50x80xi32, #tpu.memory_space<vmem>> -> memref<1x80xi32, #tpu.memory_space<vmem>>
      %dma_start3A_25 = tpu.memref_squeeze %dma_start3A_24 : memref<1x80xi32, #tpu.memory_space<vmem>> -> memref<80xi32, #tpu.memory_space<vmem>>
      %dma_start3A_26 = arith.constant 0 : i32
      %dma_start3A_27 = arith.constant 0 : i32
      %dma_start3A_28 = tpu.memref_slice %arg2[%dma_start3A_26, %dma_start3A_27] : memref<10000x64xf32, #tpu.memory_space<hbm>> -> memref<10000x64xf32, #tpu.memory_space<hbm>>
      tpu.enqueue_indirect_dma source(%dma_start3A_28 : memref<10000x64xf32, #tpu.memory_space<hbm>>) target(%arg12 : memref<80x64xf32, #tpu.memory_space<vmem>>) offsets(%dma_start3A_25 : memref<80xi32, #tpu.memory_space<vmem>>) semaphore(%arg18 : memref<!tpu.dma_semaphore, #tpu.memory_space<semaphore_mem>>)
      %dma_start3A_29 = arith.constant 3 : i32
      %dma_start3A_30 = arith.constant 0 : i32
      %dma_start3A_31 = tpu.memref_slice %arg8[%dma_start3A_29, %dma_start3A_30] : memref<50x80xi32, #tpu.memory_space<vmem>> -> memref<1x80xi32, #tpu.memory_space<vmem>>
      %dma_start3A_32 = tpu.memref_squeeze %dma_start3A_31 : memref<1x80xi32, #tpu.memory_space<vmem>> -> memref<80xi32, #tpu.memory_space<vmem>>
      %dma_start3A_33 = arith.constant 0 : i32
      %dma_start3A_34 = arith.constant 0 : i32
      %dma_start3A_35 = tpu.memref_slice %arg2[%dma_start3A_33, %dma_start3A_34] : memref<10000x64xf32, #tpu.memory_space<hbm>> -> memref<10000x64xf32, #tpu.memory_space<hbm>>
      tpu.enqueue_indirect_dma source(%dma_start3A_35 : memref<10000x64xf32, #tpu.memory_space<hbm>>) target(%arg13 : memref<80x64xf32, #tpu.memory_space<vmem>>) offsets(%dma_start3A_32 : memref<80xi32, #tpu.memory_space<vmem>>) semaphore(%arg19 : memref<!tpu.dma_semaphore, #tpu.memory_space<semaphore_mem>>)
      %dma_start3A_36 = arith.constant 4 : i32
      %dma_start3A_37 = arith.constant 0 : i32
      %dma_start3A_38 = tpu.memref_slice %arg8[%dma_start3A_36, %dma_start3A_37] : memref<50x80xi32, #tpu.memory_space<vmem>> -> memref<1x80xi32, #tpu.memory_space<vmem>>
      %dma_start3A_39 = tpu.memref_squeeze %dma_start3A_38 : memref<1x80xi32, #tpu.memory_space<vmem>> -> memref<80xi32, #tpu.memory_space<vmem>>
      %dma_start3A_40 = arith.constant 0 : i32
      %dma_start3A_41 = arith.constant 0 : i32
      %dma_start3A_42 = tpu.memref_slice %arg2[%dma_start3A_40, %dma_start3A_41] : memref<10000x64xf32, #tpu.memory_space<hbm>> -> memref<10000x64xf32, #tpu.memory_space<hbm>>
      tpu.enqueue_indirect_dma source(%dma_start3A_42 : memref<10000x64xf32, #tpu.memory_space<hbm>>) target(%arg14 : memref<80x64xf32, #tpu.memory_space<vmem>>) offsets(%dma_start3A_39 : memref<80xi32, #tpu.memory_space<vmem>>) semaphore(%arg20 : memref<!tpu.dma_semaphore, #tpu.memory_space<semaphore_mem>>)
      %lt3A = arith.constant 15 : i32
      %lt3A_43 = arith.cmpi slt, %arg1, %lt3A : i32
      %convert_element_type3A_44 = arith.extui %lt3A_43 : i1 to i32
      %cond3A_45 = arith.constant 0 : i32
      %cond3A_46 = arith.cmpi ne, %convert_element_type3A_44, %cond3A_45 : i32
      scf.if %cond3A_46 {
        "tpu.region"() ({
          %run_scoped3A_67 = tpu.sem_alloc : memref<!tpu.dma_semaphore, #tpu.memory_space<semaphore_mem>>
          %dma_start3A_68 = arith.constant 0 : i32
          %dma_start3A_69 = tpu.memref_slice %arg15[%mul3A_7, %dma_start3A_68] : memref<10112x64xf32, #tpu.memory_space<vmem_shared>> -> memref<632x64xf32, #tpu.memory_space<vmem_shared>>
          %dma_start3A_70 = arith.constant 0 : i32
          %dma_start3A_71 = tpu.memref_slice %arg2[%mul3A_7, %dma_start3A_70] : memref<10000x64xf32, #tpu.memory_space<hbm>> -> memref<632x64xf32, #tpu.memory_space<hbm>>
          tpu.enqueue_dma source(%dma_start3A_71 : memref<632x64xf32, #tpu.memory_space<hbm>>) target(%dma_start3A_69 : memref<632x64xf32, #tpu.memory_space<vmem_shared>>) target_semaphore(%run_scoped3A_67 : memref<!tpu.dma_semaphore, #tpu.memory_space<semaphore_mem>>)
          %dma_wait3A = arith.constant 0 : i32
          %dma_wait3A_72 = tpu.memref_slice %arg15[%mul3A_7, %dma_wait3A] : memref<10112x64xf32, #tpu.memory_space<vmem_shared>> -> memref<632x64xf32, #tpu.memory_space<vmem_shared>>
          %dma_wait3A_73 = arith.constant 0 : i32
          %dma_wait3A_74 = tpu.memref_slice %arg2[%mul3A_7, %dma_wait3A_73] : memref<10000x64xf32, #tpu.memory_space<hbm>> -> memref<632x64xf32, #tpu.memory_space<hbm>>
          tpu.wait_dma2 semaphore(%run_scoped3A_67 : memref<!tpu.dma_semaphore, #tpu.memory_space<semaphore_mem>>) src(%dma_wait3A_74 : memref<632x64xf32, #tpu.memory_space<hbm>>) dst(%dma_wait3A_72 : memref<632x64xf32, #tpu.memory_space<vmem_shared>>)
          tpu.yield
        }) : () -> ()
      } else {
      }
      %eq3A_47 = arith.constant 15 : i32
      %eq3A_48 = arith.cmpi eq, %arg1, %eq3A_47 : i32
      %convert_element_type3A_49 = arith.extui %eq3A_48 : i1 to i32
      %cond3A_50 = arith.constant 0 : i32
      %cond3A_51 = arith.cmpi ne, %convert_element_type3A_49, %cond3A_50 : i32
      scf.if %cond3A_51 {
        "tpu.region"() ({
          %run_scoped3A_67 = tpu.sem_alloc : memref<!tpu.dma_semaphore, #tpu.memory_space<semaphore_mem>>
          %dma_start3A_68 = arith.constant 0 : i32
          %dma_start3A_69 = tpu.memref_slice %arg15[%mul3A_7, %dma_start3A_68] : memref<10112x64xf32, #tpu.memory_space<vmem_shared>> -> memref<520x64xf32, #tpu.memory_space<vmem_shared>>
          %dma_start3A_70 = arith.constant 0 : i32
          %dma_start3A_71 = tpu.memref_slice %arg2[%mul3A_7, %dma_start3A_70] : memref<10000x64xf32, #tpu.memory_space<hbm>> -> memref<520x64xf32, #tpu.memory_space<hbm>>
          tpu.enqueue_dma source(%dma_start3A_71 : memref<520x64xf32, #tpu.memory_space<hbm>>) target(%dma_start3A_69 : memref<520x64xf32, #tpu.memory_space<vmem_shared>>) target_semaphore(%run_scoped3A_67 : memref<!tpu.dma_semaphore, #tpu.memory_space<semaphore_mem>>)
          %dma_wait3A = arith.constant 0 : i32
          %dma_wait3A_72 = tpu.memref_slice %arg15[%mul3A_7, %dma_wait3A] : memref<10112x64xf32, #tpu.memory_space<vmem_shared>> -> memref<520x64xf32, #tpu.memory_space<vmem_shared>>
          %dma_wait3A_73 = arith.constant 0 : i32
          %dma_wait3A_74 = tpu.memref_slice %arg2[%mul3A_7, %dma_wait3A_73] : memref<10000x64xf32, #tpu.memory_space<hbm>> -> memref<520x64xf32, #tpu.memory_space<hbm>>
          tpu.wait_dma2 semaphore(%run_scoped3A_67 : memref<!tpu.dma_semaphore, #tpu.memory_space<semaphore_mem>>) src(%dma_wait3A_74 : memref<520x64xf32, #tpu.memory_space<hbm>>) dst(%dma_wait3A_72 : memref<520x64xf32, #tpu.memory_space<vmem_shared>>)
          tpu.yield
        }) : () -> ()
      } else {
      }
      %barrier3A = arith.constant 0 : index
      tpu.barrier barrier_id(%barrier3A)
      %scan3A = arith.constant 0 : i32
      %scan3A_52 = arith.constant 5 : i32
      %scan3A_53 = arith.addi %scan3A, %scan3A_52 : i32
      %scan3A_54 = arith.constant 1 : i32
      scf.for %scan3A_67 = %scan3A to %scan3A_53 step %scan3A_54  : i32 {
        %mul3A_68 = arith.constant 1 : i32
        %mul3A_69 = arith.muli %scan3A_67, %mul3A_68 : i32
        %add3A = arith.constant 0 : i32
        %add3A_70 = arith.addi %add3A, %mul3A_69 : i32
        %gt3A = arith.constant 0 : i32
        %gt3A_71 = arith.cmpi sgt, %add3A_70, %gt3A : i32
        %convert_element_type3A_72 = arith.extui %gt3A_71 : i1 to i32
        %cond3A_73 = arith.constant 0 : i32
        %cond3A_74 = arith.cmpi ne, %convert_element_type3A_72, %cond3A_73 : i32
        scf.if %cond3A_74 {
          "tpu.region"() ({
            %run_scoped3A_115 = tpu.sem_alloc : memref<!tpu.dma_semaphore, #tpu.memory_space<semaphore_mem>>
            %dma_start3A_116 = arith.constant 0 : i32
            %dma_start3A_117 = arith.constant 0 : i32
            %dma_start3A_118 = tpu.memref_slice %arg4[%arg1, %add3A_70, %dma_start3A_116, %dma_start3A_117] : memref<16x5x50x80xi32, #tpu.memory_space<hbm>> -> memref<1x1x50x80xi32, #tpu.memory_space<hbm>>
            %dma_start3A_119 = tpu.memref_squeeze %dma_start3A_118 : memref<1x1x50x80xi32, #tpu.memory_space<hbm>> -> memref<50x80xi32, #tpu.memory_space<hbm>>
            %dma_start3A_120 = arith.constant 0 : i32
            %dma_start3A_121 = arith.constant 0 : i32
            %dma_start3A_122 = tpu.memref_slice %arg4[%arg1, %add3A_70, %dma_start3A_120, %dma_start3A_121] : memref<16x5x50x80xi32, #tpu.memory_space<hbm>> -> memref<1x1x50x80xi32, #tpu.memory_space<hbm>>
            %dma_start3A_123 = tpu.memref_squeeze %dma_start3A_122 : memref<1x1x50x80xi32, #tpu.memory_space<hbm>> -> memref<50x80xi32, #tpu.memory_space<hbm>>
            tpu.enqueue_dma source(%dma_start3A_123 : memref<50x80xi32, #tpu.memory_space<hbm>>) target(%arg8 : memref<50x80xi32, #tpu.memory_space<vmem>>) target_semaphore(%run_scoped3A_115 : memref<!tpu.dma_semaphore, #tpu.memory_space<semaphore_mem>>)
            %dma_wait3A = arith.constant 0 : i32
            %dma_wait3A_124 = arith.constant 0 : i32
            %dma_wait3A_125 = tpu.memref_slice %arg4[%arg1, %add3A_70, %dma_wait3A, %dma_wait3A_124] : memref<16x5x50x80xi32, #tpu.memory_space<hbm>> -> memref<1x1x50x80xi32, #tpu.memory_space<hbm>>
            %dma_wait3A_126 = tpu.memref_squeeze %dma_wait3A_125 : memref<1x1x50x80xi32, #tpu.memory_space<hbm>> -> memref<50x80xi32, #tpu.memory_space<hbm>>
            %dma_wait3A_127 = arith.constant 0 : i32
            %dma_wait3A_128 = arith.constant 0 : i32
            %dma_wait3A_129 = tpu.memref_slice %arg4[%arg1, %add3A_70, %dma_wait3A_127, %dma_wait3A_128] : memref<16x5x50x80xi32, #tpu.memory_space<hbm>> -> memref<1x1x50x80xi32, #tpu.memory_space<hbm>>
            %dma_wait3A_130 = tpu.memref_squeeze %dma_wait3A_129 : memref<1x1x50x80xi32, #tpu.memory_space<hbm>> -> memref<50x80xi32, #tpu.memory_space<hbm>>
            tpu.wait_dma2 semaphore(%run_scoped3A_115 : memref<!tpu.dma_semaphore, #tpu.memory_space<semaphore_mem>>) src(%dma_wait3A_130 : memref<50x80xi32, #tpu.memory_space<hbm>>) dst(%arg8 : memref<50x80xi32, #tpu.memory_space<vmem>>)
            tpu.yield
          }) : () -> ()
          "tpu.region"() ({
            %run_scoped3A_115 = tpu.sem_alloc : memref<!tpu.dma_semaphore, #tpu.memory_space<semaphore_mem>>
            %dma_start3A_116 = arith.constant 0 : i32
            %dma_start3A_117 = arith.constant 0 : i32
            %dma_start3A_118 = tpu.memref_slice %arg5[%arg1, %add3A_70, %dma_start3A_116, %dma_start3A_117] : memref<16x5x50x80xi32, #tpu.memory_space<hbm>> -> memref<1x1x50x80xi32, #tpu.memory_space<hbm>>
            %dma_start3A_119 = tpu.memref_squeeze %dma_start3A_118 : memref<1x1x50x80xi32, #tpu.memory_space<hbm>> -> memref<50x80xi32, #tpu.memory_space<hbm>>
            %dma_start3A_120 = arith.constant 0 : i32
            %dma_start3A_121 = arith.constant 0 : i32
            %dma_start3A_122 = tpu.memref_slice %arg5[%arg1, %add3A_70, %dma_start3A_120, %dma_start3A_121] : memref<16x5x50x80xi32, #tpu.memory_space<hbm>> -> memref<1x1x50x80xi32, #tpu.memory_space<hbm>>
            %dma_start3A_123 = tpu.memref_squeeze %dma_start3A_122 : memref<1x1x50x80xi32, #tpu.memory_space<hbm>> -> memref<50x80xi32, #tpu.memory_space<hbm>>
            tpu.enqueue_dma source(%dma_start3A_123 : memref<50x80xi32, #tpu.memory_space<hbm>>) target(%arg9 : memref<50x80xi32, #tpu.memory_space<vmem>>) target_semaphore(%run_scoped3A_115 : memref<!tpu.dma_semaphore, #tpu.memory_space<semaphore_mem>>)
            %dma_wait3A = arith.constant 0 : i32
            %dma_wait3A_124 = arith.constant 0 : i32
            %dma_wait3A_125 = tpu.memref_slice %arg5[%arg1, %add3A_70, %dma_wait3A, %dma_wait3A_124] : memref<16x5x50x80xi32, #tpu.memory_space<hbm>> -> memref<1x1x50x80xi32, #tpu.memory_space<hbm>>
            %dma_wait3A_126 = tpu.memref_squeeze %dma_wait3A_125 : memref<1x1x50x80xi32, #tpu.memory_space<hbm>> -> memref<50x80xi32, #tpu.memory_space<hbm>>
            %dma_wait3A_127 = arith.constant 0 : i32
            %dma_wait3A_128 = arith.constant 0 : i32
            %dma_wait3A_129 = tpu.memref_slice %arg5[%arg1, %add3A_70, %dma_wait3A_127, %dma_wait3A_128] : memref<16x5x50x80xi32, #tpu.memory_space<hbm>> -> memref<1x1x50x80xi32, #tpu.memory_space<hbm>>
            %dma_wait3A_130 = tpu.memref_squeeze %dma_wait3A_129 : memref<1x1x50x80xi32, #tpu.memory_space<hbm>> -> memref<50x80xi32, #tpu.memory_space<hbm>>
            tpu.wait_dma2 semaphore(%run_scoped3A_115 : memref<!tpu.dma_semaphore, #tpu.memory_space<semaphore_mem>>) src(%dma_wait3A_130 : memref<50x80xi32, #tpu.memory_space<hbm>>) dst(%arg9 : memref<50x80xi32, #tpu.memory_space<vmem>>)
            tpu.yield
          }) : () -> ()
          %dma_start3A_80 = arith.constant 0 : i32
          %dma_start3A_81 = arith.constant 0 : i32
          %dma_start3A_82 = tpu.memref_slice %arg8[%dma_start3A_80, %dma_start3A_81] : memref<50x80xi32, #tpu.memory_space<vmem>> -> memref<1x80xi32, #tpu.memory_space<vmem>>
          %dma_start3A_83 = tpu.memref_squeeze %dma_start3A_82 : memref<1x80xi32, #tpu.memory_space<vmem>> -> memref<80xi32, #tpu.memory_space<vmem>>
          %dma_start3A_84 = arith.constant 0 : i32
          %dma_start3A_85 = arith.constant 0 : i32
          %dma_start3A_86 = tpu.memref_slice %arg2[%dma_start3A_84, %dma_start3A_85] : memref<10000x64xf32, #tpu.memory_space<hbm>> -> memref<10000x64xf32, #tpu.memory_space<hbm>>
          tpu.enqueue_indirect_dma source(%dma_start3A_86 : memref<10000x64xf32, #tpu.memory_space<hbm>>) target(%arg10 : memref<80x64xf32, #tpu.memory_space<vmem>>) offsets(%dma_start3A_83 : memref<80xi32, #tpu.memory_space<vmem>>) semaphore(%arg16 : memref<!tpu.dma_semaphore, #tpu.memory_space<semaphore_mem>>)
          %dma_start3A_87 = arith.constant 1 : i32
          %dma_start3A_88 = arith.constant 0 : i32
          %dma_start3A_89 = tpu.memref_slice %arg8[%dma_start3A_87, %dma_start3A_88] : memref<50x80xi32, #tpu.memory_space<vmem>> -> memref<1x80xi32, #tpu.memory_space<vmem>>
          %dma_start3A_90 = tpu.memref_squeeze %dma_start3A_89 : memref<1x80xi32, #tpu.memory_space<vmem>> -> memref<80xi32, #tpu.memory_space<vmem>>
          %dma_start3A_91 = arith.constant 0 : i32
          %dma_start3A_92 = arith.constant 0 : i32
          %dma_start3A_93 = tpu.memref_slice %arg2[%dma_start3A_91, %dma_start3A_92] : memref<10000x64xf32, #tpu.memory_space<hbm>> -> memref<10000x64xf32, #tpu.memory_space<hbm>>
          tpu.enqueue_indirect_dma source(%dma_start3A_93 : memref<10000x64xf32, #tpu.memory_space<hbm>>) target(%arg11 : memref<80x64xf32, #tpu.memory_space<vmem>>) offsets(%dma_start3A_90 : memref<80xi32, #tpu.memory_space<vmem>>) semaphore(%arg17 : memref<!tpu.dma_semaphore, #tpu.memory_space<semaphore_mem>>)
          %dma_start3A_94 = arith.constant 2 : i32
          %dma_start3A_95 = arith.constant 0 : i32
          %dma_start3A_96 = tpu.memref_slice %arg8[%dma_start3A_94, %dma_start3A_95] : memref<50x80xi32, #tpu.memory_space<vmem>> -> memref<1x80xi32, #tpu.memory_space<vmem>>
          %dma_start3A_97 = tpu.memref_squeeze %dma_start3A_96 : memref<1x80xi32, #tpu.memory_space<vmem>> -> memref<80xi32, #tpu.memory_space<vmem>>
          %dma_start3A_98 = arith.constant 0 : i32
          %dma_start3A_99 = arith.constant 0 : i32
          %dma_start3A_100 = tpu.memref_slice %arg2[%dma_start3A_98, %dma_start3A_99] : memref<10000x64xf32, #tpu.memory_space<hbm>> -> memref<10000x64xf32, #tpu.memory_space<hbm>>
          tpu.enqueue_indirect_dma source(%dma_start3A_100 : memref<10000x64xf32, #tpu.memory_space<hbm>>) target(%arg12 : memref<80x64xf32, #tpu.memory_space<vmem>>) offsets(%dma_start3A_97 : memref<80xi32, #tpu.memory_space<vmem>>) semaphore(%arg18 : memref<!tpu.dma_semaphore, #tpu.memory_space<semaphore_mem>>)
          %dma_start3A_101 = arith.constant 3 : i32
          %dma_start3A_102 = arith.constant 0 : i32
          %dma_start3A_103 = tpu.memref_slice %arg8[%dma_start3A_101, %dma_start3A_102] : memref<50x80xi32, #tpu.memory_space<vmem>> -> memref<1x80xi32, #tpu.memory_space<vmem>>
          %dma_start3A_104 = tpu.memref_squeeze %dma_start3A_103 : memref<1x80xi32, #tpu.memory_space<vmem>> -> memref<80xi32, #tpu.memory_space<vmem>>
          %dma_start3A_105 = arith.constant 0 : i32
          %dma_start3A_106 = arith.constant 0 : i32
          %dma_start3A_107 = tpu.memref_slice %arg2[%dma_start3A_105, %dma_start3A_106] : memref<10000x64xf32, #tpu.memory_space<hbm>> -> memref<10000x64xf32, #tpu.memory_space<hbm>>
          tpu.enqueue_indirect_dma source(%dma_start3A_107 : memref<10000x64xf32, #tpu.memory_space<hbm>>) target(%arg13 : memref<80x64xf32, #tpu.memory_space<vmem>>) offsets(%dma_start3A_104 : memref<80xi32, #tpu.memory_space<vmem>>) semaphore(%arg19 : memref<!tpu.dma_semaphore, #tpu.memory_space<semaphore_mem>>)
          %dma_start3A_108 = arith.constant 4 : i32
          %dma_start3A_109 = arith.constant 0 : i32
          %dma_start3A_110 = tpu.memref_slice %arg8[%dma_start3A_108, %dma_start3A_109] : memref<50x80xi32, #tpu.memory_space<vmem>> -> memref<1x80xi32, #tpu.memory_space<vmem>>
          %dma_start3A_111 = tpu.memref_squeeze %dma_start3A_110 : memref<1x80xi32, #tpu.memory_space<vmem>> -> memref<80xi32, #tpu.memory_space<vmem>>
          %dma_start3A_112 = arith.constant 0 : i32
          %dma_start3A_113 = arith.constant 0 : i32
          %dma_start3A_114 = tpu.memref_slice %arg2[%dma_start3A_112, %dma_start3A_113] : memref<10000x64xf32, #tpu.memory_space<hbm>> -> memref<10000x64xf32, #tpu.memory_space<hbm>>
          tpu.enqueue_indirect_dma source(%dma_start3A_114 : memref<10000x64xf32, #tpu.memory_space<hbm>>) target(%arg14 : memref<80x64xf32, #tpu.memory_space<vmem>>) offsets(%dma_start3A_111 : memref<80xi32, #tpu.memory_space<vmem>>) semaphore(%arg20 : memref<!tpu.dma_semaphore, #tpu.memory_space<semaphore_mem>>)
        } else {
        }
        %scan3A_75 = arith.constant 0 : i32
        %scan3A_76 = arith.constant 10 : i32
        %scan3A_77 = arith.addi %scan3A_75, %scan3A_76 : i32
        %scan3A_78 = arith.constant 1 : i32
        scf.for %scan3A_80 = %scan3A_75 to %scan3A_77 step %scan3A_78  : i32 {
          %mul3A_81 = arith.constant 5 : i32
          %mul3A_82 = arith.muli %scan3A_80, %mul3A_81 : i32
          %add3A_83 = arith.constant 0 : i32
          %add3A_84 = arith.addi %add3A_83, %mul3A_82 : i32
          %add3A_85 = arith.constant 0 : i32
          %add3A_86 = arith.addi %add3A_84, %add3A_85 : i32
          %dma_wait3A = arith.constant 0 : i32
          %dma_wait3A_87 = tpu.memref_slice %arg8[%add3A_86, %dma_wait3A] : memref<50x80xi32, #tpu.memory_space<vmem>> -> memref<1x80xi32, #tpu.memory_space<vmem>>
          %dma_wait3A_88 = tpu.memref_squeeze %dma_wait3A_87 : memref<1x80xi32, #tpu.memory_space<vmem>> -> memref<80xi32, #tpu.memory_space<vmem>>
          %dma_wait3A_89 = arith.constant 0 : i32
          %dma_wait3A_90 = arith.constant 0 : i32
          %dma_wait3A_91 = tpu.memref_slice %arg2[%dma_wait3A_89, %dma_wait3A_90] : memref<10000x64xf32, #tpu.memory_space<hbm>> -> memref<10000x64xf32, #tpu.memory_space<hbm>>
          tpu.wait_indirect_dma semaphore(%arg16 : memref<!tpu.dma_semaphore, #tpu.memory_space<semaphore_mem>>) src(%dma_wait3A_91 : memref<10000x64xf32, #tpu.memory_space<hbm>>) dst(%arg10 : memref<80x64xf32, #tpu.memory_space<vmem>>)
          "tpu.region"() ({
            %run_scoped3A_159 = tpu.sem_alloc : memref<!tpu.dma_semaphore, #tpu.memory_space<semaphore_mem>>
            %dma_start3A_160 = arith.constant 0 : i32
            %dma_start3A_161 = tpu.memref_slice %arg9[%add3A_86, %dma_start3A_160] : memref<50x80xi32, #tpu.memory_space<vmem>> -> memref<1x80xi32, #tpu.memory_space<vmem>>
            %dma_start3A_162 = tpu.memref_squeeze %dma_start3A_161 : memref<1x80xi32, #tpu.memory_space<vmem>> -> memref<80xi32, #tpu.memory_space<vmem>>
            %dma_start3A_163 = arith.constant 0 : i32
            %dma_start3A_164 = arith.constant 0 : i32
            %dma_start3A_165 = tpu.memref_slice %arg15[%dma_start3A_163, %dma_start3A_164] : memref<10112x64xf32, #tpu.memory_space<vmem_shared>> -> memref<10112x64xf32, #tpu.memory_space<vmem_shared>>
            tpu.enqueue_indirect_dma source(%arg10 : memref<80x64xf32, #tpu.memory_space<vmem>>) target(%dma_start3A_165 : memref<10112x64xf32, #tpu.memory_space<vmem_shared>>) offsets(%dma_start3A_162 : memref<80xi32, #tpu.memory_space<vmem>>) semaphore(%run_scoped3A_159 : memref<!tpu.dma_semaphore, #tpu.memory_space<semaphore_mem>>) {add = true}
            %dma_wait3A_166 = arith.constant 0 : i32
            %dma_wait3A_167 = tpu.memref_slice %arg9[%add3A_86, %dma_wait3A_166] : memref<50x80xi32, #tpu.memory_space<vmem>> -> memref<1x80xi32, #tpu.memory_space<vmem>>
            %dma_wait3A_168 = tpu.memref_squeeze %dma_wait3A_167 : memref<1x80xi32, #tpu.memory_space<vmem>> -> memref<80xi32, #tpu.memory_space<vmem>>
            %dma_wait3A_169 = arith.constant 0 : i32
            %dma_wait3A_170 = arith.constant 0 : i32
            %dma_wait3A_171 = tpu.memref_slice %arg15[%dma_wait3A_169, %dma_wait3A_170] : memref<10112x64xf32, #tpu.memory_space<vmem_shared>> -> memref<10112x64xf32, #tpu.memory_space<vmem_shared>>
            tpu.wait_indirect_dma semaphore(%run_scoped3A_159 : memref<!tpu.dma_semaphore, #tpu.memory_space<semaphore_mem>>) src(%arg10 : memref<80x64xf32, #tpu.memory_space<vmem>>) dst(%dma_wait3A_171 : memref<10112x64xf32, #tpu.memory_space<vmem_shared>>)
            tpu.yield
          }) : () -> ()
          %add3A_92 = arith.constant 5 : i32
          %add3A_93 = arith.addi %add3A_86, %add3A_92 : i32
          %lt3A_94 = arith.constant 50 : i32
          %lt3A_95 = arith.cmpi slt, %add3A_93, %lt3A_94 : i32
          %convert_element_type3A_96 = arith.extui %lt3A_95 : i1 to i32
          %cond3A_97 = arith.constant 0 : i32
          %cond3A_98 = arith.cmpi ne, %convert_element_type3A_96, %cond3A_97 : i32
          scf.if %cond3A_98 {
            %add3A_159 = arith.constant 5 : i32
            %add3A_160 = arith.addi %add3A_86, %add3A_159 : i32
            %dma_start3A_161 = arith.constant 0 : i32
            %dma_start3A_162 = tpu.memref_slice %arg8[%add3A_160, %dma_start3A_161] : memref<50x80xi32, #tpu.memory_space<vmem>> -> memref<1x80xi32, #tpu.memory_space<vmem>>
            %dma_start3A_163 = tpu.memref_squeeze %dma_start3A_162 : memref<1x80xi32, #tpu.memory_space<vmem>> -> memref<80xi32, #tpu.memory_space<vmem>>
            %dma_start3A_164 = arith.constant 0 : i32
            %dma_start3A_165 = arith.constant 0 : i32
            %dma_start3A_166 = tpu.memref_slice %arg2[%dma_start3A_164, %dma_start3A_165] : memref<10000x64xf32, #tpu.memory_space<hbm>> -> memref<10000x64xf32, #tpu.memory_space<hbm>>
            tpu.enqueue_indirect_dma source(%dma_start3A_166 : memref<10000x64xf32, #tpu.memory_space<hbm>>) target(%arg10 : memref<80x64xf32, #tpu.memory_space<vmem>>) offsets(%dma_start3A_163 : memref<80xi32, #tpu.memory_space<vmem>>) semaphore(%arg16 : memref<!tpu.dma_semaphore, #tpu.memory_space<semaphore_mem>>)
          } else {
          }
          %add3A_99 = arith.constant 1 : i32
          %add3A_100 = arith.addi %add3A_84, %add3A_99 : i32
          %dma_wait3A_101 = arith.constant 0 : i32
          %dma_wait3A_102 = tpu.memref_slice %arg8[%add3A_100, %dma_wait3A_101] : memref<50x80xi32, #tpu.memory_space<vmem>> -> memref<1x80xi32, #tpu.memory_space<vmem>>
          %dma_wait3A_103 = tpu.memref_squeeze %dma_wait3A_102 : memref<1x80xi32, #tpu.memory_space<vmem>> -> memref<80xi32, #tpu.memory_space<vmem>>
          %dma_wait3A_104 = arith.constant 0 : i32
          %dma_wait3A_105 = arith.constant 0 : i32
          %dma_wait3A_106 = tpu.memref_slice %arg2[%dma_wait3A_104, %dma_wait3A_105] : memref<10000x64xf32, #tpu.memory_space<hbm>> -> memref<10000x64xf32, #tpu.memory_space<hbm>>
          tpu.wait_indirect_dma semaphore(%arg17 : memref<!tpu.dma_semaphore, #tpu.memory_space<semaphore_mem>>) src(%dma_wait3A_106 : memref<10000x64xf32, #tpu.memory_space<hbm>>) dst(%arg11 : memref<80x64xf32, #tpu.memory_space<vmem>>)
          "tpu.region"() ({
            %run_scoped3A_159 = tpu.sem_alloc : memref<!tpu.dma_semaphore, #tpu.memory_space<semaphore_mem>>
            %dma_start3A_160 = arith.constant 0 : i32
            %dma_start3A_161 = tpu.memref_slice %arg9[%add3A_100, %dma_start3A_160] : memref<50x80xi32, #tpu.memory_space<vmem>> -> memref<1x80xi32, #tpu.memory_space<vmem>>
            %dma_start3A_162 = tpu.memref_squeeze %dma_start3A_161 : memref<1x80xi32, #tpu.memory_space<vmem>> -> memref<80xi32, #tpu.memory_space<vmem>>
            %dma_start3A_163 = arith.constant 0 : i32
            %dma_start3A_164 = arith.constant 0 : i32
            %dma_start3A_165 = tpu.memref_slice %arg15[%dma_start3A_163, %dma_start3A_164] : memref<10112x64xf32, #tpu.memory_space<vmem_shared>> -> memref<10112x64xf32, #tpu.memory_space<vmem_shared>>
            tpu.enqueue_indirect_dma source(%arg11 : memref<80x64xf32, #tpu.memory_space<vmem>>) target(%dma_start3A_165 : memref<10112x64xf32, #tpu.memory_space<vmem_shared>>) offsets(%dma_start3A_162 : memref<80xi32, #tpu.memory_space<vmem>>) semaphore(%run_scoped3A_159 : memref<!tpu.dma_semaphore, #tpu.memory_space<semaphore_mem>>) {add = true}
            %dma_wait3A_166 = arith.constant 0 : i32
            %dma_wait3A_167 = tpu.memref_slice %arg9[%add3A_100, %dma_wait3A_166] : memref<50x80xi32, #tpu.memory_space<vmem>> -> memref<1x80xi32, #tpu.memory_space<vmem>>
            %dma_wait3A_168 = tpu.memref_squeeze %dma_wait3A_167 : memref<1x80xi32, #tpu.memory_space<vmem>> -> memref<80xi32, #tpu.memory_space<vmem>>
            %dma_wait3A_169 = arith.constant 0 : i32
            %dma_wait3A_170 = arith.constant 0 : i32
            %dma_wait3A_171 = tpu.memref_slice %arg15[%dma_wait3A_169, %dma_wait3A_170] : memref<10112x64xf32, #tpu.memory_space<vmem_shared>> -> memref<10112x64xf32, #tpu.memory_space<vmem_shared>>
            tpu.wait_indirect_dma semaphore(%run_scoped3A_159 : memref<!tpu.dma_semaphore, #tpu.memory_space<semaphore_mem>>) src(%arg11 : memref<80x64xf32, #tpu.memory_space<vmem>>) dst(%dma_wait3A_171 : memref<10112x64xf32, #tpu.memory_space<vmem_shared>>)
            tpu.yield
          }) : () -> ()
          %add3A_107 = arith.constant 5 : i32
          %add3A_108 = arith.addi %add3A_100, %add3A_107 : i32
          %lt3A_109 = arith.constant 50 : i32
          %lt3A_110 = arith.cmpi slt, %add3A_108, %lt3A_109 : i32
          %convert_element_type3A_111 = arith.extui %lt3A_110 : i1 to i32
          %cond3A_112 = arith.constant 0 : i32
          %cond3A_113 = arith.cmpi ne, %convert_element_type3A_111, %cond3A_112 : i32
          scf.if %cond3A_113 {
            %add3A_159 = arith.constant 5 : i32
            %add3A_160 = arith.addi %add3A_100, %add3A_159 : i32
            %dma_start3A_161 = arith.constant 0 : i32
            %dma_start3A_162 = tpu.memref_slice %arg8[%add3A_160, %dma_start3A_161] : memref<50x80xi32, #tpu.memory_space<vmem>> -> memref<1x80xi32, #tpu.memory_space<vmem>>
            %dma_start3A_163 = tpu.memref_squeeze %dma_start3A_162 : memref<1x80xi32, #tpu.memory_space<vmem>> -> memref<80xi32, #tpu.memory_space<vmem>>
            %dma_start3A_164 = arith.constant 0 : i32
            %dma_start3A_165 = arith.constant 0 : i32
            %dma_start3A_166 = tpu.memref_slice %arg2[%dma_start3A_164, %dma_start3A_165] : memref<10000x64xf32, #tpu.memory_space<hbm>> -> memref<10000x64xf32, #tpu.memory_space<hbm>>
            tpu.enqueue_indirect_dma source(%dma_start3A_166 : memref<10000x64xf32, #tpu.memory_space<hbm>>) target(%arg11 : memref<80x64xf32, #tpu.memory_space<vmem>>) offsets(%dma_start3A_163 : memref<80xi32, #tpu.memory_space<vmem>>) semaphore(%arg17 : memref<!tpu.dma_semaphore, #tpu.memory_space<semaphore_mem>>)
          } else {
          }
          %add3A_114 = arith.constant 2 : i32
          %add3A_115 = arith.addi %add3A_84, %add3A_114 : i32
          %dma_wait3A_116 = arith.constant 0 : i32
          %dma_wait3A_117 = tpu.memref_slice %arg8[%add3A_115, %dma_wait3A_116] : memref<50x80xi32, #tpu.memory_space<vmem>> -> memref<1x80xi32, #tpu.memory_space<vmem>>
          %dma_wait3A_118 = tpu.memref_squeeze %dma_wait3A_117 : memref<1x80xi32, #tpu.memory_space<vmem>> -> memref<80xi32, #tpu.memory_space<vmem>>
          %dma_wait3A_119 = arith.constant 0 : i32
          %dma_wait3A_120 = arith.constant 0 : i32
          %dma_wait3A_121 = tpu.memref_slice %arg2[%dma_wait3A_119, %dma_wait3A_120] : memref<10000x64xf32, #tpu.memory_space<hbm>> -> memref<10000x64xf32, #tpu.memory_space<hbm>>
          tpu.wait_indirect_dma semaphore(%arg18 : memref<!tpu.dma_semaphore, #tpu.memory_space<semaphore_mem>>) src(%dma_wait3A_121 : memref<10000x64xf32, #tpu.memory_space<hbm>>) dst(%arg12 : memref<80x64xf32, #tpu.memory_space<vmem>>)
          "tpu.region"() ({
            %run_scoped3A_159 = tpu.sem_alloc : memref<!tpu.dma_semaphore, #tpu.memory_space<semaphore_mem>>
            %dma_start3A_160 = arith.constant 0 : i32
            %dma_start3A_161 = tpu.memref_slice %arg9[%add3A_115, %dma_start3A_160] : memref<50x80xi32, #tpu.memory_space<vmem>> -> memref<1x80xi32, #tpu.memory_space<vmem>>
            %dma_start3A_162 = tpu.memref_squeeze %dma_start3A_161 : memref<1x80xi32, #tpu.memory_space<vmem>> -> memref<80xi32, #tpu.memory_space<vmem>>
            %dma_start3A_163 = arith.constant 0 : i32
            %dma_start3A_164 = arith.constant 0 : i32
            %dma_start3A_165 = tpu.memref_slice %arg15[%dma_start3A_163, %dma_start3A_164] : memref<10112x64xf32, #tpu.memory_space<vmem_shared>> -> memref<10112x64xf32, #tpu.memory_space<vmem_shared>>
            tpu.enqueue_indirect_dma source(%arg12 : memref<80x64xf32, #tpu.memory_space<vmem>>) target(%dma_start3A_165 : memref<10112x64xf32, #tpu.memory_space<vmem_shared>>) offsets(%dma_start3A_162 : memref<80xi32, #tpu.memory_space<vmem>>) semaphore(%run_scoped3A_159 : memref<!tpu.dma_semaphore, #tpu.memory_space<semaphore_mem>>) {add = true}
            %dma_wait3A_166 = arith.constant 0 : i32
            %dma_wait3A_167 = tpu.memref_slice %arg9[%add3A_115, %dma_wait3A_166] : memref<50x80xi32, #tpu.memory_space<vmem>> -> memref<1x80xi32, #tpu.memory_space<vmem>>
            %dma_wait3A_168 = tpu.memref_squeeze %dma_wait3A_167 : memref<1x80xi32, #tpu.memory_space<vmem>> -> memref<80xi32, #tpu.memory_space<vmem>>
            %dma_wait3A_169 = arith.constant 0 : i32
            %dma_wait3A_170 = arith.constant 0 : i32
            %dma_wait3A_171 = tpu.memref_slice %arg15[%dma_wait3A_169, %dma_wait3A_170] : memref<10112x64xf32, #tpu.memory_space<vmem_shared>> -> memref<10112x64xf32, #tpu.memory_space<vmem_shared>>
            tpu.wait_indirect_dma semaphore(%run_scoped3A_159 : memref<!tpu.dma_semaphore, #tpu.memory_space<semaphore_mem>>) src(%arg12 : memref<80x64xf32, #tpu.memory_space<vmem>>) dst(%dma_wait3A_171 : memref<10112x64xf32, #tpu.memory_space<vmem_shared>>)
            tpu.yield
          }) : () -> ()
          %add3A_122 = arith.constant 5 : i32
          %add3A_123 = arith.addi %add3A_115, %add3A_122 : i32
          %lt3A_124 = arith.constant 50 : i32
          %lt3A_125 = arith.cmpi slt, %add3A_123, %lt3A_124 : i32
          %convert_element_type3A_126 = arith.extui %lt3A_125 : i1 to i32
          %cond3A_127 = arith.constant 0 : i32
          %cond3A_128 = arith.cmpi ne, %convert_element_type3A_126, %cond3A_127 : i32
          scf.if %cond3A_128 {
            %add3A_159 = arith.constant 5 : i32
            %add3A_160 = arith.addi %add3A_115, %add3A_159 : i32
            %dma_start3A_161 = arith.constant 0 : i32
            %dma_start3A_162 = tpu.memref_slice %arg8[%add3A_160, %dma_start3A_161] : memref<50x80xi32, #tpu.memory_space<vmem>> -> memref<1x80xi32, #tpu.memory_space<vmem>>
            %dma_start3A_163 = tpu.memref_squeeze %dma_start3A_162 : memref<1x80xi32, #tpu.memory_space<vmem>> -> memref<80xi32, #tpu.memory_space<vmem>>
            %dma_start3A_164 = arith.constant 0 : i32
            %dma_start3A_165 = arith.constant 0 : i32
            %dma_start3A_166 = tpu.memref_slice %arg2[%dma_start3A_164, %dma_start3A_165] : memref<10000x64xf32, #tpu.memory_space<hbm>> -> memref<10000x64xf32, #tpu.memory_space<hbm>>
            tpu.enqueue_indirect_dma source(%dma_start3A_166 : memref<10000x64xf32, #tpu.memory_space<hbm>>) target(%arg12 : memref<80x64xf32, #tpu.memory_space<vmem>>) offsets(%dma_start3A_163 : memref<80xi32, #tpu.memory_space<vmem>>) semaphore(%arg18 : memref<!tpu.dma_semaphore, #tpu.memory_space<semaphore_mem>>)
          } else {
          }
          %add3A_129 = arith.constant 3 : i32
          %add3A_130 = arith.addi %add3A_84, %add3A_129 : i32
          %dma_wait3A_131 = arith.constant 0 : i32
          %dma_wait3A_132 = tpu.memref_slice %arg8[%add3A_130, %dma_wait3A_131] : memref<50x80xi32, #tpu.memory_space<vmem>> -> memref<1x80xi32, #tpu.memory_space<vmem>>
          %dma_wait3A_133 = tpu.memref_squeeze %dma_wait3A_132 : memref<1x80xi32, #tpu.memory_space<vmem>> -> memref<80xi32, #tpu.memory_space<vmem>>
          %dma_wait3A_134 = arith.constant 0 : i32
          %dma_wait3A_135 = arith.constant 0 : i32
          %dma_wait3A_136 = tpu.memref_slice %arg2[%dma_wait3A_134, %dma_wait3A_135] : memref<10000x64xf32, #tpu.memory_space<hbm>> -> memref<10000x64xf32, #tpu.memory_space<hbm>>
          tpu.wait_indirect_dma semaphore(%arg19 : memref<!tpu.dma_semaphore, #tpu.memory_space<semaphore_mem>>) src(%dma_wait3A_136 : memref<10000x64xf32, #tpu.memory_space<hbm>>) dst(%arg13 : memref<80x64xf32, #tpu.memory_space<vmem>>)
          "tpu.region"() ({
            %run_scoped3A_159 = tpu.sem_alloc : memref<!tpu.dma_semaphore, #tpu.memory_space<semaphore_mem>>
            %dma_start3A_160 = arith.constant 0 : i32
            %dma_start3A_161 = tpu.memref_slice %arg9[%add3A_130, %dma_start3A_160] : memref<50x80xi32, #tpu.memory_space<vmem>> -> memref<1x80xi32, #tpu.memory_space<vmem>>
            %dma_start3A_162 = tpu.memref_squeeze %dma_start3A_161 : memref<1x80xi32, #tpu.memory_space<vmem>> -> memref<80xi32, #tpu.memory_space<vmem>>
            %dma_start3A_163 = arith.constant 0 : i32
            %dma_start3A_164 = arith.constant 0 : i32
            %dma_start3A_165 = tpu.memref_slice %arg15[%dma_start3A_163, %dma_start3A_164] : memref<10112x64xf32, #tpu.memory_space<vmem_shared>> -> memref<10112x64xf32, #tpu.memory_space<vmem_shared>>
            tpu.enqueue_indirect_dma source(%arg13 : memref<80x64xf32, #tpu.memory_space<vmem>>) target(%dma_start3A_165 : memref<10112x64xf32, #tpu.memory_space<vmem_shared>>) offsets(%dma_start3A_162 : memref<80xi32, #tpu.memory_space<vmem>>) semaphore(%run_scoped3A_159 : memref<!tpu.dma_semaphore, #tpu.memory_space<semaphore_mem>>) {add = true}
            %dma_wait3A_166 = arith.constant 0 : i32
            %dma_wait3A_167 = tpu.memref_slice %arg9[%add3A_130, %dma_wait3A_166] : memref<50x80xi32, #tpu.memory_space<vmem>> -> memref<1x80xi32, #tpu.memory_space<vmem>>
            %dma_wait3A_168 = tpu.memref_squeeze %dma_wait3A_167 : memref<1x80xi32, #tpu.memory_space<vmem>> -> memref<80xi32, #tpu.memory_space<vmem>>
            %dma_wait3A_169 = arith.constant 0 : i32
            %dma_wait3A_170 = arith.constant 0 : i32
            %dma_wait3A_171 = tpu.memref_slice %arg15[%dma_wait3A_169, %dma_wait3A_170] : memref<10112x64xf32, #tpu.memory_space<vmem_shared>> -> memref<10112x64xf32, #tpu.memory_space<vmem_shared>>
            tpu.wait_indirect_dma semaphore(%run_scoped3A_159 : memref<!tpu.dma_semaphore, #tpu.memory_space<semaphore_mem>>) src(%arg13 : memref<80x64xf32, #tpu.memory_space<vmem>>) dst(%dma_wait3A_171 : memref<10112x64xf32, #tpu.memory_space<vmem_shared>>)
            tpu.yield
          }) : () -> ()
          %add3A_137 = arith.constant 5 : i32
          %add3A_138 = arith.addi %add3A_130, %add3A_137 : i32
          %lt3A_139 = arith.constant 50 : i32
          %lt3A_140 = arith.cmpi slt, %add3A_138, %lt3A_139 : i32
          %convert_element_type3A_141 = arith.extui %lt3A_140 : i1 to i32
          %cond3A_142 = arith.constant 0 : i32
          %cond3A_143 = arith.cmpi ne, %convert_element_type3A_141, %cond3A_142 : i32
          scf.if %cond3A_143 {
            %add3A_159 = arith.constant 5 : i32
            %add3A_160 = arith.addi %add3A_130, %add3A_159 : i32
            %dma_start3A_161 = arith.constant 0 : i32
            %dma_start3A_162 = tpu.memref_slice %arg8[%add3A_160, %dma_start3A_161] : memref<50x80xi32, #tpu.memory_space<vmem>> -> memref<1x80xi32, #tpu.memory_space<vmem>>
            %dma_start3A_163 = tpu.memref_squeeze %dma_start3A_162 : memref<1x80xi32, #tpu.memory_space<vmem>> -> memref<80xi32, #tpu.memory_space<vmem>>
            %dma_start3A_164 = arith.constant 0 : i32
            %dma_start3A_165 = arith.constant 0 : i32
            %dma_start3A_166 = tpu.memref_slice %arg2[%dma_start3A_164, %dma_start3A_165] : memref<10000x64xf32, #tpu.memory_space<hbm>> -> memref<10000x64xf32, #tpu.memory_space<hbm>>
            tpu.enqueue_indirect_dma source(%dma_start3A_166 : memref<10000x64xf32, #tpu.memory_space<hbm>>) target(%arg13 : memref<80x64xf32, #tpu.memory_space<vmem>>) offsets(%dma_start3A_163 : memref<80xi32, #tpu.memory_space<vmem>>) semaphore(%arg19 : memref<!tpu.dma_semaphore, #tpu.memory_space<semaphore_mem>>)
          } else {
          }
          %add3A_144 = arith.constant 4 : i32
          %add3A_145 = arith.addi %add3A_84, %add3A_144 : i32
          %dma_wait3A_146 = arith.constant 0 : i32
          %dma_wait3A_147 = tpu.memref_slice %arg8[%add3A_145, %dma_wait3A_146] : memref<50x80xi32, #tpu.memory_space<vmem>> -> memref<1x80xi32, #tpu.memory_space<vmem>>
          %dma_wait3A_148 = tpu.memref_squeeze %dma_wait3A_147 : memref<1x80xi32, #tpu.memory_space<vmem>> -> memref<80xi32, #tpu.memory_space<vmem>>
          %dma_wait3A_149 = arith.constant 0 : i32
          %dma_wait3A_150 = arith.constant 0 : i32
          %dma_wait3A_151 = tpu.memref_slice %arg2[%dma_wait3A_149, %dma_wait3A_150] : memref<10000x64xf32, #tpu.memory_space<hbm>> -> memref<10000x64xf32, #tpu.memory_space<hbm>>
          tpu.wait_indirect_dma semaphore(%arg20 : memref<!tpu.dma_semaphore, #tpu.memory_space<semaphore_mem>>) src(%dma_wait3A_151 : memref<10000x64xf32, #tpu.memory_space<hbm>>) dst(%arg14 : memref<80x64xf32, #tpu.memory_space<vmem>>)
          "tpu.region"() ({
            %run_scoped3A_159 = tpu.sem_alloc : memref<!tpu.dma_semaphore, #tpu.memory_space<semaphore_mem>>
            %dma_start3A_160 = arith.constant 0 : i32
            %dma_start3A_161 = tpu.memref_slice %arg9[%add3A_145, %dma_start3A_160] : memref<50x80xi32, #tpu.memory_space<vmem>> -> memref<1x80xi32, #tpu.memory_space<vmem>>
            %dma_start3A_162 = tpu.memref_squeeze %dma_start3A_161 : memref<1x80xi32, #tpu.memory_space<vmem>> -> memref<80xi32, #tpu.memory_space<vmem>>
            %dma_start3A_163 = arith.constant 0 : i32
            %dma_start3A_164 = arith.constant 0 : i32
            %dma_start3A_165 = tpu.memref_slice %arg15[%dma_start3A_163, %dma_start3A_164] : memref<10112x64xf32, #tpu.memory_space<vmem_shared>> -> memref<10112x64xf32, #tpu.memory_space<vmem_shared>>
            tpu.enqueue_indirect_dma source(%arg14 : memref<80x64xf32, #tpu.memory_space<vmem>>) target(%dma_start3A_165 : memref<10112x64xf32, #tpu.memory_space<vmem_shared>>) offsets(%dma_start3A_162 : memref<80xi32, #tpu.memory_space<vmem>>) semaphore(%run_scoped3A_159 : memref<!tpu.dma_semaphore, #tpu.memory_space<semaphore_mem>>) {add = true}
            %dma_wait3A_166 = arith.constant 0 : i32
            %dma_wait3A_167 = tpu.memref_slice %arg9[%add3A_145, %dma_wait3A_166] : memref<50x80xi32, #tpu.memory_space<vmem>> -> memref<1x80xi32, #tpu.memory_space<vmem>>
            %dma_wait3A_168 = tpu.memref_squeeze %dma_wait3A_167 : memref<1x80xi32, #tpu.memory_space<vmem>> -> memref<80xi32, #tpu.memory_space<vmem>>
            %dma_wait3A_169 = arith.constant 0 : i32
            %dma_wait3A_170 = arith.constant 0 : i32
            %dma_wait3A_171 = tpu.memref_slice %arg15[%dma_wait3A_169, %dma_wait3A_170] : memref<10112x64xf32, #tpu.memory_space<vmem_shared>> -> memref<10112x64xf32, #tpu.memory_space<vmem_shared>>
            tpu.wait_indirect_dma semaphore(%run_scoped3A_159 : memref<!tpu.dma_semaphore, #tpu.memory_space<semaphore_mem>>) src(%arg14 : memref<80x64xf32, #tpu.memory_space<vmem>>) dst(%dma_wait3A_171 : memref<10112x64xf32, #tpu.memory_space<vmem_shared>>)
            tpu.yield
          }) : () -> ()
          %add3A_152 = arith.constant 5 : i32
          %add3A_153 = arith.addi %add3A_145, %add3A_152 : i32
          %lt3A_154 = arith.constant 50 : i32
          %lt3A_155 = arith.cmpi slt, %add3A_153, %lt3A_154 : i32
          %convert_element_type3A_156 = arith.extui %lt3A_155 : i1 to i32
          %cond3A_157 = arith.constant 0 : i32
          %cond3A_158 = arith.cmpi ne, %convert_element_type3A_156, %cond3A_157 : i32
          scf.if %cond3A_158 {
            %add3A_159 = arith.constant 5 : i32
            %add3A_160 = arith.addi %add3A_145, %add3A_159 : i32
            %dma_start3A_161 = arith.constant 0 : i32
            %dma_start3A_162 = tpu.memref_slice %arg8[%add3A_160, %dma_start3A_161] : memref<50x80xi32, #tpu.memory_space<vmem>> -> memref<1x80xi32, #tpu.memory_space<vmem>>
            %dma_start3A_163 = tpu.memref_squeeze %dma_start3A_162 : memref<1x80xi32, #tpu.memory_space<vmem>> -> memref<80xi32, #tpu.memory_space<vmem>>
            %dma_start3A_164 = arith.constant 0 : i32
            %dma_start3A_165 = arith.constant 0 : i32
            %dma_start3A_166 = tpu.memref_slice %arg2[%dma_start3A_164, %dma_start3A_165] : memref<10000x64xf32, #tpu.memory_space<hbm>> -> memref<10000x64xf32, #tpu.memory_space<hbm>>
            tpu.enqueue_indirect_dma source(%dma_start3A_166 : memref<10000x64xf32, #tpu.memory_space<hbm>>) target(%arg14 : memref<80x64xf32, #tpu.memory_space<vmem>>) offsets(%dma_start3A_163 : memref<80xi32, #tpu.memory_space<vmem>>) semaphore(%arg20 : memref<!tpu.dma_semaphore, #tpu.memory_space<semaphore_mem>>)
          } else {
          }
        }
        %scan3A_79 = arith.constant 10 : i32
      }
      %scan3A_55 = arith.constant 5 : i32
      %barrier3A_56 = arith.constant 0 : index
      tpu.barrier barrier_id(%barrier3A_56)
      %lt3A_57 = arith.constant 15 : i32
      %lt3A_58 = arith.cmpi slt, %arg1, %lt3A_57 : i32
      %convert_element_type3A_59 = arith.extui %lt3A_58 : i1 to i32
      %cond3A_60 = arith.constant 0 : i32
      %cond3A_61 = arith.cmpi ne, %convert_element_type3A_59, %cond3A_60 : i32
      scf.if %cond3A_61 {
        "tpu.region"() ({
          %run_scoped3A_67 = tpu.sem_alloc : memref<!tpu.dma_semaphore, #tpu.memory_space<semaphore_mem>>
          %dma_start3A_68 = arith.constant 0 : i32
          %dma_start3A_69 = tpu.memref_slice %arg6[%mul3A_7, %dma_start3A_68] : memref<10112x64xf32, #tpu.memory_space<hbm>> -> memref<632x64xf32, #tpu.memory_space<hbm>>
          %dma_start3A_70 = arith.constant 0 : i32
          %dma_start3A_71 = tpu.memref_slice %arg15[%mul3A_7, %dma_start3A_70] : memref<10112x64xf32, #tpu.memory_space<vmem_shared>> -> memref<632x64xf32, #tpu.memory_space<vmem_shared>>
          tpu.enqueue_dma source(%dma_start3A_71 : memref<632x64xf32, #tpu.memory_space<vmem_shared>>) target(%dma_start3A_69 : memref<632x64xf32, #tpu.memory_space<hbm>>) target_semaphore(%run_scoped3A_67 : memref<!tpu.dma_semaphore, #tpu.memory_space<semaphore_mem>>)
          %dma_wait3A = arith.constant 0 : i32
          %dma_wait3A_72 = tpu.memref_slice %arg6[%mul3A_7, %dma_wait3A] : memref<10112x64xf32, #tpu.memory_space<hbm>> -> memref<632x64xf32, #tpu.memory_space<hbm>>
          %dma_wait3A_73 = arith.constant 0 : i32
          %dma_wait3A_74 = tpu.memref_slice %arg15[%mul3A_7, %dma_wait3A_73] : memref<10112x64xf32, #tpu.memory_space<vmem_shared>> -> memref<632x64xf32, #tpu.memory_space<vmem_shared>>
          tpu.wait_dma2 semaphore(%run_scoped3A_67 : memref<!tpu.dma_semaphore, #tpu.memory_space<semaphore_mem>>) src(%dma_wait3A_74 : memref<632x64xf32, #tpu.memory_space<vmem_shared>>) dst(%dma_wait3A_72 : memref<632x64xf32, #tpu.memory_space<hbm>>)
          tpu.yield
        }) : () -> ()
      } else {
      }
      %eq3A_62 = arith.constant 15 : i32
      %eq3A_63 = arith.cmpi eq, %arg1, %eq3A_62 : i32
      %convert_element_type3A_64 = arith.extui %eq3A_63 : i1 to i32
      %cond3A_65 = arith.constant 0 : i32
      %cond3A_66 = arith.cmpi ne, %convert_element_type3A_64, %cond3A_65 : i32
      scf.if %cond3A_66 {
        "tpu.region"() ({
          %run_scoped3A_67 = tpu.sem_alloc : memref<!tpu.dma_semaphore, #tpu.memory_space<semaphore_mem>>
          %dma_start3A_68 = arith.constant 0 : i32
          %dma_start3A_69 = tpu.memref_slice %arg6[%mul3A_7, %dma_start3A_68] : memref<10112x64xf32, #tpu.memory_space<hbm>> -> memref<520x64xf32, #tpu.memory_space<hbm>>
          %dma_start3A_70 = arith.constant 0 : i32
          %dma_start3A_71 = tpu.memref_slice %arg15[%mul3A_7, %dma_start3A_70] : memref<10112x64xf32, #tpu.memory_space<vmem_shared>> -> memref<520x64xf32, #tpu.memory_space<vmem_shared>>
          tpu.enqueue_dma source(%dma_start3A_71 : memref<520x64xf32, #tpu.memory_space<vmem_shared>>) target(%dma_start3A_69 : memref<520x64xf32, #tpu.memory_space<hbm>>) target_semaphore(%run_scoped3A_67 : memref<!tpu.dma_semaphore, #tpu.memory_space<semaphore_mem>>)
          %dma_wait3A = arith.constant 0 : i32
          %dma_wait3A_72 = tpu.memref_slice %arg6[%mul3A_7, %dma_wait3A] : memref<10112x64xf32, #tpu.memory_space<hbm>> -> memref<520x64xf32, #tpu.memory_space<hbm>>
          %dma_wait3A_73 = arith.constant 0 : i32
          %dma_wait3A_74 = tpu.memref_slice %arg15[%mul3A_7, %dma_wait3A_73] : memref<10112x64xf32, #tpu.memory_space<vmem_shared>> -> memref<520x64xf32, #tpu.memory_space<vmem_shared>>
          tpu.wait_dma2 semaphore(%run_scoped3A_67 : memref<!tpu.dma_semaphore, #tpu.memory_space<semaphore_mem>>) src(%dma_wait3A_74 : memref<520x64xf32, #tpu.memory_space<vmem_shared>>) dst(%dma_wait3A_72 : memref<520x64xf32, #tpu.memory_space<hbm>>)
          tpu.yield
        }) : () -> ()
      } else {
      }
    } else {
    }
    %eq3A_2 = arith.constant 1 : i32
    %eq3A_3 = arith.cmpi eq, %arg0, %eq3A_2 : i32
    %convert_element_type3A_4 = arith.extui %eq3A_3 : i1 to i32
    %cond3A_5 = arith.constant 0 : i32
    %cond3A_6 = arith.cmpi ne, %convert_element_type3A_4, %cond3A_5 : i32
    scf.if %cond3A_6 {
      %mul3A = arith.constant 632 : i32
      %mul3A_7 = arith.muli %arg1, %mul3A : i32
      %run_scoped3A = arith.constant 0 : i32
      "tpu.region"() ({
        %run_scoped3A_67 = tpu.sem_alloc : memref<!tpu.dma_semaphore, #tpu.memory_space<semaphore_mem>>
        %dma_start3A_68 = arith.constant 0 : i32
        %dma_start3A_69 = arith.constant 0 : i32
        %dma_start3A_70 = tpu.memref_slice %arg4[%arg1, %run_scoped3A, %dma_start3A_68, %dma_start3A_69] : memref<16x5x50x80xi32, #tpu.memory_space<hbm>> -> memref<1x1x50x80xi32, #tpu.memory_space<hbm>>
        %dma_start3A_71 = tpu.memref_squeeze %dma_start3A_70 : memref<1x1x50x80xi32, #tpu.memory_space<hbm>> -> memref<50x80xi32, #tpu.memory_space<hbm>>
        %dma_start3A_72 = arith.constant 0 : i32
        %dma_start3A_73 = arith.constant 0 : i32
        %dma_start3A_74 = tpu.memref_slice %arg4[%arg1, %run_scoped3A, %dma_start3A_72, %dma_start3A_73] : memref<16x5x50x80xi32, #tpu.memory_space<hbm>> -> memref<1x1x50x80xi32, #tpu.memory_space<hbm>>
        %dma_start3A_75 = tpu.memref_squeeze %dma_start3A_74 : memref<1x1x50x80xi32, #tpu.memory_space<hbm>> -> memref<50x80xi32, #tpu.memory_space<hbm>>
        tpu.enqueue_dma source(%dma_start3A_75 : memref<50x80xi32, #tpu.memory_space<hbm>>) target(%arg8 : memref<50x80xi32, #tpu.memory_space<vmem>>) target_semaphore(%run_scoped3A_67 : memref<!tpu.dma_semaphore, #tpu.memory_space<semaphore_mem>>)
        %dma_wait3A = arith.constant 0 : i32
        %dma_wait3A_76 = arith.constant 0 : i32
        %dma_wait3A_77 = tpu.memref_slice %arg4[%arg1, %run_scoped3A, %dma_wait3A, %dma_wait3A_76] : memref<16x5x50x80xi32, #tpu.memory_space<hbm>> -> memref<1x1x50x80xi32, #tpu.memory_space<hbm>>
        %dma_wait3A_78 = tpu.memref_squeeze %dma_wait3A_77 : memref<1x1x50x80xi32, #tpu.memory_space<hbm>> -> memref<50x80xi32, #tpu.memory_space<hbm>>
        %dma_wait3A_79 = arith.constant 0 : i32
        %dma_wait3A_80 = arith.constant 0 : i32
        %dma_wait3A_81 = tpu.memref_slice %arg4[%arg1, %run_scoped3A, %dma_wait3A_79, %dma_wait3A_80] : memref<16x5x50x80xi32, #tpu.memory_space<hbm>> -> memref<1x1x50x80xi32, #tpu.memory_space<hbm>>
        %dma_wait3A_82 = tpu.memref_squeeze %dma_wait3A_81 : memref<1x1x50x80xi32, #tpu.memory_space<hbm>> -> memref<50x80xi32, #tpu.memory_space<hbm>>
        tpu.wait_dma2 semaphore(%run_scoped3A_67 : memref<!tpu.dma_semaphore, #tpu.memory_space<semaphore_mem>>) src(%dma_wait3A_82 : memref<50x80xi32, #tpu.memory_space<hbm>>) dst(%arg8 : memref<50x80xi32, #tpu.memory_space<vmem>>)
        tpu.yield
      }) : () -> ()
      %run_scoped3A_8 = arith.constant 0 : i32
      "tpu.region"() ({
        %run_scoped3A_67 = tpu.sem_alloc : memref<!tpu.dma_semaphore, #tpu.memory_space<semaphore_mem>>
        %dma_start3A_68 = arith.constant 0 : i32
        %dma_start3A_69 = arith.constant 0 : i32
        %dma_start3A_70 = tpu.memref_slice %arg5[%arg1, %run_scoped3A_8, %dma_start3A_68, %dma_start3A_69] : memref<16x5x50x80xi32, #tpu.memory_space<hbm>> -> memref<1x1x50x80xi32, #tpu.memory_space<hbm>>
        %dma_start3A_71 = tpu.memref_squeeze %dma_start3A_70 : memref<1x1x50x80xi32, #tpu.memory_space<hbm>> -> memref<50x80xi32, #tpu.memory_space<hbm>>
        %dma_start3A_72 = arith.constant 0 : i32
        %dma_start3A_73 = arith.constant 0 : i32
        %dma_start3A_74 = tpu.memref_slice %arg5[%arg1, %run_scoped3A_8, %dma_start3A_72, %dma_start3A_73] : memref<16x5x50x80xi32, #tpu.memory_space<hbm>> -> memref<1x1x50x80xi32, #tpu.memory_space<hbm>>
        %dma_start3A_75 = tpu.memref_squeeze %dma_start3A_74 : memref<1x1x50x80xi32, #tpu.memory_space<hbm>> -> memref<50x80xi32, #tpu.memory_space<hbm>>
        tpu.enqueue_dma source(%dma_start3A_75 : memref<50x80xi32, #tpu.memory_space<hbm>>) target(%arg9 : memref<50x80xi32, #tpu.memory_space<vmem>>) target_semaphore(%run_scoped3A_67 : memref<!tpu.dma_semaphore, #tpu.memory_space<semaphore_mem>>)
        %dma_wait3A = arith.constant 0 : i32
        %dma_wait3A_76 = arith.constant 0 : i32
        %dma_wait3A_77 = tpu.memref_slice %arg5[%arg1, %run_scoped3A_8, %dma_wait3A, %dma_wait3A_76] : memref<16x5x50x80xi32, #tpu.memory_space<hbm>> -> memref<1x1x50x80xi32, #tpu.memory_space<hbm>>
        %dma_wait3A_78 = tpu.memref_squeeze %dma_wait3A_77 : memref<1x1x50x80xi32, #tpu.memory_space<hbm>> -> memref<50x80xi32, #tpu.memory_space<hbm>>
        %dma_wait3A_79 = arith.constant 0 : i32
        %dma_wait3A_80 = arith.constant 0 : i32
        %dma_wait3A_81 = tpu.memref_slice %arg5[%arg1, %run_scoped3A_8, %dma_wait3A_79, %dma_wait3A_80] : memref<16x5x50x80xi32, #tpu.memory_space<hbm>> -> memref<1x1x50x80xi32, #tpu.memory_space<hbm>>
        %dma_wait3A_82 = tpu.memref_squeeze %dma_wait3A_81 : memref<1x1x50x80xi32, #tpu.memory_space<hbm>> -> memref<50x80xi32, #tpu.memory_space<hbm>>
        tpu.wait_dma2 semaphore(%run_scoped3A_67 : memref<!tpu.dma_semaphore, #tpu.memory_space<semaphore_mem>>) src(%dma_wait3A_82 : memref<50x80xi32, #tpu.memory_space<hbm>>) dst(%arg9 : memref<50x80xi32, #tpu.memory_space<vmem>>)
        tpu.yield
      }) : () -> ()
      %dma_start3A = arith.constant 0 : i32
      %dma_start3A_9 = arith.constant 0 : i32
      %dma_start3A_10 = tpu.memref_slice %arg8[%dma_start3A, %dma_start3A_9] : memref<50x80xi32, #tpu.memory_space<vmem>> -> memref<1x80xi32, #tpu.memory_space<vmem>>
      %dma_start3A_11 = tpu.memref_squeeze %dma_start3A_10 : memref<1x80xi32, #tpu.memory_space<vmem>> -> memref<80xi32, #tpu.memory_space<vmem>>
      %dma_start3A_12 = arith.constant 0 : i32
      %dma_start3A_13 = arith.constant 0 : i32
      %dma_start3A_14 = tpu.memref_slice %arg3[%dma_start3A_12, %dma_start3A_13] : memref<10000x64xf32, #tpu.memory_space<hbm>> -> memref<10000x64xf32, #tpu.memory_space<hbm>>
      tpu.enqueue_indirect_dma source(%dma_start3A_14 : memref<10000x64xf32, #tpu.memory_space<hbm>>) target(%arg10 : memref<80x64xf32, #tpu.memory_space<vmem>>) offsets(%dma_start3A_11 : memref<80xi32, #tpu.memory_space<vmem>>) semaphore(%arg16 : memref<!tpu.dma_semaphore, #tpu.memory_space<semaphore_mem>>)
      %dma_start3A_15 = arith.constant 1 : i32
      %dma_start3A_16 = arith.constant 0 : i32
      %dma_start3A_17 = tpu.memref_slice %arg8[%dma_start3A_15, %dma_start3A_16] : memref<50x80xi32, #tpu.memory_space<vmem>> -> memref<1x80xi32, #tpu.memory_space<vmem>>
      %dma_start3A_18 = tpu.memref_squeeze %dma_start3A_17 : memref<1x80xi32, #tpu.memory_space<vmem>> -> memref<80xi32, #tpu.memory_space<vmem>>
      %dma_start3A_19 = arith.constant 0 : i32
      %dma_start3A_20 = arith.constant 0 : i32
      %dma_start3A_21 = tpu.memref_slice %arg3[%dma_start3A_19, %dma_start3A_20] : memref<10000x64xf32, #tpu.memory_space<hbm>> -> memref<10000x64xf32, #tpu.memory_space<hbm>>
      tpu.enqueue_indirect_dma source(%dma_start3A_21 : memref<10000x64xf32, #tpu.memory_space<hbm>>) target(%arg11 : memref<80x64xf32, #tpu.memory_space<vmem>>) offsets(%dma_start3A_18 : memref<80xi32, #tpu.memory_space<vmem>>) semaphore(%arg17 : memref<!tpu.dma_semaphore, #tpu.memory_space<semaphore_mem>>)
      %dma_start3A_22 = arith.constant 2 : i32
      %dma_start3A_23 = arith.constant 0 : i32
      %dma_start3A_24 = tpu.memref_slice %arg8[%dma_start3A_22, %dma_start3A_23] : memref<50x80xi32, #tpu.memory_space<vmem>> -> memref<1x80xi32, #tpu.memory_space<vmem>>
      %dma_start3A_25 = tpu.memref_squeeze %dma_start3A_24 : memref<1x80xi32, #tpu.memory_space<vmem>> -> memref<80xi32, #tpu.memory_space<vmem>>
      %dma_start3A_26 = arith.constant 0 : i32
      %dma_start3A_27 = arith.constant 0 : i32
      %dma_start3A_28 = tpu.memref_slice %arg3[%dma_start3A_26, %dma_start3A_27] : memref<10000x64xf32, #tpu.memory_space<hbm>> -> memref<10000x64xf32, #tpu.memory_space<hbm>>
      tpu.enqueue_indirect_dma source(%dma_start3A_28 : memref<10000x64xf32, #tpu.memory_space<hbm>>) target(%arg12 : memref<80x64xf32, #tpu.memory_space<vmem>>) offsets(%dma_start3A_25 : memref<80xi32, #tpu.memory_space<vmem>>) semaphore(%arg18 : memref<!tpu.dma_semaphore, #tpu.memory_space<semaphore_mem>>)
      %dma_start3A_29 = arith.constant 3 : i32
      %dma_start3A_30 = arith.constant 0 : i32
      %dma_start3A_31 = tpu.memref_slice %arg8[%dma_start3A_29, %dma_start3A_30] : memref<50x80xi32, #tpu.memory_space<vmem>> -> memref<1x80xi32, #tpu.memory_space<vmem>>
      %dma_start3A_32 = tpu.memref_squeeze %dma_start3A_31 : memref<1x80xi32, #tpu.memory_space<vmem>> -> memref<80xi32, #tpu.memory_space<vmem>>
      %dma_start3A_33 = arith.constant 0 : i32
      %dma_start3A_34 = arith.constant 0 : i32
      %dma_start3A_35 = tpu.memref_slice %arg3[%dma_start3A_33, %dma_start3A_34] : memref<10000x64xf32, #tpu.memory_space<hbm>> -> memref<10000x64xf32, #tpu.memory_space<hbm>>
      tpu.enqueue_indirect_dma source(%dma_start3A_35 : memref<10000x64xf32, #tpu.memory_space<hbm>>) target(%arg13 : memref<80x64xf32, #tpu.memory_space<vmem>>) offsets(%dma_start3A_32 : memref<80xi32, #tpu.memory_space<vmem>>) semaphore(%arg19 : memref<!tpu.dma_semaphore, #tpu.memory_space<semaphore_mem>>)
      %dma_start3A_36 = arith.constant 4 : i32
      %dma_start3A_37 = arith.constant 0 : i32
      %dma_start3A_38 = tpu.memref_slice %arg8[%dma_start3A_36, %dma_start3A_37] : memref<50x80xi32, #tpu.memory_space<vmem>> -> memref<1x80xi32, #tpu.memory_space<vmem>>
      %dma_start3A_39 = tpu.memref_squeeze %dma_start3A_38 : memref<1x80xi32, #tpu.memory_space<vmem>> -> memref<80xi32, #tpu.memory_space<vmem>>
      %dma_start3A_40 = arith.constant 0 : i32
      %dma_start3A_41 = arith.constant 0 : i32
      %dma_start3A_42 = tpu.memref_slice %arg3[%dma_start3A_40, %dma_start3A_41] : memref<10000x64xf32, #tpu.memory_space<hbm>> -> memref<10000x64xf32, #tpu.memory_space<hbm>>
      tpu.enqueue_indirect_dma source(%dma_start3A_42 : memref<10000x64xf32, #tpu.memory_space<hbm>>) target(%arg14 : memref<80x64xf32, #tpu.memory_space<vmem>>) offsets(%dma_start3A_39 : memref<80xi32, #tpu.memory_space<vmem>>) semaphore(%arg20 : memref<!tpu.dma_semaphore, #tpu.memory_space<semaphore_mem>>)
      %lt3A = arith.constant 15 : i32
      %lt3A_43 = arith.cmpi slt, %arg1, %lt3A : i32
      %convert_element_type3A_44 = arith.extui %lt3A_43 : i1 to i32
      %cond3A_45 = arith.constant 0 : i32
      %cond3A_46 = arith.cmpi ne, %convert_element_type3A_44, %cond3A_45 : i32
      scf.if %cond3A_46 {
        "tpu.region"() ({
          %run_scoped3A_67 = tpu.sem_alloc : memref<!tpu.dma_semaphore, #tpu.memory_space<semaphore_mem>>
          %dma_start3A_68 = arith.constant 0 : i32
          %dma_start3A_69 = tpu.memref_slice %arg15[%mul3A_7, %dma_start3A_68] : memref<10112x64xf32, #tpu.memory_space<vmem_shared>> -> memref<632x64xf32, #tpu.memory_space<vmem_shared>>
          %dma_start3A_70 = arith.constant 0 : i32
          %dma_start3A_71 = tpu.memref_slice %arg3[%mul3A_7, %dma_start3A_70] : memref<10000x64xf32, #tpu.memory_space<hbm>> -> memref<632x64xf32, #tpu.memory_space<hbm>>
          tpu.enqueue_dma source(%dma_start3A_71 : memref<632x64xf32, #tpu.memory_space<hbm>>) target(%dma_start3A_69 : memref<632x64xf32, #tpu.memory_space<vmem_shared>>) target_semaphore(%run_scoped3A_67 : memref<!tpu.dma_semaphore, #tpu.memory_space<semaphore_mem>>)
          %dma_wait3A = arith.constant 0 : i32
          %dma_wait3A_72 = tpu.memref_slice %arg15[%mul3A_7, %dma_wait3A] : memref<10112x64xf32, #tpu.memory_space<vmem_shared>> -> memref<632x64xf32, #tpu.memory_space<vmem_shared>>
          %dma_wait3A_73 = arith.constant 0 : i32
          %dma_wait3A_74 = tpu.memref_slice %arg3[%mul3A_7, %dma_wait3A_73] : memref<10000x64xf32, #tpu.memory_space<hbm>> -> memref<632x64xf32, #tpu.memory_space<hbm>>
          tpu.wait_dma2 semaphore(%run_scoped3A_67 : memref<!tpu.dma_semaphore, #tpu.memory_space<semaphore_mem>>) src(%dma_wait3A_74 : memref<632x64xf32, #tpu.memory_space<hbm>>) dst(%dma_wait3A_72 : memref<632x64xf32, #tpu.memory_space<vmem_shared>>)
          tpu.yield
        }) : () -> ()
      } else {
      }
      %eq3A_47 = arith.constant 15 : i32
      %eq3A_48 = arith.cmpi eq, %arg1, %eq3A_47 : i32
      %convert_element_type3A_49 = arith.extui %eq3A_48 : i1 to i32
      %cond3A_50 = arith.constant 0 : i32
      %cond3A_51 = arith.cmpi ne, %convert_element_type3A_49, %cond3A_50 : i32
      scf.if %cond3A_51 {
        "tpu.region"() ({
          %run_scoped3A_67 = tpu.sem_alloc : memref<!tpu.dma_semaphore, #tpu.memory_space<semaphore_mem>>
          %dma_start3A_68 = arith.constant 0 : i32
          %dma_start3A_69 = tpu.memref_slice %arg15[%mul3A_7, %dma_start3A_68] : memref<10112x64xf32, #tpu.memory_space<vmem_shared>> -> memref<520x64xf32, #tpu.memory_space<vmem_shared>>
          %dma_start3A_70 = arith.constant 0 : i32
          %dma_start3A_71 = tpu.memref_slice %arg3[%mul3A_7, %dma_start3A_70] : memref<10000x64xf32, #tpu.memory_space<hbm>> -> memref<520x64xf32, #tpu.memory_space<hbm>>
          tpu.enqueue_dma source(%dma_start3A_71 : memref<520x64xf32, #tpu.memory_space<hbm>>) target(%dma_start3A_69 : memref<520x64xf32, #tpu.memory_space<vmem_shared>>) target_semaphore(%run_scoped3A_67 : memref<!tpu.dma_semaphore, #tpu.memory_space<semaphore_mem>>)
          %dma_wait3A = arith.constant 0 : i32
          %dma_wait3A_72 = tpu.memref_slice %arg15[%mul3A_7, %dma_wait3A] : memref<10112x64xf32, #tpu.memory_space<vmem_shared>> -> memref<520x64xf32, #tpu.memory_space<vmem_shared>>
          %dma_wait3A_73 = arith.constant 0 : i32
          %dma_wait3A_74 = tpu.memref_slice %arg3[%mul3A_7, %dma_wait3A_73] : memref<10000x64xf32, #tpu.memory_space<hbm>> -> memref<520x64xf32, #tpu.memory_space<hbm>>
          tpu.wait_dma2 semaphore(%run_scoped3A_67 : memref<!tpu.dma_semaphore, #tpu.memory_space<semaphore_mem>>) src(%dma_wait3A_74 : memref<520x64xf32, #tpu.memory_space<hbm>>) dst(%dma_wait3A_72 : memref<520x64xf32, #tpu.memory_space<vmem_shared>>)
          tpu.yield
        }) : () -> ()
      } else {
      }
      %barrier3A = arith.constant 0 : index
      tpu.barrier barrier_id(%barrier3A)
      %scan3A = arith.constant 0 : i32
      %scan3A_52 = arith.constant 5 : i32
      %scan3A_53 = arith.addi %scan3A, %scan3A_52 : i32
      %scan3A_54 = arith.constant 1 : i32
      scf.for %scan3A_67 = %scan3A to %scan3A_53 step %scan3A_54  : i32 {
        %mul3A_68 = arith.constant 1 : i32
        %mul3A_69 = arith.muli %scan3A_67, %mul3A_68 : i32
        %add3A = arith.constant 0 : i32
        %add3A_70 = arith.addi %add3A, %mul3A_69 : i32
        %gt3A = arith.constant 0 : i32
        %gt3A_71 = arith.cmpi sgt, %add3A_70, %gt3A : i32
        %convert_element_type3A_72 = arith.extui %gt3A_71 : i1 to i32
        %cond3A_73 = arith.constant 0 : i32
        %cond3A_74 = arith.cmpi ne, %convert_element_type3A_72, %cond3A_73 : i32
        scf.if %cond3A_74 {
          "tpu.region"() ({
            %run_scoped3A_115 = tpu.sem_alloc : memref<!tpu.dma_semaphore, #tpu.memory_space<semaphore_mem>>
            %dma_start3A_116 = arith.constant 0 : i32
            %dma_start3A_117 = arith.constant 0 : i32
            %dma_start3A_118 = tpu.memref_slice %arg4[%arg1, %add3A_70, %dma_start3A_116, %dma_start3A_117] : memref<16x5x50x80xi32, #tpu.memory_space<hbm>> -> memref<1x1x50x80xi32, #tpu.memory_space<hbm>>
            %dma_start3A_119 = tpu.memref_squeeze %dma_start3A_118 : memref<1x1x50x80xi32, #tpu.memory_space<hbm>> -> memref<50x80xi32, #tpu.memory_space<hbm>>
            %dma_start3A_120 = arith.constant 0 : i32
            %dma_start3A_121 = arith.constant 0 : i32
            %dma_start3A_122 = tpu.memref_slice %arg4[%arg1, %add3A_70, %dma_start3A_120, %dma_start3A_121] : memref<16x5x50x80xi32, #tpu.memory_space<hbm>> -> memref<1x1x50x80xi32, #tpu.memory_space<hbm>>
            %dma_start3A_123 = tpu.memref_squeeze %dma_start3A_122 : memref<1x1x50x80xi32, #tpu.memory_space<hbm>> -> memref<50x80xi32, #tpu.memory_space<hbm>>
            tpu.enqueue_dma source(%dma_start3A_123 : memref<50x80xi32, #tpu.memory_space<hbm>>) target(%arg8 : memref<50x80xi32, #tpu.memory_space<vmem>>) target_semaphore(%run_scoped3A_115 : memref<!tpu.dma_semaphore, #tpu.memory_space<semaphore_mem>>)
            %dma_wait3A = arith.constant 0 : i32
            %dma_wait3A_124 = arith.constant 0 : i32
            %dma_wait3A_125 = tpu.memref_slice %arg4[%arg1, %add3A_70, %dma_wait3A, %dma_wait3A_124] : memref<16x5x50x80xi32, #tpu.memory_space<hbm>> -> memref<1x1x50x80xi32, #tpu.memory_space<hbm>>
            %dma_wait3A_126 = tpu.memref_squeeze %dma_wait3A_125 : memref<1x1x50x80xi32, #tpu.memory_space<hbm>> -> memref<50x80xi32, #tpu.memory_space<hbm>>
            %dma_wait3A_127 = arith.constant 0 : i32
            %dma_wait3A_128 = arith.constant 0 : i32
            %dma_wait3A_129 = tpu.memref_slice %arg4[%arg1, %add3A_70, %dma_wait3A_127, %dma_wait3A_128] : memref<16x5x50x80xi32, #tpu.memory_space<hbm>> -> memref<1x1x50x80xi32, #tpu.memory_space<hbm>>
            %dma_wait3A_130 = tpu.memref_squeeze %dma_wait3A_129 : memref<1x1x50x80xi32, #tpu.memory_space<hbm>> -> memref<50x80xi32, #tpu.memory_space<hbm>>
            tpu.wait_dma2 semaphore(%run_scoped3A_115 : memref<!tpu.dma_semaphore, #tpu.memory_space<semaphore_mem>>) src(%dma_wait3A_130 : memref<50x80xi32, #tpu.memory_space<hbm>>) dst(%arg8 : memref<50x80xi32, #tpu.memory_space<vmem>>)
            tpu.yield
          }) : () -> ()
          "tpu.region"() ({
            %run_scoped3A_115 = tpu.sem_alloc : memref<!tpu.dma_semaphore, #tpu.memory_space<semaphore_mem>>
            %dma_start3A_116 = arith.constant 0 : i32
            %dma_start3A_117 = arith.constant 0 : i32
            %dma_start3A_118 = tpu.memref_slice %arg5[%arg1, %add3A_70, %dma_start3A_116, %dma_start3A_117] : memref<16x5x50x80xi32, #tpu.memory_space<hbm>> -> memref<1x1x50x80xi32, #tpu.memory_space<hbm>>
            %dma_start3A_119 = tpu.memref_squeeze %dma_start3A_118 : memref<1x1x50x80xi32, #tpu.memory_space<hbm>> -> memref<50x80xi32, #tpu.memory_space<hbm>>
            %dma_start3A_120 = arith.constant 0 : i32
            %dma_start3A_121 = arith.constant 0 : i32
            %dma_start3A_122 = tpu.memref_slice %arg5[%arg1, %add3A_70, %dma_start3A_120, %dma_start3A_121] : memref<16x5x50x80xi32, #tpu.memory_space<hbm>> -> memref<1x1x50x80xi32, #tpu.memory_space<hbm>>
            %dma_start3A_123 = tpu.memref_squeeze %dma_start3A_122 : memref<1x1x50x80xi32, #tpu.memory_space<hbm>> -> memref<50x80xi32, #tpu.memory_space<hbm>>
            tpu.enqueue_dma source(%dma_start3A_123 : memref<50x80xi32, #tpu.memory_space<hbm>>) target(%arg9 : memref<50x80xi32, #tpu.memory_space<vmem>>) target_semaphore(%run_scoped3A_115 : memref<!tpu.dma_semaphore, #tpu.memory_space<semaphore_mem>>)
            %dma_wait3A = arith.constant 0 : i32
            %dma_wait3A_124 = arith.constant 0 : i32
            %dma_wait3A_125 = tpu.memref_slice %arg5[%arg1, %add3A_70, %dma_wait3A, %dma_wait3A_124] : memref<16x5x50x80xi32, #tpu.memory_space<hbm>> -> memref<1x1x50x80xi32, #tpu.memory_space<hbm>>
            %dma_wait3A_126 = tpu.memref_squeeze %dma_wait3A_125 : memref<1x1x50x80xi32, #tpu.memory_space<hbm>> -> memref<50x80xi32, #tpu.memory_space<hbm>>
            %dma_wait3A_127 = arith.constant 0 : i32
            %dma_wait3A_128 = arith.constant 0 : i32
            %dma_wait3A_129 = tpu.memref_slice %arg5[%arg1, %add3A_70, %dma_wait3A_127, %dma_wait3A_128] : memref<16x5x50x80xi32, #tpu.memory_space<hbm>> -> memref<1x1x50x80xi32, #tpu.memory_space<hbm>>
            %dma_wait3A_130 = tpu.memref_squeeze %dma_wait3A_129 : memref<1x1x50x80xi32, #tpu.memory_space<hbm>> -> memref<50x80xi32, #tpu.memory_space<hbm>>
            tpu.wait_dma2 semaphore(%run_scoped3A_115 : memref<!tpu.dma_semaphore, #tpu.memory_space<semaphore_mem>>) src(%dma_wait3A_130 : memref<50x80xi32, #tpu.memory_space<hbm>>) dst(%arg9 : memref<50x80xi32, #tpu.memory_space<vmem>>)
            tpu.yield
          }) : () -> ()
          %dma_start3A_80 = arith.constant 0 : i32
          %dma_start3A_81 = arith.constant 0 : i32
          %dma_start3A_82 = tpu.memref_slice %arg8[%dma_start3A_80, %dma_start3A_81] : memref<50x80xi32, #tpu.memory_space<vmem>> -> memref<1x80xi32, #tpu.memory_space<vmem>>
          %dma_start3A_83 = tpu.memref_squeeze %dma_start3A_82 : memref<1x80xi32, #tpu.memory_space<vmem>> -> memref<80xi32, #tpu.memory_space<vmem>>
          %dma_start3A_84 = arith.constant 0 : i32
          %dma_start3A_85 = arith.constant 0 : i32
          %dma_start3A_86 = tpu.memref_slice %arg3[%dma_start3A_84, %dma_start3A_85] : memref<10000x64xf32, #tpu.memory_space<hbm>> -> memref<10000x64xf32, #tpu.memory_space<hbm>>
          tpu.enqueue_indirect_dma source(%dma_start3A_86 : memref<10000x64xf32, #tpu.memory_space<hbm>>) target(%arg10 : memref<80x64xf32, #tpu.memory_space<vmem>>) offsets(%dma_start3A_83 : memref<80xi32, #tpu.memory_space<vmem>>) semaphore(%arg16 : memref<!tpu.dma_semaphore, #tpu.memory_space<semaphore_mem>>)
          %dma_start3A_87 = arith.constant 1 : i32
          %dma_start3A_88 = arith.constant 0 : i32
          %dma_start3A_89 = tpu.memref_slice %arg8[%dma_start3A_87, %dma_start3A_88] : memref<50x80xi32, #tpu.memory_space<vmem>> -> memref<1x80xi32, #tpu.memory_space<vmem>>
          %dma_start3A_90 = tpu.memref_squeeze %dma_start3A_89 : memref<1x80xi32, #tpu.memory_space<vmem>> -> memref<80xi32, #tpu.memory_space<vmem>>
          %dma_start3A_91 = arith.constant 0 : i32
          %dma_start3A_92 = arith.constant 0 : i32
          %dma_start3A_93 = tpu.memref_slice %arg3[%dma_start3A_91, %dma_start3A_92] : memref<10000x64xf32, #tpu.memory_space<hbm>> -> memref<10000x64xf32, #tpu.memory_space<hbm>>
          tpu.enqueue_indirect_dma source(%dma_start3A_93 : memref<10000x64xf32, #tpu.memory_space<hbm>>) target(%arg11 : memref<80x64xf32, #tpu.memory_space<vmem>>) offsets(%dma_start3A_90 : memref<80xi32, #tpu.memory_space<vmem>>) semaphore(%arg17 : memref<!tpu.dma_semaphore, #tpu.memory_space<semaphore_mem>>)
          %dma_start3A_94 = arith.constant 2 : i32
          %dma_start3A_95 = arith.constant 0 : i32
          %dma_start3A_96 = tpu.memref_slice %arg8[%dma_start3A_94, %dma_start3A_95] : memref<50x80xi32, #tpu.memory_space<vmem>> -> memref<1x80xi32, #tpu.memory_space<vmem>>
          %dma_start3A_97 = tpu.memref_squeeze %dma_start3A_96 : memref<1x80xi32, #tpu.memory_space<vmem>> -> memref<80xi32, #tpu.memory_space<vmem>>
          %dma_start3A_98 = arith.constant 0 : i32
          %dma_start3A_99 = arith.constant 0 : i32
          %dma_start3A_100 = tpu.memref_slice %arg3[%dma_start3A_98, %dma_start3A_99] : memref<10000x64xf32, #tpu.memory_space<hbm>> -> memref<10000x64xf32, #tpu.memory_space<hbm>>
          tpu.enqueue_indirect_dma source(%dma_start3A_100 : memref<10000x64xf32, #tpu.memory_space<hbm>>) target(%arg12 : memref<80x64xf32, #tpu.memory_space<vmem>>) offsets(%dma_start3A_97 : memref<80xi32, #tpu.memory_space<vmem>>) semaphore(%arg18 : memref<!tpu.dma_semaphore, #tpu.memory_space<semaphore_mem>>)
          %dma_start3A_101 = arith.constant 3 : i32
          %dma_start3A_102 = arith.constant 0 : i32
          %dma_start3A_103 = tpu.memref_slice %arg8[%dma_start3A_101, %dma_start3A_102] : memref<50x80xi32, #tpu.memory_space<vmem>> -> memref<1x80xi32, #tpu.memory_space<vmem>>
          %dma_start3A_104 = tpu.memref_squeeze %dma_start3A_103 : memref<1x80xi32, #tpu.memory_space<vmem>> -> memref<80xi32, #tpu.memory_space<vmem>>
          %dma_start3A_105 = arith.constant 0 : i32
          %dma_start3A_106 = arith.constant 0 : i32
          %dma_start3A_107 = tpu.memref_slice %arg3[%dma_start3A_105, %dma_start3A_106] : memref<10000x64xf32, #tpu.memory_space<hbm>> -> memref<10000x64xf32, #tpu.memory_space<hbm>>
          tpu.enqueue_indirect_dma source(%dma_start3A_107 : memref<10000x64xf32, #tpu.memory_space<hbm>>) target(%arg13 : memref<80x64xf32, #tpu.memory_space<vmem>>) offsets(%dma_start3A_104 : memref<80xi32, #tpu.memory_space<vmem>>) semaphore(%arg19 : memref<!tpu.dma_semaphore, #tpu.memory_space<semaphore_mem>>)
          %dma_start3A_108 = arith.constant 4 : i32
          %dma_start3A_109 = arith.constant 0 : i32
          %dma_start3A_110 = tpu.memref_slice %arg8[%dma_start3A_108, %dma_start3A_109] : memref<50x80xi32, #tpu.memory_space<vmem>> -> memref<1x80xi32, #tpu.memory_space<vmem>>
          %dma_start3A_111 = tpu.memref_squeeze %dma_start3A_110 : memref<1x80xi32, #tpu.memory_space<vmem>> -> memref<80xi32, #tpu.memory_space<vmem>>
          %dma_start3A_112 = arith.constant 0 : i32
          %dma_start3A_113 = arith.constant 0 : i32
          %dma_start3A_114 = tpu.memref_slice %arg3[%dma_start3A_112, %dma_start3A_113] : memref<10000x64xf32, #tpu.memory_space<hbm>> -> memref<10000x64xf32, #tpu.memory_space<hbm>>
          tpu.enqueue_indirect_dma source(%dma_start3A_114 : memref<10000x64xf32, #tpu.memory_space<hbm>>) target(%arg14 : memref<80x64xf32, #tpu.memory_space<vmem>>) offsets(%dma_start3A_111 : memref<80xi32, #tpu.memory_space<vmem>>) semaphore(%arg20 : memref<!tpu.dma_semaphore, #tpu.memory_space<semaphore_mem>>)
        } else {
        }
        %scan3A_75 = arith.constant 0 : i32
        %scan3A_76 = arith.constant 10 : i32
        %scan3A_77 = arith.addi %scan3A_75, %scan3A_76 : i32
        %scan3A_78 = arith.constant 1 : i32
        scf.for %scan3A_80 = %scan3A_75 to %scan3A_77 step %scan3A_78  : i32 {
          %mul3A_81 = arith.constant 5 : i32
          %mul3A_82 = arith.muli %scan3A_80, %mul3A_81 : i32
          %add3A_83 = arith.constant 0 : i32
          %add3A_84 = arith.addi %add3A_83, %mul3A_82 : i32
          %add3A_85 = arith.constant 0 : i32
          %add3A_86 = arith.addi %add3A_84, %add3A_85 : i32
          %dma_wait3A = arith.constant 0 : i32
          %dma_wait3A_87 = tpu.memref_slice %arg8[%add3A_86, %dma_wait3A] : memref<50x80xi32, #tpu.memory_space<vmem>> -> memref<1x80xi32, #tpu.memory_space<vmem>>
          %dma_wait3A_88 = tpu.memref_squeeze %dma_wait3A_87 : memref<1x80xi32, #tpu.memory_space<vmem>> -> memref<80xi32, #tpu.memory_space<vmem>>
          %dma_wait3A_89 = arith.constant 0 : i32
          %dma_wait3A_90 = arith.constant 0 : i32
          %dma_wait3A_91 = tpu.memref_slice %arg3[%dma_wait3A_89, %dma_wait3A_90] : memref<10000x64xf32, #tpu.memory_space<hbm>> -> memref<10000x64xf32, #tpu.memory_space<hbm>>
          tpu.wait_indirect_dma semaphore(%arg16 : memref<!tpu.dma_semaphore, #tpu.memory_space<semaphore_mem>>) src(%dma_wait3A_91 : memref<10000x64xf32, #tpu.memory_space<hbm>>) dst(%arg10 : memref<80x64xf32, #tpu.memory_space<vmem>>)
          "tpu.region"() ({
            %run_scoped3A_159 = tpu.sem_alloc : memref<!tpu.dma_semaphore, #tpu.memory_space<semaphore_mem>>
            %dma_start3A_160 = arith.constant 0 : i32
            %dma_start3A_161 = tpu.memref_slice %arg9[%add3A_86, %dma_start3A_160] : memref<50x80xi32, #tpu.memory_space<vmem>> -> memref<1x80xi32, #tpu.memory_space<vmem>>
            %dma_start3A_162 = tpu.memref_squeeze %dma_start3A_161 : memref<1x80xi32, #tpu.memory_space<vmem>> -> memref<80xi32, #tpu.memory_space<vmem>>
            %dma_start3A_163 = arith.constant 0 : i32
            %dma_start3A_164 = arith.constant 0 : i32
            %dma_start3A_165 = tpu.memref_slice %arg15[%dma_start3A_163, %dma_start3A_164] : memref<10112x64xf32, #tpu.memory_space<vmem_shared>> -> memref<10112x64xf32, #tpu.memory_space<vmem_shared>>
            tpu.enqueue_indirect_dma source(%arg10 : memref<80x64xf32, #tpu.memory_space<vmem>>) target(%dma_start3A_165 : memref<10112x64xf32, #tpu.memory_space<vmem_shared>>) offsets(%dma_start3A_162 : memref<80xi32, #tpu.memory_space<vmem>>) semaphore(%run_scoped3A_159 : memref<!tpu.dma_semaphore, #tpu.memory_space<semaphore_mem>>) {add = true}
            %dma_wait3A_166 = arith.constant 0 : i32
            %dma_wait3A_167 = tpu.memref_slice %arg9[%add3A_86, %dma_wait3A_166] : memref<50x80xi32, #tpu.memory_space<vmem>> -> memref<1x80xi32, #tpu.memory_space<vmem>>
            %dma_wait3A_168 = tpu.memref_squeeze %dma_wait3A_167 : memref<1x80xi32, #tpu.memory_space<vmem>> -> memref<80xi32, #tpu.memory_space<vmem>>
            %dma_wait3A_169 = arith.constant 0 : i32
            %dma_wait3A_170 = arith.constant 0 : i32
            %dma_wait3A_171 = tpu.memref_slice %arg15[%dma_wait3A_169, %dma_wait3A_170] : memref<10112x64xf32, #tpu.memory_space<vmem_shared>> -> memref<10112x64xf32, #tpu.memory_space<vmem_shared>>
            tpu.wait_indirect_dma semaphore(%run_scoped3A_159 : memref<!tpu.dma_semaphore, #tpu.memory_space<semaphore_mem>>) src(%arg10 : memref<80x64xf32, #tpu.memory_space<vmem>>) dst(%dma_wait3A_171 : memref<10112x64xf32, #tpu.memory_space<vmem_shared>>)
            tpu.yield
          }) : () -> ()
          %add3A_92 = arith.constant 5 : i32
          %add3A_93 = arith.addi %add3A_86, %add3A_92 : i32
          %lt3A_94 = arith.constant 50 : i32
          %lt3A_95 = arith.cmpi slt, %add3A_93, %lt3A_94 : i32
          %convert_element_type3A_96 = arith.extui %lt3A_95 : i1 to i32
          %cond3A_97 = arith.constant 0 : i32
          %cond3A_98 = arith.cmpi ne, %convert_element_type3A_96, %cond3A_97 : i32
          scf.if %cond3A_98 {
            %add3A_159 = arith.constant 5 : i32
            %add3A_160 = arith.addi %add3A_86, %add3A_159 : i32
            %dma_start3A_161 = arith.constant 0 : i32
            %dma_start3A_162 = tpu.memref_slice %arg8[%add3A_160, %dma_start3A_161] : memref<50x80xi32, #tpu.memory_space<vmem>> -> memref<1x80xi32, #tpu.memory_space<vmem>>
            %dma_start3A_163 = tpu.memref_squeeze %dma_start3A_162 : memref<1x80xi32, #tpu.memory_space<vmem>> -> memref<80xi32, #tpu.memory_space<vmem>>
            %dma_start3A_164 = arith.constant 0 : i32
            %dma_start3A_165 = arith.constant 0 : i32
            %dma_start3A_166 = tpu.memref_slice %arg3[%dma_start3A_164, %dma_start3A_165] : memref<10000x64xf32, #tpu.memory_space<hbm>> -> memref<10000x64xf32, #tpu.memory_space<hbm>>
            tpu.enqueue_indirect_dma source(%dma_start3A_166 : memref<10000x64xf32, #tpu.memory_space<hbm>>) target(%arg10 : memref<80x64xf32, #tpu.memory_space<vmem>>) offsets(%dma_start3A_163 : memref<80xi32, #tpu.memory_space<vmem>>) semaphore(%arg16 : memref<!tpu.dma_semaphore, #tpu.memory_space<semaphore_mem>>)
          } else {
          }
          %add3A_99 = arith.constant 1 : i32
          %add3A_100 = arith.addi %add3A_84, %add3A_99 : i32
          %dma_wait3A_101 = arith.constant 0 : i32
          %dma_wait3A_102 = tpu.memref_slice %arg8[%add3A_100, %dma_wait3A_101] : memref<50x80xi32, #tpu.memory_space<vmem>> -> memref<1x80xi32, #tpu.memory_space<vmem>>
          %dma_wait3A_103 = tpu.memref_squeeze %dma_wait3A_102 : memref<1x80xi32, #tpu.memory_space<vmem>> -> memref<80xi32, #tpu.memory_space<vmem>>
          %dma_wait3A_104 = arith.constant 0 : i32
          %dma_wait3A_105 = arith.constant 0 : i32
          %dma_wait3A_106 = tpu.memref_slice %arg3[%dma_wait3A_104, %dma_wait3A_105] : memref<10000x64xf32, #tpu.memory_space<hbm>> -> memref<10000x64xf32, #tpu.memory_space<hbm>>
          tpu.wait_indirect_dma semaphore(%arg17 : memref<!tpu.dma_semaphore, #tpu.memory_space<semaphore_mem>>) src(%dma_wait3A_106 : memref<10000x64xf32, #tpu.memory_space<hbm>>) dst(%arg11 : memref<80x64xf32, #tpu.memory_space<vmem>>)
          "tpu.region"() ({
            %run_scoped3A_159 = tpu.sem_alloc : memref<!tpu.dma_semaphore, #tpu.memory_space<semaphore_mem>>
            %dma_start3A_160 = arith.constant 0 : i32
            %dma_start3A_161 = tpu.memref_slice %arg9[%add3A_100, %dma_start3A_160] : memref<50x80xi32, #tpu.memory_space<vmem>> -> memref<1x80xi32, #tpu.memory_space<vmem>>
            %dma_start3A_162 = tpu.memref_squeeze %dma_start3A_161 : memref<1x80xi32, #tpu.memory_space<vmem>> -> memref<80xi32, #tpu.memory_space<vmem>>
            %dma_start3A_163 = arith.constant 0 : i32
            %dma_start3A_164 = arith.constant 0 : i32
            %dma_start3A_165 = tpu.memref_slice %arg15[%dma_start3A_163, %dma_start3A_164] : memref<10112x64xf32, #tpu.memory_space<vmem_shared>> -> memref<10112x64xf32, #tpu.memory_space<vmem_shared>>
            tpu.enqueue_indirect_dma source(%arg11 : memref<80x64xf32, #tpu.memory_space<vmem>>) target(%dma_start3A_165 : memref<10112x64xf32, #tpu.memory_space<vmem_shared>>) offsets(%dma_start3A_162 : memref<80xi32, #tpu.memory_space<vmem>>) semaphore(%run_scoped3A_159 : memref<!tpu.dma_semaphore, #tpu.memory_space<semaphore_mem>>) {add = true}
            %dma_wait3A_166 = arith.constant 0 : i32
            %dma_wait3A_167 = tpu.memref_slice %arg9[%add3A_100, %dma_wait3A_166] : memref<50x80xi32, #tpu.memory_space<vmem>> -> memref<1x80xi32, #tpu.memory_space<vmem>>
            %dma_wait3A_168 = tpu.memref_squeeze %dma_wait3A_167 : memref<1x80xi32, #tpu.memory_space<vmem>> -> memref<80xi32, #tpu.memory_space<vmem>>
            %dma_wait3A_169 = arith.constant 0 : i32
            %dma_wait3A_170 = arith.constant 0 : i32
            %dma_wait3A_171 = tpu.memref_slice %arg15[%dma_wait3A_169, %dma_wait3A_170] : memref<10112x64xf32, #tpu.memory_space<vmem_shared>> -> memref<10112x64xf32, #tpu.memory_space<vmem_shared>>
            tpu.wait_indirect_dma semaphore(%run_scoped3A_159 : memref<!tpu.dma_semaphore, #tpu.memory_space<semaphore_mem>>) src(%arg11 : memref<80x64xf32, #tpu.memory_space<vmem>>) dst(%dma_wait3A_171 : memref<10112x64xf32, #tpu.memory_space<vmem_shared>>)
            tpu.yield
          }) : () -> ()
          %add3A_107 = arith.constant 5 : i32
          %add3A_108 = arith.addi %add3A_100, %add3A_107 : i32
          %lt3A_109 = arith.constant 50 : i32
          %lt3A_110 = arith.cmpi slt, %add3A_108, %lt3A_109 : i32
          %convert_element_type3A_111 = arith.extui %lt3A_110 : i1 to i32
          %cond3A_112 = arith.constant 0 : i32
          %cond3A_113 = arith.cmpi ne, %convert_element_type3A_111, %cond3A_112 : i32
          scf.if %cond3A_113 {
            %add3A_159 = arith.constant 5 : i32
            %add3A_160 = arith.addi %add3A_100, %add3A_159 : i32
            %dma_start3A_161 = arith.constant 0 : i32
            %dma_start3A_162 = tpu.memref_slice %arg8[%add3A_160, %dma_start3A_161] : memref<50x80xi32, #tpu.memory_space<vmem>> -> memref<1x80xi32, #tpu.memory_space<vmem>>
            %dma_start3A_163 = tpu.memref_squeeze %dma_start3A_162 : memref<1x80xi32, #tpu.memory_space<vmem>> -> memref<80xi32, #tpu.memory_space<vmem>>
            %dma_start3A_164 = arith.constant 0 : i32
            %dma_start3A_165 = arith.constant 0 : i32
            %dma_start3A_166 = tpu.memref_slice %arg3[%dma_start3A_164, %dma_start3A_165] : memref<10000x64xf32, #tpu.memory_space<hbm>> -> memref<10000x64xf32, #tpu.memory_space<hbm>>
            tpu.enqueue_indirect_dma source(%dma_start3A_166 : memref<10000x64xf32, #tpu.memory_space<hbm>>) target(%arg11 : memref<80x64xf32, #tpu.memory_space<vmem>>) offsets(%dma_start3A_163 : memref<80xi32, #tpu.memory_space<vmem>>) semaphore(%arg17 : memref<!tpu.dma_semaphore, #tpu.memory_space<semaphore_mem>>)
          } else {
          }
          %add3A_114 = arith.constant 2 : i32
          %add3A_115 = arith.addi %add3A_84, %add3A_114 : i32
          %dma_wait3A_116 = arith.constant 0 : i32
          %dma_wait3A_117 = tpu.memref_slice %arg8[%add3A_115, %dma_wait3A_116] : memref<50x80xi32, #tpu.memory_space<vmem>> -> memref<1x80xi32, #tpu.memory_space<vmem>>
          %dma_wait3A_118 = tpu.memref_squeeze %dma_wait3A_117 : memref<1x80xi32, #tpu.memory_space<vmem>> -> memref<80xi32, #tpu.memory_space<vmem>>
          %dma_wait3A_119 = arith.constant 0 : i32
          %dma_wait3A_120 = arith.constant 0 : i32
          %dma_wait3A_121 = tpu.memref_slice %arg3[%dma_wait3A_119, %dma_wait3A_120] : memref<10000x64xf32, #tpu.memory_space<hbm>> -> memref<10000x64xf32, #tpu.memory_space<hbm>>
          tpu.wait_indirect_dma semaphore(%arg18 : memref<!tpu.dma_semaphore, #tpu.memory_space<semaphore_mem>>) src(%dma_wait3A_121 : memref<10000x64xf32, #tpu.memory_space<hbm>>) dst(%arg12 : memref<80x64xf32, #tpu.memory_space<vmem>>)
          "tpu.region"() ({
            %run_scoped3A_159 = tpu.sem_alloc : memref<!tpu.dma_semaphore, #tpu.memory_space<semaphore_mem>>
            %dma_start3A_160 = arith.constant 0 : i32
            %dma_start3A_161 = tpu.memref_slice %arg9[%add3A_115, %dma_start3A_160] : memref<50x80xi32, #tpu.memory_space<vmem>> -> memref<1x80xi32, #tpu.memory_space<vmem>>
            %dma_start3A_162 = tpu.memref_squeeze %dma_start3A_161 : memref<1x80xi32, #tpu.memory_space<vmem>> -> memref<80xi32, #tpu.memory_space<vmem>>
            %dma_start3A_163 = arith.constant 0 : i32
            %dma_start3A_164 = arith.constant 0 : i32
            %dma_start3A_165 = tpu.memref_slice %arg15[%dma_start3A_163, %dma_start3A_164] : memref<10112x64xf32, #tpu.memory_space<vmem_shared>> -> memref<10112x64xf32, #tpu.memory_space<vmem_shared>>
            tpu.enqueue_indirect_dma source(%arg12 : memref<80x64xf32, #tpu.memory_space<vmem>>) target(%dma_start3A_165 : memref<10112x64xf32, #tpu.memory_space<vmem_shared>>) offsets(%dma_start3A_162 : memref<80xi32, #tpu.memory_space<vmem>>) semaphore(%run_scoped3A_159 : memref<!tpu.dma_semaphore, #tpu.memory_space<semaphore_mem>>) {add = true}
            %dma_wait3A_166 = arith.constant 0 : i32
            %dma_wait3A_167 = tpu.memref_slice %arg9[%add3A_115, %dma_wait3A_166] : memref<50x80xi32, #tpu.memory_space<vmem>> -> memref<1x80xi32, #tpu.memory_space<vmem>>
            %dma_wait3A_168 = tpu.memref_squeeze %dma_wait3A_167 : memref<1x80xi32, #tpu.memory_space<vmem>> -> memref<80xi32, #tpu.memory_space<vmem>>
            %dma_wait3A_169 = arith.constant 0 : i32
            %dma_wait3A_170 = arith.constant 0 : i32
            %dma_wait3A_171 = tpu.memref_slice %arg15[%dma_wait3A_169, %dma_wait3A_170] : memref<10112x64xf32, #tpu.memory_space<vmem_shared>> -> memref<10112x64xf32, #tpu.memory_space<vmem_shared>>
            tpu.wait_indirect_dma semaphore(%run_scoped3A_159 : memref<!tpu.dma_semaphore, #tpu.memory_space<semaphore_mem>>) src(%arg12 : memref<80x64xf32, #tpu.memory_space<vmem>>) dst(%dma_wait3A_171 : memref<10112x64xf32, #tpu.memory_space<vmem_shared>>)
            tpu.yield
          }) : () -> ()
          %add3A_122 = arith.constant 5 : i32
          %add3A_123 = arith.addi %add3A_115, %add3A_122 : i32
          %lt3A_124 = arith.constant 50 : i32
          %lt3A_125 = arith.cmpi slt, %add3A_123, %lt3A_124 : i32
          %convert_element_type3A_126 = arith.extui %lt3A_125 : i1 to i32
          %cond3A_127 = arith.constant 0 : i32
          %cond3A_128 = arith.cmpi ne, %convert_element_type3A_126, %cond3A_127 : i32
          scf.if %cond3A_128 {
            %add3A_159 = arith.constant 5 : i32
            %add3A_160 = arith.addi %add3A_115, %add3A_159 : i32
            %dma_start3A_161 = arith.constant 0 : i32
            %dma_start3A_162 = tpu.memref_slice %arg8[%add3A_160, %dma_start3A_161] : memref<50x80xi32, #tpu.memory_space<vmem>> -> memref<1x80xi32, #tpu.memory_space<vmem>>
            %dma_start3A_163 = tpu.memref_squeeze %dma_start3A_162 : memref<1x80xi32, #tpu.memory_space<vmem>> -> memref<80xi32, #tpu.memory_space<vmem>>
            %dma_start3A_164 = arith.constant 0 : i32
            %dma_start3A_165 = arith.constant 0 : i32
            %dma_start3A_166 = tpu.memref_slice %arg3[%dma_start3A_164, %dma_start3A_165] : memref<10000x64xf32, #tpu.memory_space<hbm>> -> memref<10000x64xf32, #tpu.memory_space<hbm>>
            tpu.enqueue_indirect_dma source(%dma_start3A_166 : memref<10000x64xf32, #tpu.memory_space<hbm>>) target(%arg12 : memref<80x64xf32, #tpu.memory_space<vmem>>) offsets(%dma_start3A_163 : memref<80xi32, #tpu.memory_space<vmem>>) semaphore(%arg18 : memref<!tpu.dma_semaphore, #tpu.memory_space<semaphore_mem>>)
          } else {
          }
          %add3A_129 = arith.constant 3 : i32
          %add3A_130 = arith.addi %add3A_84, %add3A_129 : i32
          %dma_wait3A_131 = arith.constant 0 : i32
          %dma_wait3A_132 = tpu.memref_slice %arg8[%add3A_130, %dma_wait3A_131] : memref<50x80xi32, #tpu.memory_space<vmem>> -> memref<1x80xi32, #tpu.memory_space<vmem>>
          %dma_wait3A_133 = tpu.memref_squeeze %dma_wait3A_132 : memref<1x80xi32, #tpu.memory_space<vmem>> -> memref<80xi32, #tpu.memory_space<vmem>>
          %dma_wait3A_134 = arith.constant 0 : i32
          %dma_wait3A_135 = arith.constant 0 : i32
          %dma_wait3A_136 = tpu.memref_slice %arg3[%dma_wait3A_134, %dma_wait3A_135] : memref<10000x64xf32, #tpu.memory_space<hbm>> -> memref<10000x64xf32, #tpu.memory_space<hbm>>
          tpu.wait_indirect_dma semaphore(%arg19 : memref<!tpu.dma_semaphore, #tpu.memory_space<semaphore_mem>>) src(%dma_wait3A_136 : memref<10000x64xf32, #tpu.memory_space<hbm>>) dst(%arg13 : memref<80x64xf32, #tpu.memory_space<vmem>>)
          "tpu.region"() ({
            %run_scoped3A_159 = tpu.sem_alloc : memref<!tpu.dma_semaphore, #tpu.memory_space<semaphore_mem>>
            %dma_start3A_160 = arith.constant 0 : i32
            %dma_start3A_161 = tpu.memref_slice %arg9[%add3A_130, %dma_start3A_160] : memref<50x80xi32, #tpu.memory_space<vmem>> -> memref<1x80xi32, #tpu.memory_space<vmem>>
            %dma_start3A_162 = tpu.memref_squeeze %dma_start3A_161 : memref<1x80xi32, #tpu.memory_space<vmem>> -> memref<80xi32, #tpu.memory_space<vmem>>
            %dma_start3A_163 = arith.constant 0 : i32
            %dma_start3A_164 = arith.constant 0 : i32
            %dma_start3A_165 = tpu.memref_slice %arg15[%dma_start3A_163, %dma_start3A_164] : memref<10112x64xf32, #tpu.memory_space<vmem_shared>> -> memref<10112x64xf32, #tpu.memory_space<vmem_shared>>
            tpu.enqueue_indirect_dma source(%arg13 : memref<80x64xf32, #tpu.memory_space<vmem>>) target(%dma_start3A_165 : memref<10112x64xf32, #tpu.memory_space<vmem_shared>>) offsets(%dma_start3A_162 : memref<80xi32, #tpu.memory_space<vmem>>) semaphore(%run_scoped3A_159 : memref<!tpu.dma_semaphore, #tpu.memory_space<semaphore_mem>>) {add = true}
            %dma_wait3A_166 = arith.constant 0 : i32
            %dma_wait3A_167 = tpu.memref_slice %arg9[%add3A_130, %dma_wait3A_166] : memref<50x80xi32, #tpu.memory_space<vmem>> -> memref<1x80xi32, #tpu.memory_space<vmem>>
            %dma_wait3A_168 = tpu.memref_squeeze %dma_wait3A_167 : memref<1x80xi32, #tpu.memory_space<vmem>> -> memref<80xi32, #tpu.memory_space<vmem>>
            %dma_wait3A_169 = arith.constant 0 : i32
            %dma_wait3A_170 = arith.constant 0 : i32
            %dma_wait3A_171 = tpu.memref_slice %arg15[%dma_wait3A_169, %dma_wait3A_170] : memref<10112x64xf32, #tpu.memory_space<vmem_shared>> -> memref<10112x64xf32, #tpu.memory_space<vmem_shared>>
            tpu.wait_indirect_dma semaphore(%run_scoped3A_159 : memref<!tpu.dma_semaphore, #tpu.memory_space<semaphore_mem>>) src(%arg13 : memref<80x64xf32, #tpu.memory_space<vmem>>) dst(%dma_wait3A_171 : memref<10112x64xf32, #tpu.memory_space<vmem_shared>>)
            tpu.yield
          }) : () -> ()
          %add3A_137 = arith.constant 5 : i32
          %add3A_138 = arith.addi %add3A_130, %add3A_137 : i32
          %lt3A_139 = arith.constant 50 : i32
          %lt3A_140 = arith.cmpi slt, %add3A_138, %lt3A_139 : i32
          %convert_element_type3A_141 = arith.extui %lt3A_140 : i1 to i32
          %cond3A_142 = arith.constant 0 : i32
          %cond3A_143 = arith.cmpi ne, %convert_element_type3A_141, %cond3A_142 : i32
          scf.if %cond3A_143 {
            %add3A_159 = arith.constant 5 : i32
            %add3A_160 = arith.addi %add3A_130, %add3A_159 : i32
            %dma_start3A_161 = arith.constant 0 : i32
            %dma_start3A_162 = tpu.memref_slice %arg8[%add3A_160, %dma_start3A_161] : memref<50x80xi32, #tpu.memory_space<vmem>> -> memref<1x80xi32, #tpu.memory_space<vmem>>
            %dma_start3A_163 = tpu.memref_squeeze %dma_start3A_162 : memref<1x80xi32, #tpu.memory_space<vmem>> -> memref<80xi32, #tpu.memory_space<vmem>>
            %dma_start3A_164 = arith.constant 0 : i32
            %dma_start3A_165 = arith.constant 0 : i32
            %dma_start3A_166 = tpu.memref_slice %arg3[%dma_start3A_164, %dma_start3A_165] : memref<10000x64xf32, #tpu.memory_space<hbm>> -> memref<10000x64xf32, #tpu.memory_space<hbm>>
            tpu.enqueue_indirect_dma source(%dma_start3A_166 : memref<10000x64xf32, #tpu.memory_space<hbm>>) target(%arg13 : memref<80x64xf32, #tpu.memory_space<vmem>>) offsets(%dma_start3A_163 : memref<80xi32, #tpu.memory_space<vmem>>) semaphore(%arg19 : memref<!tpu.dma_semaphore, #tpu.memory_space<semaphore_mem>>)
          } else {
          }
          %add3A_144 = arith.constant 4 : i32
          %add3A_145 = arith.addi %add3A_84, %add3A_144 : i32
          %dma_wait3A_146 = arith.constant 0 : i32
          %dma_wait3A_147 = tpu.memref_slice %arg8[%add3A_145, %dma_wait3A_146] : memref<50x80xi32, #tpu.memory_space<vmem>> -> memref<1x80xi32, #tpu.memory_space<vmem>>
          %dma_wait3A_148 = tpu.memref_squeeze %dma_wait3A_147 : memref<1x80xi32, #tpu.memory_space<vmem>> -> memref<80xi32, #tpu.memory_space<vmem>>
          %dma_wait3A_149 = arith.constant 0 : i32
          %dma_wait3A_150 = arith.constant 0 : i32
          %dma_wait3A_151 = tpu.memref_slice %arg3[%dma_wait3A_149, %dma_wait3A_150] : memref<10000x64xf32, #tpu.memory_space<hbm>> -> memref<10000x64xf32, #tpu.memory_space<hbm>>
          tpu.wait_indirect_dma semaphore(%arg20 : memref<!tpu.dma_semaphore, #tpu.memory_space<semaphore_mem>>) src(%dma_wait3A_151 : memref<10000x64xf32, #tpu.memory_space<hbm>>) dst(%arg14 : memref<80x64xf32, #tpu.memory_space<vmem>>)
          "tpu.region"() ({
            %run_scoped3A_159 = tpu.sem_alloc : memref<!tpu.dma_semaphore, #tpu.memory_space<semaphore_mem>>
            %dma_start3A_160 = arith.constant 0 : i32
            %dma_start3A_161 = tpu.memref_slice %arg9[%add3A_145, %dma_start3A_160] : memref<50x80xi32, #tpu.memory_space<vmem>> -> memref<1x80xi32, #tpu.memory_space<vmem>>
            %dma_start3A_162 = tpu.memref_squeeze %dma_start3A_161 : memref<1x80xi32, #tpu.memory_space<vmem>> -> memref<80xi32, #tpu.memory_space<vmem>>
            %dma_start3A_163 = arith.constant 0 : i32
            %dma_start3A_164 = arith.constant 0 : i32
            %dma_start3A_165 = tpu.memref_slice %arg15[%dma_start3A_163, %dma_start3A_164] : memref<10112x64xf32, #tpu.memory_space<vmem_shared>> -> memref<10112x64xf32, #tpu.memory_space<vmem_shared>>
            tpu.enqueue_indirect_dma source(%arg14 : memref<80x64xf32, #tpu.memory_space<vmem>>) target(%dma_start3A_165 : memref<10112x64xf32, #tpu.memory_space<vmem_shared>>) offsets(%dma_start3A_162 : memref<80xi32, #tpu.memory_space<vmem>>) semaphore(%run_scoped3A_159 : memref<!tpu.dma_semaphore, #tpu.memory_space<semaphore_mem>>) {add = true}
            %dma_wait3A_166 = arith.constant 0 : i32
            %dma_wait3A_167 = tpu.memref_slice %arg9[%add3A_145, %dma_wait3A_166] : memref<50x80xi32, #tpu.memory_space<vmem>> -> memref<1x80xi32, #tpu.memory_space<vmem>>
            %dma_wait3A_168 = tpu.memref_squeeze %dma_wait3A_167 : memref<1x80xi32, #tpu.memory_space<vmem>> -> memref<80xi32, #tpu.memory_space<vmem>>
            %dma_wait3A_169 = arith.constant 0 : i32
            %dma_wait3A_170 = arith.constant 0 : i32
            %dma_wait3A_171 = tpu.memref_slice %arg15[%dma_wait3A_169, %dma_wait3A_170] : memref<10112x64xf32, #tpu.memory_space<vmem_shared>> -> memref<10112x64xf32, #tpu.memory_space<vmem_shared>>
            tpu.wait_indirect_dma semaphore(%run_scoped3A_159 : memref<!tpu.dma_semaphore, #tpu.memory_space<semaphore_mem>>) src(%arg14 : memref<80x64xf32, #tpu.memory_space<vmem>>) dst(%dma_wait3A_171 : memref<10112x64xf32, #tpu.memory_space<vmem_shared>>)
            tpu.yield
          }) : () -> ()
          %add3A_152 = arith.constant 5 : i32
          %add3A_153 = arith.addi %add3A_145, %add3A_152 : i32
          %lt3A_154 = arith.constant 50 : i32
          %lt3A_155 = arith.cmpi slt, %add3A_153, %lt3A_154 : i32
          %convert_element_type3A_156 = arith.extui %lt3A_155 : i1 to i32
          %cond3A_157 = arith.constant 0 : i32
          %cond3A_158 = arith.cmpi ne, %convert_element_type3A_156, %cond3A_157 : i32
          scf.if %cond3A_158 {
            %add3A_159 = arith.constant 5 : i32
            %add3A_160 = arith.addi %add3A_145, %add3A_159 : i32
            %dma_start3A_161 = arith.constant 0 : i32
            %dma_start3A_162 = tpu.memref_slice %arg8[%add3A_160, %dma_start3A_161] : memref<50x80xi32, #tpu.memory_space<vmem>> -> memref<1x80xi32, #tpu.memory_space<vmem>>
            %dma_start3A_163 = tpu.memref_squeeze %dma_start3A_162 : memref<1x80xi32, #tpu.memory_space<vmem>> -> memref<80xi32, #tpu.memory_space<vmem>>
            %dma_start3A_164 = arith.constant 0 : i32
            %dma_start3A_165 = arith.constant 0 : i32
            %dma_start3A_166 = tpu.memref_slice %arg3[%dma_start3A_164, %dma_start3A_165] : memref<10000x64xf32, #tpu.memory_space<hbm>> -> memref<10000x64xf32, #tpu.memory_space<hbm>>
            tpu.enqueue_indirect_dma source(%dma_start3A_166 : memref<10000x64xf32, #tpu.memory_space<hbm>>) target(%arg14 : memref<80x64xf32, #tpu.memory_space<vmem>>) offsets(%dma_start3A_163 : memref<80xi32, #tpu.memory_space<vmem>>) semaphore(%arg20 : memref<!tpu.dma_semaphore, #tpu.memory_space<semaphore_mem>>)
          } else {
          }
        }
        %scan3A_79 = arith.constant 10 : i32
      }
      %scan3A_55 = arith.constant 5 : i32
      %barrier3A_56 = arith.constant 0 : index
      tpu.barrier barrier_id(%barrier3A_56)
      %lt3A_57 = arith.constant 15 : i32
      %lt3A_58 = arith.cmpi slt, %arg1, %lt3A_57 : i32
      %convert_element_type3A_59 = arith.extui %lt3A_58 : i1 to i32
      %cond3A_60 = arith.constant 0 : i32
      %cond3A_61 = arith.cmpi ne, %convert_element_type3A_59, %cond3A_60 : i32
      scf.if %cond3A_61 {
        "tpu.region"() ({
          %run_scoped3A_67 = tpu.sem_alloc : memref<!tpu.dma_semaphore, #tpu.memory_space<semaphore_mem>>
          %dma_start3A_68 = arith.constant 0 : i32
          %dma_start3A_69 = tpu.memref_slice %arg7[%mul3A_7, %dma_start3A_68] : memref<10112x64xf32, #tpu.memory_space<hbm>> -> memref<632x64xf32, #tpu.memory_space<hbm>>
          %dma_start3A_70 = arith.constant 0 : i32
          %dma_start3A_71 = tpu.memref_slice %arg15[%mul3A_7, %dma_start3A_70] : memref<10112x64xf32, #tpu.memory_space<vmem_shared>> -> memref<632x64xf32, #tpu.memory_space<vmem_shared>>
          tpu.enqueue_dma source(%dma_start3A_71 : memref<632x64xf32, #tpu.memory_space<vmem_shared>>) target(%dma_start3A_69 : memref<632x64xf32, #tpu.memory_space<hbm>>) target_semaphore(%run_scoped3A_67 : memref<!tpu.dma_semaphore, #tpu.memory_space<semaphore_mem>>)
          %dma_wait3A = arith.constant 0 : i32
          %dma_wait3A_72 = tpu.memref_slice %arg7[%mul3A_7, %dma_wait3A] : memref<10112x64xf32, #tpu.memory_space<hbm>> -> memref<632x64xf32, #tpu.memory_space<hbm>>
          %dma_wait3A_73 = arith.constant 0 : i32
          %dma_wait3A_74 = tpu.memref_slice %arg15[%mul3A_7, %dma_wait3A_73] : memref<10112x64xf32, #tpu.memory_space<vmem_shared>> -> memref<632x64xf32, #tpu.memory_space<vmem_shared>>
          tpu.wait_dma2 semaphore(%run_scoped3A_67 : memref<!tpu.dma_semaphore, #tpu.memory_space<semaphore_mem>>) src(%dma_wait3A_74 : memref<632x64xf32, #tpu.memory_space<vmem_shared>>) dst(%dma_wait3A_72 : memref<632x64xf32, #tpu.memory_space<hbm>>)
          tpu.yield
        }) : () -> ()
      } else {
      }
      %eq3A_62 = arith.constant 15 : i32
      %eq3A_63 = arith.cmpi eq, %arg1, %eq3A_62 : i32
      %convert_element_type3A_64 = arith.extui %eq3A_63 : i1 to i32
      %cond3A_65 = arith.constant 0 : i32
      %cond3A_66 = arith.cmpi ne, %convert_element_type3A_64, %cond3A_65 : i32
      scf.if %cond3A_66 {
        "tpu.region"() ({
          %run_scoped3A_67 = tpu.sem_alloc : memref<!tpu.dma_semaphore, #tpu.memory_space<semaphore_mem>>
          %dma_start3A_68 = arith.constant 0 : i32
          %dma_start3A_69 = tpu.memref_slice %arg7[%mul3A_7, %dma_start3A_68] : memref<10112x64xf32, #tpu.memory_space<hbm>> -> memref<520x64xf32, #tpu.memory_space<hbm>>
          %dma_start3A_70 = arith.constant 0 : i32
          %dma_start3A_71 = tpu.memref_slice %arg15[%mul3A_7, %dma_start3A_70] : memref<10112x64xf32, #tpu.memory_space<vmem_shared>> -> memref<520x64xf32, #tpu.memory_space<vmem_shared>>
          tpu.enqueue_dma source(%dma_start3A_71 : memref<520x64xf32, #tpu.memory_space<vmem_shared>>) target(%dma_start3A_69 : memref<520x64xf32, #tpu.memory_space<hbm>>) target_semaphore(%run_scoped3A_67 : memref<!tpu.dma_semaphore, #tpu.memory_space<semaphore_mem>>)
          %dma_wait3A = arith.constant 0 : i32
          %dma_wait3A_72 = tpu.memref_slice %arg7[%mul3A_7, %dma_wait3A] : memref<10112x64xf32, #tpu.memory_space<hbm>> -> memref<520x64xf32, #tpu.memory_space<hbm>>
          %dma_wait3A_73 = arith.constant 0 : i32
          %dma_wait3A_74 = tpu.memref_slice %arg15[%mul3A_7, %dma_wait3A_73] : memref<10112x64xf32, #tpu.memory_space<vmem_shared>> -> memref<520x64xf32, #tpu.memory_space<vmem_shared>>
          tpu.wait_dma2 semaphore(%run_scoped3A_67 : memref<!tpu.dma_semaphore, #tpu.memory_space<semaphore_mem>>) src(%dma_wait3A_74 : memref<520x64xf32, #tpu.memory_space<vmem_shared>>) dst(%dma_wait3A_72 : memref<520x64xf32, #tpu.memory_space<hbm>>)
          tpu.yield
        }) : () -> ()
      } else {
      }
    } else {
    }
    return
  }
}

#map = affine_map<(d0, d1) -> (0, 0)>
#map1 = affine_map<(d0, d1) -> (0, 0, 0, 0)>
module attributes {stable_mosaic.version = 14 : i64} {
  func.func @_mp_body(%arg0: i32, %arg1: i32, %arg2: memref<10000x64xf32, #tpu.memory_space<hbm>>, %arg3: memref<10000x64xf32, #tpu.memory_space<hbm>>, %arg4: memref<16x5x50x80xi32, #tpu.memory_space<hbm>>, %arg5: memref<16x5x50x80xi32, #tpu.memory_space<hbm>>, %arg6: memref<10112x64xf32, #tpu.memory_space<hbm>>, %arg7: memref<10112x64xf32, #tpu.memory_space<hbm>>, %arg8: memref<50x80xi32, #tpu.memory_space<vmem>>, %arg9: memref<50x80xi32, #tpu.memory_space<vmem>>, %arg10: memref<80x64xf32, #tpu.memory_space<vmem>>, %arg11: memref<80x64xf32, #tpu.memory_space<vmem>>, %arg12: memref<80x64xf32, #tpu.memory_space<vmem>>, %arg13: memref<80x64xf32, #tpu.memory_space<vmem>>, %arg14: memref<80x64xf32, #tpu.memory_space<vmem>>, %arg15: memref<10112x64xf32, #tpu.memory_space<vmem_shared>>, %arg16: memref<!tpu.dma_semaphore, #tpu.memory_space<semaphore_mem>>, %arg17: memref<!tpu.dma_semaphore, #tpu.memory_space<semaphore_mem>>, %arg18: memref<!tpu.dma_semaphore, #tpu.memory_space<semaphore_mem>>, %arg19: memref<!tpu.dma_semaphore, #tpu.memory_space<semaphore_mem>>, %arg20: memref<!tpu.dma_semaphore, #tpu.memory_space<semaphore_mem>>) attributes {dimension_semantics = [#tpu.dimension_semantics<core_parallel>, #tpu.dimension_semantics<subcore_parallel>], iteration_bounds = array<i64: 2, 16>, scalar_prefetch = 0 : i64, scratch_operands = 13 : i64, tpu.core_type = #tpu.core_type<sc_vector_subcore>, window_params = [{transform_indices = #map}, {transform_indices = #map}, {transform_indices = #map1}, {transform_indices = #map1}, {transform_indices = #map}, {transform_indices = #map}]} {
    %eq3A = arith.constant 0 : i32
    %eq3A_0 = arith.cmpi eq, %arg0, %eq3A : i32
    %convert_element_type3A = arith.extui %eq3A_0 : i1 to i32
    %cond3A = arith.constant 0 : i32
    %cond3A_1 = arith.cmpi ne, %convert_element_type3A, %cond3A : i32
    scf.if %cond3A_1 {
      %mul3A = arith.constant 632 : i32
      %mul3A_7 = arith.muli %arg1, %mul3A : i32
      %run_scoped3A = arith.constant 0 : i32
      "tpu.region"() ({
        %run_scoped3A_67 = tpu.sem_alloc : memref<!tpu.dma_semaphore, #tpu.memory_space<semaphore_mem>>
        %dma_start3A_68 = arith.constant 0 : i32
        %dma_start3A_69 = arith.constant 0 : i32
        %dma_start3A_70 = tpu.memref_slice %arg4[%arg1, %run_scoped3A, %dma_start3A_68, %dma_start3A_69] : memref<16x5x50x80xi32, #tpu.memory_space<hbm>> -> memref<1x1x50x80xi32, #tpu.memory_space<hbm>>
        %dma_start3A_71 = tpu.memref_squeeze %dma_start3A_70 : memref<1x1x50x80xi32, #tpu.memory_space<hbm>> -> memref<50x80xi32, #tpu.memory_space<hbm>>
        %dma_start3A_72 = arith.constant 0 : i32
        %dma_start3A_73 = arith.constant 0 : i32
        %dma_start3A_74 = tpu.memref_slice %arg4[%arg1, %run_scoped3A, %dma_start3A_72, %dma_start3A_73] : memref<16x5x50x80xi32, #tpu.memory_space<hbm>> -> memref<1x1x50x80xi32, #tpu.memory_space<hbm>>
        %dma_start3A_75 = tpu.memref_squeeze %dma_start3A_74 : memref<1x1x50x80xi32, #tpu.memory_space<hbm>> -> memref<50x80xi32, #tpu.memory_space<hbm>>
        tpu.enqueue_dma source(%dma_start3A_75 : memref<50x80xi32, #tpu.memory_space<hbm>>) target(%arg8 : memref<50x80xi32, #tpu.memory_space<vmem>>) target_semaphore(%run_scoped3A_67 : memref<!tpu.dma_semaphore, #tpu.memory_space<semaphore_mem>>)
        %dma_wait3A = arith.constant 0 : i32
        %dma_wait3A_76 = arith.constant 0 : i32
        %dma_wait3A_77 = tpu.memref_slice %arg4[%arg1, %run_scoped3A, %dma_wait3A, %dma_wait3A_76] : memref<16x5x50x80xi32, #tpu.memory_space<hbm>> -> memref<1x1x50x80xi32, #tpu.memory_space<hbm>>
        %dma_wait3A_78 = tpu.memref_squeeze %dma_wait3A_77 : memref<1x1x50x80xi32, #tpu.memory_space<hbm>> -> memref<50x80xi32, #tpu.memory_space<hbm>>
        %dma_wait3A_79 = arith.constant 0 : i32
        %dma_wait3A_80 = arith.constant 0 : i32
        %dma_wait3A_81 = tpu.memref_slice %arg4[%arg1, %run_scoped3A, %dma_wait3A_79, %dma_wait3A_80] : memref<16x5x50x80xi32, #tpu.memory_space<hbm>> -> memref<1x1x50x80xi32, #tpu.memory_space<hbm>>
        %dma_wait3A_82 = tpu.memref_squeeze %dma_wait3A_81 : memref<1x1x50x80xi32, #tpu.memory_space<hbm>> -> memref<50x80xi32, #tpu.memory_space<hbm>>
        tpu.wait_dma2 semaphore(%run_scoped3A_67 : memref<!tpu.dma_semaphore, #tpu.memory_space<semaphore_mem>>) src(%dma_wait3A_82 : memref<50x80xi32, #tpu.memory_space<hbm>>) dst(%arg8 : memref<50x80xi32, #tpu.memory_space<vmem>>)
        tpu.yield
      }) : () -> ()
      %run_scoped3A_8 = arith.constant 0 : i32
      "tpu.region"() ({
        %run_scoped3A_67 = tpu.sem_alloc : memref<!tpu.dma_semaphore, #tpu.memory_space<semaphore_mem>>
        %dma_start3A_68 = arith.constant 0 : i32
        %dma_start3A_69 = arith.constant 0 : i32
        %dma_start3A_70 = tpu.memref_slice %arg5[%arg1, %run_scoped3A_8, %dma_start3A_68, %dma_start3A_69] : memref<16x5x50x80xi32, #tpu.memory_space<hbm>> -> memref<1x1x50x80xi32, #tpu.memory_space<hbm>>
        %dma_start3A_71 = tpu.memref_squeeze %dma_start3A_70 : memref<1x1x50x80xi32, #tpu.memory_space<hbm>> -> memref<50x80xi32, #tpu.memory_space<hbm>>
        %dma_start3A_72 = arith.constant 0 : i32
        %dma_start3A_73 = arith.constant 0 : i32
        %dma_start3A_74 = tpu.memref_slice %arg5[%arg1, %run_scoped3A_8, %dma_start3A_72, %dma_start3A_73] : memref<16x5x50x80xi32, #tpu.memory_space<hbm>> -> memref<1x1x50x80xi32, #tpu.memory_space<hbm>>
        %dma_start3A_75 = tpu.memref_squeeze %dma_start3A_74 : memref<1x1x50x80xi32, #tpu.memory_space<hbm>> -> memref<50x80xi32, #tpu.memory_space<hbm>>
        tpu.enqueue_dma source(%dma_start3A_75 : memref<50x80xi32, #tpu.memory_space<hbm>>) target(%arg9 : memref<50x80xi32, #tpu.memory_space<vmem>>) target_semaphore(%run_scoped3A_67 : memref<!tpu.dma_semaphore, #tpu.memory_space<semaphore_mem>>)
        %dma_wait3A = arith.constant 0 : i32
        %dma_wait3A_76 = arith.constant 0 : i32
        %dma_wait3A_77 = tpu.memref_slice %arg5[%arg1, %run_scoped3A_8, %dma_wait3A, %dma_wait3A_76] : memref<16x5x50x80xi32, #tpu.memory_space<hbm>> -> memref<1x1x50x80xi32, #tpu.memory_space<hbm>>
        %dma_wait3A_78 = tpu.memref_squeeze %dma_wait3A_77 : memref<1x1x50x80xi32, #tpu.memory_space<hbm>> -> memref<50x80xi32, #tpu.memory_space<hbm>>
        %dma_wait3A_79 = arith.constant 0 : i32
        %dma_wait3A_80 = arith.constant 0 : i32
        %dma_wait3A_81 = tpu.memref_slice %arg5[%arg1, %run_scoped3A_8, %dma_wait3A_79, %dma_wait3A_80] : memref<16x5x50x80xi32, #tpu.memory_space<hbm>> -> memref<1x1x50x80xi32, #tpu.memory_space<hbm>>
        %dma_wait3A_82 = tpu.memref_squeeze %dma_wait3A_81 : memref<1x1x50x80xi32, #tpu.memory_space<hbm>> -> memref<50x80xi32, #tpu.memory_space<hbm>>
        tpu.wait_dma2 semaphore(%run_scoped3A_67 : memref<!tpu.dma_semaphore, #tpu.memory_space<semaphore_mem>>) src(%dma_wait3A_82 : memref<50x80xi32, #tpu.memory_space<hbm>>) dst(%arg9 : memref<50x80xi32, #tpu.memory_space<vmem>>)
        tpu.yield
      }) : () -> ()
      %dma_start3A = arith.constant 0 : i32
      %dma_start3A_9 = arith.constant 0 : i32
      %dma_start3A_10 = tpu.memref_slice %arg8[%dma_start3A, %dma_start3A_9] : memref<50x80xi32, #tpu.memory_space<vmem>> -> memref<1x80xi32, #tpu.memory_space<vmem>>
      %dma_start3A_11 = tpu.memref_squeeze %dma_start3A_10 : memref<1x80xi32, #tpu.memory_space<vmem>> -> memref<80xi32, #tpu.memory_space<vmem>>
      %dma_start3A_12 = arith.constant 0 : i32
      %dma_start3A_13 = arith.constant 0 : i32
      %dma_start3A_14 = tpu.memref_slice %arg2[%dma_start3A_12, %dma_start3A_13] : memref<10000x64xf32, #tpu.memory_space<hbm>> -> memref<10000x64xf32, #tpu.memory_space<hbm>>
      tpu.enqueue_indirect_dma source(%dma_start3A_14 : memref<10000x64xf32, #tpu.memory_space<hbm>>) target(%arg10 : memref<80x64xf32, #tpu.memory_space<vmem>>) offsets(%dma_start3A_11 : memref<80xi32, #tpu.memory_space<vmem>>) semaphore(%arg16 : memref<!tpu.dma_semaphore, #tpu.memory_space<semaphore_mem>>)
      %dma_start3A_15 = arith.constant 1 : i32
      %dma_start3A_16 = arith.constant 0 : i32
      %dma_start3A_17 = tpu.memref_slice %arg8[%dma_start3A_15, %dma_start3A_16] : memref<50x80xi32, #tpu.memory_space<vmem>> -> memref<1x80xi32, #tpu.memory_space<vmem>>
      %dma_start3A_18 = tpu.memref_squeeze %dma_start3A_17 : memref<1x80xi32, #tpu.memory_space<vmem>> -> memref<80xi32, #tpu.memory_space<vmem>>
      %dma_start3A_19 = arith.constant 0 : i32
      %dma_start3A_20 = arith.constant 0 : i32
      %dma_start3A_21 = tpu.memref_slice %arg2[%dma_start3A_19, %dma_start3A_20] : memref<10000x64xf32, #tpu.memory_space<hbm>> -> memref<10000x64xf32, #tpu.memory_space<hbm>>
      tpu.enqueue_indirect_dma source(%dma_start3A_21 : memref<10000x64xf32, #tpu.memory_space<hbm>>) target(%arg11 : memref<80x64xf32, #tpu.memory_space<vmem>>) offsets(%dma_start3A_18 : memref<80xi32, #tpu.memory_space<vmem>>) semaphore(%arg17 : memref<!tpu.dma_semaphore, #tpu.memory_space<semaphore_mem>>)
      %dma_start3A_22 = arith.constant 2 : i32
      %dma_start3A_23 = arith.constant 0 : i32
      %dma_start3A_24 = tpu.memref_slice %arg8[%dma_start3A_22, %dma_start3A_23] : memref<50x80xi32, #tpu.memory_space<vmem>> -> memref<1x80xi32, #tpu.memory_space<vmem>>
      %dma_start3A_25 = tpu.memref_squeeze %dma_start3A_24 : memref<1x80xi32, #tpu.memory_space<vmem>> -> memref<80xi32, #tpu.memory_space<vmem>>
      %dma_start3A_26 = arith.constant 0 : i32
      %dma_start3A_27 = arith.constant 0 : i32
      %dma_start3A_28 = tpu.memref_slice %arg2[%dma_start3A_26, %dma_start3A_27] : memref<10000x64xf32, #tpu.memory_space<hbm>> -> memref<10000x64xf32, #tpu.memory_space<hbm>>
      tpu.enqueue_indirect_dma source(%dma_start3A_28 : memref<10000x64xf32, #tpu.memory_space<hbm>>) target(%arg12 : memref<80x64xf32, #tpu.memory_space<vmem>>) offsets(%dma_start3A_25 : memref<80xi32, #tpu.memory_space<vmem>>) semaphore(%arg18 : memref<!tpu.dma_semaphore, #tpu.memory_space<semaphore_mem>>)
      %dma_start3A_29 = arith.constant 3 : i32
      %dma_start3A_30 = arith.constant 0 : i32
      %dma_start3A_31 = tpu.memref_slice %arg8[%dma_start3A_29, %dma_start3A_30] : memref<50x80xi32, #tpu.memory_space<vmem>> -> memref<1x80xi32, #tpu.memory_space<vmem>>
      %dma_start3A_32 = tpu.memref_squeeze %dma_start3A_31 : memref<1x80xi32, #tpu.memory_space<vmem>> -> memref<80xi32, #tpu.memory_space<vmem>>
      %dma_start3A_33 = arith.constant 0 : i32
      %dma_start3A_34 = arith.constant 0 : i32
      %dma_start3A_35 = tpu.memref_slice %arg2[%dma_start3A_33, %dma_start3A_34] : memref<10000x64xf32, #tpu.memory_space<hbm>> -> memref<10000x64xf32, #tpu.memory_space<hbm>>
      tpu.enqueue_indirect_dma source(%dma_start3A_35 : memref<10000x64xf32, #tpu.memory_space<hbm>>) target(%arg13 : memref<80x64xf32, #tpu.memory_space<vmem>>) offsets(%dma_start3A_32 : memref<80xi32, #tpu.memory_space<vmem>>) semaphore(%arg19 : memref<!tpu.dma_semaphore, #tpu.memory_space<semaphore_mem>>)
      %dma_start3A_36 = arith.constant 4 : i32
      %dma_start3A_37 = arith.constant 0 : i32
      %dma_start3A_38 = tpu.memref_slice %arg8[%dma_start3A_36, %dma_start3A_37] : memref<50x80xi32, #tpu.memory_space<vmem>> -> memref<1x80xi32, #tpu.memory_space<vmem>>
      %dma_start3A_39 = tpu.memref_squeeze %dma_start3A_38 : memref<1x80xi32, #tpu.memory_space<vmem>> -> memref<80xi32, #tpu.memory_space<vmem>>
      %dma_start3A_40 = arith.constant 0 : i32
      %dma_start3A_41 = arith.constant 0 : i32
      %dma_start3A_42 = tpu.memref_slice %arg2[%dma_start3A_40, %dma_start3A_41] : memref<10000x64xf32, #tpu.memory_space<hbm>> -> memref<10000x64xf32, #tpu.memory_space<hbm>>
      tpu.enqueue_indirect_dma source(%dma_start3A_42 : memref<10000x64xf32, #tpu.memory_space<hbm>>) target(%arg14 : memref<80x64xf32, #tpu.memory_space<vmem>>) offsets(%dma_start3A_39 : memref<80xi32, #tpu.memory_space<vmem>>) semaphore(%arg20 : memref<!tpu.dma_semaphore, #tpu.memory_space<semaphore_mem>>)
      %lt3A = arith.constant 15 : i32
      %lt3A_43 = arith.cmpi slt, %arg1, %lt3A : i32
      %convert_element_type3A_44 = arith.extui %lt3A_43 : i1 to i32
      %cond3A_45 = arith.constant 0 : i32
      %cond3A_46 = arith.cmpi ne, %convert_element_type3A_44, %cond3A_45 : i32
      scf.if %cond3A_46 {
        "tpu.region"() ({
          %run_scoped3A_67 = tpu.sem_alloc : memref<!tpu.dma_semaphore, #tpu.memory_space<semaphore_mem>>
          %dma_start3A_68 = arith.constant 0 : i32
          %dma_start3A_69 = tpu.memref_slice %arg15[%mul3A_7, %dma_start3A_68] : memref<10112x64xf32, #tpu.memory_space<vmem_shared>> -> memref<632x64xf32, #tpu.memory_space<vmem_shared>>
          %dma_start3A_70 = arith.constant 0 : i32
          %dma_start3A_71 = tpu.memref_slice %arg2[%mul3A_7, %dma_start3A_70] : memref<10000x64xf32, #tpu.memory_space<hbm>> -> memref<632x64xf32, #tpu.memory_space<hbm>>
          tpu.enqueue_dma source(%dma_start3A_71 : memref<632x64xf32, #tpu.memory_space<hbm>>) target(%dma_start3A_69 : memref<632x64xf32, #tpu.memory_space<vmem_shared>>) target_semaphore(%run_scoped3A_67 : memref<!tpu.dma_semaphore, #tpu.memory_space<semaphore_mem>>)
          %dma_wait3A = arith.constant 0 : i32
          %dma_wait3A_72 = tpu.memref_slice %arg15[%mul3A_7, %dma_wait3A] : memref<10112x64xf32, #tpu.memory_space<vmem_shared>> -> memref<632x64xf32, #tpu.memory_space<vmem_shared>>
          %dma_wait3A_73 = arith.constant 0 : i32
          %dma_wait3A_74 = tpu.memref_slice %arg2[%mul3A_7, %dma_wait3A_73] : memref<10000x64xf32, #tpu.memory_space<hbm>> -> memref<632x64xf32, #tpu.memory_space<hbm>>
          tpu.wait_dma2 semaphore(%run_scoped3A_67 : memref<!tpu.dma_semaphore, #tpu.memory_space<semaphore_mem>>) src(%dma_wait3A_74 : memref<632x64xf32, #tpu.memory_space<hbm>>) dst(%dma_wait3A_72 : memref<632x64xf32, #tpu.memory_space<vmem_shared>>)
          tpu.yield
        }) : () -> ()
      } else {
      }
      %eq3A_47 = arith.constant 15 : i32
      %eq3A_48 = arith.cmpi eq, %arg1, %eq3A_47 : i32
      %convert_element_type3A_49 = arith.extui %eq3A_48 : i1 to i32
      %cond3A_50 = arith.constant 0 : i32
      %cond3A_51 = arith.cmpi ne, %convert_element_type3A_49, %cond3A_50 : i32
      scf.if %cond3A_51 {
        "tpu.region"() ({
          %run_scoped3A_67 = tpu.sem_alloc : memref<!tpu.dma_semaphore, #tpu.memory_space<semaphore_mem>>
          %dma_start3A_68 = arith.constant 0 : i32
          %dma_start3A_69 = tpu.memref_slice %arg15[%mul3A_7, %dma_start3A_68] : memref<10112x64xf32, #tpu.memory_space<vmem_shared>> -> memref<520x64xf32, #tpu.memory_space<vmem_shared>>
          %dma_start3A_70 = arith.constant 0 : i32
          %dma_start3A_71 = tpu.memref_slice %arg2[%mul3A_7, %dma_start3A_70] : memref<10000x64xf32, #tpu.memory_space<hbm>> -> memref<520x64xf32, #tpu.memory_space<hbm>>
          tpu.enqueue_dma source(%dma_start3A_71 : memref<520x64xf32, #tpu.memory_space<hbm>>) target(%dma_start3A_69 : memref<520x64xf32, #tpu.memory_space<vmem_shared>>) target_semaphore(%run_scoped3A_67 : memref<!tpu.dma_semaphore, #tpu.memory_space<semaphore_mem>>)
          %dma_wait3A = arith.constant 0 : i32
          %dma_wait3A_72 = tpu.memref_slice %arg15[%mul3A_7, %dma_wait3A] : memref<10112x64xf32, #tpu.memory_space<vmem_shared>> -> memref<520x64xf32, #tpu.memory_space<vmem_shared>>
          %dma_wait3A_73 = arith.constant 0 : i32
          %dma_wait3A_74 = tpu.memref_slice %arg2[%mul3A_7, %dma_wait3A_73] : memref<10000x64xf32, #tpu.memory_space<hbm>> -> memref<520x64xf32, #tpu.memory_space<hbm>>
          tpu.wait_dma2 semaphore(%run_scoped3A_67 : memref<!tpu.dma_semaphore, #tpu.memory_space<semaphore_mem>>) src(%dma_wait3A_74 : memref<520x64xf32, #tpu.memory_space<hbm>>) dst(%dma_wait3A_72 : memref<520x64xf32, #tpu.memory_space<vmem_shared>>)
          tpu.yield
        }) : () -> ()
      } else {
      }
      %barrier3A = arith.constant 0 : index
      tpu.barrier barrier_id(%barrier3A)
      %scan3A = arith.constant 0 : i32
      %scan3A_52 = arith.constant 5 : i32
      %scan3A_53 = arith.addi %scan3A, %scan3A_52 : i32
      %scan3A_54 = arith.constant 1 : i32
      scf.for %scan3A_67 = %scan3A to %scan3A_53 step %scan3A_54  : i32 {
        %mul3A_68 = arith.constant 1 : i32
        %mul3A_69 = arith.muli %scan3A_67, %mul3A_68 : i32
        %add3A = arith.constant 0 : i32
        %add3A_70 = arith.addi %add3A, %mul3A_69 : i32
        %gt3A = arith.constant 0 : i32
        %gt3A_71 = arith.cmpi sgt, %add3A_70, %gt3A : i32
        %convert_element_type3A_72 = arith.extui %gt3A_71 : i1 to i32
        %cond3A_73 = arith.constant 0 : i32
        %cond3A_74 = arith.cmpi ne, %convert_element_type3A_72, %cond3A_73 : i32
        scf.if %cond3A_74 {
          "tpu.region"() ({
            %run_scoped3A_115 = tpu.sem_alloc : memref<!tpu.dma_semaphore, #tpu.memory_space<semaphore_mem>>
            %dma_start3A_116 = arith.constant 0 : i32
            %dma_start3A_117 = arith.constant 0 : i32
            %dma_start3A_118 = tpu.memref_slice %arg4[%arg1, %add3A_70, %dma_start3A_116, %dma_start3A_117] : memref<16x5x50x80xi32, #tpu.memory_space<hbm>> -> memref<1x1x50x80xi32, #tpu.memory_space<hbm>>
            %dma_start3A_119 = tpu.memref_squeeze %dma_start3A_118 : memref<1x1x50x80xi32, #tpu.memory_space<hbm>> -> memref<50x80xi32, #tpu.memory_space<hbm>>
            %dma_start3A_120 = arith.constant 0 : i32
            %dma_start3A_121 = arith.constant 0 : i32
            %dma_start3A_122 = tpu.memref_slice %arg4[%arg1, %add3A_70, %dma_start3A_120, %dma_start3A_121] : memref<16x5x50x80xi32, #tpu.memory_space<hbm>> -> memref<1x1x50x80xi32, #tpu.memory_space<hbm>>
            %dma_start3A_123 = tpu.memref_squeeze %dma_start3A_122 : memref<1x1x50x80xi32, #tpu.memory_space<hbm>> -> memref<50x80xi32, #tpu.memory_space<hbm>>
            tpu.enqueue_dma source(%dma_start3A_123 : memref<50x80xi32, #tpu.memory_space<hbm>>) target(%arg8 : memref<50x80xi32, #tpu.memory_space<vmem>>) target_semaphore(%run_scoped3A_115 : memref<!tpu.dma_semaphore, #tpu.memory_space<semaphore_mem>>)
            %dma_wait3A = arith.constant 0 : i32
            %dma_wait3A_124 = arith.constant 0 : i32
            %dma_wait3A_125 = tpu.memref_slice %arg4[%arg1, %add3A_70, %dma_wait3A, %dma_wait3A_124] : memref<16x5x50x80xi32, #tpu.memory_space<hbm>> -> memref<1x1x50x80xi32, #tpu.memory_space<hbm>>
            %dma_wait3A_126 = tpu.memref_squeeze %dma_wait3A_125 : memref<1x1x50x80xi32, #tpu.memory_space<hbm>> -> memref<50x80xi32, #tpu.memory_space<hbm>>
            %dma_wait3A_127 = arith.constant 0 : i32
            %dma_wait3A_128 = arith.constant 0 : i32
            %dma_wait3A_129 = tpu.memref_slice %arg4[%arg1, %add3A_70, %dma_wait3A_127, %dma_wait3A_128] : memref<16x5x50x80xi32, #tpu.memory_space<hbm>> -> memref<1x1x50x80xi32, #tpu.memory_space<hbm>>
            %dma_wait3A_130 = tpu.memref_squeeze %dma_wait3A_129 : memref<1x1x50x80xi32, #tpu.memory_space<hbm>> -> memref<50x80xi32, #tpu.memory_space<hbm>>
            tpu.wait_dma2 semaphore(%run_scoped3A_115 : memref<!tpu.dma_semaphore, #tpu.memory_space<semaphore_mem>>) src(%dma_wait3A_130 : memref<50x80xi32, #tpu.memory_space<hbm>>) dst(%arg8 : memref<50x80xi32, #tpu.memory_space<vmem>>)
            tpu.yield
          }) : () -> ()
          "tpu.region"() ({
            %run_scoped3A_115 = tpu.sem_alloc : memref<!tpu.dma_semaphore, #tpu.memory_space<semaphore_mem>>
            %dma_start3A_116 = arith.constant 0 : i32
            %dma_start3A_117 = arith.constant 0 : i32
            %dma_start3A_118 = tpu.memref_slice %arg5[%arg1, %add3A_70, %dma_start3A_116, %dma_start3A_117] : memref<16x5x50x80xi32, #tpu.memory_space<hbm>> -> memref<1x1x50x80xi32, #tpu.memory_space<hbm>>
            %dma_start3A_119 = tpu.memref_squeeze %dma_start3A_118 : memref<1x1x50x80xi32, #tpu.memory_space<hbm>> -> memref<50x80xi32, #tpu.memory_space<hbm>>
            %dma_start3A_120 = arith.constant 0 : i32
            %dma_start3A_121 = arith.constant 0 : i32
            %dma_start3A_122 = tpu.memref_slice %arg5[%arg1, %add3A_70, %dma_start3A_120, %dma_start3A_121] : memref<16x5x50x80xi32, #tpu.memory_space<hbm>> -> memref<1x1x50x80xi32, #tpu.memory_space<hbm>>
            %dma_start3A_123 = tpu.memref_squeeze %dma_start3A_122 : memref<1x1x50x80xi32, #tpu.memory_space<hbm>> -> memref<50x80xi32, #tpu.memory_space<hbm>>
            tpu.enqueue_dma source(%dma_start3A_123 : memref<50x80xi32, #tpu.memory_space<hbm>>) target(%arg9 : memref<50x80xi32, #tpu.memory_space<vmem>>) target_semaphore(%run_scoped3A_115 : memref<!tpu.dma_semaphore, #tpu.memory_space<semaphore_mem>>)
            %dma_wait3A = arith.constant 0 : i32
            %dma_wait3A_124 = arith.constant 0 : i32
            %dma_wait3A_125 = tpu.memref_slice %arg5[%arg1, %add3A_70, %dma_wait3A, %dma_wait3A_124] : memref<16x5x50x80xi32, #tpu.memory_space<hbm>> -> memref<1x1x50x80xi32, #tpu.memory_space<hbm>>
            %dma_wait3A_126 = tpu.memref_squeeze %dma_wait3A_125 : memref<1x1x50x80xi32, #tpu.memory_space<hbm>> -> memref<50x80xi32, #tpu.memory_space<hbm>>
            %dma_wait3A_127 = arith.constant 0 : i32
            %dma_wait3A_128 = arith.constant 0 : i32
            %dma_wait3A_129 = tpu.memref_slice %arg5[%arg1, %add3A_70, %dma_wait3A_127, %dma_wait3A_128] : memref<16x5x50x80xi32, #tpu.memory_space<hbm>> -> memref<1x1x50x80xi32, #tpu.memory_space<hbm>>
            %dma_wait3A_130 = tpu.memref_squeeze %dma_wait3A_129 : memref<1x1x50x80xi32, #tpu.memory_space<hbm>> -> memref<50x80xi32, #tpu.memory_space<hbm>>
            tpu.wait_dma2 semaphore(%run_scoped3A_115 : memref<!tpu.dma_semaphore, #tpu.memory_space<semaphore_mem>>) src(%dma_wait3A_130 : memref<50x80xi32, #tpu.memory_space<hbm>>) dst(%arg9 : memref<50x80xi32, #tpu.memory_space<vmem>>)
            tpu.yield
          }) : () -> ()
          %dma_start3A_80 = arith.constant 0 : i32
          %dma_start3A_81 = arith.constant 0 : i32
          %dma_start3A_82 = tpu.memref_slice %arg8[%dma_start3A_80, %dma_start3A_81] : memref<50x80xi32, #tpu.memory_space<vmem>> -> memref<1x80xi32, #tpu.memory_space<vmem>>
          %dma_start3A_83 = tpu.memref_squeeze %dma_start3A_82 : memref<1x80xi32, #tpu.memory_space<vmem>> -> memref<80xi32, #tpu.memory_space<vmem>>
          %dma_start3A_84 = arith.constant 0 : i32
          %dma_start3A_85 = arith.constant 0 : i32
          %dma_start3A_86 = tpu.memref_slice %arg2[%dma_start3A_84, %dma_start3A_85] : memref<10000x64xf32, #tpu.memory_space<hbm>> -> memref<10000x64xf32, #tpu.memory_space<hbm>>
          tpu.enqueue_indirect_dma source(%dma_start3A_86 : memref<10000x64xf32, #tpu.memory_space<hbm>>) target(%arg10 : memref<80x64xf32, #tpu.memory_space<vmem>>) offsets(%dma_start3A_83 : memref<80xi32, #tpu.memory_space<vmem>>) semaphore(%arg16 : memref<!tpu.dma_semaphore, #tpu.memory_space<semaphore_mem>>)
          %dma_start3A_87 = arith.constant 1 : i32
          %dma_start3A_88 = arith.constant 0 : i32
          %dma_start3A_89 = tpu.memref_slice %arg8[%dma_start3A_87, %dma_start3A_88] : memref<50x80xi32, #tpu.memory_space<vmem>> -> memref<1x80xi32, #tpu.memory_space<vmem>>
          %dma_start3A_90 = tpu.memref_squeeze %dma_start3A_89 : memref<1x80xi32, #tpu.memory_space<vmem>> -> memref<80xi32, #tpu.memory_space<vmem>>
          %dma_start3A_91 = arith.constant 0 : i32
          %dma_start3A_92 = arith.constant 0 : i32
          %dma_start3A_93 = tpu.memref_slice %arg2[%dma_start3A_91, %dma_start3A_92] : memref<10000x64xf32, #tpu.memory_space<hbm>> -> memref<10000x64xf32, #tpu.memory_space<hbm>>
          tpu.enqueue_indirect_dma source(%dma_start3A_93 : memref<10000x64xf32, #tpu.memory_space<hbm>>) target(%arg11 : memref<80x64xf32, #tpu.memory_space<vmem>>) offsets(%dma_start3A_90 : memref<80xi32, #tpu.memory_space<vmem>>) semaphore(%arg17 : memref<!tpu.dma_semaphore, #tpu.memory_space<semaphore_mem>>)
          %dma_start3A_94 = arith.constant 2 : i32
          %dma_start3A_95 = arith.constant 0 : i32
          %dma_start3A_96 = tpu.memref_slice %arg8[%dma_start3A_94, %dma_start3A_95] : memref<50x80xi32, #tpu.memory_space<vmem>> -> memref<1x80xi32, #tpu.memory_space<vmem>>
          %dma_start3A_97 = tpu.memref_squeeze %dma_start3A_96 : memref<1x80xi32, #tpu.memory_space<vmem>> -> memref<80xi32, #tpu.memory_space<vmem>>
          %dma_start3A_98 = arith.constant 0 : i32
          %dma_start3A_99 = arith.constant 0 : i32
          %dma_start3A_100 = tpu.memref_slice %arg2[%dma_start3A_98, %dma_start3A_99] : memref<10000x64xf32, #tpu.memory_space<hbm>> -> memref<10000x64xf32, #tpu.memory_space<hbm>>
          tpu.enqueue_indirect_dma source(%dma_start3A_100 : memref<10000x64xf32, #tpu.memory_space<hbm>>) target(%arg12 : memref<80x64xf32, #tpu.memory_space<vmem>>) offsets(%dma_start3A_97 : memref<80xi32, #tpu.memory_space<vmem>>) semaphore(%arg18 : memref<!tpu.dma_semaphore, #tpu.memory_space<semaphore_mem>>)
          %dma_start3A_101 = arith.constant 3 : i32
          %dma_start3A_102 = arith.constant 0 : i32
          %dma_start3A_103 = tpu.memref_slice %arg8[%dma_start3A_101, %dma_start3A_102] : memref<50x80xi32, #tpu.memory_space<vmem>> -> memref<1x80xi32, #tpu.memory_space<vmem>>
          %dma_start3A_104 = tpu.memref_squeeze %dma_start3A_103 : memref<1x80xi32, #tpu.memory_space<vmem>> -> memref<80xi32, #tpu.memory_space<vmem>>
          %dma_start3A_105 = arith.constant 0 : i32
          %dma_start3A_106 = arith.constant 0 : i32
          %dma_start3A_107 = tpu.memref_slice %arg2[%dma_start3A_105, %dma_start3A_106] : memref<10000x64xf32, #tpu.memory_space<hbm>> -> memref<10000x64xf32, #tpu.memory_space<hbm>>
          tpu.enqueue_indirect_dma source(%dma_start3A_107 : memref<10000x64xf32, #tpu.memory_space<hbm>>) target(%arg13 : memref<80x64xf32, #tpu.memory_space<vmem>>) offsets(%dma_start3A_104 : memref<80xi32, #tpu.memory_space<vmem>>) semaphore(%arg19 : memref<!tpu.dma_semaphore, #tpu.memory_space<semaphore_mem>>)
          %dma_start3A_108 = arith.constant 4 : i32
          %dma_start3A_109 = arith.constant 0 : i32
          %dma_start3A_110 = tpu.memref_slice %arg8[%dma_start3A_108, %dma_start3A_109] : memref<50x80xi32, #tpu.memory_space<vmem>> -> memref<1x80xi32, #tpu.memory_space<vmem>>
          %dma_start3A_111 = tpu.memref_squeeze %dma_start3A_110 : memref<1x80xi32, #tpu.memory_space<vmem>> -> memref<80xi32, #tpu.memory_space<vmem>>
          %dma_start3A_112 = arith.constant 0 : i32
          %dma_start3A_113 = arith.constant 0 : i32
          %dma_start3A_114 = tpu.memref_slice %arg2[%dma_start3A_112, %dma_start3A_113] : memref<10000x64xf32, #tpu.memory_space<hbm>> -> memref<10000x64xf32, #tpu.memory_space<hbm>>
          tpu.enqueue_indirect_dma source(%dma_start3A_114 : memref<10000x64xf32, #tpu.memory_space<hbm>>) target(%arg14 : memref<80x64xf32, #tpu.memory_space<vmem>>) offsets(%dma_start3A_111 : memref<80xi32, #tpu.memory_space<vmem>>) semaphore(%arg20 : memref<!tpu.dma_semaphore, #tpu.memory_space<semaphore_mem>>)
        } else {
        }
        %scan3A_75 = arith.constant 0 : i32
        %scan3A_76 = arith.constant 10 : i32
        %scan3A_77 = arith.addi %scan3A_75, %scan3A_76 : i32
        %scan3A_78 = arith.constant 1 : i32
        scf.for %scan3A_80 = %scan3A_75 to %scan3A_77 step %scan3A_78  : i32 {
          %mul3A_81 = arith.constant 5 : i32
          %mul3A_82 = arith.muli %scan3A_80, %mul3A_81 : i32
          %add3A_83 = arith.constant 0 : i32
          %add3A_84 = arith.addi %add3A_83, %mul3A_82 : i32
          %add3A_85 = arith.constant 0 : i32
          %add3A_86 = arith.addi %add3A_84, %add3A_85 : i32
          %dma_wait3A = arith.constant 0 : i32
          %dma_wait3A_87 = tpu.memref_slice %arg8[%add3A_86, %dma_wait3A] : memref<50x80xi32, #tpu.memory_space<vmem>> -> memref<1x80xi32, #tpu.memory_space<vmem>>
          %dma_wait3A_88 = tpu.memref_squeeze %dma_wait3A_87 : memref<1x80xi32, #tpu.memory_space<vmem>> -> memref<80xi32, #tpu.memory_space<vmem>>
          %dma_wait3A_89 = arith.constant 0 : i32
          %dma_wait3A_90 = arith.constant 0 : i32
          %dma_wait3A_91 = tpu.memref_slice %arg2[%dma_wait3A_89, %dma_wait3A_90] : memref<10000x64xf32, #tpu.memory_space<hbm>> -> memref<10000x64xf32, #tpu.memory_space<hbm>>
          tpu.wait_indirect_dma semaphore(%arg16 : memref<!tpu.dma_semaphore, #tpu.memory_space<semaphore_mem>>) src(%dma_wait3A_91 : memref<10000x64xf32, #tpu.memory_space<hbm>>) dst(%arg10 : memref<80x64xf32, #tpu.memory_space<vmem>>)
          "tpu.region"() ({
            %run_scoped3A_159 = tpu.sem_alloc : memref<!tpu.dma_semaphore, #tpu.memory_space<semaphore_mem>>
            %dma_start3A_160 = arith.constant 0 : i32
            %dma_start3A_161 = tpu.memref_slice %arg9[%add3A_86, %dma_start3A_160] : memref<50x80xi32, #tpu.memory_space<vmem>> -> memref<1x80xi32, #tpu.memory_space<vmem>>
            %dma_start3A_162 = tpu.memref_squeeze %dma_start3A_161 : memref<1x80xi32, #tpu.memory_space<vmem>> -> memref<80xi32, #tpu.memory_space<vmem>>
            %dma_start3A_163 = arith.constant 0 : i32
            %dma_start3A_164 = arith.constant 0 : i32
            %dma_start3A_165 = tpu.memref_slice %arg15[%dma_start3A_163, %dma_start3A_164] : memref<10112x64xf32, #tpu.memory_space<vmem_shared>> -> memref<10112x64xf32, #tpu.memory_space<vmem_shared>>
            tpu.enqueue_indirect_dma source(%arg10 : memref<80x64xf32, #tpu.memory_space<vmem>>) target(%dma_start3A_165 : memref<10112x64xf32, #tpu.memory_space<vmem_shared>>) offsets(%dma_start3A_162 : memref<80xi32, #tpu.memory_space<vmem>>) semaphore(%run_scoped3A_159 : memref<!tpu.dma_semaphore, #tpu.memory_space<semaphore_mem>>) {add = true}
            %dma_wait3A_166 = arith.constant 0 : i32
            %dma_wait3A_167 = tpu.memref_slice %arg9[%add3A_86, %dma_wait3A_166] : memref<50x80xi32, #tpu.memory_space<vmem>> -> memref<1x80xi32, #tpu.memory_space<vmem>>
            %dma_wait3A_168 = tpu.memref_squeeze %dma_wait3A_167 : memref<1x80xi32, #tpu.memory_space<vmem>> -> memref<80xi32, #tpu.memory_space<vmem>>
            %dma_wait3A_169 = arith.constant 0 : i32
            %dma_wait3A_170 = arith.constant 0 : i32
            %dma_wait3A_171 = tpu.memref_slice %arg15[%dma_wait3A_169, %dma_wait3A_170] : memref<10112x64xf32, #tpu.memory_space<vmem_shared>> -> memref<10112x64xf32, #tpu.memory_space<vmem_shared>>
            tpu.wait_indirect_dma semaphore(%run_scoped3A_159 : memref<!tpu.dma_semaphore, #tpu.memory_space<semaphore_mem>>) src(%arg10 : memref<80x64xf32, #tpu.memory_space<vmem>>) dst(%dma_wait3A_171 : memref<10112x64xf32, #tpu.memory_space<vmem_shared>>)
            tpu.yield
          }) : () -> ()
          %add3A_92 = arith.constant 5 : i32
          %add3A_93 = arith.addi %add3A_86, %add3A_92 : i32
          %lt3A_94 = arith.constant 50 : i32
          %lt3A_95 = arith.cmpi slt, %add3A_93, %lt3A_94 : i32
          %convert_element_type3A_96 = arith.extui %lt3A_95 : i1 to i32
          %cond3A_97 = arith.constant 0 : i32
          %cond3A_98 = arith.cmpi ne, %convert_element_type3A_96, %cond3A_97 : i32
          scf.if %cond3A_98 {
            %add3A_159 = arith.constant 5 : i32
            %add3A_160 = arith.addi %add3A_86, %add3A_159 : i32
            %dma_start3A_161 = arith.constant 0 : i32
            %dma_start3A_162 = tpu.memref_slice %arg8[%add3A_160, %dma_start3A_161] : memref<50x80xi32, #tpu.memory_space<vmem>> -> memref<1x80xi32, #tpu.memory_space<vmem>>
            %dma_start3A_163 = tpu.memref_squeeze %dma_start3A_162 : memref<1x80xi32, #tpu.memory_space<vmem>> -> memref<80xi32, #tpu.memory_space<vmem>>
            %dma_start3A_164 = arith.constant 0 : i32
            %dma_start3A_165 = arith.constant 0 : i32
            %dma_start3A_166 = tpu.memref_slice %arg2[%dma_start3A_164, %dma_start3A_165] : memref<10000x64xf32, #tpu.memory_space<hbm>> -> memref<10000x64xf32, #tpu.memory_space<hbm>>
            tpu.enqueue_indirect_dma source(%dma_start3A_166 : memref<10000x64xf32, #tpu.memory_space<hbm>>) target(%arg10 : memref<80x64xf32, #tpu.memory_space<vmem>>) offsets(%dma_start3A_163 : memref<80xi32, #tpu.memory_space<vmem>>) semaphore(%arg16 : memref<!tpu.dma_semaphore, #tpu.memory_space<semaphore_mem>>)
          } else {
          }
          %add3A_99 = arith.constant 1 : i32
          %add3A_100 = arith.addi %add3A_84, %add3A_99 : i32
          %dma_wait3A_101 = arith.constant 0 : i32
          %dma_wait3A_102 = tpu.memref_slice %arg8[%add3A_100, %dma_wait3A_101] : memref<50x80xi32, #tpu.memory_space<vmem>> -> memref<1x80xi32, #tpu.memory_space<vmem>>
          %dma_wait3A_103 = tpu.memref_squeeze %dma_wait3A_102 : memref<1x80xi32, #tpu.memory_space<vmem>> -> memref<80xi32, #tpu.memory_space<vmem>>
          %dma_wait3A_104 = arith.constant 0 : i32
          %dma_wait3A_105 = arith.constant 0 : i32
          %dma_wait3A_106 = tpu.memref_slice %arg2[%dma_wait3A_104, %dma_wait3A_105] : memref<10000x64xf32, #tpu.memory_space<hbm>> -> memref<10000x64xf32, #tpu.memory_space<hbm>>
          tpu.wait_indirect_dma semaphore(%arg17 : memref<!tpu.dma_semaphore, #tpu.memory_space<semaphore_mem>>) src(%dma_wait3A_106 : memref<10000x64xf32, #tpu.memory_space<hbm>>) dst(%arg11 : memref<80x64xf32, #tpu.memory_space<vmem>>)
          "tpu.region"() ({
            %run_scoped3A_159 = tpu.sem_alloc : memref<!tpu.dma_semaphore, #tpu.memory_space<semaphore_mem>>
            %dma_start3A_160 = arith.constant 0 : i32
            %dma_start3A_161 = tpu.memref_slice %arg9[%add3A_100, %dma_start3A_160] : memref<50x80xi32, #tpu.memory_space<vmem>> -> memref<1x80xi32, #tpu.memory_space<vmem>>
            %dma_start3A_162 = tpu.memref_squeeze %dma_start3A_161 : memref<1x80xi32, #tpu.memory_space<vmem>> -> memref<80xi32, #tpu.memory_space<vmem>>
            %dma_start3A_163 = arith.constant 0 : i32
            %dma_start3A_164 = arith.constant 0 : i32
            %dma_start3A_165 = tpu.memref_slice %arg15[%dma_start3A_163, %dma_start3A_164] : memref<10112x64xf32, #tpu.memory_space<vmem_shared>> -> memref<10112x64xf32, #tpu.memory_space<vmem_shared>>
            tpu.enqueue_indirect_dma source(%arg11 : memref<80x64xf32, #tpu.memory_space<vmem>>) target(%dma_start3A_165 : memref<10112x64xf32, #tpu.memory_space<vmem_shared>>) offsets(%dma_start3A_162 : memref<80xi32, #tpu.memory_space<vmem>>) semaphore(%run_scoped3A_159 : memref<!tpu.dma_semaphore, #tpu.memory_space<semaphore_mem>>) {add = true}
            %dma_wait3A_166 = arith.constant 0 : i32
            %dma_wait3A_167 = tpu.memref_slice %arg9[%add3A_100, %dma_wait3A_166] : memref<50x80xi32, #tpu.memory_space<vmem>> -> memref<1x80xi32, #tpu.memory_space<vmem>>
            %dma_wait3A_168 = tpu.memref_squeeze %dma_wait3A_167 : memref<1x80xi32, #tpu.memory_space<vmem>> -> memref<80xi32, #tpu.memory_space<vmem>>
            %dma_wait3A_169 = arith.constant 0 : i32
            %dma_wait3A_170 = arith.constant 0 : i32
            %dma_wait3A_171 = tpu.memref_slice %arg15[%dma_wait3A_169, %dma_wait3A_170] : memref<10112x64xf32, #tpu.memory_space<vmem_shared>> -> memref<10112x64xf32, #tpu.memory_space<vmem_shared>>
            tpu.wait_indirect_dma semaphore(%run_scoped3A_159 : memref<!tpu.dma_semaphore, #tpu.memory_space<semaphore_mem>>) src(%arg11 : memref<80x64xf32, #tpu.memory_space<vmem>>) dst(%dma_wait3A_171 : memref<10112x64xf32, #tpu.memory_space<vmem_shared>>)
            tpu.yield
          }) : () -> ()
          %add3A_107 = arith.constant 5 : i32
          %add3A_108 = arith.addi %add3A_100, %add3A_107 : i32
          %lt3A_109 = arith.constant 50 : i32
          %lt3A_110 = arith.cmpi slt, %add3A_108, %lt3A_109 : i32
          %convert_element_type3A_111 = arith.extui %lt3A_110 : i1 to i32
          %cond3A_112 = arith.constant 0 : i32
          %cond3A_113 = arith.cmpi ne, %convert_element_type3A_111, %cond3A_112 : i32
          scf.if %cond3A_113 {
            %add3A_159 = arith.constant 5 : i32
            %add3A_160 = arith.addi %add3A_100, %add3A_159 : i32
            %dma_start3A_161 = arith.constant 0 : i32
            %dma_start3A_162 = tpu.memref_slice %arg8[%add3A_160, %dma_start3A_161] : memref<50x80xi32, #tpu.memory_space<vmem>> -> memref<1x80xi32, #tpu.memory_space<vmem>>
            %dma_start3A_163 = tpu.memref_squeeze %dma_start3A_162 : memref<1x80xi32, #tpu.memory_space<vmem>> -> memref<80xi32, #tpu.memory_space<vmem>>
            %dma_start3A_164 = arith.constant 0 : i32
            %dma_start3A_165 = arith.constant 0 : i32
            %dma_start3A_166 = tpu.memref_slice %arg2[%dma_start3A_164, %dma_start3A_165] : memref<10000x64xf32, #tpu.memory_space<hbm>> -> memref<10000x64xf32, #tpu.memory_space<hbm>>
            tpu.enqueue_indirect_dma source(%dma_start3A_166 : memref<10000x64xf32, #tpu.memory_space<hbm>>) target(%arg11 : memref<80x64xf32, #tpu.memory_space<vmem>>) offsets(%dma_start3A_163 : memref<80xi32, #tpu.memory_space<vmem>>) semaphore(%arg17 : memref<!tpu.dma_semaphore, #tpu.memory_space<semaphore_mem>>)
          } else {
          }
          %add3A_114 = arith.constant 2 : i32
          %add3A_115 = arith.addi %add3A_84, %add3A_114 : i32
          %dma_wait3A_116 = arith.constant 0 : i32
          %dma_wait3A_117 = tpu.memref_slice %arg8[%add3A_115, %dma_wait3A_116] : memref<50x80xi32, #tpu.memory_space<vmem>> -> memref<1x80xi32, #tpu.memory_space<vmem>>
          %dma_wait3A_118 = tpu.memref_squeeze %dma_wait3A_117 : memref<1x80xi32, #tpu.memory_space<vmem>> -> memref<80xi32, #tpu.memory_space<vmem>>
          %dma_wait3A_119 = arith.constant 0 : i32
          %dma_wait3A_120 = arith.constant 0 : i32
          %dma_wait3A_121 = tpu.memref_slice %arg2[%dma_wait3A_119, %dma_wait3A_120] : memref<10000x64xf32, #tpu.memory_space<hbm>> -> memref<10000x64xf32, #tpu.memory_space<hbm>>
          tpu.wait_indirect_dma semaphore(%arg18 : memref<!tpu.dma_semaphore, #tpu.memory_space<semaphore_mem>>) src(%dma_wait3A_121 : memref<10000x64xf32, #tpu.memory_space<hbm>>) dst(%arg12 : memref<80x64xf32, #tpu.memory_space<vmem>>)
          "tpu.region"() ({
            %run_scoped3A_159 = tpu.sem_alloc : memref<!tpu.dma_semaphore, #tpu.memory_space<semaphore_mem>>
            %dma_start3A_160 = arith.constant 0 : i32
            %dma_start3A_161 = tpu.memref_slice %arg9[%add3A_115, %dma_start3A_160] : memref<50x80xi32, #tpu.memory_space<vmem>> -> memref<1x80xi32, #tpu.memory_space<vmem>>
            %dma_start3A_162 = tpu.memref_squeeze %dma_start3A_161 : memref<1x80xi32, #tpu.memory_space<vmem>> -> memref<80xi32, #tpu.memory_space<vmem>>
            %dma_start3A_163 = arith.constant 0 : i32
            %dma_start3A_164 = arith.constant 0 : i32
            %dma_start3A_165 = tpu.memref_slice %arg15[%dma_start3A_163, %dma_start3A_164] : memref<10112x64xf32, #tpu.memory_space<vmem_shared>> -> memref<10112x64xf32, #tpu.memory_space<vmem_shared>>
            tpu.enqueue_indirect_dma source(%arg12 : memref<80x64xf32, #tpu.memory_space<vmem>>) target(%dma_start3A_165 : memref<10112x64xf32, #tpu.memory_space<vmem_shared>>) offsets(%dma_start3A_162 : memref<80xi32, #tpu.memory_space<vmem>>) semaphore(%run_scoped3A_159 : memref<!tpu.dma_semaphore, #tpu.memory_space<semaphore_mem>>) {add = true}
            %dma_wait3A_166 = arith.constant 0 : i32
            %dma_wait3A_167 = tpu.memref_slice %arg9[%add3A_115, %dma_wait3A_166] : memref<50x80xi32, #tpu.memory_space<vmem>> -> memref<1x80xi32, #tpu.memory_space<vmem>>
            %dma_wait3A_168 = tpu.memref_squeeze %dma_wait3A_167 : memref<1x80xi32, #tpu.memory_space<vmem>> -> memref<80xi32, #tpu.memory_space<vmem>>
            %dma_wait3A_169 = arith.constant 0 : i32
            %dma_wait3A_170 = arith.constant 0 : i32
            %dma_wait3A_171 = tpu.memref_slice %arg15[%dma_wait3A_169, %dma_wait3A_170] : memref<10112x64xf32, #tpu.memory_space<vmem_shared>> -> memref<10112x64xf32, #tpu.memory_space<vmem_shared>>
            tpu.wait_indirect_dma semaphore(%run_scoped3A_159 : memref<!tpu.dma_semaphore, #tpu.memory_space<semaphore_mem>>) src(%arg12 : memref<80x64xf32, #tpu.memory_space<vmem>>) dst(%dma_wait3A_171 : memref<10112x64xf32, #tpu.memory_space<vmem_shared>>)
            tpu.yield
          }) : () -> ()
          %add3A_122 = arith.constant 5 : i32
          %add3A_123 = arith.addi %add3A_115, %add3A_122 : i32
          %lt3A_124 = arith.constant 50 : i32
          %lt3A_125 = arith.cmpi slt, %add3A_123, %lt3A_124 : i32
          %convert_element_type3A_126 = arith.extui %lt3A_125 : i1 to i32
          %cond3A_127 = arith.constant 0 : i32
          %cond3A_128 = arith.cmpi ne, %convert_element_type3A_126, %cond3A_127 : i32
          scf.if %cond3A_128 {
            %add3A_159 = arith.constant 5 : i32
            %add3A_160 = arith.addi %add3A_115, %add3A_159 : i32
            %dma_start3A_161 = arith.constant 0 : i32
            %dma_start3A_162 = tpu.memref_slice %arg8[%add3A_160, %dma_start3A_161] : memref<50x80xi32, #tpu.memory_space<vmem>> -> memref<1x80xi32, #tpu.memory_space<vmem>>
            %dma_start3A_163 = tpu.memref_squeeze %dma_start3A_162 : memref<1x80xi32, #tpu.memory_space<vmem>> -> memref<80xi32, #tpu.memory_space<vmem>>
            %dma_start3A_164 = arith.constant 0 : i32
            %dma_start3A_165 = arith.constant 0 : i32
            %dma_start3A_166 = tpu.memref_slice %arg2[%dma_start3A_164, %dma_start3A_165] : memref<10000x64xf32, #tpu.memory_space<hbm>> -> memref<10000x64xf32, #tpu.memory_space<hbm>>
            tpu.enqueue_indirect_dma source(%dma_start3A_166 : memref<10000x64xf32, #tpu.memory_space<hbm>>) target(%arg12 : memref<80x64xf32, #tpu.memory_space<vmem>>) offsets(%dma_start3A_163 : memref<80xi32, #tpu.memory_space<vmem>>) semaphore(%arg18 : memref<!tpu.dma_semaphore, #tpu.memory_space<semaphore_mem>>)
          } else {
          }
          %add3A_129 = arith.constant 3 : i32
          %add3A_130 = arith.addi %add3A_84, %add3A_129 : i32
          %dma_wait3A_131 = arith.constant 0 : i32
          %dma_wait3A_132 = tpu.memref_slice %arg8[%add3A_130, %dma_wait3A_131] : memref<50x80xi32, #tpu.memory_space<vmem>> -> memref<1x80xi32, #tpu.memory_space<vmem>>
          %dma_wait3A_133 = tpu.memref_squeeze %dma_wait3A_132 : memref<1x80xi32, #tpu.memory_space<vmem>> -> memref<80xi32, #tpu.memory_space<vmem>>
          %dma_wait3A_134 = arith.constant 0 : i32
          %dma_wait3A_135 = arith.constant 0 : i32
          %dma_wait3A_136 = tpu.memref_slice %arg2[%dma_wait3A_134, %dma_wait3A_135] : memref<10000x64xf32, #tpu.memory_space<hbm>> -> memref<10000x64xf32, #tpu.memory_space<hbm>>
          tpu.wait_indirect_dma semaphore(%arg19 : memref<!tpu.dma_semaphore, #tpu.memory_space<semaphore_mem>>) src(%dma_wait3A_136 : memref<10000x64xf32, #tpu.memory_space<hbm>>) dst(%arg13 : memref<80x64xf32, #tpu.memory_space<vmem>>)
          "tpu.region"() ({
            %run_scoped3A_159 = tpu.sem_alloc : memref<!tpu.dma_semaphore, #tpu.memory_space<semaphore_mem>>
            %dma_start3A_160 = arith.constant 0 : i32
            %dma_start3A_161 = tpu.memref_slice %arg9[%add3A_130, %dma_start3A_160] : memref<50x80xi32, #tpu.memory_space<vmem>> -> memref<1x80xi32, #tpu.memory_space<vmem>>
            %dma_start3A_162 = tpu.memref_squeeze %dma_start3A_161 : memref<1x80xi32, #tpu.memory_space<vmem>> -> memref<80xi32, #tpu.memory_space<vmem>>
            %dma_start3A_163 = arith.constant 0 : i32
            %dma_start3A_164 = arith.constant 0 : i32
            %dma_start3A_165 = tpu.memref_slice %arg15[%dma_start3A_163, %dma_start3A_164] : memref<10112x64xf32, #tpu.memory_space<vmem_shared>> -> memref<10112x64xf32, #tpu.memory_space<vmem_shared>>
            tpu.enqueue_indirect_dma source(%arg13 : memref<80x64xf32, #tpu.memory_space<vmem>>) target(%dma_start3A_165 : memref<10112x64xf32, #tpu.memory_space<vmem_shared>>) offsets(%dma_start3A_162 : memref<80xi32, #tpu.memory_space<vmem>>) semaphore(%run_scoped3A_159 : memref<!tpu.dma_semaphore, #tpu.memory_space<semaphore_mem>>) {add = true}
            %dma_wait3A_166 = arith.constant 0 : i32
            %dma_wait3A_167 = tpu.memref_slice %arg9[%add3A_130, %dma_wait3A_166] : memref<50x80xi32, #tpu.memory_space<vmem>> -> memref<1x80xi32, #tpu.memory_space<vmem>>
            %dma_wait3A_168 = tpu.memref_squeeze %dma_wait3A_167 : memref<1x80xi32, #tpu.memory_space<vmem>> -> memref<80xi32, #tpu.memory_space<vmem>>
            %dma_wait3A_169 = arith.constant 0 : i32
            %dma_wait3A_170 = arith.constant 0 : i32
            %dma_wait3A_171 = tpu.memref_slice %arg15[%dma_wait3A_169, %dma_wait3A_170] : memref<10112x64xf32, #tpu.memory_space<vmem_shared>> -> memref<10112x64xf32, #tpu.memory_space<vmem_shared>>
            tpu.wait_indirect_dma semaphore(%run_scoped3A_159 : memref<!tpu.dma_semaphore, #tpu.memory_space<semaphore_mem>>) src(%arg13 : memref<80x64xf32, #tpu.memory_space<vmem>>) dst(%dma_wait3A_171 : memref<10112x64xf32, #tpu.memory_space<vmem_shared>>)
            tpu.yield
          }) : () -> ()
          %add3A_137 = arith.constant 5 : i32
          %add3A_138 = arith.addi %add3A_130, %add3A_137 : i32
          %lt3A_139 = arith.constant 50 : i32
          %lt3A_140 = arith.cmpi slt, %add3A_138, %lt3A_139 : i32
          %convert_element_type3A_141 = arith.extui %lt3A_140 : i1 to i32
          %cond3A_142 = arith.constant 0 : i32
          %cond3A_143 = arith.cmpi ne, %convert_element_type3A_141, %cond3A_142 : i32
          scf.if %cond3A_143 {
            %add3A_159 = arith.constant 5 : i32
            %add3A_160 = arith.addi %add3A_130, %add3A_159 : i32
            %dma_start3A_161 = arith.constant 0 : i32
            %dma_start3A_162 = tpu.memref_slice %arg8[%add3A_160, %dma_start3A_161] : memref<50x80xi32, #tpu.memory_space<vmem>> -> memref<1x80xi32, #tpu.memory_space<vmem>>
            %dma_start3A_163 = tpu.memref_squeeze %dma_start3A_162 : memref<1x80xi32, #tpu.memory_space<vmem>> -> memref<80xi32, #tpu.memory_space<vmem>>
            %dma_start3A_164 = arith.constant 0 : i32
            %dma_start3A_165 = arith.constant 0 : i32
            %dma_start3A_166 = tpu.memref_slice %arg2[%dma_start3A_164, %dma_start3A_165] : memref<10000x64xf32, #tpu.memory_space<hbm>> -> memref<10000x64xf32, #tpu.memory_space<hbm>>
            tpu.enqueue_indirect_dma source(%dma_start3A_166 : memref<10000x64xf32, #tpu.memory_space<hbm>>) target(%arg13 : memref<80x64xf32, #tpu.memory_space<vmem>>) offsets(%dma_start3A_163 : memref<80xi32, #tpu.memory_space<vmem>>) semaphore(%arg19 : memref<!tpu.dma_semaphore, #tpu.memory_space<semaphore_mem>>)
          } else {
          }
          %add3A_144 = arith.constant 4 : i32
          %add3A_145 = arith.addi %add3A_84, %add3A_144 : i32
          %dma_wait3A_146 = arith.constant 0 : i32
          %dma_wait3A_147 = tpu.memref_slice %arg8[%add3A_145, %dma_wait3A_146] : memref<50x80xi32, #tpu.memory_space<vmem>> -> memref<1x80xi32, #tpu.memory_space<vmem>>
          %dma_wait3A_148 = tpu.memref_squeeze %dma_wait3A_147 : memref<1x80xi32, #tpu.memory_space<vmem>> -> memref<80xi32, #tpu.memory_space<vmem>>
          %dma_wait3A_149 = arith.constant 0 : i32
          %dma_wait3A_150 = arith.constant 0 : i32
          %dma_wait3A_151 = tpu.memref_slice %arg2[%dma_wait3A_149, %dma_wait3A_150] : memref<10000x64xf32, #tpu.memory_space<hbm>> -> memref<10000x64xf32, #tpu.memory_space<hbm>>
          tpu.wait_indirect_dma semaphore(%arg20 : memref<!tpu.dma_semaphore, #tpu.memory_space<semaphore_mem>>) src(%dma_wait3A_151 : memref<10000x64xf32, #tpu.memory_space<hbm>>) dst(%arg14 : memref<80x64xf32, #tpu.memory_space<vmem>>)
          "tpu.region"() ({
            %run_scoped3A_159 = tpu.sem_alloc : memref<!tpu.dma_semaphore, #tpu.memory_space<semaphore_mem>>
            %dma_start3A_160 = arith.constant 0 : i32
            %dma_start3A_161 = tpu.memref_slice %arg9[%add3A_145, %dma_start3A_160] : memref<50x80xi32, #tpu.memory_space<vmem>> -> memref<1x80xi32, #tpu.memory_space<vmem>>
            %dma_start3A_162 = tpu.memref_squeeze %dma_start3A_161 : memref<1x80xi32, #tpu.memory_space<vmem>> -> memref<80xi32, #tpu.memory_space<vmem>>
            %dma_start3A_163 = arith.constant 0 : i32
            %dma_start3A_164 = arith.constant 0 : i32
            %dma_start3A_165 = tpu.memref_slice %arg15[%dma_start3A_163, %dma_start3A_164] : memref<10112x64xf32, #tpu.memory_space<vmem_shared>> -> memref<10112x64xf32, #tpu.memory_space<vmem_shared>>
            tpu.enqueue_indirect_dma source(%arg14 : memref<80x64xf32, #tpu.memory_space<vmem>>) target(%dma_start3A_165 : memref<10112x64xf32, #tpu.memory_space<vmem_shared>>) offsets(%dma_start3A_162 : memref<80xi32, #tpu.memory_space<vmem>>) semaphore(%run_scoped3A_159 : memref<!tpu.dma_semaphore, #tpu.memory_space<semaphore_mem>>) {add = true}
            %dma_wait3A_166 = arith.constant 0 : i32
            %dma_wait3A_167 = tpu.memref_slice %arg9[%add3A_145, %dma_wait3A_166] : memref<50x80xi32, #tpu.memory_space<vmem>> -> memref<1x80xi32, #tpu.memory_space<vmem>>
            %dma_wait3A_168 = tpu.memref_squeeze %dma_wait3A_167 : memref<1x80xi32, #tpu.memory_space<vmem>> -> memref<80xi32, #tpu.memory_space<vmem>>
            %dma_wait3A_169 = arith.constant 0 : i32
            %dma_wait3A_170 = arith.constant 0 : i32
            %dma_wait3A_171 = tpu.memref_slice %arg15[%dma_wait3A_169, %dma_wait3A_170] : memref<10112x64xf32, #tpu.memory_space<vmem_shared>> -> memref<10112x64xf32, #tpu.memory_space<vmem_shared>>
            tpu.wait_indirect_dma semaphore(%run_scoped3A_159 : memref<!tpu.dma_semaphore, #tpu.memory_space<semaphore_mem>>) src(%arg14 : memref<80x64xf32, #tpu.memory_space<vmem>>) dst(%dma_wait3A_171 : memref<10112x64xf32, #tpu.memory_space<vmem_shared>>)
            tpu.yield
          }) : () -> ()
          %add3A_152 = arith.constant 5 : i32
          %add3A_153 = arith.addi %add3A_145, %add3A_152 : i32
          %lt3A_154 = arith.constant 50 : i32
          %lt3A_155 = arith.cmpi slt, %add3A_153, %lt3A_154 : i32
          %convert_element_type3A_156 = arith.extui %lt3A_155 : i1 to i32
          %cond3A_157 = arith.constant 0 : i32
          %cond3A_158 = arith.cmpi ne, %convert_element_type3A_156, %cond3A_157 : i32
          scf.if %cond3A_158 {
            %add3A_159 = arith.constant 5 : i32
            %add3A_160 = arith.addi %add3A_145, %add3A_159 : i32
            %dma_start3A_161 = arith.constant 0 : i32
            %dma_start3A_162 = tpu.memref_slice %arg8[%add3A_160, %dma_start3A_161] : memref<50x80xi32, #tpu.memory_space<vmem>> -> memref<1x80xi32, #tpu.memory_space<vmem>>
            %dma_start3A_163 = tpu.memref_squeeze %dma_start3A_162 : memref<1x80xi32, #tpu.memory_space<vmem>> -> memref<80xi32, #tpu.memory_space<vmem>>
            %dma_start3A_164 = arith.constant 0 : i32
            %dma_start3A_165 = arith.constant 0 : i32
            %dma_start3A_166 = tpu.memref_slice %arg2[%dma_start3A_164, %dma_start3A_165] : memref<10000x64xf32, #tpu.memory_space<hbm>> -> memref<10000x64xf32, #tpu.memory_space<hbm>>
            tpu.enqueue_indirect_dma source(%dma_start3A_166 : memref<10000x64xf32, #tpu.memory_space<hbm>>) target(%arg14 : memref<80x64xf32, #tpu.memory_space<vmem>>) offsets(%dma_start3A_163 : memref<80xi32, #tpu.memory_space<vmem>>) semaphore(%arg20 : memref<!tpu.dma_semaphore, #tpu.memory_space<semaphore_mem>>)
          } else {
          }
        }
        %scan3A_79 = arith.constant 10 : i32
      }
      %scan3A_55 = arith.constant 5 : i32
      %barrier3A_56 = arith.constant 0 : index
      tpu.barrier barrier_id(%barrier3A_56)
      %lt3A_57 = arith.constant 15 : i32
      %lt3A_58 = arith.cmpi slt, %arg1, %lt3A_57 : i32
      %convert_element_type3A_59 = arith.extui %lt3A_58 : i1 to i32
      %cond3A_60 = arith.constant 0 : i32
      %cond3A_61 = arith.cmpi ne, %convert_element_type3A_59, %cond3A_60 : i32
      scf.if %cond3A_61 {
        "tpu.region"() ({
          %run_scoped3A_67 = tpu.sem_alloc : memref<!tpu.dma_semaphore, #tpu.memory_space<semaphore_mem>>
          %dma_start3A_68 = arith.constant 0 : i32
          %dma_start3A_69 = tpu.memref_slice %arg6[%mul3A_7, %dma_start3A_68] : memref<10112x64xf32, #tpu.memory_space<hbm>> -> memref<632x64xf32, #tpu.memory_space<hbm>>
          %dma_start3A_70 = arith.constant 0 : i32
          %dma_start3A_71 = tpu.memref_slice %arg15[%mul3A_7, %dma_start3A_70] : memref<10112x64xf32, #tpu.memory_space<vmem_shared>> -> memref<632x64xf32, #tpu.memory_space<vmem_shared>>
          tpu.enqueue_dma source(%dma_start3A_71 : memref<632x64xf32, #tpu.memory_space<vmem_shared>>) target(%dma_start3A_69 : memref<632x64xf32, #tpu.memory_space<hbm>>) target_semaphore(%run_scoped3A_67 : memref<!tpu.dma_semaphore, #tpu.memory_space<semaphore_mem>>)
          %dma_wait3A = arith.constant 0 : i32
          %dma_wait3A_72 = tpu.memref_slice %arg6[%mul3A_7, %dma_wait3A] : memref<10112x64xf32, #tpu.memory_space<hbm>> -> memref<632x64xf32, #tpu.memory_space<hbm>>
          %dma_wait3A_73 = arith.constant 0 : i32
          %dma_wait3A_74 = tpu.memref_slice %arg15[%mul3A_7, %dma_wait3A_73] : memref<10112x64xf32, #tpu.memory_space<vmem_shared>> -> memref<632x64xf32, #tpu.memory_space<vmem_shared>>
          tpu.wait_dma2 semaphore(%run_scoped3A_67 : memref<!tpu.dma_semaphore, #tpu.memory_space<semaphore_mem>>) src(%dma_wait3A_74 : memref<632x64xf32, #tpu.memory_space<vmem_shared>>) dst(%dma_wait3A_72 : memref<632x64xf32, #tpu.memory_space<hbm>>)
          tpu.yield
        }) : () -> ()
      } else {
      }
      %eq3A_62 = arith.constant 15 : i32
      %eq3A_63 = arith.cmpi eq, %arg1, %eq3A_62 : i32
      %convert_element_type3A_64 = arith.extui %eq3A_63 : i1 to i32
      %cond3A_65 = arith.constant 0 : i32
      %cond3A_66 = arith.cmpi ne, %convert_element_type3A_64, %cond3A_65 : i32
      scf.if %cond3A_66 {
        "tpu.region"() ({
          %run_scoped3A_67 = tpu.sem_alloc : memref<!tpu.dma_semaphore, #tpu.memory_space<semaphore_mem>>
          %dma_start3A_68 = arith.constant 0 : i32
          %dma_start3A_69 = tpu.memref_slice %arg6[%mul3A_7, %dma_start3A_68] : memref<10112x64xf32, #tpu.memory_space<hbm>> -> memref<520x64xf32, #tpu.memory_space<hbm>>
          %dma_start3A_70 = arith.constant 0 : i32
          %dma_start3A_71 = tpu.memref_slice %arg15[%mul3A_7, %dma_start3A_70] : memref<10112x64xf32, #tpu.memory_space<vmem_shared>> -> memref<520x64xf32, #tpu.memory_space<vmem_shared>>
          tpu.enqueue_dma source(%dma_start3A_71 : memref<520x64xf32, #tpu.memory_space<vmem_shared>>) target(%dma_start3A_69 : memref<520x64xf32, #tpu.memory_space<hbm>>) target_semaphore(%run_scoped3A_67 : memref<!tpu.dma_semaphore, #tpu.memory_space<semaphore_mem>>)
          %dma_wait3A = arith.constant 0 : i32
          %dma_wait3A_72 = tpu.memref_slice %arg6[%mul3A_7, %dma_wait3A] : memref<10112x64xf32, #tpu.memory_space<hbm>> -> memref<520x64xf32, #tpu.memory_space<hbm>>
          %dma_wait3A_73 = arith.constant 0 : i32
          %dma_wait3A_74 = tpu.memref_slice %arg15[%mul3A_7, %dma_wait3A_73] : memref<10112x64xf32, #tpu.memory_space<vmem_shared>> -> memref<520x64xf32, #tpu.memory_space<vmem_shared>>
          tpu.wait_dma2 semaphore(%run_scoped3A_67 : memref<!tpu.dma_semaphore, #tpu.memory_space<semaphore_mem>>) src(%dma_wait3A_74 : memref<520x64xf32, #tpu.memory_space<vmem_shared>>) dst(%dma_wait3A_72 : memref<520x64xf32, #tpu.memory_space<hbm>>)
          tpu.yield
        }) : () -> ()
      } else {
      }
    } else {
    }
    %eq3A_2 = arith.constant 1 : i32
    %eq3A_3 = arith.cmpi eq, %arg0, %eq3A_2 : i32
    %convert_element_type3A_4 = arith.extui %eq3A_3 : i1 to i32
    %cond3A_5 = arith.constant 0 : i32
    %cond3A_6 = arith.cmpi ne, %convert_element_type3A_4, %cond3A_5 : i32
    scf.if %cond3A_6 {
      %mul3A = arith.constant 632 : i32
      %mul3A_7 = arith.muli %arg1, %mul3A : i32
      %run_scoped3A = arith.constant 0 : i32
      "tpu.region"() ({
        %run_scoped3A_67 = tpu.sem_alloc : memref<!tpu.dma_semaphore, #tpu.memory_space<semaphore_mem>>
        %dma_start3A_68 = arith.constant 0 : i32
        %dma_start3A_69 = arith.constant 0 : i32
        %dma_start3A_70 = tpu.memref_slice %arg4[%arg1, %run_scoped3A, %dma_start3A_68, %dma_start3A_69] : memref<16x5x50x80xi32, #tpu.memory_space<hbm>> -> memref<1x1x50x80xi32, #tpu.memory_space<hbm>>
        %dma_start3A_71 = tpu.memref_squeeze %dma_start3A_70 : memref<1x1x50x80xi32, #tpu.memory_space<hbm>> -> memref<50x80xi32, #tpu.memory_space<hbm>>
        %dma_start3A_72 = arith.constant 0 : i32
        %dma_start3A_73 = arith.constant 0 : i32
        %dma_start3A_74 = tpu.memref_slice %arg4[%arg1, %run_scoped3A, %dma_start3A_72, %dma_start3A_73] : memref<16x5x50x80xi32, #tpu.memory_space<hbm>> -> memref<1x1x50x80xi32, #tpu.memory_space<hbm>>
        %dma_start3A_75 = tpu.memref_squeeze %dma_start3A_74 : memref<1x1x50x80xi32, #tpu.memory_space<hbm>> -> memref<50x80xi32, #tpu.memory_space<hbm>>
        tpu.enqueue_dma source(%dma_start3A_75 : memref<50x80xi32, #tpu.memory_space<hbm>>) target(%arg8 : memref<50x80xi32, #tpu.memory_space<vmem>>) target_semaphore(%run_scoped3A_67 : memref<!tpu.dma_semaphore, #tpu.memory_space<semaphore_mem>>)
        %dma_wait3A = arith.constant 0 : i32
        %dma_wait3A_76 = arith.constant 0 : i32
        %dma_wait3A_77 = tpu.memref_slice %arg4[%arg1, %run_scoped3A, %dma_wait3A, %dma_wait3A_76] : memref<16x5x50x80xi32, #tpu.memory_space<hbm>> -> memref<1x1x50x80xi32, #tpu.memory_space<hbm>>
        %dma_wait3A_78 = tpu.memref_squeeze %dma_wait3A_77 : memref<1x1x50x80xi32, #tpu.memory_space<hbm>> -> memref<50x80xi32, #tpu.memory_space<hbm>>
        %dma_wait3A_79 = arith.constant 0 : i32
        %dma_wait3A_80 = arith.constant 0 : i32
        %dma_wait3A_81 = tpu.memref_slice %arg4[%arg1, %run_scoped3A, %dma_wait3A_79, %dma_wait3A_80] : memref<16x5x50x80xi32, #tpu.memory_space<hbm>> -> memref<1x1x50x80xi32, #tpu.memory_space<hbm>>
        %dma_wait3A_82 = tpu.memref_squeeze %dma_wait3A_81 : memref<1x1x50x80xi32, #tpu.memory_space<hbm>> -> memref<50x80xi32, #tpu.memory_space<hbm>>
        tpu.wait_dma2 semaphore(%run_scoped3A_67 : memref<!tpu.dma_semaphore, #tpu.memory_space<semaphore_mem>>) src(%dma_wait3A_82 : memref<50x80xi32, #tpu.memory_space<hbm>>) dst(%arg8 : memref<50x80xi32, #tpu.memory_space<vmem>>)
        tpu.yield
      }) : () -> ()
      %run_scoped3A_8 = arith.constant 0 : i32
      "tpu.region"() ({
        %run_scoped3A_67 = tpu.sem_alloc : memref<!tpu.dma_semaphore, #tpu.memory_space<semaphore_mem>>
        %dma_start3A_68 = arith.constant 0 : i32
        %dma_start3A_69 = arith.constant 0 : i32
        %dma_start3A_70 = tpu.memref_slice %arg5[%arg1, %run_scoped3A_8, %dma_start3A_68, %dma_start3A_69] : memref<16x5x50x80xi32, #tpu.memory_space<hbm>> -> memref<1x1x50x80xi32, #tpu.memory_space<hbm>>
        %dma_start3A_71 = tpu.memref_squeeze %dma_start3A_70 : memref<1x1x50x80xi32, #tpu.memory_space<hbm>> -> memref<50x80xi32, #tpu.memory_space<hbm>>
        %dma_start3A_72 = arith.constant 0 : i32
        %dma_start3A_73 = arith.constant 0 : i32
        %dma_start3A_74 = tpu.memref_slice %arg5[%arg1, %run_scoped3A_8, %dma_start3A_72, %dma_start3A_73] : memref<16x5x50x80xi32, #tpu.memory_space<hbm>> -> memref<1x1x50x80xi32, #tpu.memory_space<hbm>>
        %dma_start3A_75 = tpu.memref_squeeze %dma_start3A_74 : memref<1x1x50x80xi32, #tpu.memory_space<hbm>> -> memref<50x80xi32, #tpu.memory_space<hbm>>
        tpu.enqueue_dma source(%dma_start3A_75 : memref<50x80xi32, #tpu.memory_space<hbm>>) target(%arg9 : memref<50x80xi32, #tpu.memory_space<vmem>>) target_semaphore(%run_scoped3A_67 : memref<!tpu.dma_semaphore, #tpu.memory_space<semaphore_mem>>)
        %dma_wait3A = arith.constant 0 : i32
        %dma_wait3A_76 = arith.constant 0 : i32
        %dma_wait3A_77 = tpu.memref_slice %arg5[%arg1, %run_scoped3A_8, %dma_wait3A, %dma_wait3A_76] : memref<16x5x50x80xi32, #tpu.memory_space<hbm>> -> memref<1x1x50x80xi32, #tpu.memory_space<hbm>>
        %dma_wait3A_78 = tpu.memref_squeeze %dma_wait3A_77 : memref<1x1x50x80xi32, #tpu.memory_space<hbm>> -> memref<50x80xi32, #tpu.memory_space<hbm>>
        %dma_wait3A_79 = arith.constant 0 : i32
        %dma_wait3A_80 = arith.constant 0 : i32
        %dma_wait3A_81 = tpu.memref_slice %arg5[%arg1, %run_scoped3A_8, %dma_wait3A_79, %dma_wait3A_80] : memref<16x5x50x80xi32, #tpu.memory_space<hbm>> -> memref<1x1x50x80xi32, #tpu.memory_space<hbm>>
        %dma_wait3A_82 = tpu.memref_squeeze %dma_wait3A_81 : memref<1x1x50x80xi32, #tpu.memory_space<hbm>> -> memref<50x80xi32, #tpu.memory_space<hbm>>
        tpu.wait_dma2 semaphore(%run_scoped3A_67 : memref<!tpu.dma_semaphore, #tpu.memory_space<semaphore_mem>>) src(%dma_wait3A_82 : memref<50x80xi32, #tpu.memory_space<hbm>>) dst(%arg9 : memref<50x80xi32, #tpu.memory_space<vmem>>)
        tpu.yield
      }) : () -> ()
      %dma_start3A = arith.constant 0 : i32
      %dma_start3A_9 = arith.constant 0 : i32
      %dma_start3A_10 = tpu.memref_slice %arg8[%dma_start3A, %dma_start3A_9] : memref<50x80xi32, #tpu.memory_space<vmem>> -> memref<1x80xi32, #tpu.memory_space<vmem>>
      %dma_start3A_11 = tpu.memref_squeeze %dma_start3A_10 : memref<1x80xi32, #tpu.memory_space<vmem>> -> memref<80xi32, #tpu.memory_space<vmem>>
      %dma_start3A_12 = arith.constant 0 : i32
      %dma_start3A_13 = arith.constant 0 : i32
      %dma_start3A_14 = tpu.memref_slice %arg3[%dma_start3A_12, %dma_start3A_13] : memref<10000x64xf32, #tpu.memory_space<hbm>> -> memref<10000x64xf32, #tpu.memory_space<hbm>>
      tpu.enqueue_indirect_dma source(%dma_start3A_14 : memref<10000x64xf32, #tpu.memory_space<hbm>>) target(%arg10 : memref<80x64xf32, #tpu.memory_space<vmem>>) offsets(%dma_start3A_11 : memref<80xi32, #tpu.memory_space<vmem>>) semaphore(%arg16 : memref<!tpu.dma_semaphore, #tpu.memory_space<semaphore_mem>>)
      %dma_start3A_15 = arith.constant 1 : i32
      %dma_start3A_16 = arith.constant 0 : i32
      %dma_start3A_17 = tpu.memref_slice %arg8[%dma_start3A_15, %dma_start3A_16] : memref<50x80xi32, #tpu.memory_space<vmem>> -> memref<1x80xi32, #tpu.memory_space<vmem>>
      %dma_start3A_18 = tpu.memref_squeeze %dma_start3A_17 : memref<1x80xi32, #tpu.memory_space<vmem>> -> memref<80xi32, #tpu.memory_space<vmem>>
      %dma_start3A_19 = arith.constant 0 : i32
      %dma_start3A_20 = arith.constant 0 : i32
      %dma_start3A_21 = tpu.memref_slice %arg3[%dma_start3A_19, %dma_start3A_20] : memref<10000x64xf32, #tpu.memory_space<hbm>> -> memref<10000x64xf32, #tpu.memory_space<hbm>>
      tpu.enqueue_indirect_dma source(%dma_start3A_21 : memref<10000x64xf32, #tpu.memory_space<hbm>>) target(%arg11 : memref<80x64xf32, #tpu.memory_space<vmem>>) offsets(%dma_start3A_18 : memref<80xi32, #tpu.memory_space<vmem>>) semaphore(%arg17 : memref<!tpu.dma_semaphore, #tpu.memory_space<semaphore_mem>>)
      %dma_start3A_22 = arith.constant 2 : i32
      %dma_start3A_23 = arith.constant 0 : i32
      %dma_start3A_24 = tpu.memref_slice %arg8[%dma_start3A_22, %dma_start3A_23] : memref<50x80xi32, #tpu.memory_space<vmem>> -> memref<1x80xi32, #tpu.memory_space<vmem>>
      %dma_start3A_25 = tpu.memref_squeeze %dma_start3A_24 : memref<1x80xi32, #tpu.memory_space<vmem>> -> memref<80xi32, #tpu.memory_space<vmem>>
      %dma_start3A_26 = arith.constant 0 : i32
      %dma_start3A_27 = arith.constant 0 : i32
      %dma_start3A_28 = tpu.memref_slice %arg3[%dma_start3A_26, %dma_start3A_27] : memref<10000x64xf32, #tpu.memory_space<hbm>> -> memref<10000x64xf32, #tpu.memory_space<hbm>>
      tpu.enqueue_indirect_dma source(%dma_start3A_28 : memref<10000x64xf32, #tpu.memory_space<hbm>>) target(%arg12 : memref<80x64xf32, #tpu.memory_space<vmem>>) offsets(%dma_start3A_25 : memref<80xi32, #tpu.memory_space<vmem>>) semaphore(%arg18 : memref<!tpu.dma_semaphore, #tpu.memory_space<semaphore_mem>>)
      %dma_start3A_29 = arith.constant 3 : i32
      %dma_start3A_30 = arith.constant 0 : i32
      %dma_start3A_31 = tpu.memref_slice %arg8[%dma_start3A_29, %dma_start3A_30] : memref<50x80xi32, #tpu.memory_space<vmem>> -> memref<1x80xi32, #tpu.memory_space<vmem>>
      %dma_start3A_32 = tpu.memref_squeeze %dma_start3A_31 : memref<1x80xi32, #tpu.memory_space<vmem>> -> memref<80xi32, #tpu.memory_space<vmem>>
      %dma_start3A_33 = arith.constant 0 : i32
      %dma_start3A_34 = arith.constant 0 : i32
      %dma_start3A_35 = tpu.memref_slice %arg3[%dma_start3A_33, %dma_start3A_34] : memref<10000x64xf32, #tpu.memory_space<hbm>> -> memref<10000x64xf32, #tpu.memory_space<hbm>>
      tpu.enqueue_indirect_dma source(%dma_start3A_35 : memref<10000x64xf32, #tpu.memory_space<hbm>>) target(%arg13 : memref<80x64xf32, #tpu.memory_space<vmem>>) offsets(%dma_start3A_32 : memref<80xi32, #tpu.memory_space<vmem>>) semaphore(%arg19 : memref<!tpu.dma_semaphore, #tpu.memory_space<semaphore_mem>>)
      %dma_start3A_36 = arith.constant 4 : i32
      %dma_start3A_37 = arith.constant 0 : i32
      %dma_start3A_38 = tpu.memref_slice %arg8[%dma_start3A_36, %dma_start3A_37] : memref<50x80xi32, #tpu.memory_space<vmem>> -> memref<1x80xi32, #tpu.memory_space<vmem>>
      %dma_start3A_39 = tpu.memref_squeeze %dma_start3A_38 : memref<1x80xi32, #tpu.memory_space<vmem>> -> memref<80xi32, #tpu.memory_space<vmem>>
      %dma_start3A_40 = arith.constant 0 : i32
      %dma_start3A_41 = arith.constant 0 : i32
      %dma_start3A_42 = tpu.memref_slice %arg3[%dma_start3A_40, %dma_start3A_41] : memref<10000x64xf32, #tpu.memory_space<hbm>> -> memref<10000x64xf32, #tpu.memory_space<hbm>>
      tpu.enqueue_indirect_dma source(%dma_start3A_42 : memref<10000x64xf32, #tpu.memory_space<hbm>>) target(%arg14 : memref<80x64xf32, #tpu.memory_space<vmem>>) offsets(%dma_start3A_39 : memref<80xi32, #tpu.memory_space<vmem>>) semaphore(%arg20 : memref<!tpu.dma_semaphore, #tpu.memory_space<semaphore_mem>>)
      %lt3A = arith.constant 15 : i32
      %lt3A_43 = arith.cmpi slt, %arg1, %lt3A : i32
      %convert_element_type3A_44 = arith.extui %lt3A_43 : i1 to i32
      %cond3A_45 = arith.constant 0 : i32
      %cond3A_46 = arith.cmpi ne, %convert_element_type3A_44, %cond3A_45 : i32
      scf.if %cond3A_46 {
        "tpu.region"() ({
          %run_scoped3A_67 = tpu.sem_alloc : memref<!tpu.dma_semaphore, #tpu.memory_space<semaphore_mem>>
          %dma_start3A_68 = arith.constant 0 : i32
          %dma_start3A_69 = tpu.memref_slice %arg15[%mul3A_7, %dma_start3A_68] : memref<10112x64xf32, #tpu.memory_space<vmem_shared>> -> memref<632x64xf32, #tpu.memory_space<vmem_shared>>
          %dma_start3A_70 = arith.constant 0 : i32
          %dma_start3A_71 = tpu.memref_slice %arg3[%mul3A_7, %dma_start3A_70] : memref<10000x64xf32, #tpu.memory_space<hbm>> -> memref<632x64xf32, #tpu.memory_space<hbm>>
          tpu.enqueue_dma source(%dma_start3A_71 : memref<632x64xf32, #tpu.memory_space<hbm>>) target(%dma_start3A_69 : memref<632x64xf32, #tpu.memory_space<vmem_shared>>) target_semaphore(%run_scoped3A_67 : memref<!tpu.dma_semaphore, #tpu.memory_space<semaphore_mem>>)
          %dma_wait3A = arith.constant 0 : i32
          %dma_wait3A_72 = tpu.memref_slice %arg15[%mul3A_7, %dma_wait3A] : memref<10112x64xf32, #tpu.memory_space<vmem_shared>> -> memref<632x64xf32, #tpu.memory_space<vmem_shared>>
          %dma_wait3A_73 = arith.constant 0 : i32
          %dma_wait3A_74 = tpu.memref_slice %arg3[%mul3A_7, %dma_wait3A_73] : memref<10000x64xf32, #tpu.memory_space<hbm>> -> memref<632x64xf32, #tpu.memory_space<hbm>>
          tpu.wait_dma2 semaphore(%run_scoped3A_67 : memref<!tpu.dma_semaphore, #tpu.memory_space<semaphore_mem>>) src(%dma_wait3A_74 : memref<632x64xf32, #tpu.memory_space<hbm>>) dst(%dma_wait3A_72 : memref<632x64xf32, #tpu.memory_space<vmem_shared>>)
          tpu.yield
        }) : () -> ()
      } else {
      }
      %eq3A_47 = arith.constant 15 : i32
      %eq3A_48 = arith.cmpi eq, %arg1, %eq3A_47 : i32
      %convert_element_type3A_49 = arith.extui %eq3A_48 : i1 to i32
      %cond3A_50 = arith.constant 0 : i32
      %cond3A_51 = arith.cmpi ne, %convert_element_type3A_49, %cond3A_50 : i32
      scf.if %cond3A_51 {
        "tpu.region"() ({
          %run_scoped3A_67 = tpu.sem_alloc : memref<!tpu.dma_semaphore, #tpu.memory_space<semaphore_mem>>
          %dma_start3A_68 = arith.constant 0 : i32
          %dma_start3A_69 = tpu.memref_slice %arg15[%mul3A_7, %dma_start3A_68] : memref<10112x64xf32, #tpu.memory_space<vmem_shared>> -> memref<520x64xf32, #tpu.memory_space<vmem_shared>>
          %dma_start3A_70 = arith.constant 0 : i32
          %dma_start3A_71 = tpu.memref_slice %arg3[%mul3A_7, %dma_start3A_70] : memref<10000x64xf32, #tpu.memory_space<hbm>> -> memref<520x64xf32, #tpu.memory_space<hbm>>
          tpu.enqueue_dma source(%dma_start3A_71 : memref<520x64xf32, #tpu.memory_space<hbm>>) target(%dma_start3A_69 : memref<520x64xf32, #tpu.memory_space<vmem_shared>>) target_semaphore(%run_scoped3A_67 : memref<!tpu.dma_semaphore, #tpu.memory_space<semaphore_mem>>)
          %dma_wait3A = arith.constant 0 : i32
          %dma_wait3A_72 = tpu.memref_slice %arg15[%mul3A_7, %dma_wait3A] : memref<10112x64xf32, #tpu.memory_space<vmem_shared>> -> memref<520x64xf32, #tpu.memory_space<vmem_shared>>
          %dma_wait3A_73 = arith.constant 0 : i32
          %dma_wait3A_74 = tpu.memref_slice %arg3[%mul3A_7, %dma_wait3A_73] : memref<10000x64xf32, #tpu.memory_space<hbm>> -> memref<520x64xf32, #tpu.memory_space<hbm>>
          tpu.wait_dma2 semaphore(%run_scoped3A_67 : memref<!tpu.dma_semaphore, #tpu.memory_space<semaphore_mem>>) src(%dma_wait3A_74 : memref<520x64xf32, #tpu.memory_space<hbm>>) dst(%dma_wait3A_72 : memref<520x64xf32, #tpu.memory_space<vmem_shared>>)
          tpu.yield
        }) : () -> ()
      } else {
      }
      %barrier3A = arith.constant 0 : index
      tpu.barrier barrier_id(%barrier3A)
      %scan3A = arith.constant 0 : i32
      %scan3A_52 = arith.constant 5 : i32
      %scan3A_53 = arith.addi %scan3A, %scan3A_52 : i32
      %scan3A_54 = arith.constant 1 : i32
      scf.for %scan3A_67 = %scan3A to %scan3A_53 step %scan3A_54  : i32 {
        %mul3A_68 = arith.constant 1 : i32
        %mul3A_69 = arith.muli %scan3A_67, %mul3A_68 : i32
        %add3A = arith.constant 0 : i32
        %add3A_70 = arith.addi %add3A, %mul3A_69 : i32
        %gt3A = arith.constant 0 : i32
        %gt3A_71 = arith.cmpi sgt, %add3A_70, %gt3A : i32
        %convert_element_type3A_72 = arith.extui %gt3A_71 : i1 to i32
        %cond3A_73 = arith.constant 0 : i32
        %cond3A_74 = arith.cmpi ne, %convert_element_type3A_72, %cond3A_73 : i32
        scf.if %cond3A_74 {
          "tpu.region"() ({
            %run_scoped3A_115 = tpu.sem_alloc : memref<!tpu.dma_semaphore, #tpu.memory_space<semaphore_mem>>
            %dma_start3A_116 = arith.constant 0 : i32
            %dma_start3A_117 = arith.constant 0 : i32
            %dma_start3A_118 = tpu.memref_slice %arg4[%arg1, %add3A_70, %dma_start3A_116, %dma_start3A_117] : memref<16x5x50x80xi32, #tpu.memory_space<hbm>> -> memref<1x1x50x80xi32, #tpu.memory_space<hbm>>
            %dma_start3A_119 = tpu.memref_squeeze %dma_start3A_118 : memref<1x1x50x80xi32, #tpu.memory_space<hbm>> -> memref<50x80xi32, #tpu.memory_space<hbm>>
            %dma_start3A_120 = arith.constant 0 : i32
            %dma_start3A_121 = arith.constant 0 : i32
            %dma_start3A_122 = tpu.memref_slice %arg4[%arg1, %add3A_70, %dma_start3A_120, %dma_start3A_121] : memref<16x5x50x80xi32, #tpu.memory_space<hbm>> -> memref<1x1x50x80xi32, #tpu.memory_space<hbm>>
            %dma_start3A_123 = tpu.memref_squeeze %dma_start3A_122 : memref<1x1x50x80xi32, #tpu.memory_space<hbm>> -> memref<50x80xi32, #tpu.memory_space<hbm>>
            tpu.enqueue_dma source(%dma_start3A_123 : memref<50x80xi32, #tpu.memory_space<hbm>>) target(%arg8 : memref<50x80xi32, #tpu.memory_space<vmem>>) target_semaphore(%run_scoped3A_115 : memref<!tpu.dma_semaphore, #tpu.memory_space<semaphore_mem>>)
            %dma_wait3A = arith.constant 0 : i32
            %dma_wait3A_124 = arith.constant 0 : i32
            %dma_wait3A_125 = tpu.memref_slice %arg4[%arg1, %add3A_70, %dma_wait3A, %dma_wait3A_124] : memref<16x5x50x80xi32, #tpu.memory_space<hbm>> -> memref<1x1x50x80xi32, #tpu.memory_space<hbm>>
            %dma_wait3A_126 = tpu.memref_squeeze %dma_wait3A_125 : memref<1x1x50x80xi32, #tpu.memory_space<hbm>> -> memref<50x80xi32, #tpu.memory_space<hbm>>
            %dma_wait3A_127 = arith.constant 0 : i32
            %dma_wait3A_128 = arith.constant 0 : i32
            %dma_wait3A_129 = tpu.memref_slice %arg4[%arg1, %add3A_70, %dma_wait3A_127, %dma_wait3A_128] : memref<16x5x50x80xi32, #tpu.memory_space<hbm>> -> memref<1x1x50x80xi32, #tpu.memory_space<hbm>>
            %dma_wait3A_130 = tpu.memref_squeeze %dma_wait3A_129 : memref<1x1x50x80xi32, #tpu.memory_space<hbm>> -> memref<50x80xi32, #tpu.memory_space<hbm>>
            tpu.wait_dma2 semaphore(%run_scoped3A_115 : memref<!tpu.dma_semaphore, #tpu.memory_space<semaphore_mem>>) src(%dma_wait3A_130 : memref<50x80xi32, #tpu.memory_space<hbm>>) dst(%arg8 : memref<50x80xi32, #tpu.memory_space<vmem>>)
            tpu.yield
          }) : () -> ()
          "tpu.region"() ({
            %run_scoped3A_115 = tpu.sem_alloc : memref<!tpu.dma_semaphore, #tpu.memory_space<semaphore_mem>>
            %dma_start3A_116 = arith.constant 0 : i32
            %dma_start3A_117 = arith.constant 0 : i32
            %dma_start3A_118 = tpu.memref_slice %arg5[%arg1, %add3A_70, %dma_start3A_116, %dma_start3A_117] : memref<16x5x50x80xi32, #tpu.memory_space<hbm>> -> memref<1x1x50x80xi32, #tpu.memory_space<hbm>>
            %dma_start3A_119 = tpu.memref_squeeze %dma_start3A_118 : memref<1x1x50x80xi32, #tpu.memory_space<hbm>> -> memref<50x80xi32, #tpu.memory_space<hbm>>
            %dma_start3A_120 = arith.constant 0 : i32
            %dma_start3A_121 = arith.constant 0 : i32
            %dma_start3A_122 = tpu.memref_slice %arg5[%arg1, %add3A_70, %dma_start3A_120, %dma_start3A_121] : memref<16x5x50x80xi32, #tpu.memory_space<hbm>> -> memref<1x1x50x80xi32, #tpu.memory_space<hbm>>
            %dma_start3A_123 = tpu.memref_squeeze %dma_start3A_122 : memref<1x1x50x80xi32, #tpu.memory_space<hbm>> -> memref<50x80xi32, #tpu.memory_space<hbm>>
            tpu.enqueue_dma source(%dma_start3A_123 : memref<50x80xi32, #tpu.memory_space<hbm>>) target(%arg9 : memref<50x80xi32, #tpu.memory_space<vmem>>) target_semaphore(%run_scoped3A_115 : memref<!tpu.dma_semaphore, #tpu.memory_space<semaphore_mem>>)
            %dma_wait3A = arith.constant 0 : i32
            %dma_wait3A_124 = arith.constant 0 : i32
            %dma_wait3A_125 = tpu.memref_slice %arg5[%arg1, %add3A_70, %dma_wait3A, %dma_wait3A_124] : memref<16x5x50x80xi32, #tpu.memory_space<hbm>> -> memref<1x1x50x80xi32, #tpu.memory_space<hbm>>
            %dma_wait3A_126 = tpu.memref_squeeze %dma_wait3A_125 : memref<1x1x50x80xi32, #tpu.memory_space<hbm>> -> memref<50x80xi32, #tpu.memory_space<hbm>>
            %dma_wait3A_127 = arith.constant 0 : i32
            %dma_wait3A_128 = arith.constant 0 : i32
            %dma_wait3A_129 = tpu.memref_slice %arg5[%arg1, %add3A_70, %dma_wait3A_127, %dma_wait3A_128] : memref<16x5x50x80xi32, #tpu.memory_space<hbm>> -> memref<1x1x50x80xi32, #tpu.memory_space<hbm>>
            %dma_wait3A_130 = tpu.memref_squeeze %dma_wait3A_129 : memref<1x1x50x80xi32, #tpu.memory_space<hbm>> -> memref<50x80xi32, #tpu.memory_space<hbm>>
            tpu.wait_dma2 semaphore(%run_scoped3A_115 : memref<!tpu.dma_semaphore, #tpu.memory_space<semaphore_mem>>) src(%dma_wait3A_130 : memref<50x80xi32, #tpu.memory_space<hbm>>) dst(%arg9 : memref<50x80xi32, #tpu.memory_space<vmem>>)
            tpu.yield
          }) : () -> ()
          %dma_start3A_80 = arith.constant 0 : i32
          %dma_start3A_81 = arith.constant 0 : i32
          %dma_start3A_82 = tpu.memref_slice %arg8[%dma_start3A_80, %dma_start3A_81] : memref<50x80xi32, #tpu.memory_space<vmem>> -> memref<1x80xi32, #tpu.memory_space<vmem>>
          %dma_start3A_83 = tpu.memref_squeeze %dma_start3A_82 : memref<1x80xi32, #tpu.memory_space<vmem>> -> memref<80xi32, #tpu.memory_space<vmem>>
          %dma_start3A_84 = arith.constant 0 : i32
          %dma_start3A_85 = arith.constant 0 : i32
          %dma_start3A_86 = tpu.memref_slice %arg3[%dma_start3A_84, %dma_start3A_85] : memref<10000x64xf32, #tpu.memory_space<hbm>> -> memref<10000x64xf32, #tpu.memory_space<hbm>>
          tpu.enqueue_indirect_dma source(%dma_start3A_86 : memref<10000x64xf32, #tpu.memory_space<hbm>>) target(%arg10 : memref<80x64xf32, #tpu.memory_space<vmem>>) offsets(%dma_start3A_83 : memref<80xi32, #tpu.memory_space<vmem>>) semaphore(%arg16 : memref<!tpu.dma_semaphore, #tpu.memory_space<semaphore_mem>>)
          %dma_start3A_87 = arith.constant 1 : i32
          %dma_start3A_88 = arith.constant 0 : i32
          %dma_start3A_89 = tpu.memref_slice %arg8[%dma_start3A_87, %dma_start3A_88] : memref<50x80xi32, #tpu.memory_space<vmem>> -> memref<1x80xi32, #tpu.memory_space<vmem>>
          %dma_start3A_90 = tpu.memref_squeeze %dma_start3A_89 : memref<1x80xi32, #tpu.memory_space<vmem>> -> memref<80xi32, #tpu.memory_space<vmem>>
          %dma_start3A_91 = arith.constant 0 : i32
          %dma_start3A_92 = arith.constant 0 : i32
          %dma_start3A_93 = tpu.memref_slice %arg3[%dma_start3A_91, %dma_start3A_92] : memref<10000x64xf32, #tpu.memory_space<hbm>> -> memref<10000x64xf32, #tpu.memory_space<hbm>>
          tpu.enqueue_indirect_dma source(%dma_start3A_93 : memref<10000x64xf32, #tpu.memory_space<hbm>>) target(%arg11 : memref<80x64xf32, #tpu.memory_space<vmem>>) offsets(%dma_start3A_90 : memref<80xi32, #tpu.memory_space<vmem>>) semaphore(%arg17 : memref<!tpu.dma_semaphore, #tpu.memory_space<semaphore_mem>>)
          %dma_start3A_94 = arith.constant 2 : i32
          %dma_start3A_95 = arith.constant 0 : i32
          %dma_start3A_96 = tpu.memref_slice %arg8[%dma_start3A_94, %dma_start3A_95] : memref<50x80xi32, #tpu.memory_space<vmem>> -> memref<1x80xi32, #tpu.memory_space<vmem>>
          %dma_start3A_97 = tpu.memref_squeeze %dma_start3A_96 : memref<1x80xi32, #tpu.memory_space<vmem>> -> memref<80xi32, #tpu.memory_space<vmem>>
          %dma_start3A_98 = arith.constant 0 : i32
          %dma_start3A_99 = arith.constant 0 : i32
          %dma_start3A_100 = tpu.memref_slice %arg3[%dma_start3A_98, %dma_start3A_99] : memref<10000x64xf32, #tpu.memory_space<hbm>> -> memref<10000x64xf32, #tpu.memory_space<hbm>>
          tpu.enqueue_indirect_dma source(%dma_start3A_100 : memref<10000x64xf32, #tpu.memory_space<hbm>>) target(%arg12 : memref<80x64xf32, #tpu.memory_space<vmem>>) offsets(%dma_start3A_97 : memref<80xi32, #tpu.memory_space<vmem>>) semaphore(%arg18 : memref<!tpu.dma_semaphore, #tpu.memory_space<semaphore_mem>>)
          %dma_start3A_101 = arith.constant 3 : i32
          %dma_start3A_102 = arith.constant 0 : i32
          %dma_start3A_103 = tpu.memref_slice %arg8[%dma_start3A_101, %dma_start3A_102] : memref<50x80xi32, #tpu.memory_space<vmem>> -> memref<1x80xi32, #tpu.memory_space<vmem>>
          %dma_start3A_104 = tpu.memref_squeeze %dma_start3A_103 : memref<1x80xi32, #tpu.memory_space<vmem>> -> memref<80xi32, #tpu.memory_space<vmem>>
          %dma_start3A_105 = arith.constant 0 : i32
          %dma_start3A_106 = arith.constant 0 : i32
          %dma_start3A_107 = tpu.memref_slice %arg3[%dma_start3A_105, %dma_start3A_106] : memref<10000x64xf32, #tpu.memory_space<hbm>> -> memref<10000x64xf32, #tpu.memory_space<hbm>>
          tpu.enqueue_indirect_dma source(%dma_start3A_107 : memref<10000x64xf32, #tpu.memory_space<hbm>>) target(%arg13 : memref<80x64xf32, #tpu.memory_space<vmem>>) offsets(%dma_start3A_104 : memref<80xi32, #tpu.memory_space<vmem>>) semaphore(%arg19 : memref<!tpu.dma_semaphore, #tpu.memory_space<semaphore_mem>>)
          %dma_start3A_108 = arith.constant 4 : i32
          %dma_start3A_109 = arith.constant 0 : i32
          %dma_start3A_110 = tpu.memref_slice %arg8[%dma_start3A_108, %dma_start3A_109] : memref<50x80xi32, #tpu.memory_space<vmem>> -> memref<1x80xi32, #tpu.memory_space<vmem>>
          %dma_start3A_111 = tpu.memref_squeeze %dma_start3A_110 : memref<1x80xi32, #tpu.memory_space<vmem>> -> memref<80xi32, #tpu.memory_space<vmem>>
          %dma_start3A_112 = arith.constant 0 : i32
          %dma_start3A_113 = arith.constant 0 : i32
          %dma_start3A_114 = tpu.memref_slice %arg3[%dma_start3A_112, %dma_start3A_113] : memref<10000x64xf32, #tpu.memory_space<hbm>> -> memref<10000x64xf32, #tpu.memory_space<hbm>>
          tpu.enqueue_indirect_dma source(%dma_start3A_114 : memref<10000x64xf32, #tpu.memory_space<hbm>>) target(%arg14 : memref<80x64xf32, #tpu.memory_space<vmem>>) offsets(%dma_start3A_111 : memref<80xi32, #tpu.memory_space<vmem>>) semaphore(%arg20 : memref<!tpu.dma_semaphore, #tpu.memory_space<semaphore_mem>>)
        } else {
        }
        %scan3A_75 = arith.constant 0 : i32
        %scan3A_76 = arith.constant 10 : i32
        %scan3A_77 = arith.addi %scan3A_75, %scan3A_76 : i32
        %scan3A_78 = arith.constant 1 : i32
        scf.for %scan3A_80 = %scan3A_75 to %scan3A_77 step %scan3A_78  : i32 {
          %mul3A_81 = arith.constant 5 : i32
          %mul3A_82 = arith.muli %scan3A_80, %mul3A_81 : i32
          %add3A_83 = arith.constant 0 : i32
          %add3A_84 = arith.addi %add3A_83, %mul3A_82 : i32
          %add3A_85 = arith.constant 0 : i32
          %add3A_86 = arith.addi %add3A_84, %add3A_85 : i32
          %dma_wait3A = arith.constant 0 : i32
          %dma_wait3A_87 = tpu.memref_slice %arg8[%add3A_86, %dma_wait3A] : memref<50x80xi32, #tpu.memory_space<vmem>> -> memref<1x80xi32, #tpu.memory_space<vmem>>
          %dma_wait3A_88 = tpu.memref_squeeze %dma_wait3A_87 : memref<1x80xi32, #tpu.memory_space<vmem>> -> memref<80xi32, #tpu.memory_space<vmem>>
          %dma_wait3A_89 = arith.constant 0 : i32
          %dma_wait3A_90 = arith.constant 0 : i32
          %dma_wait3A_91 = tpu.memref_slice %arg3[%dma_wait3A_89, %dma_wait3A_90] : memref<10000x64xf32, #tpu.memory_space<hbm>> -> memref<10000x64xf32, #tpu.memory_space<hbm>>
          tpu.wait_indirect_dma semaphore(%arg16 : memref<!tpu.dma_semaphore, #tpu.memory_space<semaphore_mem>>) src(%dma_wait3A_91 : memref<10000x64xf32, #tpu.memory_space<hbm>>) dst(%arg10 : memref<80x64xf32, #tpu.memory_space<vmem>>)
          "tpu.region"() ({
            %run_scoped3A_159 = tpu.sem_alloc : memref<!tpu.dma_semaphore, #tpu.memory_space<semaphore_mem>>
            %dma_start3A_160 = arith.constant 0 : i32
            %dma_start3A_161 = tpu.memref_slice %arg9[%add3A_86, %dma_start3A_160] : memref<50x80xi32, #tpu.memory_space<vmem>> -> memref<1x80xi32, #tpu.memory_space<vmem>>
            %dma_start3A_162 = tpu.memref_squeeze %dma_start3A_161 : memref<1x80xi32, #tpu.memory_space<vmem>> -> memref<80xi32, #tpu.memory_space<vmem>>
            %dma_start3A_163 = arith.constant 0 : i32
            %dma_start3A_164 = arith.constant 0 : i32
            %dma_start3A_165 = tpu.memref_slice %arg15[%dma_start3A_163, %dma_start3A_164] : memref<10112x64xf32, #tpu.memory_space<vmem_shared>> -> memref<10112x64xf32, #tpu.memory_space<vmem_shared>>
            tpu.enqueue_indirect_dma source(%arg10 : memref<80x64xf32, #tpu.memory_space<vmem>>) target(%dma_start3A_165 : memref<10112x64xf32, #tpu.memory_space<vmem_shared>>) offsets(%dma_start3A_162 : memref<80xi32, #tpu.memory_space<vmem>>) semaphore(%run_scoped3A_159 : memref<!tpu.dma_semaphore, #tpu.memory_space<semaphore_mem>>) {add = true}
            %dma_wait3A_166 = arith.constant 0 : i32
            %dma_wait3A_167 = tpu.memref_slice %arg9[%add3A_86, %dma_wait3A_166] : memref<50x80xi32, #tpu.memory_space<vmem>> -> memref<1x80xi32, #tpu.memory_space<vmem>>
            %dma_wait3A_168 = tpu.memref_squeeze %dma_wait3A_167 : memref<1x80xi32, #tpu.memory_space<vmem>> -> memref<80xi32, #tpu.memory_space<vmem>>
            %dma_wait3A_169 = arith.constant 0 : i32
            %dma_wait3A_170 = arith.constant 0 : i32
            %dma_wait3A_171 = tpu.memref_slice %arg15[%dma_wait3A_169, %dma_wait3A_170] : memref<10112x64xf32, #tpu.memory_space<vmem_shared>> -> memref<10112x64xf32, #tpu.memory_space<vmem_shared>>
            tpu.wait_indirect_dma semaphore(%run_scoped3A_159 : memref<!tpu.dma_semaphore, #tpu.memory_space<semaphore_mem>>) src(%arg10 : memref<80x64xf32, #tpu.memory_space<vmem>>) dst(%dma_wait3A_171 : memref<10112x64xf32, #tpu.memory_space<vmem_shared>>)
            tpu.yield
          }) : () -> ()
          %add3A_92 = arith.constant 5 : i32
          %add3A_93 = arith.addi %add3A_86, %add3A_92 : i32
          %lt3A_94 = arith.constant 50 : i32
          %lt3A_95 = arith.cmpi slt, %add3A_93, %lt3A_94 : i32
          %convert_element_type3A_96 = arith.extui %lt3A_95 : i1 to i32
          %cond3A_97 = arith.constant 0 : i32
          %cond3A_98 = arith.cmpi ne, %convert_element_type3A_96, %cond3A_97 : i32
          scf.if %cond3A_98 {
            %add3A_159 = arith.constant 5 : i32
            %add3A_160 = arith.addi %add3A_86, %add3A_159 : i32
            %dma_start3A_161 = arith.constant 0 : i32
            %dma_start3A_162 = tpu.memref_slice %arg8[%add3A_160, %dma_start3A_161] : memref<50x80xi32, #tpu.memory_space<vmem>> -> memref<1x80xi32, #tpu.memory_space<vmem>>
            %dma_start3A_163 = tpu.memref_squeeze %dma_start3A_162 : memref<1x80xi32, #tpu.memory_space<vmem>> -> memref<80xi32, #tpu.memory_space<vmem>>
            %dma_start3A_164 = arith.constant 0 : i32
            %dma_start3A_165 = arith.constant 0 : i32
            %dma_start3A_166 = tpu.memref_slice %arg3[%dma_start3A_164, %dma_start3A_165] : memref<10000x64xf32, #tpu.memory_space<hbm>> -> memref<10000x64xf32, #tpu.memory_space<hbm>>
            tpu.enqueue_indirect_dma source(%dma_start3A_166 : memref<10000x64xf32, #tpu.memory_space<hbm>>) target(%arg10 : memref<80x64xf32, #tpu.memory_space<vmem>>) offsets(%dma_start3A_163 : memref<80xi32, #tpu.memory_space<vmem>>) semaphore(%arg16 : memref<!tpu.dma_semaphore, #tpu.memory_space<semaphore_mem>>)
          } else {
          }
          %add3A_99 = arith.constant 1 : i32
          %add3A_100 = arith.addi %add3A_84, %add3A_99 : i32
          %dma_wait3A_101 = arith.constant 0 : i32
          %dma_wait3A_102 = tpu.memref_slice %arg8[%add3A_100, %dma_wait3A_101] : memref<50x80xi32, #tpu.memory_space<vmem>> -> memref<1x80xi32, #tpu.memory_space<vmem>>
          %dma_wait3A_103 = tpu.memref_squeeze %dma_wait3A_102 : memref<1x80xi32, #tpu.memory_space<vmem>> -> memref<80xi32, #tpu.memory_space<vmem>>
          %dma_wait3A_104 = arith.constant 0 : i32
          %dma_wait3A_105 = arith.constant 0 : i32
          %dma_wait3A_106 = tpu.memref_slice %arg3[%dma_wait3A_104, %dma_wait3A_105] : memref<10000x64xf32, #tpu.memory_space<hbm>> -> memref<10000x64xf32, #tpu.memory_space<hbm>>
          tpu.wait_indirect_dma semaphore(%arg17 : memref<!tpu.dma_semaphore, #tpu.memory_space<semaphore_mem>>) src(%dma_wait3A_106 : memref<10000x64xf32, #tpu.memory_space<hbm>>) dst(%arg11 : memref<80x64xf32, #tpu.memory_space<vmem>>)
          "tpu.region"() ({
            %run_scoped3A_159 = tpu.sem_alloc : memref<!tpu.dma_semaphore, #tpu.memory_space<semaphore_mem>>
            %dma_start3A_160 = arith.constant 0 : i32
            %dma_start3A_161 = tpu.memref_slice %arg9[%add3A_100, %dma_start3A_160] : memref<50x80xi32, #tpu.memory_space<vmem>> -> memref<1x80xi32, #tpu.memory_space<vmem>>
            %dma_start3A_162 = tpu.memref_squeeze %dma_start3A_161 : memref<1x80xi32, #tpu.memory_space<vmem>> -> memref<80xi32, #tpu.memory_space<vmem>>
            %dma_start3A_163 = arith.constant 0 : i32
            %dma_start3A_164 = arith.constant 0 : i32
            %dma_start3A_165 = tpu.memref_slice %arg15[%dma_start3A_163, %dma_start3A_164] : memref<10112x64xf32, #tpu.memory_space<vmem_shared>> -> memref<10112x64xf32, #tpu.memory_space<vmem_shared>>
            tpu.enqueue_indirect_dma source(%arg11 : memref<80x64xf32, #tpu.memory_space<vmem>>) target(%dma_start3A_165 : memref<10112x64xf32, #tpu.memory_space<vmem_shared>>) offsets(%dma_start3A_162 : memref<80xi32, #tpu.memory_space<vmem>>) semaphore(%run_scoped3A_159 : memref<!tpu.dma_semaphore, #tpu.memory_space<semaphore_mem>>) {add = true}
            %dma_wait3A_166 = arith.constant 0 : i32
            %dma_wait3A_167 = tpu.memref_slice %arg9[%add3A_100, %dma_wait3A_166] : memref<50x80xi32, #tpu.memory_space<vmem>> -> memref<1x80xi32, #tpu.memory_space<vmem>>
            %dma_wait3A_168 = tpu.memref_squeeze %dma_wait3A_167 : memref<1x80xi32, #tpu.memory_space<vmem>> -> memref<80xi32, #tpu.memory_space<vmem>>
            %dma_wait3A_169 = arith.constant 0 : i32
            %dma_wait3A_170 = arith.constant 0 : i32
            %dma_wait3A_171 = tpu.memref_slice %arg15[%dma_wait3A_169, %dma_wait3A_170] : memref<10112x64xf32, #tpu.memory_space<vmem_shared>> -> memref<10112x64xf32, #tpu.memory_space<vmem_shared>>
            tpu.wait_indirect_dma semaphore(%run_scoped3A_159 : memref<!tpu.dma_semaphore, #tpu.memory_space<semaphore_mem>>) src(%arg11 : memref<80x64xf32, #tpu.memory_space<vmem>>) dst(%dma_wait3A_171 : memref<10112x64xf32, #tpu.memory_space<vmem_shared>>)
            tpu.yield
          }) : () -> ()
          %add3A_107 = arith.constant 5 : i32
          %add3A_108 = arith.addi %add3A_100, %add3A_107 : i32
          %lt3A_109 = arith.constant 50 : i32
          %lt3A_110 = arith.cmpi slt, %add3A_108, %lt3A_109 : i32
          %convert_element_type3A_111 = arith.extui %lt3A_110 : i1 to i32
          %cond3A_112 = arith.constant 0 : i32
          %cond3A_113 = arith.cmpi ne, %convert_element_type3A_111, %cond3A_112 : i32
          scf.if %cond3A_113 {
            %add3A_159 = arith.constant 5 : i32
            %add3A_160 = arith.addi %add3A_100, %add3A_159 : i32
            %dma_start3A_161 = arith.constant 0 : i32
            %dma_start3A_162 = tpu.memref_slice %arg8[%add3A_160, %dma_start3A_161] : memref<50x80xi32, #tpu.memory_space<vmem>> -> memref<1x80xi32, #tpu.memory_space<vmem>>
            %dma_start3A_163 = tpu.memref_squeeze %dma_start3A_162 : memref<1x80xi32, #tpu.memory_space<vmem>> -> memref<80xi32, #tpu.memory_space<vmem>>
            %dma_start3A_164 = arith.constant 0 : i32
            %dma_start3A_165 = arith.constant 0 : i32
            %dma_start3A_166 = tpu.memref_slice %arg3[%dma_start3A_164, %dma_start3A_165] : memref<10000x64xf32, #tpu.memory_space<hbm>> -> memref<10000x64xf32, #tpu.memory_space<hbm>>
            tpu.enqueue_indirect_dma source(%dma_start3A_166 : memref<10000x64xf32, #tpu.memory_space<hbm>>) target(%arg11 : memref<80x64xf32, #tpu.memory_space<vmem>>) offsets(%dma_start3A_163 : memref<80xi32, #tpu.memory_space<vmem>>) semaphore(%arg17 : memref<!tpu.dma_semaphore, #tpu.memory_space<semaphore_mem>>)
          } else {
          }
          %add3A_114 = arith.constant 2 : i32
          %add3A_115 = arith.addi %add3A_84, %add3A_114 : i32
          %dma_wait3A_116 = arith.constant 0 : i32
          %dma_wait3A_117 = tpu.memref_slice %arg8[%add3A_115, %dma_wait3A_116] : memref<50x80xi32, #tpu.memory_space<vmem>> -> memref<1x80xi32, #tpu.memory_space<vmem>>
          %dma_wait3A_118 = tpu.memref_squeeze %dma_wait3A_117 : memref<1x80xi32, #tpu.memory_space<vmem>> -> memref<80xi32, #tpu.memory_space<vmem>>
          %dma_wait3A_119 = arith.constant 0 : i32
          %dma_wait3A_120 = arith.constant 0 : i32
          %dma_wait3A_121 = tpu.memref_slice %arg3[%dma_wait3A_119, %dma_wait3A_120] : memref<10000x64xf32, #tpu.memory_space<hbm>> -> memref<10000x64xf32, #tpu.memory_space<hbm>>
          tpu.wait_indirect_dma semaphore(%arg18 : memref<!tpu.dma_semaphore, #tpu.memory_space<semaphore_mem>>) src(%dma_wait3A_121 : memref<10000x64xf32, #tpu.memory_space<hbm>>) dst(%arg12 : memref<80x64xf32, #tpu.memory_space<vmem>>)
          "tpu.region"() ({
            %run_scoped3A_159 = tpu.sem_alloc : memref<!tpu.dma_semaphore, #tpu.memory_space<semaphore_mem>>
            %dma_start3A_160 = arith.constant 0 : i32
            %dma_start3A_161 = tpu.memref_slice %arg9[%add3A_115, %dma_start3A_160] : memref<50x80xi32, #tpu.memory_space<vmem>> -> memref<1x80xi32, #tpu.memory_space<vmem>>
            %dma_start3A_162 = tpu.memref_squeeze %dma_start3A_161 : memref<1x80xi32, #tpu.memory_space<vmem>> -> memref<80xi32, #tpu.memory_space<vmem>>
            %dma_start3A_163 = arith.constant 0 : i32
            %dma_start3A_164 = arith.constant 0 : i32
            %dma_start3A_165 = tpu.memref_slice %arg15[%dma_start3A_163, %dma_start3A_164] : memref<10112x64xf32, #tpu.memory_space<vmem_shared>> -> memref<10112x64xf32, #tpu.memory_space<vmem_shared>>
            tpu.enqueue_indirect_dma source(%arg12 : memref<80x64xf32, #tpu.memory_space<vmem>>) target(%dma_start3A_165 : memref<10112x64xf32, #tpu.memory_space<vmem_shared>>) offsets(%dma_start3A_162 : memref<80xi32, #tpu.memory_space<vmem>>) semaphore(%run_scoped3A_159 : memref<!tpu.dma_semaphore, #tpu.memory_space<semaphore_mem>>) {add = true}
            %dma_wait3A_166 = arith.constant 0 : i32
            %dma_wait3A_167 = tpu.memref_slice %arg9[%add3A_115, %dma_wait3A_166] : memref<50x80xi32, #tpu.memory_space<vmem>> -> memref<1x80xi32, #tpu.memory_space<vmem>>
            %dma_wait3A_168 = tpu.memref_squeeze %dma_wait3A_167 : memref<1x80xi32, #tpu.memory_space<vmem>> -> memref<80xi32, #tpu.memory_space<vmem>>
            %dma_wait3A_169 = arith.constant 0 : i32
            %dma_wait3A_170 = arith.constant 0 : i32
            %dma_wait3A_171 = tpu.memref_slice %arg15[%dma_wait3A_169, %dma_wait3A_170] : memref<10112x64xf32, #tpu.memory_space<vmem_shared>> -> memref<10112x64xf32, #tpu.memory_space<vmem_shared>>
            tpu.wait_indirect_dma semaphore(%run_scoped3A_159 : memref<!tpu.dma_semaphore, #tpu.memory_space<semaphore_mem>>) src(%arg12 : memref<80x64xf32, #tpu.memory_space<vmem>>) dst(%dma_wait3A_171 : memref<10112x64xf32, #tpu.memory_space<vmem_shared>>)
            tpu.yield
          }) : () -> ()
          %add3A_122 = arith.constant 5 : i32
          %add3A_123 = arith.addi %add3A_115, %add3A_122 : i32
          %lt3A_124 = arith.constant 50 : i32
          %lt3A_125 = arith.cmpi slt, %add3A_123, %lt3A_124 : i32
          %convert_element_type3A_126 = arith.extui %lt3A_125 : i1 to i32
          %cond3A_127 = arith.constant 0 : i32
          %cond3A_128 = arith.cmpi ne, %convert_element_type3A_126, %cond3A_127 : i32
          scf.if %cond3A_128 {
            %add3A_159 = arith.constant 5 : i32
            %add3A_160 = arith.addi %add3A_115, %add3A_159 : i32
            %dma_start3A_161 = arith.constant 0 : i32
            %dma_start3A_162 = tpu.memref_slice %arg8[%add3A_160, %dma_start3A_161] : memref<50x80xi32, #tpu.memory_space<vmem>> -> memref<1x80xi32, #tpu.memory_space<vmem>>
            %dma_start3A_163 = tpu.memref_squeeze %dma_start3A_162 : memref<1x80xi32, #tpu.memory_space<vmem>> -> memref<80xi32, #tpu.memory_space<vmem>>
            %dma_start3A_164 = arith.constant 0 : i32
            %dma_start3A_165 = arith.constant 0 : i32
            %dma_start3A_166 = tpu.memref_slice %arg3[%dma_start3A_164, %dma_start3A_165] : memref<10000x64xf32, #tpu.memory_space<hbm>> -> memref<10000x64xf32, #tpu.memory_space<hbm>>
            tpu.enqueue_indirect_dma source(%dma_start3A_166 : memref<10000x64xf32, #tpu.memory_space<hbm>>) target(%arg12 : memref<80x64xf32, #tpu.memory_space<vmem>>) offsets(%dma_start3A_163 : memref<80xi32, #tpu.memory_space<vmem>>) semaphore(%arg18 : memref<!tpu.dma_semaphore, #tpu.memory_space<semaphore_mem>>)
          } else {
          }
          %add3A_129 = arith.constant 3 : i32
          %add3A_130 = arith.addi %add3A_84, %add3A_129 : i32
          %dma_wait3A_131 = arith.constant 0 : i32
          %dma_wait3A_132 = tpu.memref_slice %arg8[%add3A_130, %dma_wait3A_131] : memref<50x80xi32, #tpu.memory_space<vmem>> -> memref<1x80xi32, #tpu.memory_space<vmem>>
          %dma_wait3A_133 = tpu.memref_squeeze %dma_wait3A_132 : memref<1x80xi32, #tpu.memory_space<vmem>> -> memref<80xi32, #tpu.memory_space<vmem>>
          %dma_wait3A_134 = arith.constant 0 : i32
          %dma_wait3A_135 = arith.constant 0 : i32
          %dma_wait3A_136 = tpu.memref_slice %arg3[%dma_wait3A_134, %dma_wait3A_135] : memref<10000x64xf32, #tpu.memory_space<hbm>> -> memref<10000x64xf32, #tpu.memory_space<hbm>>
          tpu.wait_indirect_dma semaphore(%arg19 : memref<!tpu.dma_semaphore, #tpu.memory_space<semaphore_mem>>) src(%dma_wait3A_136 : memref<10000x64xf32, #tpu.memory_space<hbm>>) dst(%arg13 : memref<80x64xf32, #tpu.memory_space<vmem>>)
          "tpu.region"() ({
            %run_scoped3A_159 = tpu.sem_alloc : memref<!tpu.dma_semaphore, #tpu.memory_space<semaphore_mem>>
            %dma_start3A_160 = arith.constant 0 : i32
            %dma_start3A_161 = tpu.memref_slice %arg9[%add3A_130, %dma_start3A_160] : memref<50x80xi32, #tpu.memory_space<vmem>> -> memref<1x80xi32, #tpu.memory_space<vmem>>
            %dma_start3A_162 = tpu.memref_squeeze %dma_start3A_161 : memref<1x80xi32, #tpu.memory_space<vmem>> -> memref<80xi32, #tpu.memory_space<vmem>>
            %dma_start3A_163 = arith.constant 0 : i32
            %dma_start3A_164 = arith.constant 0 : i32
            %dma_start3A_165 = tpu.memref_slice %arg15[%dma_start3A_163, %dma_start3A_164] : memref<10112x64xf32, #tpu.memory_space<vmem_shared>> -> memref<10112x64xf32, #tpu.memory_space<vmem_shared>>
            tpu.enqueue_indirect_dma source(%arg13 : memref<80x64xf32, #tpu.memory_space<vmem>>) target(%dma_start3A_165 : memref<10112x64xf32, #tpu.memory_space<vmem_shared>>) offsets(%dma_start3A_162 : memref<80xi32, #tpu.memory_space<vmem>>) semaphore(%run_scoped3A_159 : memref<!tpu.dma_semaphore, #tpu.memory_space<semaphore_mem>>) {add = true}
            %dma_wait3A_166 = arith.constant 0 : i32
            %dma_wait3A_167 = tpu.memref_slice %arg9[%add3A_130, %dma_wait3A_166] : memref<50x80xi32, #tpu.memory_space<vmem>> -> memref<1x80xi32, #tpu.memory_space<vmem>>
            %dma_wait3A_168 = tpu.memref_squeeze %dma_wait3A_167 : memref<1x80xi32, #tpu.memory_space<vmem>> -> memref<80xi32, #tpu.memory_space<vmem>>
            %dma_wait3A_169 = arith.constant 0 : i32
            %dma_wait3A_170 = arith.constant 0 : i32
            %dma_wait3A_171 = tpu.memref_slice %arg15[%dma_wait3A_169, %dma_wait3A_170] : memref<10112x64xf32, #tpu.memory_space<vmem_shared>> -> memref<10112x64xf32, #tpu.memory_space<vmem_shared>>
            tpu.wait_indirect_dma semaphore(%run_scoped3A_159 : memref<!tpu.dma_semaphore, #tpu.memory_space<semaphore_mem>>) src(%arg13 : memref<80x64xf32, #tpu.memory_space<vmem>>) dst(%dma_wait3A_171 : memref<10112x64xf32, #tpu.memory_space<vmem_shared>>)
            tpu.yield
          }) : () -> ()
          %add3A_137 = arith.constant 5 : i32
          %add3A_138 = arith.addi %add3A_130, %add3A_137 : i32
          %lt3A_139 = arith.constant 50 : i32
          %lt3A_140 = arith.cmpi slt, %add3A_138, %lt3A_139 : i32
          %convert_element_type3A_141 = arith.extui %lt3A_140 : i1 to i32
          %cond3A_142 = arith.constant 0 : i32
          %cond3A_143 = arith.cmpi ne, %convert_element_type3A_141, %cond3A_142 : i32
          scf.if %cond3A_143 {
            %add3A_159 = arith.constant 5 : i32
            %add3A_160 = arith.addi %add3A_130, %add3A_159 : i32
            %dma_start3A_161 = arith.constant 0 : i32
            %dma_start3A_162 = tpu.memref_slice %arg8[%add3A_160, %dma_start3A_161] : memref<50x80xi32, #tpu.memory_space<vmem>> -> memref<1x80xi32, #tpu.memory_space<vmem>>
            %dma_start3A_163 = tpu.memref_squeeze %dma_start3A_162 : memref<1x80xi32, #tpu.memory_space<vmem>> -> memref<80xi32, #tpu.memory_space<vmem>>
            %dma_start3A_164 = arith.constant 0 : i32
            %dma_start3A_165 = arith.constant 0 : i32
            %dma_start3A_166 = tpu.memref_slice %arg3[%dma_start3A_164, %dma_start3A_165] : memref<10000x64xf32, #tpu.memory_space<hbm>> -> memref<10000x64xf32, #tpu.memory_space<hbm>>
            tpu.enqueue_indirect_dma source(%dma_start3A_166 : memref<10000x64xf32, #tpu.memory_space<hbm>>) target(%arg13 : memref<80x64xf32, #tpu.memory_space<vmem>>) offsets(%dma_start3A_163 : memref<80xi32, #tpu.memory_space<vmem>>) semaphore(%arg19 : memref<!tpu.dma_semaphore, #tpu.memory_space<semaphore_mem>>)
          } else {
          }
          %add3A_144 = arith.constant 4 : i32
          %add3A_145 = arith.addi %add3A_84, %add3A_144 : i32
          %dma_wait3A_146 = arith.constant 0 : i32
          %dma_wait3A_147 = tpu.memref_slice %arg8[%add3A_145, %dma_wait3A_146] : memref<50x80xi32, #tpu.memory_space<vmem>> -> memref<1x80xi32, #tpu.memory_space<vmem>>
          %dma_wait3A_148 = tpu.memref_squeeze %dma_wait3A_147 : memref<1x80xi32, #tpu.memory_space<vmem>> -> memref<80xi32, #tpu.memory_space<vmem>>
          %dma_wait3A_149 = arith.constant 0 : i32
          %dma_wait3A_150 = arith.constant 0 : i32
          %dma_wait3A_151 = tpu.memref_slice %arg3[%dma_wait3A_149, %dma_wait3A_150] : memref<10000x64xf32, #tpu.memory_space<hbm>> -> memref<10000x64xf32, #tpu.memory_space<hbm>>
          tpu.wait_indirect_dma semaphore(%arg20 : memref<!tpu.dma_semaphore, #tpu.memory_space<semaphore_mem>>) src(%dma_wait3A_151 : memref<10000x64xf32, #tpu.memory_space<hbm>>) dst(%arg14 : memref<80x64xf32, #tpu.memory_space<vmem>>)
          "tpu.region"() ({
            %run_scoped3A_159 = tpu.sem_alloc : memref<!tpu.dma_semaphore, #tpu.memory_space<semaphore_mem>>
            %dma_start3A_160 = arith.constant 0 : i32
            %dma_start3A_161 = tpu.memref_slice %arg9[%add3A_145, %dma_start3A_160] : memref<50x80xi32, #tpu.memory_space<vmem>> -> memref<1x80xi32, #tpu.memory_space<vmem>>
            %dma_start3A_162 = tpu.memref_squeeze %dma_start3A_161 : memref<1x80xi32, #tpu.memory_space<vmem>> -> memref<80xi32, #tpu.memory_space<vmem>>
            %dma_start3A_163 = arith.constant 0 : i32
            %dma_start3A_164 = arith.constant 0 : i32
            %dma_start3A_165 = tpu.memref_slice %arg15[%dma_start3A_163, %dma_start3A_164] : memref<10112x64xf32, #tpu.memory_space<vmem_shared>> -> memref<10112x64xf32, #tpu.memory_space<vmem_shared>>
            tpu.enqueue_indirect_dma source(%arg14 : memref<80x64xf32, #tpu.memory_space<vmem>>) target(%dma_start3A_165 : memref<10112x64xf32, #tpu.memory_space<vmem_shared>>) offsets(%dma_start3A_162 : memref<80xi32, #tpu.memory_space<vmem>>) semaphore(%run_scoped3A_159 : memref<!tpu.dma_semaphore, #tpu.memory_space<semaphore_mem>>) {add = true}
            %dma_wait3A_166 = arith.constant 0 : i32
            %dma_wait3A_167 = tpu.memref_slice %arg9[%add3A_145, %dma_wait3A_166] : memref<50x80xi32, #tpu.memory_space<vmem>> -> memref<1x80xi32, #tpu.memory_space<vmem>>
            %dma_wait3A_168 = tpu.memref_squeeze %dma_wait3A_167 : memref<1x80xi32, #tpu.memory_space<vmem>> -> memref<80xi32, #tpu.memory_space<vmem>>
            %dma_wait3A_169 = arith.constant 0 : i32
            %dma_wait3A_170 = arith.constant 0 : i32
            %dma_wait3A_171 = tpu.memref_slice %arg15[%dma_wait3A_169, %dma_wait3A_170] : memref<10112x64xf32, #tpu.memory_space<vmem_shared>> -> memref<10112x64xf32, #tpu.memory_space<vmem_shared>>
            tpu.wait_indirect_dma semaphore(%run_scoped3A_159 : memref<!tpu.dma_semaphore, #tpu.memory_space<semaphore_mem>>) src(%arg14 : memref<80x64xf32, #tpu.memory_space<vmem>>) dst(%dma_wait3A_171 : memref<10112x64xf32, #tpu.memory_space<vmem_shared>>)
            tpu.yield
          }) : () -> ()
          %add3A_152 = arith.constant 5 : i32
          %add3A_153 = arith.addi %add3A_145, %add3A_152 : i32
          %lt3A_154 = arith.constant 50 : i32
          %lt3A_155 = arith.cmpi slt, %add3A_153, %lt3A_154 : i32
          %convert_element_type3A_156 = arith.extui %lt3A_155 : i1 to i32
          %cond3A_157 = arith.constant 0 : i32
          %cond3A_158 = arith.cmpi ne, %convert_element_type3A_156, %cond3A_157 : i32
          scf.if %cond3A_158 {
            %add3A_159 = arith.constant 5 : i32
            %add3A_160 = arith.addi %add3A_145, %add3A_159 : i32
            %dma_start3A_161 = arith.constant 0 : i32
            %dma_start3A_162 = tpu.memref_slice %arg8[%add3A_160, %dma_start3A_161] : memref<50x80xi32, #tpu.memory_space<vmem>> -> memref<1x80xi32, #tpu.memory_space<vmem>>
            %dma_start3A_163 = tpu.memref_squeeze %dma_start3A_162 : memref<1x80xi32, #tpu.memory_space<vmem>> -> memref<80xi32, #tpu.memory_space<vmem>>
            %dma_start3A_164 = arith.constant 0 : i32
            %dma_start3A_165 = arith.constant 0 : i32
            %dma_start3A_166 = tpu.memref_slice %arg3[%dma_start3A_164, %dma_start3A_165] : memref<10000x64xf32, #tpu.memory_space<hbm>> -> memref<10000x64xf32, #tpu.memory_space<hbm>>
            tpu.enqueue_indirect_dma source(%dma_start3A_166 : memref<10000x64xf32, #tpu.memory_space<hbm>>) target(%arg14 : memref<80x64xf32, #tpu.memory_space<vmem>>) offsets(%dma_start3A_163 : memref<80xi32, #tpu.memory_space<vmem>>) semaphore(%arg20 : memref<!tpu.dma_semaphore, #tpu.memory_space<semaphore_mem>>)
          } else {
          }
        }
        %scan3A_79 = arith.constant 10 : i32
      }
      %scan3A_55 = arith.constant 5 : i32
      %barrier3A_56 = arith.constant 0 : index
      tpu.barrier barrier_id(%barrier3A_56)
      %lt3A_57 = arith.constant 15 : i32
      %lt3A_58 = arith.cmpi slt, %arg1, %lt3A_57 : i32
      %convert_element_type3A_59 = arith.extui %lt3A_58 : i1 to i32
      %cond3A_60 = arith.constant 0 : i32
      %cond3A_61 = arith.cmpi ne, %convert_element_type3A_59, %cond3A_60 : i32
      scf.if %cond3A_61 {
        "tpu.region"() ({
          %run_scoped3A_67 = tpu.sem_alloc : memref<!tpu.dma_semaphore, #tpu.memory_space<semaphore_mem>>
          %dma_start3A_68 = arith.constant 0 : i32
          %dma_start3A_69 = tpu.memref_slice %arg7[%mul3A_7, %dma_start3A_68] : memref<10112x64xf32, #tpu.memory_space<hbm>> -> memref<632x64xf32, #tpu.memory_space<hbm>>
          %dma_start3A_70 = arith.constant 0 : i32
          %dma_start3A_71 = tpu.memref_slice %arg15[%mul3A_7, %dma_start3A_70] : memref<10112x64xf32, #tpu.memory_space<vmem_shared>> -> memref<632x64xf32, #tpu.memory_space<vmem_shared>>
          tpu.enqueue_dma source(%dma_start3A_71 : memref<632x64xf32, #tpu.memory_space<vmem_shared>>) target(%dma_start3A_69 : memref<632x64xf32, #tpu.memory_space<hbm>>) target_semaphore(%run_scoped3A_67 : memref<!tpu.dma_semaphore, #tpu.memory_space<semaphore_mem>>)
          %dma_wait3A = arith.constant 0 : i32
          %dma_wait3A_72 = tpu.memref_slice %arg7[%mul3A_7, %dma_wait3A] : memref<10112x64xf32, #tpu.memory_space<hbm>> -> memref<632x64xf32, #tpu.memory_space<hbm>>
          %dma_wait3A_73 = arith.constant 0 : i32
          %dma_wait3A_74 = tpu.memref_slice %arg15[%mul3A_7, %dma_wait3A_73] : memref<10112x64xf32, #tpu.memory_space<vmem_shared>> -> memref<632x64xf32, #tpu.memory_space<vmem_shared>>
          tpu.wait_dma2 semaphore(%run_scoped3A_67 : memref<!tpu.dma_semaphore, #tpu.memory_space<semaphore_mem>>) src(%dma_wait3A_74 : memref<632x64xf32, #tpu.memory_space<vmem_shared>>) dst(%dma_wait3A_72 : memref<632x64xf32, #tpu.memory_space<hbm>>)
          tpu.yield
        }) : () -> ()
      } else {
      }
      %eq3A_62 = arith.constant 15 : i32
      %eq3A_63 = arith.cmpi eq, %arg1, %eq3A_62 : i32
      %convert_element_type3A_64 = arith.extui %eq3A_63 : i1 to i32
      %cond3A_65 = arith.constant 0 : i32
      %cond3A_66 = arith.cmpi ne, %convert_element_type3A_64, %cond3A_65 : i32
      scf.if %cond3A_66 {
        "tpu.region"() ({
          %run_scoped3A_67 = tpu.sem_alloc : memref<!tpu.dma_semaphore, #tpu.memory_space<semaphore_mem>>
          %dma_start3A_68 = arith.constant 0 : i32
          %dma_start3A_69 = tpu.memref_slice %arg7[%mul3A_7, %dma_start3A_68] : memref<10112x64xf32, #tpu.memory_space<hbm>> -> memref<520x64xf32, #tpu.memory_space<hbm>>
          %dma_start3A_70 = arith.constant 0 : i32
          %dma_start3A_71 = tpu.memref_slice %arg15[%mul3A_7, %dma_start3A_70] : memref<10112x64xf32, #tpu.memory_space<vmem_shared>> -> memref<520x64xf32, #tpu.memory_space<vmem_shared>>
          tpu.enqueue_dma source(%dma_start3A_71 : memref<520x64xf32, #tpu.memory_space<vmem_shared>>) target(%dma_start3A_69 : memref<520x64xf32, #tpu.memory_space<hbm>>) target_semaphore(%run_scoped3A_67 : memref<!tpu.dma_semaphore, #tpu.memory_space<semaphore_mem>>)
          %dma_wait3A = arith.constant 0 : i32
          %dma_wait3A_72 = tpu.memref_slice %arg7[%mul3A_7, %dma_wait3A] : memref<10112x64xf32, #tpu.memory_space<hbm>> -> memref<520x64xf32, #tpu.memory_space<hbm>>
          %dma_wait3A_73 = arith.constant 0 : i32
          %dma_wait3A_74 = tpu.memref_slice %arg15[%mul3A_7, %dma_wait3A_73] : memref<10112x64xf32, #tpu.memory_space<vmem_shared>> -> memref<520x64xf32, #tpu.memory_space<vmem_shared>>
          tpu.wait_dma2 semaphore(%run_scoped3A_67 : memref<!tpu.dma_semaphore, #tpu.memory_space<semaphore_mem>>) src(%dma_wait3A_74 : memref<520x64xf32, #tpu.memory_space<vmem_shared>>) dst(%dma_wait3A_72 : memref<520x64xf32, #tpu.memory_space<hbm>>)
          tpu.yield
        }) : () -> ()
      } else {
      }
    } else {
    }
    return
  }
}

#map = affine_map<(d0, d1) -> (0, 0, 0, 0)>
#map1 = affine_map<(d0, d1) -> (0, 0)>
module attributes {stable_mosaic.version = 14 : i64} {
  func.func @_deg_body(%arg0: i32, %arg1: i32, %arg2: memref<16x5x50x80xi32, #tpu.memory_space<hbm>>, %arg3: memref<2x10240xf32, #tpu.memory_space<hbm>>, %arg4: memref<50x80xi32, #tpu.memory_space<vmem>>, %arg5: memref<80xf32, #tpu.memory_space<vmem>>, %arg6: memref<640xf32, #tpu.memory_space<vmem>>, %arg7: memref<10240xf32, #tpu.memory_space<vmem_shared>>, %arg8: memref<!tpu.dma_semaphore, #tpu.memory_space<semaphore_mem>>) attributes {dimension_semantics = [#tpu.dimension_semantics<core_parallel>, #tpu.dimension_semantics<subcore_parallel>], iteration_bounds = array<i64: 2, 16>, scalar_prefetch = 0 : i64, scratch_operands = 5 : i64, tpu.core_type = #tpu.core_type<sc_vector_subcore>, window_params = [{transform_indices = #map}, {transform_indices = #map1}]} {
    %scan3A = arith.constant 0 : i32
    %scan3A_0 = arith.constant 5 : i32
    %scan3A_1 = arith.addi %scan3A, %scan3A_0 : i32
    %scan3A_2 = arith.constant 1 : i32
    scf.for %scan3A_20 = %scan3A to %scan3A_1 step %scan3A_2  : i32 {
      %mul3A_21 = arith.constant 1 : i32
      %mul3A_22 = arith.muli %scan3A_20, %mul3A_21 : i32
      %add3A = arith.constant 0 : i32
      %add3A_23 = arith.addi %add3A, %mul3A_22 : i32
      %broadcast_in_dim3A = arith.constant 1.000000e+00 : f32
      %broadcast_in_dim3A_24 = vector.broadcast %broadcast_in_dim3A : f32 to vector<16xf32>
      %mul3A_25 = arith.constant 16 : i32
      %mul3A_26 = arith.muli %add3A_23, %mul3A_25 : i32
      %swap3A = arith.index_cast %mul3A_26 : i32 to index
      %swap3A_27 = tpu.vector_load %arg5[%swap3A] {strides = array<i32>} : memref<80xf32, #tpu.memory_space<vmem>>, vector<16xf32>,
      %swap3A_28 = vector.shape_cast %swap3A_27 : vector<16xf32> to vector<16xf32>
      %swap3A_29 = vector.shape_cast %broadcast_in_dim3A_24 : vector<16xf32> to vector<16xf32>
      tpu.vector_store %arg5[%swap3A], %swap3A_29 {strides = array<i32>} : memref<80xf32, #tpu.memory_space<vmem>>, vector<16xf32>,
    }
    %scan3A_3 = arith.constant 5 : i32
    %scan3A_4 = arith.constant 0 : i32
    %scan3A_5 = arith.constant 40 : i32
    %scan3A_6 = arith.addi %scan3A_4, %scan3A_5 : i32
    %scan3A_7 = arith.constant 1 : i32
    scf.for %scan3A_20 = %scan3A_4 to %scan3A_6 step %scan3A_7  : i32 {
      %mul3A_21 = arith.constant 1 : i32
      %mul3A_22 = arith.muli %scan3A_20, %mul3A_21 : i32
      %add3A = arith.constant 0 : i32
      %add3A_23 = arith.addi %add3A, %mul3A_22 : i32
      %broadcast_in_dim3A = arith.constant 0.000000e+00 : f32
      %broadcast_in_dim3A_24 = vector.broadcast %broadcast_in_dim3A : f32 to vector<16xf32>
      %mul3A_25 = arith.constant 16 : i32
      %mul3A_26 = arith.muli %add3A_23, %mul3A_25 : i32
      %swap3A = arith.index_cast %mul3A_26 : i32 to index
      %swap3A_27 = tpu.vector_load %arg6[%swap3A] {strides = array<i32>} : memref<640xf32, #tpu.memory_space<vmem>>, vector<16xf32>,
      %swap3A_28 = vector.shape_cast %swap3A_27 : vector<16xf32> to vector<16xf32>
      %swap3A_29 = vector.shape_cast %broadcast_in_dim3A_24 : vector<16xf32> to vector<16xf32>
      tpu.vector_store %arg6[%swap3A], %swap3A_29 {strides = array<i32>} : memref<640xf32, #tpu.memory_space<vmem>>, vector<16xf32>,
    }
    %scan3A_8 = arith.constant 40 : i32
    %mul3A = arith.constant 640 : i32
    %mul3A_9 = arith.muli %arg1, %mul3A : i32
    "tpu.region"() ({
      %run_scoped3A = tpu.sem_alloc : memref<!tpu.dma_semaphore, #tpu.memory_space<semaphore_mem>>
      %dma_start3A = tpu.memref_slice %arg7[%mul3A_9] : memref<10240xf32, #tpu.memory_space<vmem_shared>> -> memref<640xf32, #tpu.memory_space<vmem_shared>>
      %dma_start3A_20 = tpu.memref_slice %arg7[%mul3A_9] : memref<10240xf32, #tpu.memory_space<vmem_shared>> -> memref<640xf32, #tpu.memory_space<vmem_shared>>
      tpu.enqueue_dma source(%arg6 : memref<640xf32, #tpu.memory_space<vmem>>) target(%dma_start3A_20 : memref<640xf32, #tpu.memory_space<vmem_shared>>) target_semaphore(%run_scoped3A : memref<!tpu.dma_semaphore, #tpu.memory_space<semaphore_mem>>)
      %dma_wait3A = tpu.memref_slice %arg7[%mul3A_9] : memref<10240xf32, #tpu.memory_space<vmem_shared>> -> memref<640xf32, #tpu.memory_space<vmem_shared>>
      %dma_wait3A_21 = tpu.memref_slice %arg7[%mul3A_9] : memref<10240xf32, #tpu.memory_space<vmem_shared>> -> memref<640xf32, #tpu.memory_space<vmem_shared>>
      tpu.wait_dma2 semaphore(%run_scoped3A : memref<!tpu.dma_semaphore, #tpu.memory_space<semaphore_mem>>) src(%arg6 : memref<640xf32, #tpu.memory_space<vmem>>) dst(%dma_wait3A_21 : memref<640xf32, #tpu.memory_space<vmem_shared>>)
      tpu.yield
    }) : () -> ()
    %barrier3A = arith.constant 0 : index
    tpu.barrier barrier_id(%barrier3A)
    %scan3A_10 = arith.constant 0 : i32
    %scan3A_11 = arith.constant 5 : i32
    %scan3A_12 = arith.addi %scan3A_10, %scan3A_11 : i32
    %scan3A_13 = arith.constant 1 : i32
    scf.for %scan3A_20 = %scan3A_10 to %scan3A_12 step %scan3A_13  : i32 {
      %mul3A_21 = arith.constant 1 : i32
      %mul3A_22 = arith.muli %scan3A_20, %mul3A_21 : i32
      %add3A = arith.constant 0 : i32
      %add3A_23 = arith.addi %add3A, %mul3A_22 : i32
      %eq3A = arith.constant 4 : i32
      %eq3A_24 = arith.cmpi eq, %add3A_23, %eq3A : i32
      %rem3A = arith.constant 2 : i32
      %rem3A_25 = arith.remsi %add3A_23, %rem3A : i32
      %eq3A_26 = arith.cmpi eq, %rem3A_25, %arg0 : i32
      %or3A = arith.ori %eq3A_24, %eq3A_26 : i1
      %convert_element_type3A = arith.extui %or3A : i1 to i32
      %cond3A = arith.constant 0 : i32
      %cond3A_27 = arith.cmpi ne, %convert_element_type3A, %cond3A : i32
      scf.if %cond3A_27 {
        "tpu.region"() ({
          %run_scoped3A = tpu.sem_alloc : memref<!tpu.dma_semaphore, #tpu.memory_space<semaphore_mem>>
          %dma_start3A = arith.constant 0 : i32
          %dma_start3A_59 = arith.constant 0 : i32
          %dma_start3A_60 = tpu.memref_slice %arg2[%arg1, %add3A_23, %dma_start3A, %dma_start3A_59] : memref<16x5x50x80xi32, #tpu.memory_space<hbm>> -> memref<1x1x50x80xi32, #tpu.memory_space<hbm>>
          %dma_start3A_61 = tpu.memref_squeeze %dma_start3A_60 : memref<1x1x50x80xi32, #tpu.memory_space<hbm>> -> memref<50x80xi32, #tpu.memory_space<hbm>>
          %dma_start3A_62 = arith.constant 0 : i32
          %dma_start3A_63 = arith.constant 0 : i32
          %dma_start3A_64 = tpu.memref_slice %arg2[%arg1, %add3A_23, %dma_start3A_62, %dma_start3A_63] : memref<16x5x50x80xi32, #tpu.memory_space<hbm>> -> memref<1x1x50x80xi32, #tpu.memory_space<hbm>>
          %dma_start3A_65 = tpu.memref_squeeze %dma_start3A_64 : memref<1x1x50x80xi32, #tpu.memory_space<hbm>> -> memref<50x80xi32, #tpu.memory_space<hbm>>
          tpu.enqueue_dma source(%dma_start3A_65 : memref<50x80xi32, #tpu.memory_space<hbm>>) target(%arg4 : memref<50x80xi32, #tpu.memory_space<vmem>>) target_semaphore(%run_scoped3A : memref<!tpu.dma_semaphore, #tpu.memory_space<semaphore_mem>>)
          %dma_wait3A = arith.constant 0 : i32
          %dma_wait3A_66 = arith.constant 0 : i32
          %dma_wait3A_67 = tpu.memref_slice %arg2[%arg1, %add3A_23, %dma_wait3A, %dma_wait3A_66] : memref<16x5x50x80xi32, #tpu.memory_space<hbm>> -> memref<1x1x50x80xi32, #tpu.memory_space<hbm>>
          %dma_wait3A_68 = tpu.memref_squeeze %dma_wait3A_67 : memref<1x1x50x80xi32, #tpu.memory_space<hbm>> -> memref<50x80xi32, #tpu.memory_space<hbm>>
          %dma_wait3A_69 = arith.constant 0 : i32
          %dma_wait3A_70 = arith.constant 0 : i32
          %dma_wait3A_71 = tpu.memref_slice %arg2[%arg1, %add3A_23, %dma_wait3A_69, %dma_wait3A_70] : memref<16x5x50x80xi32, #tpu.memory_space<hbm>> -> memref<1x1x50x80xi32, #tpu.memory_space<hbm>>
          %dma_wait3A_72 = tpu.memref_squeeze %dma_wait3A_71 : memref<1x1x50x80xi32, #tpu.memory_space<hbm>> -> memref<50x80xi32, #tpu.memory_space<hbm>>
          tpu.wait_dma2 semaphore(%run_scoped3A : memref<!tpu.dma_semaphore, #tpu.memory_space<semaphore_mem>>) src(%dma_wait3A_72 : memref<50x80xi32, #tpu.memory_space<hbm>>) dst(%arg4 : memref<50x80xi32, #tpu.memory_space<vmem>>)
          tpu.yield
        }) : () -> ()
        %eq3A_28 = arith.constant 4 : i32
        %eq3A_29 = arith.cmpi eq, %add3A_23, %eq3A_28 : i32
        %mul3A_30 = arith.constant 25 : i32
        %mul3A_31 = arith.muli %arg0, %mul3A_30 : i32
        %jit3A = arith.constant 0 : i32
        %select_n3A = arith.select %eq3A_29, %mul3A_31, %jit3A : i32
        %add3A_32 = arith.constant 1 : i32
        %add3A_33 = arith.addi %arg0, %add3A_32 : i32
        %mul3A_34 = arith.constant 25 : i32
        %mul3A_35 = arith.muli %add3A_33, %mul3A_34 : i32
        %jit3A_36 = arith.constant 50 : i32
        %select_n3A_37 = arith.select %eq3A_29, %mul3A_35, %jit3A_36 : i32
        %sub3A = arith.subi %select_n3A_37, %select_n3A : i32
        %sub3A_38 = arith.constant 1 : i32
        %sub3A_39 = arith.constant 1 : i32
        %sub3A_40 = arith.subi %sub3A_38, %sub3A_39 : i32
        %add3A_41 = arith.addi %sub3A, %sub3A_40 : i32
        %div3A = arith.constant 1 : i32
        %div3A_42 = arith.divsi %add3A_41, %div3A : i32
        %while3A = arith.constant 1 : i32
        %while3A_43 = arith.constant 0 : i32
        %while3A_44 = arith.subi %div3A_42, %while3A_43 : i32
        %while3A_45 = arith.addi %while3A_43, %while3A_44 : i32
        %while3A_46 = arith.constant 1 : i32
        %while3A_47 = arith.divsi %while3A_44, %while3A_46 : i32
        %while3A_48 = arith.muli %while3A_47, %while3A_46 : i32
        %while3A_49 = arith.addi %while3A_43, %while3A_48 : i32
        %while3A_50 = arith.constant 1 : i32
        scf.for %while3A_59 = %while3A_43 to %while3A_49 step %while3A_50  : i32 {
          %mul3A_60 = arith.muli %while3A_59, %while3A : i32
          %add3A_61 = arith.addi %select_n3A, %mul3A_60 : i32
          %dma_start3A = arith.constant 0 : i32
          %dma_start3A_62 = tpu.memref_slice %arg4[%add3A_61, %dma_start3A] : memref<50x80xi32, #tpu.memory_space<vmem>> -> memref<1x80xi32, #tpu.memory_space<vmem>>
          %dma_start3A_63 = tpu.memref_squeeze %dma_start3A_62 : memref<1x80xi32, #tpu.memory_space<vmem>> -> memref<80xi32, #tpu.memory_space<vmem>>
          %dma_start3A_64 = arith.constant 0 : i32
          %dma_start3A_65 = tpu.memref_slice %arg7[%dma_start3A_64] : memref<10240xf32, #tpu.memory_space<vmem_shared>> -> memref<10240xf32, #tpu.memory_space<vmem_shared>>
          tpu.enqueue_indirect_dma source(%arg5 : memref<80xf32, #tpu.memory_space<vmem>>) target(%dma_start3A_65 : memref<10240xf32, #tpu.memory_space<vmem_shared>>) offsets(%dma_start3A_63 : memref<80xi32, #tpu.memory_space<vmem>>) semaphore(%arg8 : memref<!tpu.dma_semaphore, #tpu.memory_space<semaphore_mem>>) {add = true}
        }
        %while3A_51 = arith.constant 1 : i32
        scf.for %while3A_59 = %while3A_49 to %while3A_45 step %while3A_51  : i32 {
          %mul3A_60 = arith.muli %while3A_59, %while3A : i32
          %add3A_61 = arith.addi %select_n3A, %mul3A_60 : i32
          %dma_start3A = arith.constant 0 : i32
          %dma_start3A_62 = tpu.memref_slice %arg4[%add3A_61, %dma_start3A] : memref<50x80xi32, #tpu.memory_space<vmem>> -> memref<1x80xi32, #tpu.memory_space<vmem>>
          %dma_start3A_63 = tpu.memref_squeeze %dma_start3A_62 : memref<1x80xi32, #tpu.memory_space<vmem>> -> memref<80xi32, #tpu.memory_space<vmem>>
          %dma_start3A_64 = arith.constant 0 : i32
          %dma_start3A_65 = tpu.memref_slice %arg7[%dma_start3A_64] : memref<10240xf32, #tpu.memory_space<vmem_shared>> -> memref<10240xf32, #tpu.memory_space<vmem_shared>>
          tpu.enqueue_indirect_dma source(%arg5 : memref<80xf32, #tpu.memory_space<vmem>>) target(%dma_start3A_65 : memref<10240xf32, #tpu.memory_space<vmem_shared>>) offsets(%dma_start3A_63 : memref<80xi32, #tpu.memory_space<vmem>>) semaphore(%arg8 : memref<!tpu.dma_semaphore, #tpu.memory_space<semaphore_mem>>) {add = true}
        }
        %not3A = arith.constant true
        %not3A_52 = arith.xori %eq3A_29, %not3A : i1
        %convert_element_type3A_53 = arith.extui %not3A_52 : i1 to i32
        %cond3A_54 = arith.constant 0 : i32
        %cond3A_55 = arith.cmpi ne, %convert_element_type3A_53, %cond3A_54 : i32
        scf.if %cond3A_55 {
          %dma_wait3A = arith.constant 0 : i32
          %dma_wait3A_59 = arith.constant 0 : i32
          %dma_wait3A_60 = tpu.memref_slice %arg2[%arg1, %add3A_23, %dma_wait3A, %dma_wait3A_59] : memref<16x5x50x80xi32, #tpu.memory_space<hbm>> -> memref<1x1x50x80xi32, #tpu.memory_space<hbm>>
          %dma_wait3A_61 = tpu.memref_squeeze %dma_wait3A_60 : memref<1x1x50x80xi32, #tpu.memory_space<hbm>> -> memref<50x80xi32, #tpu.memory_space<hbm>>
          %dma_wait3A_62 = arith.constant 0 : i32
          %dma_wait3A_63 = arith.constant 0 : i32
          %dma_wait3A_64 = tpu.memref_slice %arg2[%arg1, %add3A_23, %dma_wait3A_62, %dma_wait3A_63] : memref<16x5x50x80xi32, #tpu.memory_space<hbm>> -> memref<1x1x50x80xi32, #tpu.memory_space<hbm>>
          %dma_wait3A_65 = tpu.memref_squeeze %dma_wait3A_64 : memref<1x1x50x80xi32, #tpu.memory_space<hbm>> -> memref<50x80xi32, #tpu.memory_space<hbm>>
          tpu.wait_dma2 semaphore(%arg8 : memref<!tpu.dma_semaphore, #tpu.memory_space<semaphore_mem>>) src(%dma_wait3A_65 : memref<50x80xi32, #tpu.memory_space<hbm>>) dst(%arg4 : memref<50x80xi32, #tpu.memory_space<vmem>>)
        } else {
        }
        %convert_element_type3A_56 = arith.extui %eq3A_29 : i1 to i32
        %cond3A_57 = arith.constant 0 : i32
        %cond3A_58 = arith.cmpi ne, %convert_element_type3A_56, %cond3A_57 : i32
        scf.if %cond3A_58 {
          %dma_wait3A = arith.constant 0 : i32
          %dma_wait3A_59 = arith.constant 0 : i32
          %dma_wait3A_60 = tpu.memref_slice %arg4[%dma_wait3A, %dma_wait3A_59] : memref<50x80xi32, #tpu.memory_space<vmem>> -> memref<25x80xi32, #tpu.memory_space<vmem>>
          %dma_wait3A_61 = arith.constant 0 : i32
          %dma_wait3A_62 = arith.constant 0 : i32
          %dma_wait3A_63 = tpu.memref_slice %arg2[%arg1, %add3A_23, %dma_wait3A_61, %dma_wait3A_62] : memref<16x5x50x80xi32, #tpu.memory_space<hbm>> -> memref<1x1x25x80xi32, #tpu.memory_space<hbm>>
          %dma_wait3A_64 = tpu.memref_squeeze %dma_wait3A_63 : memref<1x1x25x80xi32, #tpu.memory_space<hbm>> -> memref<25x80xi32, #tpu.memory_space<hbm>>
          %dma_wait3A_65 = arith.constant 0 : i32
          %dma_wait3A_66 = arith.constant 0 : i32
          %dma_wait3A_67 = tpu.memref_slice %arg4[%dma_wait3A_65, %dma_wait3A_66] : memref<50x80xi32, #tpu.memory_space<vmem>> -> memref<25x80xi32, #tpu.memory_space<vmem>>
          %dma_wait3A_68 = arith.constant 0 : i32
          %dma_wait3A_69 = arith.constant 0 : i32
          %dma_wait3A_70 = tpu.memref_slice %arg2[%arg1, %add3A_23, %dma_wait3A_68, %dma_wait3A_69] : memref<16x5x50x80xi32, #tpu.memory_space<hbm>> -> memref<1x1x25x80xi32, #tpu.memory_space<hbm>>
          %dma_wait3A_71 = tpu.memref_squeeze %dma_wait3A_70 : memref<1x1x25x80xi32, #tpu.memory_space<hbm>> -> memref<25x80xi32, #tpu.memory_space<hbm>>
          tpu.wait_dma2 semaphore(%arg8 : memref<!tpu.dma_semaphore, #tpu.memory_space<semaphore_mem>>) src(%dma_wait3A_71 : memref<25x80xi32, #tpu.memory_space<hbm>>) dst(%dma_wait3A_67 : memref<25x80xi32, #tpu.memory_space<vmem>>)
        } else {
        }
      } else {
      }
    }
    %scan3A_14 = arith.constant 5 : i32
    %barrier3A_15 = arith.constant 0 : index
    tpu.barrier barrier_id(%barrier3A_15)
    %mul3A_16 = arith.constant 640 : i32
    %mul3A_17 = arith.muli %arg1, %mul3A_16 : i32
    %mul3A_18 = arith.constant 640 : i32
    %mul3A_19 = arith.muli %arg1, %mul3A_18 : i32
    "tpu.region"() ({
      %run_scoped3A = tpu.sem_alloc : memref<!tpu.dma_semaphore, #tpu.memory_space<semaphore_mem>>
      %dma_start3A = tpu.memref_slice %arg3[%arg0, %mul3A_19] : memref<2x10240xf32, #tpu.memory_space<hbm>> -> memref<1x640xf32, #tpu.memory_space<hbm>>
      %dma_start3A_20 = tpu.memref_squeeze %dma_start3A : memref<1x640xf32, #tpu.memory_space<hbm>> -> memref<640xf32, #tpu.memory_space<hbm>>
      %dma_start3A_21 = tpu.memref_slice %arg7[%mul3A_17] : memref<10240xf32, #tpu.memory_space<vmem_shared>> -> memref<640xf32, #tpu.memory_space<vmem_shared>>
      tpu.enqueue_dma source(%dma_start3A_21 : memref<640xf32, #tpu.memory_space<vmem_shared>>) target(%dma_start3A_20 : memref<640xf32, #tpu.memory_space<hbm>>) target_semaphore(%run_scoped3A : memref<!tpu.dma_semaphore, #tpu.memory_space<semaphore_mem>>)
      %dma_wait3A = tpu.memref_slice %arg3[%arg0, %mul3A_19] : memref<2x10240xf32, #tpu.memory_space<hbm>> -> memref<1x640xf32, #tpu.memory_space<hbm>>
      %dma_wait3A_22 = tpu.memref_squeeze %dma_wait3A : memref<1x640xf32, #tpu.memory_space<hbm>> -> memref<640xf32, #tpu.memory_space<hbm>>
      %dma_wait3A_23 = tpu.memref_slice %arg7[%mul3A_17] : memref<10240xf32, #tpu.memory_space<vmem_shared>> -> memref<640xf32, #tpu.memory_space<vmem_shared>>
      tpu.wait_dma2 semaphore(%run_scoped3A : memref<!tpu.dma_semaphore, #tpu.memory_space<semaphore_mem>>) src(%dma_wait3A_23 : memref<640xf32, #tpu.memory_space<vmem_shared>>) dst(%dma_wait3A_22 : memref<640xf32, #tpu.memory_space<hbm>>)
      tpu.yield
    }) : () -> ()
    return
  }
}

module attributes {stable_mosaic.version = 14 : i64} {
  func.func @_prep_body(%arg0: i32, %arg1: memref<2000x128xf32, #tpu.memory_space<vmem>>, %arg2: memref<128x128xf32, #tpu.memory_space<vmem>>, %arg3: memref<2x2000x1xf32, #tpu.memory_space<vmem>>, %arg4: memref<2000x64xf32, #tpu.memory_space<vmem>>, %arg5: memref<2000x64xf32, #tpu.memory_space<vmem>>) attributes {dimension_semantics = [#tpu.dimension_semantics<arbitrary>], iteration_bounds = array<i64: 5>, scalar_prefetch = 0 : i64, scratch_operands = 0 : i64, tpu.core_type = #tpu.core_type<tc>, window_params = [{transform_indices = @transform_0, window_bounds = array<i64: 2000, 128>}, {pipeline_mode = #tpu.pipeline_mode<synchronous>, transform_indices = @transform_1, window_bounds = array<i64: 128, 128>}, {transform_indices = @transform_2, window_bounds = array<i64: 2, 2000, 1>}, {transform_indices = @transform_3, window_bounds = array<i64: 2000, 64>}, {transform_indices = @transform_4, window_bounds = array<i64: 2000, 64>}]} {
    %get3A = arith.constant 0 : index
    %get3A_0 = arith.constant 0 : index
    %get3A_1 = arith.constant 0 : index
    %get3A_2 = vector.load %arg3[%get3A, %get3A_0, %get3A_1] : memref<2x2000x1xf32, #tpu.memory_space<vmem>>, vector<1x2000x1xf32>
    %get3A_3 = vector.shape_cast %get3A_2 : vector<1x2000x1xf32> to vector<2000xf32>
    %get3A_4 = arith.constant 1 : index
    %get3A_5 = arith.constant 0 : index
    %get3A_6 = arith.constant 0 : index
    %get3A_7 = vector.load %arg3[%get3A_4, %get3A_5, %get3A_6] : memref<2x2000x1xf32, #tpu.memory_space<vmem>>, vector<1x2000x1xf32>
    %get3A_8 = vector.shape_cast %get3A_7 : vector<1x2000x1xf32> to vector<2000xf32>
    %add3A = arith.addf %get3A_3, %get3A_8 : vector<2000xf32>
    %add3A_9 = arith.constant 1.000000e+00 : f32
    %add3A_10 = vector.broadcast %add3A_9 : f32 to vector<2000xf32>
    %add3A_11 = arith.addf %add3A, %add3A_10 : vector<2000xf32>
    %rsqrt3A = math.rsqrt %add3A_11 : vector<2000xf32>
    %get3A_12 = arith.constant 0 : index
    %get3A_13 = arith.constant 0 : index
    %get3A_14 = vector.load %arg1[%get3A_12, %get3A_13] : memref<2000x128xf32, #tpu.memory_space<vmem>>, vector<2000x128xf32>
    %get3A_15 = arith.constant 0 : index
    %get3A_16 = arith.constant 0 : index
    %get3A_17 = vector.load %arg2[%get3A_15, %get3A_16] : memref<128x128xf32, #tpu.memory_space<vmem>>, vector<128x128xf32>
    %dot_general3A = arith.constant dense<0.000000e+00> : vector<2000x128xf32>
    %dot_general3A_18 = tpu.matmul %get3A_14, %get3A_17, %dot_general3A {dimension_numbers = #tpu.dot_dimension_numbers<[1], [0], [0], [1], [0, 0, 1, 1], [], []>, transpose_lhs_hint = false} : vector<2000x128xf32>, vector<128x128xf32>, vector<2000x128xf32> -> vector<2000x128xf32>
    %broadcast_in_dim3A = vector.shape_cast %rsqrt3A : vector<2000xf32> to vector<2000x1xf32>
    %mul3A = vector.broadcast %broadcast_in_dim3A : vector<2000x1xf32> to vector<2000x128xf32>
    %mul3A_19 = arith.mulf %dot_general3A_18, %mul3A : vector<2000x128xf32>
    %slice3A = vector.extract_strided_slice %mul3A_19 {offsets = [0, 0], sizes = [2000, 64], strides = [1, 1]} : vector<2000x128xf32> to vector<2000x64xf32>
    %swap3A = arith.constant 0 : index
    %swap3A_20 = arith.constant 0 : index
    %swap3A_21 = vector.load %arg4[%swap3A, %swap3A_20] : memref<2000x64xf32, #tpu.memory_space<vmem>>, vector<2000x64xf32>
    tpu.vector_store %arg4[%swap3A, %swap3A_20], %slice3A {strides = array<i32>} : memref<2000x64xf32, #tpu.memory_space<vmem>>, vector<2000x64xf32>,
    %slice3A_22 = vector.extract_strided_slice %mul3A_19 {offsets = [0, 64], sizes = [2000, 64], strides = [1, 1]} : vector<2000x128xf32> to vector<2000x64xf32>
    %swap3A_23 = arith.constant 0 : index
    %swap3A_24 = arith.constant 0 : index
    %swap3A_25 = vector.load %arg5[%swap3A_23, %swap3A_24] : memref<2000x64xf32, #tpu.memory_space<vmem>>, vector<2000x64xf32>
    tpu.vector_store %arg5[%swap3A_23, %swap3A_24], %slice3A_22 {strides = array<i32>} : memref<2000x64xf32, #tpu.memory_space<vmem>>, vector<2000x64xf32>,
    return
  }
  func.func @transform_0(%arg0: i32) -> (i32, i32) {
    %c0_i32 = arith.constant 0 : i32
    %c0_i32_0 = arith.constant 0 : i32
    return %arg0, %c0_i32 : i32, i32
  }
  func.func @transform_1(%arg0: i32) -> (i32, i32) {
    %c0_i32 = arith.constant 0 : i32
    %c0_i32_0 = arith.constant 0 : i32
    %c0_i32_1 = arith.constant 0 : i32
    return %c0_i32, %c0_i32_0 : i32, i32
  }
  func.func @transform_2(%arg0: i32) -> (i32, i32, i32) {
    %c0_i32 = arith.constant 0 : i32
    %c0_i32_0 = arith.constant 0 : i32
    %c0_i32_1 = arith.constant 0 : i32
    return %c0_i32, %arg0, %c0_i32_0 : i32, i32, i32
  }
  func.func @transform_3(%arg0: i32) -> (i32, i32) {
    %c0_i32 = arith.constant 0 : i32
    %c0_i32_0 = arith.constant 0 : i32
    return %arg0, %c0_i32 : i32, i32
  }
  func.func @transform_4(%arg0: i32) -> (i32, i32) {
    %c0_i32 = arith.constant 0 : i32
    %c0_i32_0 = arith.constant 0 : i32
    return %arg0, %c0_i32 : i32, i32
  }
}

module attributes {stable_mosaic.version = 14 : i64} {
  func.func @_mid_body(%arg0: i32, %arg1: memref<2000x64xf32, #tpu.memory_space<vmem>>, %arg2: memref<2000x64xf32, #tpu.memory_space<vmem>>, %arg3: memref<2x2000x1xf32, #tpu.memory_space<vmem>>, %arg4: memref<128xf32, #tpu.memory_space<vmem>>, %arg5: memref<128x128xf32, #tpu.memory_space<vmem>>, %arg6: memref<2000x64xf32, #tpu.memory_space<vmem>>, %arg7: memref<2000x64xf32, #tpu.memory_space<vmem>>) attributes {dimension_semantics = [#tpu.dimension_semantics<arbitrary>], iteration_bounds = array<i64: 5>, scalar_prefetch = 0 : i64, scratch_operands = 0 : i64, tpu.core_type = #tpu.core_type<tc>, window_params = [{transform_indices = @transform_0, window_bounds = array<i64: 2000, 64>}, {transform_indices = @transform_1, window_bounds = array<i64: 2000, 64>}, {transform_indices = @transform_2, window_bounds = array<i64: 2, 2000, 1>}, {pipeline_mode = #tpu.pipeline_mode<synchronous>, transform_indices = @transform_3, window_bounds = array<i64: 128>}, {pipeline_mode = #tpu.pipeline_mode<synchronous>, transform_indices = @transform_4, window_bounds = array<i64: 128, 128>}, {transform_indices = @transform_5, window_bounds = array<i64: 2000, 64>}, {transform_indices = @transform_6, window_bounds = array<i64: 2000, 64>}]} {
    %get3A = arith.constant 0 : index
    %get3A_0 = arith.constant 0 : index
    %get3A_1 = arith.constant 0 : index
    %get3A_2 = vector.load %arg3[%get3A, %get3A_0, %get3A_1] : memref<2x2000x1xf32, #tpu.memory_space<vmem>>, vector<1x2000x1xf32>
    %get3A_3 = vector.shape_cast %get3A_2 : vector<1x2000x1xf32> to vector<2000xf32>
    %get3A_4 = arith.constant 1 : index
    %get3A_5 = arith.constant 0 : index
    %get3A_6 = arith.constant 0 : index
    %get3A_7 = vector.load %arg3[%get3A_4, %get3A_5, %get3A_6] : memref<2x2000x1xf32, #tpu.memory_space<vmem>>, vector<1x2000x1xf32>
    %get3A_8 = vector.shape_cast %get3A_7 : vector<1x2000x1xf32> to vector<2000xf32>
    %add3A = arith.addf %get3A_3, %get3A_8 : vector<2000xf32>
    %add3A_9 = arith.constant 1.000000e+00 : f32
    %add3A_10 = vector.broadcast %add3A_9 : f32 to vector<2000xf32>
    %add3A_11 = arith.addf %add3A, %add3A_10 : vector<2000xf32>
    %rsqrt3A = math.rsqrt %add3A_11 : vector<2000xf32>
    %get3A_12 = arith.constant 0 : index
    %get3A_13 = arith.constant 0 : index
    %get3A_14 = vector.load %arg1[%get3A_12, %get3A_13] : memref<2000x64xf32, #tpu.memory_space<vmem>>, vector<2000x64xf32>
    %get3A_15 = arith.constant 0 : index
    %get3A_16 = arith.constant 0 : index
    %get3A_17 = vector.load %arg2[%get3A_15, %get3A_16] : memref<2000x64xf32, #tpu.memory_space<vmem>>, vector<2000x64xf32>
    %concatenate3A = tpu.concatenate %get3A_14, %get3A_17 in 1 : vector<2000x64xf32>, vector<2000x64xf32> -> vector<2000x128xf32>
    %broadcast_in_dim3A = vector.shape_cast %rsqrt3A : vector<2000xf32> to vector<2000x1xf32>
    %mul3A = vector.broadcast %broadcast_in_dim3A : vector<2000x1xf32> to vector<2000x128xf32>
    %mul3A_18 = arith.mulf %mul3A, %concatenate3A : vector<2000x128xf32>
    %get3A_19 = arith.constant 0 : index
    %get3A_20 = vector.load %arg4[%get3A_19] : memref<128xf32, #tpu.memory_space<vmem>>, vector<128xf32>
    %broadcast_in_dim3A_21 = vector.shape_cast %get3A_20 : vector<128xf32> to vector<1x128xf32>
    %add3A_22 = vector.broadcast %broadcast_in_dim3A_21 : vector<1x128xf32> to vector<2000x128xf32>
    %add3A_23 = arith.addf %mul3A_18, %add3A_22 : vector<2000x128xf32>
    %integer_pow3A = arith.mulf %add3A_23, %add3A_23 : vector<2000x128xf32>
    %integer_pow3A_24 = arith.mulf %add3A_23, %integer_pow3A : vector<2000x128xf32>
    %mul3A_25 = arith.constant 4.471500e-02 : f32
    %mul3A_26 = vector.broadcast %mul3A_25 : f32 to vector<2000x128xf32>
    %mul3A_27 = arith.mulf %mul3A_26, %integer_pow3A_24 : vector<2000x128xf32>
    %add3A_28 = arith.addf %add3A_23, %mul3A_27 : vector<2000x128xf32>
    %mul3A_29 = arith.constant 0.797884583 : f32
    %mul3A_30 = vector.broadcast %mul3A_29 : f32 to vector<2000x128xf32>
    %mul3A_31 = arith.mulf %mul3A_30, %add3A_28 : vector<2000x128xf32>
    %tanh3A = math.tanh %mul3A_31 : vector<2000x128xf32>
    %add3A_32 = arith.constant 1.000000e+00 : f32
    %add3A_33 = vector.broadcast %add3A_32 : f32 to vector<2000x128xf32>
    %add3A_34 = arith.addf %add3A_33, %tanh3A : vector<2000x128xf32>
    %mul3A_35 = arith.constant 5.000000e-01 : f32
    %mul3A_36 = vector.broadcast %mul3A_35 : f32 to vector<2000x128xf32>
    %mul3A_37 = arith.mulf %mul3A_36, %add3A_34 : vector<2000x128xf32>
    %mul3A_38 = arith.mulf %add3A_23, %mul3A_37 : vector<2000x128xf32>
    %get3A_39 = arith.constant 0 : index
    %get3A_40 = arith.constant 0 : index
    %get3A_41 = vector.load %arg5[%get3A_39, %get3A_40] : memref<128x128xf32, #tpu.memory_space<vmem>>, vector<128x128xf32>
    %dot_general3A = arith.constant dense<0.000000e+00> : vector<2000x128xf32>
    %dot_general3A_42 = tpu.matmul %mul3A_38, %get3A_41, %dot_general3A {dimension_numbers = #tpu.dot_dimension_numbers<[1], [0], [0], [1], [0, 0, 1, 1], [], []>, transpose_lhs_hint = false} : vector<2000x128xf32>, vector<128x128xf32>, vector<2000x128xf32> -> vector<2000x128xf32>
    %broadcast_in_dim3A_43 = vector.shape_cast %rsqrt3A : vector<2000xf32> to vector<2000x1xf32>
    %mul3A_44 = vector.broadcast %broadcast_in_dim3A_43 : vector<2000x1xf32> to vector<2000x128xf32>
    %mul3A_45 = arith.mulf %dot_general3A_42, %mul3A_44 : vector<2000x128xf32>
    %slice3A = vector.extract_strided_slice %mul3A_45 {offsets = [0, 0], sizes = [2000, 64], strides = [1, 1]} : vector<2000x128xf32> to vector<2000x64xf32>
    %swap3A = arith.constant 0 : index
    %swap3A_46 = arith.constant 0 : index
    %swap3A_47 = vector.load %arg6[%swap3A, %swap3A_46] : memref<2000x64xf32, #tpu.memory_space<vmem>>, vector<2000x64xf32>
    tpu.vector_store %arg6[%swap3A, %swap3A_46], %slice3A {strides = array<i32>} : memref<2000x64xf32, #tpu.memory_space<vmem>>, vector<2000x64xf32>,
    %slice3A_48 = vector.extract_strided_slice %mul3A_45 {offsets = [0, 64], sizes = [2000, 64], strides = [1, 1]} : vector<2000x128xf32> to vector<2000x64xf32>
    %swap3A_49 = arith.constant 0 : index
    %swap3A_50 = arith.constant 0 : index
    %swap3A_51 = vector.load %arg7[%swap3A_49, %swap3A_50] : memref<2000x64xf32, #tpu.memory_space<vmem>>, vector<2000x64xf32>
    tpu.vector_store %arg7[%swap3A_49, %swap3A_50], %slice3A_48 {strides = array<i32>} : memref<2000x64xf32, #tpu.memory_space<vmem>>, vector<2000x64xf32>,
    return
  }
  func.func @transform_0(%arg0: i32) -> (i32, i32) {
    %c0_i32 = arith.constant 0 : i32
    %c0_i32_0 = arith.constant 0 : i32
    return %arg0, %c0_i32 : i32, i32
  }
  func.func @transform_1(%arg0: i32) -> (i32, i32) {
    %c0_i32 = arith.constant 0 : i32
    %c0_i32_0 = arith.constant 0 : i32
    return %arg0, %c0_i32 : i32, i32
  }
  func.func @transform_2(%arg0: i32) -> (i32, i32, i32) {
    %c0_i32 = arith.constant 0 : i32
    %c0_i32_0 = arith.constant 0 : i32
    %c0_i32_1 = arith.constant 0 : i32
    return %c0_i32, %arg0, %c0_i32_0 : i32, i32, i32
  }
  func.func @transform_3(%arg0: i32) -> i32 {
    %c0_i32 = arith.constant 0 : i32
    %c0_i32_0 = arith.constant 0 : i32
    return %c0_i32 : i32
  }
  func.func @transform_4(%arg0: i32) -> (i32, i32) {
    %c0_i32 = arith.constant 0 : i32
    %c0_i32_0 = arith.constant 0 : i32
    %c0_i32_1 = arith.constant 0 : i32
    return %c0_i32, %c0_i32_0 : i32, i32
  }
  func.func @transform_5(%arg0: i32) -> (i32, i32) {
    %c0_i32 = arith.constant 0 : i32
    %c0_i32_0 = arith.constant 0 : i32
    return %arg0, %c0_i32 : i32, i32
  }
  func.func @transform_6(%arg0: i32) -> (i32, i32) {
    %c0_i32 = arith.constant 0 : i32
    %c0_i32_0 = arith.constant 0 : i32
    return %arg0, %c0_i32 : i32, i32
  }
}

module attributes {stable_mosaic.version = 14 : i64} {
  func.func @_final_body(%arg0: i32, %arg1: memref<2000x64xf32, #tpu.memory_space<vmem>>, %arg2: memref<2000x64xf32, #tpu.memory_space<vmem>>, %arg3: memref<2x2000x1xf32, #tpu.memory_space<vmem>>, %arg4: memref<128xf32, #tpu.memory_space<vmem>>, %arg5: memref<2000x128xf32, #tpu.memory_space<vmem>>) attributes {dimension_semantics = [#tpu.dimension_semantics<arbitrary>], iteration_bounds = array<i64: 5>, scalar_prefetch = 0 : i64, scratch_operands = 0 : i64, tpu.core_type = #tpu.core_type<tc>, window_params = [{transform_indices = @transform_0, window_bounds = array<i64: 2000, 64>}, {transform_indices = @transform_1, window_bounds = array<i64: 2000, 64>}, {transform_indices = @transform_2, window_bounds = array<i64: 2, 2000, 1>}, {pipeline_mode = #tpu.pipeline_mode<synchronous>, transform_indices = @transform_3, window_bounds = array<i64: 128>}, {transform_indices = @transform_4, window_bounds = array<i64: 2000, 128>}]} {
    %get3A = arith.constant 0 : index
    %get3A_0 = arith.constant 0 : index
    %get3A_1 = arith.constant 0 : index
    %get3A_2 = vector.load %arg3[%get3A, %get3A_0, %get3A_1] : memref<2x2000x1xf32, #tpu.memory_space<vmem>>, vector<1x2000x1xf32>
    %get3A_3 = vector.shape_cast %get3A_2 : vector<1x2000x1xf32> to vector<2000xf32>
    %get3A_4 = arith.constant 1 : index
    %get3A_5 = arith.constant 0 : index
    %get3A_6 = arith.constant 0 : index
    %get3A_7 = vector.load %arg3[%get3A_4, %get3A_5, %get3A_6] : memref<2x2000x1xf32, #tpu.memory_space<vmem>>, vector<1x2000x1xf32>
    %get3A_8 = vector.shape_cast %get3A_7 : vector<1x2000x1xf32> to vector<2000xf32>
    %add3A = arith.addf %get3A_3, %get3A_8 : vector<2000xf32>
    %add3A_9 = arith.constant 1.000000e+00 : f32
    %add3A_10 = vector.broadcast %add3A_9 : f32 to vector<2000xf32>
    %add3A_11 = arith.addf %add3A, %add3A_10 : vector<2000xf32>
    %rsqrt3A = math.rsqrt %add3A_11 : vector<2000xf32>
    %get3A_12 = arith.constant 0 : index
    %get3A_13 = arith.constant 0 : index
    %get3A_14 = vector.load %arg1[%get3A_12, %get3A_13] : memref<2000x64xf32, #tpu.memory_space<vmem>>, vector<2000x64xf32>
    %get3A_15 = arith.constant 0 : index
    %get3A_16 = arith.constant 0 : index
    %get3A_17 = vector.load %arg2[%get3A_15, %get3A_16] : memref<2000x64xf32, #tpu.memory_space<vmem>>, vector<2000x64xf32>
    %concatenate3A = tpu.concatenate %get3A_14, %get3A_17 in 1 : vector<2000x64xf32>, vector<2000x64xf32> -> vector<2000x128xf32>
    %broadcast_in_dim3A = vector.shape_cast %rsqrt3A : vector<2000xf32> to vector<2000x1xf32>
    %mul3A = vector.broadcast %broadcast_in_dim3A : vector<2000x1xf32> to vector<2000x128xf32>
    %mul3A_18 = arith.mulf %mul3A, %concatenate3A : vector<2000x128xf32>
    %get3A_19 = arith.constant 0 : index
    %get3A_20 = vector.load %arg4[%get3A_19] : memref<128xf32, #tpu.memory_space<vmem>>, vector<128xf32>
    %broadcast_in_dim3A_21 = vector.shape_cast %get3A_20 : vector<128xf32> to vector<1x128xf32>
    %add3A_22 = vector.broadcast %broadcast_in_dim3A_21 : vector<1x128xf32> to vector<2000x128xf32>
    %add3A_23 = arith.addf %mul3A_18, %add3A_22 : vector<2000x128xf32>
    %swap3A = arith.constant 0 : index
    %swap3A_24 = arith.constant 0 : index
    %swap3A_25 = vector.load %arg5[%swap3A, %swap3A_24] : memref<2000x128xf32, #tpu.memory_space<vmem>>, vector<2000x128xf32>
    tpu.vector_store %arg5[%swap3A, %swap3A_24], %add3A_23 {strides = array<i32>} : memref<2000x128xf32, #tpu.memory_space<vmem>>, vector<2000x128xf32>,
    return
  }
  func.func @transform_0(%arg0: i32) -> (i32, i32) {
    %c0_i32 = arith.constant 0 : i32
    %c0_i32_0 = arith.constant 0 : i32
    return %arg0, %c0_i32 : i32, i32
  }
  func.func @transform_1(%arg0: i32) -> (i32, i32) {
    %c0_i32 = arith.constant 0 : i32
    %c0_i32_0 = arith.constant 0 : i32
    return %arg0, %c0_i32 : i32, i32
  }
  func.func @transform_2(%arg0: i32) -> (i32, i32, i32) {
    %c0_i32 = arith.constant 0 : i32
    %c0_i32_0 = arith.constant 0 : i32
    %c0_i32_1 = arith.constant 0 : i32
    return %c0_i32, %arg0, %c0_i32_0 : i32, i32, i32
  }
  func.func @transform_3(%arg0: i32) -> i32 {
    %c0_i32 = arith.constant 0 : i32
    %c0_i32_0 = arith.constant 0 : i32
    return %c0_i32 : i32
  }
  func.func @transform_4(%arg0: i32) -> (i32, i32) {
    %c0_i32 = arith.constant 0 : i32
    %c0_i32_0 = arith.constant 0 : i32
    return %arg0, %c0_i32 : i32, i32
  }
}

</mosaic_0001>

<sc_bundles>
// kernel: kernel.11.cloned.1.call-start
scs
__scs_entry_jumppad:
0x0: {  	(pc) =	sbr.rel $0x88, $3  }
0x1: {  	(tag) =	ssettag $0x0;
	lr =	simm.s32 $0x1  }
0x2: {  	[smem:$0x3F9B] =	sst lr;
	_ =	strace $0xD0000000  }
0x3: {  	_ = 	snop  }
0x4: {  	_ = 	snop  }
0x5: {  	_ = 	snop  }
0x6: {  	_ = 	snop  }
0x7: {  	_ = 	snop  }
__scs_overlays_trampoline_lowered:
0x8: {  	[smem:$0x3FAA] =	sst s0  }
0x9: {  	[smem:$0x3FAB] =	sst s1  }
0xa: {  	[smem:$0x3FAC] =	sst s2  }
0xb: {  	[smem:$0x3FAD] =	sst s3  }
0xc: {  	[smem:$0x3FAE] =	sst s4  }
0xd: {  	[smem:$0x3FAF] =	sst s5  }
0xe: {  	[smem:$0x3FB0] =	sst s6  }
0xf: {  	[smem:$0x3FB1] =	sst s7  }
0x10: {  	[smem:$0x3FB2] =	sst s8  }
0x11: {  	[smem:$0x3FB3] =	sst s9;
	s0 =	simm.s32 @!p0 $0x0  }
0x12: {  	s1 =	sld [smem:$0x3F99];
	s0 =	simm.s32 @p0 $0x1  }
0x13: {  	[smem:$0x3FB4] =	sst s0;
	s0 =	simm.s32 @!p1 $0x0  }
0x14: {  	s2 =	sld [smem:$0x3F98];
	s0 =	simm.s32 @p1 $0x1  }
0x15: {  	[smem:$0x3FB5] =	sst s0;
	s0 =	simm.s32 @!p2 $0x0  }
0x16: {  	s3 =	sld [smem:$0x3FDB];
	s0 =	simm.s32 @p2 $0x1  }
0x17: {  	s4 =	simm.s32 $0x1BF5;
	[smem:$0x3FB7] =	sst s0  }
0x18: {  	s0 =	sld [smem:$0x3F9A];
	_ =	swait.ge [sflag:s4], $0x0  }
0x19: {  	s7 =	sld [smem:$0x3F9B]  }
0x1a: {  	s8 =	sadd.s32 $0xFFFFE003, lr  }
0x1b: {  	s9 =	sadd.s32 $0xFFFFFEF7, lr;
	s5 =	simm.s32 $0xFFFFFFFF;
	p2 =	slt.u32 s8, $0xFFFFF086  }
0x1c: {  	p1 =	slt.u32 s9, $0xF7A;
	s5 =	simm.s32 @!p2 $0x0  }
0x1d: {  	s5 =	simm.s32 @p1 $0x1;
	p0 =	seq.s32 s7, s2  }
0x1e: {  	s7 =	smul.u32 @!p0 $0xF7A, s2;
	p2 =	seq.s32 @!p0 s5, $0x0  }
0x1f: {  	s9 =	smul.u32 $0xF7A, s1;
	s8 =	simm.s32 @!p0 $0x1BF5;
	p2 =	por !p2, p0  }
0x20: {  	[sflag:s8] =	ssyncset.s32 @!p0 $0xFFFFF086;
	s6 =	sadd.s32 @!p0 s3, s7;
	s7 =	simm.s32 @!p0 $0x108  }
0x21: {  	s3 =	sadd.s32 s3, s9;
	s6 =	sadd.s32 @!p0 $0x88, s6;
	s7 =	simm.s32 @p2 $0x1082  }
0x22: {  	[simem:s7], [sflag:s8] =	dma.local @!p0 [hbm:s6], $0xF7A  }
0x23: {  	s9 =	sor.u32 $0xD0000000, s2;
	s6 =	simm.s32 $0x108;
	_ =	swait.ge @!p0 [sflag:s8], $0x0  }
0x24: {  	s3 =	sadd.s32 $0x88, s3;
	s6 =	simm.s32 @!p1 $0x1082;
	[sflag:s4] =	ssyncset.s32 $0xFFFFF086  }
0x25: {  	[simem:s6], [sflag:s4] =	dma.local [hbm:s3], $0xF7A  }
0x26: {  	[smem:$0x3F9B] =	sst s1;
	(tag) =	ssettag s2;
	_ =	strace s9  }
0x27: {  	s1 =	sld [smem:$0x3FAB]  }
0x28: {  	s2 =	sld [smem:$0x3FAC]  }
0x29: {  	s4 =	sld [smem:$0x3FAE]  }
0x2a: {  	p0 =	seq.s32 s5, $0x0;
	s5 =	sld [smem:$0x3FAF]  }
0x2b: {  	s6 =	sld [smem:$0x3FB0]  }
0x2c: {  	s7 =	sld [smem:$0x3FB1]  }
0x2d: {  	s3 =	simm.s32 $0x108;
	s8 =	sld [smem:$0x3FB2]  }
0x2e: {  	s3 =	simm.s32 @!p0 $0x1082;
	s9 =	sld [smem:$0x3FB3]  }
0x2f: {  	lr =	sadd.s32 s0, s3;
	s0 =	sld [smem:$0x3FAA]  }
0x30: {  	s3 =	sld [smem:$0x3FAD]  }
0x31: {  	[smem:$0x3FB6] =	sst s10  }
0x32: {  	s10 =	sld [smem:$0x3FB4];
	_ =	sdelay $0x3  }
0x33: {  	p0 =	seq.s32 s10, $0x1;
	s10 =	sld [smem:$0x3FB6];
	_ =	sdelay $0x3  }
0x34: {  	[smem:$0x3FB6] =	sst s10  }
0x35: {  	s10 =	sld [smem:$0x3FB5];
	_ =	sdelay $0x3  }
0x36: {  	p1 =	seq.s32 s10, $0x1;
	s10 =	sld [smem:$0x3FB6];
	_ =	sdelay $0x3  }
0x37: {  	[smem:$0x3FB6] =	sst s10  }
0x38: {  	s10 =	sld [smem:$0x3FB7]  }
0x39: {  	_ = 	snop;
	(pc) =	sbr.ind lr, $3  }
0x3a: {  	_ = 	snop  }
0x3b: {  	_ = 	snop  }
0x3c: {  	p2 =	seq.s32 s10, $0x1;
	s10 =	sld [smem:$0x3FB6]  }
0x3d: {  	_ =	shalt  }
0x3e: {  	_ =	shalt  }
0x3f: {  	_ =	shalt  }
0x40: {  	_ =	shalt  }
0x41: {  	_ =	shalt  }
0x42: {  	_ =	shalt  }
0x43: {  	_ =	shalt  }
0x44: {  	_ =	shalt  }
0x45: {  	_ =	shalt  }
0x46: {  	_ =	shalt  }
0x47: {  	_ =	shalt  }
0x48: {  	_ =	shalt  }
0x49: {  	_ =	shalt  }
0x4a: {  	_ =	shalt  }
0x4b: {  	_ =	shalt  }
0x4c: {  	_ =	shalt  }
0x4d: {  	_ =	shalt  }
0x4e: {  	_ =	shalt  }
0x4f: {  	_ =	shalt  }
0x50: {  	_ =	shalt  }
0x51: {  	_ =	shalt  }
0x52: {  	_ =	shalt  }
0x53: {  	_ =	shalt  }
0x54: {  	_ =	shalt  }
0x55: {  	_ =	shalt  }
0x56: {  	_ =	shalt  }
0x57: {  	_ =	shalt  }
0x58: {  	_ =	shalt  }
0x59: {  	_ =	shalt  }
0x5a: {  	_ =	shalt  }
0x5b: {  	_ =	shalt  }
0x5c: {  	_ =	shalt  }
0x5d: {  	_ =	shalt  }
0x5e: {  	_ =	shalt  }
0x5f: {  	_ =	shalt  }
0x60: {  	_ =	shalt  }
0x61: {  	_ =	shalt  }
0x62: {  	_ =	shalt  }
0x63: {  	_ =	shalt  }
0x64: {  	_ =	shalt  }
0x65: {  	_ =	shalt  }
0x66: {  	_ =	shalt  }
0x67: {  	_ =	shalt  }
0x68: {  	_ =	shalt  }
0x69: {  	_ =	shalt  }
0x6a: {  	_ =	shalt  }
0x6b: {  	_ =	shalt  }
0x6c: {  	_ =	shalt  }
0x6d: {  	_ =	shalt  }
0x6e: {  	_ =	shalt  }
0x6f: {  	_ =	shalt  }
0x70: {  	_ =	shalt  }
0x71: {  	_ =	shalt  }
0x72: {  	_ =	shalt  }
0x73: {  	_ =	shalt  }
0x74: {  	_ =	shalt  }
0x75: {  	_ =	shalt  }
0x76: {  	_ =	shalt  }
0x77: {  	_ =	shalt  }
0x78: {  	_ =	shalt  }
0x79: {  	_ =	shalt  }
0x7a: {  	_ =	shalt  }
0x7b: {  	_ =	shalt  }
0x7c: {  	_ =	shalt  }
0x7d: {  	_ =	shalt  }
0x7e: {  	_ =	shalt  }
0x7f: {  	_ =	shalt  }
0x80: {  	_ =	shalt  }
0x81: {  	_ =	shalt  }
0x82: {  	_ =	shalt  }
0x83: {  	_ =	shalt  }
0x84: {  	_ =	shalt  }
0x85: {  	_ =	shalt  }
0x86: {  	_ =	shalt  }
0x87: {  	_ =	shalt  }
.Lfunc_end0:
.L_simem_size_0:
called_computation.1_lowered:
.L_overlay_start_0:
0x88: {  	s2 =	sld [smem:$0x3FD9]  }
0x89: {  	s3 =	sld [smem:$0x3FFE];
	_ =	sdelay $0x1  }
0x8a: {  	s1 =	srdreg.scid  }
0x8b: {  	s0 =	sand.u32 $0x1, s1  }
0x8c: {  	s17 =	sshll.u32 s0, $0xA;
	s2 =	sadd.s32 s3, s2  }
0x8d: {  	s2 =	sadd.s32 s2, s17  }
0x8e: {  	[smem:$0x3FC2] =	sst s2  }
0x8f: {  	_ = 	snop  }
0x90: {  	s2 =	sld [smem:$0x3FD0];
	(tm) =	ssettm $0x1  }
0x91: {  	s18 =	sld [smem:$0x3FFB];
	_ =	sdelay $0x3  }
0x92: {  	_ =	strace s18  }
0x93: {  	s3 =	sld [smem:$0x3FFC];
	_ =	sdelay $0x3  }
0x94: {  	_ =	strace s3  }
0x95: {  	s3 =	sld [smem:$0x3FFD];
	_ =	sdelay $0x3  }
0x96: {  	_ =	strace s3  }
0x97: {  	_ =	strace $0x8FFFFFFF  }
0x98: {  	s19 =	sld [smem:$0x3FDB];
	_ =	sdelay $0x1  }
0x99: {  	s4 =	simm.s32 $_scs_section_size  }
0x9a: {  	s5 =	simm.s32 $_size__tile_overlayer_lowered;
	s6 =	simm.s32 $_tile_overlayer_lowered  }
0x9b: {  	s22 =	simm.s32 $0x1BFF;
	s21 =	sshll.u32 s6, $0x1;
	s3 =	sadd.s32 s4, s19  }
0x9c: {  	s7 =	simm.s32 $0x0;
	s20 =	sshll.u32 s5, $0x1;
	s5 =	sadd.s32 s21, s3  }
0x9d: {  	[timem:s7], [sflag:s22] =	dma.local [hbm:s5], s20  }
0x9e: {  	_ =	swait.ge [sflag:s22], s20  }
0x9f: {  	s4 =	ssub.s32 $0x0, s20;
	[sflag:s22] =	ssyncset.done $0x0  }
0xa0: {  	[sflag:s22] =	ssyncadd.s32 s4;
	_ =	sdelay $0x1  }
0xa1: {  	s23 =	simm.s32 $0x1B8B  }
0xa2: {  	_ =	swait.ge [sflag:s23], $0x1  }
0xa3: {  	[sflag:s23] =	ssyncset.done $0x0  }
0xa4: {  	s25 =	simm.s32 $0x1B8E;
	s24 =	sld [smem:$0x3FFE];
	[sflag:s23] =	ssyncadd.s32 $0xFFFFFFFF  }
0xa5: {  	s26 =	simm.s32 $execute0_lowered;
	[smem:$0x3FD2] =	sst s25  }
0xa6: {  	s5 =	sshll.u32 s26, $0x1;
	_ =	strace $0x80000049;
	[dreg:$0x1] =	wrdreg $0xFFFFFFFF  }
0xa7: {  	s28 =	simm.s32 $_size_execute0_lowered;
	s3 =	sadd.s32 s3, s5;
	[dreg:$0x0] =	wrdreg $0x0  }
0xa8: {  	s5 =	sshll.u32 s28, $0x1;
	[dreg:$0x2] =	wrdreg s3  }
0xa9: {  	[dreg:$0x3] =	wrdreg s5  }
0xaa: {  	[dreg:$0x4] =	wrdreg $0xC0  }
0xab: {  	_ =	task [dreg:s7], $0x5FFFF  }
0xac: {  	[dreg:$0x1] =	wrdreg $0xFFFFFFFF  }
0xad: {  	[dreg:$0x0] =	wrdreg $0x60  }
0xae: {  	[dreg:$0x2] =	wrdreg s24  }
0xaf: {  	[dreg:$0x3] =	wrdreg s2  }
0xb0: {  	[dreg:$0x4] =	wrdreg $0x83400  }
0xb1: {  	[dreg:$0x5] =	wrdreg $0x9  }
0xb2: {  	_ =	task.clear_ibuf [dreg:s7], $0x6FFFF;
	_ =	strace $0x90000049  }
0xb3: {  	s29 =	simm.s32 $0x9;
	_ =	strace $0x8000004B  }
0xb4: {  	_ =	swait.ge [sflag:s29], $0x1  }
0xb5: {  	[sflag:s29] =	ssyncadd.s32 $0xFFFFFFFF  }
0xb6: {  	_ =	strace $0x9000004B  }
0xb7: {  	_ =	sfence  }
0xb8: {  	s30 =	sld [smem:$0x0];
	_ =	sdelay $0x2  }
0xb9: {  	s31 =	sshll.u32 s1, $0xD;
	s1 =	sshrl.u32 s1, $0x2  }
0xba: {  	s3 =	sand.u32 $0x4000, s31;
	s1 =	sadd.s32 s1, s30  }
0xbb: {  	s0 =	sor.u32 s3, s0;
	s1 =	sshll.u32 s1, $0x11  }
0xbc: {  	s0 =	sor.u32 s1, s0  }
0xbd: {  	s0 =	sadd.s32 $0x8F2B, s0  }
0xbe: {  	[sflag:s0] =	ssyncadd.remote.s32 $0x1  }
0xbf: {  	_ =	sfence.sel $0xFFFF  }
0xc0: {  	[dreg:$0x0] =	wrdreg $0xFFFFFFFF;
	(pc) =	sbr.abs _section_cstart, $3  }
0xc1: {  	[dreg:$0x1] =	wrdreg $0xFFFFFFFF  }
0xc2: {  	_ =	task.clear_ibuf [dreg:s7], $0x2FFFF;
	_ =	strace $0x9FFFFFFF  }
0xc3: {  	(tm) =	ssettm $0x7FFFFFFF  }
tec
execute0_lowered:
.L_overlay_start_1:
0x0: {  	(tag) =	ssettag $0x1  }
0x1: {  	s0 =	rddreg [dreg:$0x0]  }
0x2: {  	s2 =	rddreg [dreg:$0x1]  }
0x3: {  	s1 =	rddreg [dreg:$0x2];
	s21 =	simm.s32 $0x0;
	s3 =	stileid.u32  }
0x4: {  	s7 =	srdreg.scid;
	s29 =	simm.s32 $0x4740;
	s31 =	simm.s32 $0x5B40  }
0x5: {  	s28 =	simm.s32 $0x1;
	s30 =	simm.s32 $0x3;
	s15 =	simm.s32 $0x1DB0  }
0x6: {  	[smem:$0x7FF] =	sst s21;
	s4 =	sadd.s32 $0x64E00, s0;
	s9 =	smul.u32 $0x9E00, s3  }
0x7: {  	s5 =	sadd.s32 $0x78800, s0;
	s6 =	sadd.s32 $0x3000, s0;
	s10 =	sand.u32 $0x1, s7  }
0x8: {  	s7 =	smul.u32 $0x4E20, s3;
	s8 =	sadd.s32 $0xCE00, s0;
	s19 =	sadd.s32 $0x94200, s1  }
0x9: {  	s20 =	sadd.s32 $0x77640, s0;
	_ =	strace $0x8000004A;
	[dreg:$0x8] =	wrdreg s19  }
0xa: {  	s24 =	sadd.s32 $0x8B040, s0;
	p1 =	seq.s32 s3, $0xF;
	[dreg:$0x9] =	wrdreg s20  }
0xb: {  	s12 =	ssub.s32 $0x2, s10;
	p0 =	seq.s32 s10, $0x1;
	[dreg:$0xd] =	wrdreg s24  }
0xc: {  	s24 =	simm.s32 $0x50;
	s19 =	simm.s32 $0x1EF0;
	s20 =	simm.s32 $0x0  }
0xd: {  	s11 =	sshrl.u32 s9, $0x3;
	s16 =	sshrl.u32 s7, $0x3;
	s9 =	sadd.s32 s9, s1  }
0xe: {  	s14 =	sshrl.u32 s12, $0x1;
	s17 =	sadd.s32 s6, s16;
	[dreg:$0x6] =	wrdreg s9  }
0xf: {  	s13 =	sadd.s32 s11, s0;
	s10 =	sadd.s32 s8, s16;
	[dreg:$0x4] =	wrdreg s17  }
0x10: {  	s12 =	ssub.s32 s12, s14;
	s18 =	sadd.s32 s4, s11;
	[dreg:$0x5] =	wrdreg s10  }
0x11: {  	s22 =	sadd.s32 s2, s11;
	s2 =	sadd.s32 $0x12840, s2;
	[dreg:$0x7] =	wrdreg s18  }
0x12: {  	s23 =	sadd.s32 s5, s11;
	s0 =	sadd.s32 $0x9EA40, s0;
	[dreg:$0xa] =	wrdreg s22  }
0x13: {  	s14 =	simm.s32 $0x4;
	s16 =	simm.s32 $0x1E00;
	[dreg:$0xb] =	wrdreg s2  }
.Ltmp0:
0x14: {  	[dreg:$0xc] =	wrdreg s23;
	s25 =	sadd.s32 $0x8C200, s13;
	(pc) =	sbr.rel .LBB2_1-.Ltmp0, $4  }
0x15: {  	[dreg:$0xf] =	wrdreg s0;
	s26 =	smax.u32 s12, $0x1;
	s22 =	simm.s32 $0x6  }
0x16: {  	s23 =	simm.s32 $0x6F40;
	s12 =	simm.s32 $0x2;
	s0 =	simm.s32 $0x5  }
0x17: {  	s17 =	simm.s32 $0x1E50;
	s18 =	simm.s32 $0x1EA0;
	[dreg:$0xe] =	wrdreg s25  }
0x18: {  	[dreg:$0x10] =	wrdreg s26;
	s25 =	simm.s32 $0x1F40;
	s26 =	simm.s32 $0x3340  }
.LBB2_12:
0x19: {  	s20 =	sadd.s32 $0x1, s20;
	s2 =	rddreg [dreg:$0x10]  }
0x1a: {  	p2 =	sne.s32 s20, s2  }
.Ltmp1:
0x1b: {  	_ = 	snop;
	(pc) =	sbr.rel @!p2 .LBB2_13-.Ltmp1, $2  }
0x1c: {  	_ =	sdelay $0x2  }
0x1d: {  	s21 =	simm.s32 $0x0  }
.LBB2_1:
0x1e: {  	s2 =	rddreg [dreg:$0x4]  }
0x1f: {  	[tilespmem:s21], [sflag:$0x6] =	stream.linear.gather [hbm4b:s2+s21], $0xFA0, $0x38;
	[tilespmem:$0x12140] =	vst v63  }
0x20: {  	_ =	swait.ge [sflag:s22], $0xFA0  }
0x21: {  	[sflag:s22] =	ssyncset.done $0x0  }
0x22: {  	s3 =	simm.s32 $0xFA0;
	s13 =	rddreg [dreg:$0x5];
	[sflag:s22] =	ssyncadd.s32 $0xFFFFF060  }
0x23: {  	[tilespmem:s3], [sflag:$0x6] =	stream.linear.gather [hbm4b:s13+s21], $0xFA0, $0x38;
	[tilespmem:$0x12140] =	vst v63  }
.Ltmp2:
0x24: {  	s2 =	stileid.u32;
	_ =	swait.ge [sflag:s22], $0xFA0;
	(pc) =	sbr.rel @!p0 .LBB2_2-.Ltmp2, $4  }
0x25: {  	s9 =	sshll.u32 @!p1 s2, $0x6;
	s2 =	rddreg [dreg:$0x8]  }
0x26: {  	s10 =	sshrl.u32 @p1 s2, $0x3;
	s2 =	rddreg [dreg:$0x6]  }
0x27: {  	[sflag:s22] =	ssyncset.done $0x0;
	s13 =	sshrl.u32 @!p1 s2, $0x3  }
0x28: {  	s9 =	sor.u32 @!p1 $0x1C06, s9;
	[sflag:s22] =	ssyncadd.s32 $0xFFFFF060;
	[dreg:$0x11] =	wrdreg s13  }
0x29: {  	[tilespmem:s25], [sflag:$0x1] =	stream.indirect.gather [hbm4b:s5+s24], $0x40, s21, s24, $0xb8;
	[tilespmem:$0x12140] =	vst v63  }
0x2a: {  	_ = 	snop  }
0x2b: {  	[tilespmem:s26], [sflag:$0x2] =	stream.indirect.gather [hbm4b:s5+s24], $0x40, s24, s24, $0xb8;
	[tilespmem:$0x12140] =	vst v63  }
0x2c: {  	s2 =	simm.s32 $0xA0  }
0x2d: {  	[tilespmem:s29], [sflag:$0x3] =	stream.indirect.gather [hbm4b:s5+s24], $0x40, s2, s24, $0xb8;
	[tilespmem:$0x12140] =	vst v63  }
0x2e: {  	s11 =	simm.s32 $0xF0  }
0x2f: {  	[tilespmem:s31], [sflag:$0x4] =	stream.indirect.gather [hbm4b:s5+s24], $0x40, s11, s24, $0xb8;
	[tilespmem:$0x12140] =	vst v63  }
0x30: {  	s21 =	simm.s32 $0x140;
	s3 =	rddreg [dreg:$0xd];
	s2 =	simm.s32 @p1 $0x1FC6  }
0x31: {  	[tilespmem:s23], [sflag:$0x5] =	stream.indirect.gather [hbm4b:s5+s24], $0x40, s21, s24, $0xb8;
	[tilespmem:$0x12140] =	vst v63  }
0x32: {  	[spmem:s10], [sflag:s2] =	dma.local @p1 [hbm:s3], $0x1040  }
0x33: {  	s2 =	simm.s32 @p1 $0x6  }
0x34: {  	_ =	swait.ge @p1 [sflag:s2], $0x1040  }
0x35: {  	[sflag:s2] =	ssyncset.done @p1 $0x0  }
0x36: {  	[sflag:s2] =	ssyncadd.s32 @p1 $0xFFFFEFC0;
	s2 =	rddreg [dreg:$0xc]  }
0x37: {  	[spmem:s13], [sflag:s9] =	dma.local @!p1 [hbm:s2], $0x13C0  }
0x38: {  	s2 =	simm.s32 @!p1 $0x6  }
0x39: {  	_ =	swait.ge @!p1 [sflag:s2], $0x13C0  }
0x3a: {  	[sflag:s2] =	ssyncset.done @!p1 $0x0  }
0x3b: {  	[sflag:s2] =	ssyncadd.s32 @!p1 $0xFFFFEC40  }
0x3c: {  	s11 =	simm.s32 $0x0;
	[bflag:$0x0] =	sbarrier.arrive $0xFFFF  }
.LBB2_8:
0x3d: {  	p2 =	seq.s32 s11, $0x0  }
0x3e: {  	s2 =	smul.u32 @!p2 $0xFA0, s11;
	_ =	sdelay $0x1  }
0x3f: {  	s2 =	sadd.s32 @!p2 s7, s2  }
0x40: {  	s2 =	sshrl.u32 @!p2 s2, $0x3  }
0x41: {  	s13 =	simm.s32 @!p2 $0x0;
	s3 =	sadd.s32 @!p2 s6, s2  }
0x42: {  	[tilespmem:s13], [sflag:$0x6] =	stream.linear.gather @!p2 [hbm4b:s3+s13], $0xFA0, $0x38;
	[tilespmem:$0x12140] =	vst v63  }
0x43: {  	s3 =	simm.s32 @!p2 $0x6  }
0x44: {  	_ =	swait.ge @!p2 [sflag:s3], $0xFA0  }
0x45: {  	[sflag:s3] =	ssyncset.done @!p2 $0x0  }
0x46: {  	s21 =	simm.s32 @!p2 $0xFA0;
	s2 =	sadd.s32 @!p2 s8, s2;
	[sflag:s3] =	ssyncadd.s32 @!p2 $0xFFFFF060  }
0x47: {  	[tilespmem:s21], [sflag:$0x6] =	stream.linear.gather @!p2 [hbm4b:s2+s13], $0xFA0, $0x38;
	[tilespmem:$0x12140] =	vst v63  }
0x48: {  	_ =	swait.ge @!p2 [sflag:s3], $0xFA0  }
0x49: {  	[sflag:s3] =	ssyncset.done @!p2 $0x0  }
0x4a: {  	s2 =	simm.s32 @!p2 $0x50;
	[sflag:s3] =	ssyncadd.s32 @!p2 $0xFFFFF060;
	s3 =	simm.s32 @!p2 $0x1F40  }
0x4b: {  	[tilespmem:s3], [sflag:$0x1] =	stream.indirect.gather @!p2 [hbm4b:s5+s2], $0x40, s13, s2, $0xb8;
	[tilespmem:$0x12140] =	vst v63  }
0x4c: {  	s3 =	simm.s32 @!p2 $0x3340  }
0x4d: {  	[tilespmem:s3], [sflag:$0x2] =	stream.indirect.gather @!p2 [hbm4b:s5+s2], $0x40, s2, s2, $0xb8;
	[tilespmem:$0x12140] =	vst v63  }
0x4e: {  	s13 =	simm.s32 @!p2 $0x4740;
	s3 =	simm.s32 @!p2 $0xA0  }
0x4f: {  	[tilespmem:s13], [sflag:$0x3] =	stream.indirect.gather @!p2 [hbm4b:s5+s2], $0x40, s3, s2, $0xb8;
	[tilespmem:$0x12140] =	vst v63  }
0x50: {  	s3 =	simm.s32 @!p2 $0xF0;
	s13 =	simm.s32 @!p2 $0x5B40  }
0x51: {  	[tilespmem:s13], [sflag:$0x4] =	stream.indirect.gather @!p2 [hbm4b:s5+s2], $0x40, s3, s2, $0xb8;
	[tilespmem:$0x12140] =	vst v63  }
0x52: {  	s3 =	simm.s32 @!p2 $0x140;
	s13 =	simm.s32 @!p2 $0x6F40  }
0x53: {  	[tilespmem:s13], [sflag:$0x5] =	stream.indirect.gather @!p2 [hbm4b:s5+s2], $0x40, s3, s2, $0xb8;
	[tilespmem:$0x12140] =	vst v63  }
0x54: {  	_ =	swait.ge [sflag:s28], $0x1400  }
0x55: {  	[sflag:s28] =	ssyncset.done $0x0  }
0x56: {  	s3 =	simm.s32 $0xFA0;
	[sflag:s28] =	ssyncadd.s32 $0xFFFFEC00  }
0x57: {  	[spmem:s1] =	stream.indirect.scatter.add.f32 [tilespmem:s25], [sflag:$0x6], $0x40, s3, s24, $0xb8;
	[tilespmem:$0x12140] =	vst v63  }
0x58: {  	_ =	swait.ge [sflag:s22], $0x1400  }
0x59: {  	[sflag:s22] =	ssyncset.done $0x0  }
0x5a: {  	s13 =	simm.s32 $0x190;
	[sflag:s22] =	ssyncadd.s32 $0xFFFFEC00  }
0x5b: {  	[tilespmem:s25], [sflag:$0x1] =	stream.indirect.gather [hbm4b:s5+s24], $0x40, s13, s24, $0xb8;
	[tilespmem:$0x12140] =	vst v63  }
0x5c: {  	_ =	swait.ge [sflag:s12], $0x1400  }
0x5d: {  	[sflag:s12] =	ssyncset.done $0x0  }
0x5e: {  	s21 =	simm.s32 $0xFF0;
	[sflag:s12] =	ssyncadd.s32 $0xFFFFEC00  }
0x5f: {  	[spmem:s1] =	stream.indirect.scatter.add.f32 [tilespmem:s26], [sflag:$0x6], $0x40, s21, s24, $0xb8;
	[tilespmem:$0x12140] =	vst v63  }
0x60: {  	_ =	swait.ge [sflag:s22], $0x1400  }
0x61: {  	[sflag:s22] =	ssyncset.done $0x0  }
0x62: {  	s3 =	simm.s32 $0x1E0;
	[sflag:s22] =	ssyncadd.s32 $0xFFFFEC00  }
0x63: {  	[tilespmem:s26], [sflag:$0x2] =	stream.indirect.gather [hbm4b:s5+s24], $0x40, s3, s24, $0xb8;
	[tilespmem:$0x12140] =	vst v63  }
0x64: {  	_ =	swait.ge [sflag:s30], $0x1400  }
0x65: {  	[sflag:s30] =	ssyncset.done $0x0  }
0x66: {  	s13 =	simm.s32 $0x1040;
	[sflag:s30] =	ssyncadd.s32 $0xFFFFEC00  }
0x67: {  	[spmem:s1] =	stream.indirect.scatter.add.f32 [tilespmem:s29], [sflag:$0x6], $0x40, s13, s24, $0xb8;
	[tilespmem:$0x12140] =	vst v63  }
0x68: {  	_ =	swait.ge [sflag:s22], $0x1400  }
0x69: {  	[sflag:s22] =	ssyncset.done $0x0  }
0x6a: {  	s21 =	simm.s32 $0x230;
	[sflag:s22] =	ssyncadd.s32 $0xFFFFEC00  }
0x6b: {  	[tilespmem:s29], [sflag:$0x3] =	stream.indirect.gather [hbm4b:s5+s24], $0x40, s21, s24, $0xb8;
	[tilespmem:$0x12140] =	vst v63  }
0x6c: {  	_ =	swait.ge [sflag:s14], $0x1400  }
0x6d: {  	[sflag:s14] =	ssyncset.done $0x0  }
0x6e: {  	s3 =	simm.s32 $0x1090;
	[sflag:s14] =	ssyncadd.s32 $0xFFFFEC00  }
0x6f: {  	[spmem:s1] =	stream.indirect.scatter.add.f32 [tilespmem:s31], [sflag:$0x6], $0x40, s3, s24, $0xb8;
	[tilespmem:$0x12140] =	vst v63  }
0x70: {  	_ =	swait.ge [sflag:s22], $0x1400  }
0x71: {  	[sflag:s22] =	ssyncset.done $0x0  }
0x72: {  	s13 =	simm.s32 $0x280;
	[sflag:s22] =	ssyncadd.s32 $0xFFFFEC00  }
0x73: {  	[tilespmem:s31], [sflag:$0x4] =	stream.indirect.gather [hbm4b:s5+s24], $0x40, s13, s24, $0xb8;
	[tilespmem:$0x12140] =	vst v63  }
0x74: {  	_ =	swait.ge [sflag:s0], $0x1400  }
0x75: {  	[sflag:s0] =	ssyncset.done $0x0  }
0x76: {  	s21 =	simm.s32 $0x10E0;
	[sflag:s0] =	ssyncadd.s32 $0xFFFFEC00  }
0x77: {  	[spmem:s1] =	stream.indirect.scatter.add.f32 [tilespmem:s23], [sflag:$0x6], $0x40, s21, s24, $0xb8;
	[tilespmem:$0x12140] =	vst v63  }
0x78: {  	_ =	swait.ge [sflag:s22], $0x1400  }
0x79: {  	[sflag:s22] =	ssyncset.done $0x0  }
0x7a: {  	s13 =	simm.s32 $0x640;
	s21 =	simm.s32 $0x2D0;
	[sflag:s22] =	ssyncadd.s32 $0xFFFFEC00  }
.LBB2_9:
0x7b: {  	[tilespmem:s23], [sflag:$0x5] =	stream.indirect.gather [hbm4b:s5+s24], $0x40, s21, s24, $0xb8;
	[tilespmem:$0x12140] =	vst v63  }
0x7c: {  	s2 =	smov.u32 s13  }
0x7d: {  	p2 =	sne.s32 s13, $0x3200;
	s13 =	sadd.s32 $0x640, s13;
	_ =	swait.ge [sflag:s28], $0x1400  }
0x7e: {  	s21 =	sshra.s32 s2, $0x2;
	[sflag:s28] =	ssyncset.done $0x0  }
0x7f: {  	s2 =	sadd.s32 $0xFA0, s21;
	[sflag:s28] =	ssyncadd.s32 $0xFFFFEC00  }
0x80: {  	[spmem:s1] =	stream.indirect.scatter.add.f32 [tilespmem:s25], [sflag:$0x6], $0x40, s2, s24, $0xb8;
	[tilespmem:$0x12140] =	vst v63  }
0x81: {  	_ =	swait.ge [sflag:s22], $0x1400  }
0x82: {  	[sflag:s22] =	ssyncset.done $0x0  }
0x83: {  	s2 =	sadd.s32 $0x190, s21;
	[sflag:s22] =	ssyncadd.s32 $0xFFFFEC00  }
0x84: {  	[tilespmem:s25], [sflag:$0x1] =	stream.indirect.gather [hbm4b:s5+s24], $0x40, s2, s24, $0xb8;
	[tilespmem:$0x12140] =	vst v63  }
0x85: {  	_ =	swait.ge [sflag:s12], $0x1400  }
0x86: {  	[sflag:s12] =	ssyncset.done $0x0  }
0x87: {  	s2 =	sadd.s32 $0xFF0, s21;
	[sflag:s12] =	ssyncadd.s32 $0xFFFFEC00  }
0x88: {  	[spmem:s1] =	stream.indirect.scatter.add.f32 [tilespmem:s26], [sflag:$0x6], $0x40, s2, s24, $0xb8;
	[tilespmem:$0x12140] =	vst v63  }
0x89: {  	_ =	swait.ge [sflag:s22], $0x1400  }
0x8a: {  	[sflag:s22] =	ssyncset.done $0x0  }
0x8b: {  	s2 =	sadd.s32 $0x1E0, s21;
	[sflag:s22] =	ssyncadd.s32 $0xFFFFEC00  }
0x8c: {  	[tilespmem:s26], [sflag:$0x2] =	stream.indirect.gather [hbm4b:s5+s24], $0x40, s2, s24, $0xb8;
	[tilespmem:$0x12140] =	vst v63  }
0x8d: {  	_ =	swait.ge [sflag:s30], $0x1400  }
0x8e: {  	[sflag:s30] =	ssyncset.done $0x0  }
0x8f: {  	s2 =	sadd.s32 $0x1040, s21;
	[sflag:s30] =	ssyncadd.s32 $0xFFFFEC00  }
0x90: {  	[spmem:s1] =	stream.indirect.scatter.add.f32 [tilespmem:s29], [sflag:$0x6], $0x40, s2, s24, $0xb8;
	[tilespmem:$0x12140] =	vst v63  }
0x91: {  	_ =	swait.ge [sflag:s22], $0x1400  }
0x92: {  	[sflag:s22] =	ssyncset.done $0x0  }
0x93: {  	s2 =	sadd.s32 $0x230, s21;
	[sflag:s22] =	ssyncadd.s32 $0xFFFFEC00  }
0x94: {  	[tilespmem:s29], [sflag:$0x3] =	stream.indirect.gather [hbm4b:s5+s24], $0x40, s2, s24, $0xb8;
	[tilespmem:$0x12140] =	vst v63  }
0x95: {  	_ =	swait.ge [sflag:s14], $0x1400  }
0x96: {  	[sflag:s14] =	ssyncset.done $0x0  }
0x97: {  	s2 =	sadd.s32 $0x1090, s21;
	[sflag:s14] =	ssyncadd.s32 $0xFFFFEC00  }
0x98: {  	[spmem:s1] =	stream.indirect.scatter.add.f32 [tilespmem:s31], [sflag:$0x6], $0x40, s2, s24, $0xb8;
	[tilespmem:$0x12140] =	vst v63  }
0x99: {  	_ =	swait.ge [sflag:s22], $0x1400  }
0x9a: {  	[sflag:s22] =	ssyncset.done $0x0  }
0x9b: {  	s2 =	sadd.s32 $0x280, s21;
	[sflag:s22] =	ssyncadd.s32 $0xFFFFEC00  }
0x9c: {  	[tilespmem:s31], [sflag:$0x4] =	stream.indirect.gather [hbm4b:s5+s24], $0x40, s2, s24, $0xb8;
	[tilespmem:$0x12140] =	vst v63  }
0x9d: {  	_ =	swait.ge [sflag:s0], $0x1400  }
0x9e: {  	[sflag:s0] =	ssyncset.done $0x0  }
.Ltmp3:
0x9f: {  	s2 =	sadd.s32 $0x10E0, s21;
	[sflag:s0] =	ssyncadd.s32 $0xFFFFEC00;
	(pc) =	sbr.rel @p2 .LBB2_9-.Ltmp3, $4  }
0xa0: {  	[spmem:s1] =	stream.indirect.scatter.add.f32 [tilespmem:s23], [sflag:$0x6], $0x40, s2, s24, $0xb8;
	[tilespmem:$0x12140] =	vst v63  }
0xa1: {  	_ =	swait.ge [sflag:s22], $0x1400  }
0xa2: {  	[sflag:s22] =	ssyncset.done $0x0  }
0xa3: {  	s21 =	sadd.s32 $0x2D0, s21;
	[sflag:s22] =	ssyncadd.s32 $0xFFFFEC00  }
0xa4: {  	[tilespmem:s23], [sflag:$0x5] =	stream.indirect.gather [hbm4b:s5+s24], $0x40, s21, s24, $0xb8;
	[tilespmem:$0x12140] =	vst v63  }
0xa5: {  	_ =	swait.ge [sflag:s28], $0x1400  }
0xa6: {  	[sflag:s28] =	ssyncset.done $0x0  }
0xa7: {  	[sflag:s28] =	ssyncadd.s32 $0xFFFFEC00  }
0xa8: {  	[spmem:s1] =	stream.indirect.scatter.add.f32 [tilespmem:s25], [sflag:$0x6], $0x40, s15, s24, $0xb8;
	[tilespmem:$0x12140] =	vst v63  }
0xa9: {  	_ =	swait.ge [sflag:s22], $0x1400  }
0xaa: {  	[sflag:s22] =	ssyncset.done $0x0  }
0xab: {  	[sflag:s22] =	ssyncadd.s32 $0xFFFFEC00  }
0xac: {  	_ =	swait.ge [sflag:s12], $0x1400  }
0xad: {  	[sflag:s12] =	ssyncset.done $0x0  }
0xae: {  	[sflag:s12] =	ssyncadd.s32 $0xFFFFEC00  }
0xaf: {  	[spmem:s1] =	stream.indirect.scatter.add.f32 [tilespmem:s26], [sflag:$0x6], $0x40, s16, s24, $0xb8;
	[tilespmem:$0x12140] =	vst v63  }
0xb0: {  	_ =	swait.ge [sflag:s22], $0x1400  }
0xb1: {  	[sflag:s22] =	ssyncset.done $0x0  }
0xb2: {  	[sflag:s22] =	ssyncadd.s32 $0xFFFFEC00  }
0xb3: {  	_ =	swait.ge [sflag:s30], $0x1400  }
0xb4: {  	[sflag:s30] =	ssyncset.done $0x0  }
0xb5: {  	[sflag:s30] =	ssyncadd.s32 $0xFFFFEC00  }
0xb6: {  	[spmem:s1] =	stream.indirect.scatter.add.f32 [tilespmem:s29], [sflag:$0x6], $0x40, s17, s24, $0xb8;
	[tilespmem:$0x12140] =	vst v63  }
0xb7: {  	_ =	swait.ge [sflag:s22], $0x1400  }
0xb8: {  	[sflag:s22] =	ssyncset.done $0x0  }
0xb9: {  	[sflag:s22] =	ssyncadd.s32 $0xFFFFEC00  }
0xba: {  	_ =	swait.ge [sflag:s14], $0x1400  }
0xbb: {  	[sflag:s14] =	ssyncset.done $0x0  }
0xbc: {  	[sflag:s14] =	ssyncadd.s32 $0xFFFFEC00  }
0xbd: {  	[spmem:s1] =	stream.indirect.scatter.add.f32 [tilespmem:s31], [sflag:$0x6], $0x40, s18, s24, $0xb8;
	[tilespmem:$0x12140] =	vst v63  }
0xbe: {  	_ =	swait.ge [sflag:s22], $0x1400  }
0xbf: {  	[sflag:s22] =	ssyncset.done $0x0  }
0xc0: {  	[sflag:s22] =	ssyncadd.s32 $0xFFFFEC00  }
0xc1: {  	s11 =	sadd.s32 $0x1, s11;
	_ =	swait.ge [sflag:s0], $0x1400  }
0xc2: {  	p2 =	sne.s32 s11, $0x5;
	[sflag:s0] =	ssyncset.done $0x0  }
.Ltmp4:
0xc3: {  	[sflag:s0] =	ssyncadd.s32 $0xFFFFEC00;
	(pc) =	sbr.rel @p2 .LBB2_8-.Ltmp4, $4  }
0xc4: {  	[spmem:s1] =	stream.indirect.scatter.add.f32 [tilespmem:s23], [sflag:$0x6], $0x40, s19, s24, $0xb8;
	[tilespmem:$0x12140] =	vst v63  }
0xc5: {  	_ =	swait.ge [sflag:s22], $0x1400  }
0xc6: {  	[sflag:s22] =	ssyncset.done $0x0  }
0xc7: {  	[sflag:s22] =	ssyncadd.s32 $0xFFFFEC00  }
0xc8: {  	[bflag:$0x0] =	sbarrier.arrive $0xFFFF  }
0xc9: {  	s2 =	simm.s32 @p1 $0x1FC6;
	s3 =	rddreg [dreg:$0xf]  }
0xca: {  	[hbm:s3], [sflag:s2] =	dma.local @p1 [spmem:s10], $0x1040  }
0xcb: {  	s2 =	simm.s32 @p1 $0x6  }
0xcc: {  	_ =	swait.ge @p1 [sflag:s2], $0x1040  }
0xcd: {  	[sflag:s2] =	ssyncset.done @p1 $0x0;
	s3 =	rddreg [dreg:$0x11]  }
0xce: {  	[sflag:s2] =	ssyncadd.s32 @p1 $0xFFFFEFC0;
	s2 =	rddreg [dreg:$0xe]  }
0xcf: {  	[hbm:s2], [sflag:s9] =	dma.local @!p1 [spmem:s3], $0x13C0  }
.Ltmp5:
0xd0: {  	_ = 	snop;
	(pc) =	sbr.rel .LBB2_12-.Ltmp5, $4  }
0xd1: {  	s2 =	simm.s32 @!p1 $0x6  }
0xd2: {  	_ =	swait.ge @!p1 [sflag:s2], $0x13C0  }
0xd3: {  	[sflag:s2] =	ssyncset.done @!p1 $0x0  }
0xd4: {  	[sflag:s2] =	ssyncadd.s32 @!p1 $0xFFFFEC40  }
.LBB2_2:
0xd5: {  	[tilespmem:s25], [sflag:$0x1] =	stream.indirect.gather [hbm4b:s4+s24], $0x40, s21, s24, $0xb8;
	[tilespmem:$0x12140] =	vst v63  }
0xd6: {  	_ = 	snop  }
0xd7: {  	[tilespmem:s26], [sflag:$0x2] =	stream.indirect.gather [hbm4b:s4+s24], $0x40, s24, s24, $0xb8;
	[tilespmem:$0x12140] =	vst v63  }
0xd8: {  	s2 =	simm.s32 $0xA0  }
0xd9: {  	[tilespmem:s29], [sflag:$0x3] =	stream.indirect.gather [hbm4b:s4+s24], $0x40, s2, s24, $0xb8;
	[tilespmem:$0x12140] =	vst v63  }
0xda: {  	s11 =	simm.s32 $0xF0  }
0xdb: {  	[tilespmem:s31], [sflag:$0x4] =	stream.indirect.gather [hbm4b:s4+s24], $0x40, s11, s24, $0xb8;
	[tilespmem:$0x12140] =	vst v63  }
0xdc: {  	s21 =	simm.s32 $0x140;
	s2 =	rddreg [dreg:$0x9];
	s11 =	simm.s32 @p1 $0x1FC6  }
0xdd: {  	[tilespmem:s23], [sflag:$0x5] =	stream.indirect.gather [hbm4b:s4+s24], $0x40, s21, s24, $0xb8;
	[tilespmem:$0x12140] =	vst v63  }
0xde: {  	[spmem:s10], [sflag:s11] =	dma.local @p1 [hbm:s2], $0x1040  }
0xdf: {  	s11 =	simm.s32 @p1 $0x6  }
0xe0: {  	_ =	swait.ge @p1 [sflag:s11], $0x1040  }
0xe1: {  	[sflag:s11] =	ssyncset.done @p1 $0x0  }
0xe2: {  	s2 =	rddreg [dreg:$0x7];
	[sflag:s11] =	ssyncadd.s32 @p1 $0xFFFFEFC0;
	s11 =	simm.s32 @!p1 $0x6  }
0xe3: {  	[spmem:s13], [sflag:s9] =	dma.local @!p1 [hbm:s2], $0x13C0  }
0xe4: {  	_ =	swait.ge @!p1 [sflag:s11], $0x13C0  }
0xe5: {  	[sflag:s11] =	ssyncset.done @!p1 $0x0  }
0xe6: {  	[sflag:s11] =	ssyncadd.s32 @!p1 $0xFFFFEC40  }
0xe7: {  	s11 =	simm.s32 $0x0;
	[bflag:$0x0] =	sbarrier.arrive $0xFFFF  }
.LBB2_3:
0xe8: {  	p2 =	seq.s32 s11, $0x0  }
0xe9: {  	s13 =	smul.u32 @!p2 $0xFA0, s11;
	_ =	sdelay $0x1  }
0xea: {  	s13 =	sadd.s32 @!p2 s7, s13  }
0xeb: {  	s13 =	sshrl.u32 @!p2 s13, $0x3  }
0xec: {  	s3 =	simm.s32 @!p2 $0x0;
	s21 =	sadd.s32 @!p2 s6, s13  }
0xed: {  	[tilespmem:s3], [sflag:$0x6] =	stream.linear.gather @!p2 [hbm4b:s21+s3], $0xFA0, $0x38;
	[tilespmem:$0x12140] =	vst v63  }
0xee: {  	s21 =	simm.s32 @!p2 $0x6  }
0xef: {  	_ =	swait.ge @!p2 [sflag:s21], $0xFA0  }
0xf0: {  	[sflag:s21] =	ssyncset.done @!p2 $0x0  }
0xf1: {  	s2 =	simm.s32 @!p2 $0xFA0;
	s13 =	sadd.s32 @!p2 s8, s13;
	[sflag:s21] =	ssyncadd.s32 @!p2 $0xFFFFF060  }
0xf2: {  	[tilespmem:s2], [sflag:$0x6] =	stream.linear.gather @!p2 [hbm4b:s13+s3], $0xFA0, $0x38;
	[tilespmem:$0x12140] =	vst v63  }
0xf3: {  	_ =	swait.ge @!p2 [sflag:s21], $0xFA0  }
0xf4: {  	[sflag:s21] =	ssyncset.done @!p2 $0x0  }
0xf5: {  	s2 =	simm.s32 @!p2 $0x50;
	s13 =	simm.s32 @!p2 $0x1F40;
	[sflag:s21] =	ssyncadd.s32 @!p2 $0xFFFFF060  }
0xf6: {  	[tilespmem:s13], [sflag:$0x1] =	stream.indirect.gather @!p2 [hbm4b:s4+s2], $0x40, s3, s2, $0xb8;
	[tilespmem:$0x12140] =	vst v63  }
0xf7: {  	s3 =	simm.s32 @!p2 $0x3340  }
0xf8: {  	[tilespmem:s3], [sflag:$0x2] =	stream.indirect.gather @!p2 [hbm4b:s4+s2], $0x40, s2, s2, $0xb8;
	[tilespmem:$0x12140] =	vst v63  }
0xf9: {  	s13 =	simm.s32 @!p2 $0x4740;
	s3 =	simm.s32 @!p2 $0xA0  }
0xfa: {  	[tilespmem:s13], [sflag:$0x3] =	stream.indirect.gather @!p2 [hbm4b:s4+s2], $0x40, s3, s2, $0xb8;
	[tilespmem:$0x12140] =	vst v63  }
0xfb: {  	s3 =	simm.s32 @!p2 $0xF0;
	s13 =	simm.s32 @!p2 $0x5B40  }
0xfc: {  	[tilespmem:s13], [sflag:$0x4] =	stream.indirect.gather @!p2 [hbm4b:s4+s2], $0x40, s3, s2, $0xb8;
	[tilespmem:$0x12140] =	vst v63  }
0xfd: {  	s3 =	simm.s32 @!p2 $0x140;
	s13 =	simm.s32 @!p2 $0x6F40  }
0xfe: {  	[tilespmem:s13], [sflag:$0x5] =	stream.indirect.gather @!p2 [hbm4b:s4+s2], $0x40, s3, s2, $0xb8;
	[tilespmem:$0x12140] =	vst v63  }
0xff: {  	_ =	swait.ge [sflag:s28], $0x1400  }
0x100: {  	[sflag:s28] =	ssyncset.done $0x0  }
0x101: {  	s3 =	simm.s32 $0xFA0;
	[sflag:s28] =	ssyncadd.s32 $0xFFFFEC00  }
0x102: {  	[spmem:s1] =	stream.indirect.scatter.add.f32 [tilespmem:s25], [sflag:$0x6], $0x40, s3, s24, $0xb8;
	[tilespmem:$0x12140] =	vst v63  }
0x103: {  	_ =	swait.ge [sflag:s22], $0x1400  }
0x104: {  	[sflag:s22] =	ssyncset.done $0x0  }
0x105: {  	s13 =	simm.s32 $0x190;
	[sflag:s22] =	ssyncadd.s32 $0xFFFFEC00  }
0x106: {  	[tilespmem:s25], [sflag:$0x1] =	stream.indirect.gather [hbm4b:s4+s24], $0x40, s13, s24, $0xb8;
	[tilespmem:$0x12140] =	vst v63  }
0x107: {  	_ =	swait.ge [sflag:s12], $0x1400  }
0x108: {  	[sflag:s12] =	ssyncset.done $0x0  }
0x109: {  	s21 =	simm.s32 $0xFF0;
	[sflag:s12] =	ssyncadd.s32 $0xFFFFEC00  }
0x10a: {  	[spmem:s1] =	stream.indirect.scatter.add.f32 [tilespmem:s26], [sflag:$0x6], $0x40, s21, s24, $0xb8;
	[tilespmem:$0x12140] =	vst v63  }
0x10b: {  	_ =	swait.ge [sflag:s22], $0x1400  }
0x10c: {  	[sflag:s22] =	ssyncset.done $0x0  }
0x10d: {  	s3 =	simm.s32 $0x1E0;
	[sflag:s22] =	ssyncadd.s32 $0xFFFFEC00  }
0x10e: {  	[tilespmem:s26], [sflag:$0x2] =	stream.indirect.gather [hbm4b:s4+s24], $0x40, s3, s24, $0xb8;
	[tilespmem:$0x12140] =	vst v63  }
0x10f: {  	_ =	swait.ge [sflag:s30], $0x1400  }
0x110: {  	[sflag:s30] =	ssyncset.done $0x0  }
0x111: {  	s13 =	simm.s32 $0x1040;
	[sflag:s30] =	ssyncadd.s32 $0xFFFFEC00  }
0x112: {  	[spmem:s1] =	stream.indirect.scatter.add.f32 [tilespmem:s29], [sflag:$0x6], $0x40, s13, s24, $0xb8;
	[tilespmem:$0x12140] =	vst v63  }
0x113: {  	_ =	swait.ge [sflag:s22], $0x1400  }
0x114: {  	[sflag:s22] =	ssyncset.done $0x0  }
0x115: {  	s21 =	simm.s32 $0x230;
	[sflag:s22] =	ssyncadd.s32 $0xFFFFEC00  }
0x116: {  	[tilespmem:s29], [sflag:$0x3] =	stream.indirect.gather [hbm4b:s4+s24], $0x40, s21, s24, $0xb8;
	[tilespmem:$0x12140] =	vst v63  }
0x117: {  	_ =	swait.ge [sflag:s14], $0x1400  }
0x118: {  	[sflag:s14] =	ssyncset.done $0x0  }
0x119: {  	s3 =	simm.s32 $0x1090;
	[sflag:s14] =	ssyncadd.s32 $0xFFFFEC00  }
0x11a: {  	[spmem:s1] =	stream.indirect.scatter.add.f32 [tilespmem:s31], [sflag:$0x6], $0x40, s3, s24, $0xb8;
	[tilespmem:$0x12140] =	vst v63  }
0x11b: {  	_ =	swait.ge [sflag:s22], $0x1400  }
0x11c: {  	[sflag:s22] =	ssyncset.done $0x0  }
0x11d: {  	s13 =	simm.s32 $0x280;
	[sflag:s22] =	ssyncadd.s32 $0xFFFFEC00  }
0x11e: {  	[tilespmem:s31], [sflag:$0x4] =	stream.indirect.gather [hbm4b:s4+s24], $0x40, s13, s24, $0xb8;
	[tilespmem:$0x12140] =	vst v63  }
0x11f: {  	_ =	swait.ge [sflag:s0], $0x1400  }
0x120: {  	[sflag:s0] =	ssyncset.done $0x0  }
0x121: {  	s21 =	simm.s32 $0x10E0;
	[sflag:s0] =	ssyncadd.s32 $0xFFFFEC00  }
0x122: {  	[spmem:s1] =	stream.indirect.scatter.add.f32 [tilespmem:s23], [sflag:$0x6], $0x40, s21, s24, $0xb8;
	[tilespmem:$0x12140] =	vst v63  }
0x123: {  	_ =	swait.ge [sflag:s22], $0x1400  }
0x124: {  	[sflag:s22] =	ssyncset.done $0x0  }
0x125: {  	s13 =	simm.s32 $0x640;
	s21 =	simm.s32 $0x2D0;
	[sflag:s22] =	ssyncadd.s32 $0xFFFFEC00  }
.LBB2_4:
0x126: {  	[tilespmem:s23], [sflag:$0x5] =	stream.indirect.gather [hbm4b:s4+s24], $0x40, s21, s24, $0xb8;
	[tilespmem:$0x12140] =	vst v63  }
0x127: {  	s2 =	smov.u32 s13  }
0x128: {  	p2 =	sne.s32 s13, $0x3200;
	s13 =	sadd.s32 $0x640, s13;
	_ =	swait.ge [sflag:s28], $0x1400  }
0x129: {  	s21 =	sshra.s32 s2, $0x2;
	[sflag:s28] =	ssyncset.done $0x0  }
0x12a: {  	s2 =	sadd.s32 $0xFA0, s21;
	[sflag:s28] =	ssyncadd.s32 $0xFFFFEC00  }
0x12b: {  	[spmem:s1] =	stream.indirect.scatter.add.f32 [tilespmem:s25], [sflag:$0x6], $0x40, s2, s24, $0xb8;
	[tilespmem:$0x12140] =	vst v63  }
0x12c: {  	_ =	swait.ge [sflag:s22], $0x1400  }
0x12d: {  	[sflag:s22] =	ssyncset.done $0x0  }
0x12e: {  	s2 =	sadd.s32 $0x190, s21;
	[sflag:s22] =	ssyncadd.s32 $0xFFFFEC00  }
0x12f: {  	[tilespmem:s25], [sflag:$0x1] =	stream.indirect.gather [hbm4b:s4+s24], $0x40, s2, s24, $0xb8;
	[tilespmem:$0x12140] =	vst v63  }
0x130: {  	_ =	swait.ge [sflag:s12], $0x1400  }
0x131: {  	[sflag:s12] =	ssyncset.done $0x0  }
0x132: {  	s2 =	sadd.s32 $0xFF0, s21;
	[sflag:s12] =	ssyncadd.s32 $0xFFFFEC00  }
0x133: {  	[spmem:s1] =	stream.indirect.scatter.add.f32 [tilespmem:s26], [sflag:$0x6], $0x40, s2, s24, $0xb8;
	[tilespmem:$0x12140] =	vst v63  }
0x134: {  	_ =	swait.ge [sflag:s22], $0x1400  }
0x135: {  	[sflag:s22] =	ssyncset.done $0x0  }
0x136: {  	s2 =	sadd.s32 $0x1E0, s21;
	[sflag:s22] =	ssyncadd.s32 $0xFFFFEC00  }
0x137: {  	[tilespmem:s26], [sflag:$0x2] =	stream.indirect.gather [hbm4b:s4+s24], $0x40, s2, s24, $0xb8;
	[tilespmem:$0x12140] =	vst v63  }
0x138: {  	_ =	swait.ge [sflag:s30], $0x1400  }
0x139: {  	[sflag:s30] =	ssyncset.done $0x0  }
0x13a: {  	s2 =	sadd.s32 $0x1040, s21;
	[sflag:s30] =	ssyncadd.s32 $0xFFFFEC00  }
0x13b: {  	[spmem:s1] =	stream.indirect.scatter.add.f32 [tilespmem:s29], [sflag:$0x6], $0x40, s2, s24, $0xb8;
	[tilespmem:$0x12140] =	vst v63  }
0x13c: {  	_ =	swait.ge [sflag:s22], $0x1400  }
0x13d: {  	[sflag:s22] =	ssyncset.done $0x0  }
0x13e: {  	s2 =	sadd.s32 $0x230, s21;
	[sflag:s22] =	ssyncadd.s32 $0xFFFFEC00  }
0x13f: {  	[tilespmem:s29], [sflag:$0x3] =	stream.indirect.gather [hbm4b:s4+s24], $0x40, s2, s24, $0xb8;
	[tilespmem:$0x12140] =	vst v63  }
0x140: {  	_ =	swait.ge [sflag:s14], $0x1400  }
0x141: {  	[sflag:s14] =	ssyncset.done $0x0  }
0x142: {  	s2 =	sadd.s32 $0x1090, s21;
	[sflag:s14] =	ssyncadd.s32 $0xFFFFEC00  }
0x143: {  	[spmem:s1] =	stream.indirect.scatter.add.f32 [tilespmem:s31], [sflag:$0x6], $0x40, s2, s24, $0xb8;
	[tilespmem:$0x12140] =	vst v63  }
0x144: {  	_ =	swait.ge [sflag:s22], $0x1400  }
0x145: {  	[sflag:s22] =	ssyncset.done $0x0  }
0x146: {  	s2 =	sadd.s32 $0x280, s21;
	[sflag:s22] =	ssyncadd.s32 $0xFFFFEC00  }
0x147: {  	[tilespmem:s31], [sflag:$0x4] =	stream.indirect.gather [hbm4b:s4+s24], $0x40, s2, s24, $0xb8;
	[tilespmem:$0x12140] =	vst v63  }
0x148: {  	_ =	swait.ge [sflag:s0], $0x1400  }
0x149: {  	[sflag:s0] =	ssyncset.done $0x0  }
.Ltmp6:
0x14a: {  	s2 =	sadd.s32 $0x10E0, s21;
	[sflag:s0] =	ssyncadd.s32 $0xFFFFEC00;
	(pc) =	sbr.rel @p2 .LBB2_4-.Ltmp6, $4  }
0x14b: {  	[spmem:s1] =	stream.indirect.scatter.add.f32 [tilespmem:s23], [sflag:$0x6], $0x40, s2, s24, $0xb8;
	[tilespmem:$0x12140] =	vst v63  }
0x14c: {  	_ =	swait.ge [sflag:s22], $0x1400  }
0x14d: {  	[sflag:s22] =	ssyncset.done $0x0  }
0x14e: {  	s21 =	sadd.s32 $0x2D0, s21;
	[sflag:s22] =	ssyncadd.s32 $0xFFFFEC00  }
0x14f: {  	[tilespmem:s23], [sflag:$0x5] =	stream.indirect.gather [hbm4b:s4+s24], $0x40, s21, s24, $0xb8;
	[tilespmem:$0x12140] =	vst v63  }
0x150: {  	_ =	swait.ge [sflag:s28], $0x1400  }
0x151: {  	[sflag:s28] =	ssyncset.done $0x0  }
0x152: {  	[sflag:s28] =	ssyncadd.s32 $0xFFFFEC00  }
0x153: {  	[spmem:s1] =	stream.indirect.scatter.add.f32 [tilespmem:s25], [sflag:$0x6], $0x40, s15, s24, $0xb8;
	[tilespmem:$0x12140] =	vst v63  }
0x154: {  	_ =	swait.ge [sflag:s22], $0x1400  }
0x155: {  	[sflag:s22] =	ssyncset.done $0x0  }
0x156: {  	[sflag:s22] =	ssyncadd.s32 $0xFFFFEC00  }
0x157: {  	_ =	swait.ge [sflag:s12], $0x1400  }
0x158: {  	[sflag:s12] =	ssyncset.done $0x0  }
0x159: {  	[sflag:s12] =	ssyncadd.s32 $0xFFFFEC00  }
0x15a: {  	[spmem:s1] =	stream.indirect.scatter.add.f32 [tilespmem:s26], [sflag:$0x6], $0x40, s16, s24, $0xb8;
	[tilespmem:$0x12140] =	vst v63  }
0x15b: {  	_ =	swait.ge [sflag:s22], $0x1400  }
0x15c: {  	[sflag:s22] =	ssyncset.done $0x0  }
0x15d: {  	[sflag:s22] =	ssyncadd.s32 $0xFFFFEC00  }
0x15e: {  	_ =	swait.ge [sflag:s30], $0x1400  }
0x15f: {  	[sflag:s30] =	ssyncset.done $0x0  }
0x160: {  	[sflag:s30] =	ssyncadd.s32 $0xFFFFEC00  }
0x161: {  	[spmem:s1] =	stream.indirect.scatter.add.f32 [tilespmem:s29], [sflag:$0x6], $0x40, s17, s24, $0xb8;
	[tilespmem:$0x12140] =	vst v63  }
0x162: {  	_ =	swait.ge [sflag:s22], $0x1400  }
0x163: {  	[sflag:s22] =	ssyncset.done $0x0  }
0x164: {  	[sflag:s22] =	ssyncadd.s32 $0xFFFFEC00  }
0x165: {  	_ =	swait.ge [sflag:s14], $0x1400  }
0x166: {  	[sflag:s14] =	ssyncset.done $0x0  }
0x167: {  	[sflag:s14] =	ssyncadd.s32 $0xFFFFEC00  }
0x168: {  	[spmem:s1] =	stream.indirect.scatter.add.f32 [tilespmem:s31], [sflag:$0x6], $0x40, s18, s24, $0xb8;
	[tilespmem:$0x12140] =	vst v63  }
0x169: {  	_ =	swait.ge [sflag:s22], $0x1400  }
0x16a: {  	[sflag:s22] =	ssyncset.done $0x0  }
0x16b: {  	[sflag:s22] =	ssyncadd.s32 $0xFFFFEC00  }
0x16c: {  	s11 =	sadd.s32 $0x1, s11;
	_ =	swait.ge [sflag:s0], $0x1400  }
0x16d: {  	p2 =	sne.s32 s11, $0x5;
	[sflag:s0] =	ssyncset.done $0x0  }
.Ltmp7:
0x16e: {  	[sflag:s0] =	ssyncadd.s32 $0xFFFFEC00;
	(pc) =	sbr.rel @p2 .LBB2_3-.Ltmp7, $4  }
0x16f: {  	[spmem:s1] =	stream.indirect.scatter.add.f32 [tilespmem:s23], [sflag:$0x6], $0x40, s19, s24, $0xb8;
	[tilespmem:$0x12140] =	vst v63  }
0x170: {  	_ =	swait.ge [sflag:s22], $0x1400  }
0x171: {  	[sflag:s22] =	ssyncset.done $0x0  }
0x172: {  	[sflag:s22] =	ssyncadd.s32 $0xFFFFEC00  }
0x173: {  	[bflag:$0x0] =	sbarrier.arrive $0xFFFF  }
0x174: {  	s2 =	simm.s32 @p1 $0x1FC6;
	s3 =	rddreg [dreg:$0xb]  }
0x175: {  	[hbm:s3], [sflag:s2] =	dma.local @p1 [spmem:s10], $0x1040  }
0x176: {  	s2 =	simm.s32 @p1 $0x6  }
0x177: {  	_ =	swait.ge @p1 [sflag:s2], $0x1040  }
0x178: {  	[sflag:s2] =	ssyncset.done @p1 $0x0;
	s3 =	rddreg [dreg:$0x11]  }
0x179: {  	[sflag:s2] =	ssyncadd.s32 @p1 $0xFFFFEFC0;
	s2 =	rddreg [dreg:$0xa]  }
0x17a: {  	[hbm:s2], [sflag:s9] =	dma.local @!p1 [spmem:s3], $0x13C0  }
.Ltmp8:
0x17b: {  	_ = 	snop;
	(pc) =	sbr.rel .LBB2_12-.Ltmp8, $4  }
0x17c: {  	s2 =	simm.s32 @!p1 $0x6  }
0x17d: {  	_ =	swait.ge @!p1 [sflag:s2], $0x13C0  }
0x17e: {  	[sflag:s2] =	ssyncset.done @!p1 $0x0  }
0x17f: {  	[sflag:s2] =	ssyncadd.s32 @!p1 $0xFFFFEC40  }
.LBB2_13:
0x180: {  	_ =	sfence.sel $0x180000  }
0x181: {  	[bflag:$0x0] =	sbarrier.arrive $0xFFFF  }
0x182: {  	_ =	strace $0x9000004A  }
0x183: {  	s0 =	stileid.u32;
	[bflag:$0x2] =	sbarrier.arrive $0xFFFF  }
0x184: {  	p0 =	sne.s32 s0, $0x0;
	s0 =	rddreg [dreg:$0x3]  }
0x185: {  	s0 =	sadd.s32 @!p0 $0x100000, s0  }
0x186: {  	[sflag:s0] =	ssyncadd.tile.s32 @!p0 $0x1;
	_ =	shalt  }
.Lfunc_end2:
_tile_overlayer_lowered:
.L_overlay_start_2:
0x187: {  	(tag) =	ssettag $0x2  }
0x188: {  	s0 =	rddreg [dreg:$0x0];
	s2 =	stileid.u32  }
0x189: {  	s1 =	rddreg [dreg:$0x1];
	p0 =	sne.s32 s2, $0x0  }
0x18a: {  	s3 =	rddreg [dreg:$0x2];
	[bflag:$0x3] =	sbarrier.arrive $0xFFFF;
	s2 =	simm.s32 @!p0 $0x1C06  }
0x18b: {  	[timem:s3], [sflag:s2] =	dma.local @!p0 [hbm:s0], s1  }
0x18c: {  	s0 =	simm.s32 @!p0 $0x6  }
0x18d: {  	_ =	swait.ge @!p0 [sflag:s0], s1  }
0x18e: {  	s1 =	ssub.s32 @!p0 $0x0, s1;
	[sflag:s0] =	ssyncset.done @!p0 $0x0  }
0x18f: {  	[sflag:s0] =	ssyncadd.s32 @!p0 s1  }
0x190: {  	[bflag:$0x3] =	sbarrier.arrive $0xFFFF  }
0x191: {  	_ =	shalt  }

// kernel: kernel.14.cloned.1.call-start
scs
__scs_entry_jumppad:
0x0: {  	(pc) =	sbr.rel $0x88, $3  }
0x1: {  	(tag) =	ssettag $0x0;
	lr =	simm.s32 $0x1  }
0x2: {  	[smem:$0x3F9B] =	sst lr;
	_ =	strace $0xD0000000  }
0x3: {  	_ = 	snop  }
0x4: {  	_ = 	snop  }
0x5: {  	_ = 	snop  }
0x6: {  	_ = 	snop  }
0x7: {  	_ = 	snop  }
__scs_overlays_trampoline_lowered:
0x8: {  	[smem:$0x3FAA] =	sst s0  }
0x9: {  	[smem:$0x3FAB] =	sst s1  }
0xa: {  	[smem:$0x3FAC] =	sst s2  }
0xb: {  	[smem:$0x3FAD] =	sst s3  }
0xc: {  	[smem:$0x3FAE] =	sst s4  }
0xd: {  	[smem:$0x3FAF] =	sst s5  }
0xe: {  	[smem:$0x3FB0] =	sst s6  }
0xf: {  	[smem:$0x3FB1] =	sst s7  }
0x10: {  	[smem:$0x3FB2] =	sst s8  }
0x11: {  	[smem:$0x3FB3] =	sst s9;
	s0 =	simm.s32 @!p0 $0x0  }
0x12: {  	s1 =	sld [smem:$0x3F99];
	s0 =	simm.s32 @p0 $0x1  }
0x13: {  	[smem:$0x3FB4] =	sst s0;
	s0 =	simm.s32 @!p1 $0x0  }
0x14: {  	s2 =	sld [smem:$0x3F98];
	s0 =	simm.s32 @p1 $0x1  }
0x15: {  	[smem:$0x3FB5] =	sst s0;
	s0 =	simm.s32 @!p2 $0x0  }
0x16: {  	s3 =	sld [smem:$0x3FDB];
	s0 =	simm.s32 @p2 $0x1  }
0x17: {  	s4 =	simm.s32 $0x1BF5;
	[smem:$0x3FB7] =	sst s0  }
0x18: {  	s0 =	sld [smem:$0x3F9A];
	_ =	swait.ge [sflag:s4], $0x0  }
0x19: {  	s7 =	sld [smem:$0x3F9B]  }
0x1a: {  	s8 =	sadd.s32 $0xFFFFE003, lr  }
0x1b: {  	s9 =	sadd.s32 $0xFFFFFEF7, lr;
	s5 =	simm.s32 $0xFFFFFFFF;
	p2 =	slt.u32 s8, $0xFFFFF086  }
0x1c: {  	p1 =	slt.u32 s9, $0xF7A;
	s5 =	simm.s32 @!p2 $0x0  }
0x1d: {  	s5 =	simm.s32 @p1 $0x1;
	p0 =	seq.s32 s7, s2  }
0x1e: {  	s7 =	smul.u32 @!p0 $0xF7A, s2;
	p2 =	seq.s32 @!p0 s5, $0x0  }
0x1f: {  	s9 =	smul.u32 $0xF7A, s1;
	s8 =	simm.s32 @!p0 $0x1BF5;
	p2 =	por !p2, p0  }
0x20: {  	[sflag:s8] =	ssyncset.s32 @!p0 $0xFFFFF086;
	s6 =	sadd.s32 @!p0 s3, s7;
	s7 =	simm.s32 @!p0 $0x108  }
0x21: {  	s3 =	sadd.s32 s3, s9;
	s6 =	sadd.s32 @!p0 $0x88, s6;
	s7 =	simm.s32 @p2 $0x1082  }
0x22: {  	[simem:s7], [sflag:s8] =	dma.local @!p0 [hbm:s6], $0xF7A  }
0x23: {  	s9 =	sor.u32 $0xD0000000, s2;
	s6 =	simm.s32 $0x108;
	_ =	swait.ge @!p0 [sflag:s8], $0x0  }
0x24: {  	s3 =	sadd.s32 $0x88, s3;
	s6 =	simm.s32 @!p1 $0x1082;
	[sflag:s4] =	ssyncset.s32 $0xFFFFF086  }
0x25: {  	[simem:s6], [sflag:s4] =	dma.local [hbm:s3], $0xF7A  }
0x26: {  	[smem:$0x3F9B] =	sst s1;
	(tag) =	ssettag s2;
	_ =	strace s9  }
0x27: {  	s1 =	sld [smem:$0x3FAB]  }
0x28: {  	s2 =	sld [smem:$0x3FAC]  }
0x29: {  	s4 =	sld [smem:$0x3FAE]  }
0x2a: {  	p0 =	seq.s32 s5, $0x0;
	s5 =	sld [smem:$0x3FAF]  }
0x2b: {  	s6 =	sld [smem:$0x3FB0]  }
0x2c: {  	s7 =	sld [smem:$0x3FB1]  }
0x2d: {  	s3 =	simm.s32 $0x108;
	s8 =	sld [smem:$0x3FB2]  }
0x2e: {  	s3 =	simm.s32 @!p0 $0x1082;
	s9 =	sld [smem:$0x3FB3]  }
0x2f: {  	lr =	sadd.s32 s0, s3;
	s0 =	sld [smem:$0x3FAA]  }
0x30: {  	s3 =	sld [smem:$0x3FAD]  }
0x31: {  	[smem:$0x3FB6] =	sst s10  }
0x32: {  	s10 =	sld [smem:$0x3FB4];
	_ =	sdelay $0x3  }
0x33: {  	p0 =	seq.s32 s10, $0x1;
	s10 =	sld [smem:$0x3FB6];
	_ =	sdelay $0x3  }
0x34: {  	[smem:$0x3FB6] =	sst s10  }
0x35: {  	s10 =	sld [smem:$0x3FB5];
	_ =	sdelay $0x3  }
0x36: {  	p1 =	seq.s32 s10, $0x1;
	s10 =	sld [smem:$0x3FB6];
	_ =	sdelay $0x3  }
0x37: {  	[smem:$0x3FB6] =	sst s10  }
0x38: {  	s10 =	sld [smem:$0x3FB7]  }
0x39: {  	_ = 	snop;
	(pc) =	sbr.ind lr, $3  }
0x3a: {  	_ = 	snop  }
0x3b: {  	_ = 	snop  }
0x3c: {  	p2 =	seq.s32 s10, $0x1;
	s10 =	sld [smem:$0x3FB6]  }
0x3d: {  	_ =	shalt  }
0x3e: {  	_ =	shalt  }
0x3f: {  	_ =	shalt  }
0x40: {  	_ =	shalt  }
0x41: {  	_ =	shalt  }
0x42: {  	_ =	shalt  }
0x43: {  	_ =	shalt  }
0x44: {  	_ =	shalt  }
0x45: {  	_ =	shalt  }
0x46: {  	_ =	shalt  }
0x47: {  	_ =	shalt  }
0x48: {  	_ =	shalt  }
0x49: {  	_ =	shalt  }
0x4a: {  	_ =	shalt  }
0x4b: {  	_ =	shalt  }
0x4c: {  	_ =	shalt  }
0x4d: {  	_ =	shalt  }
0x4e: {  	_ =	shalt  }
0x4f: {  	_ =	shalt  }
0x50: {  	_ =	shalt  }
0x51: {  	_ =	shalt  }
0x52: {  	_ =	shalt  }
0x53: {  	_ =	shalt  }
0x54: {  	_ =	shalt  }
0x55: {  	_ =	shalt  }
0x56: {  	_ =	shalt  }
0x57: {  	_ =	shalt  }
0x58: {  	_ =	shalt  }
0x59: {  	_ =	shalt  }
0x5a: {  	_ =	shalt  }
0x5b: {  	_ =	shalt  }
0x5c: {  	_ =	shalt  }
0x5d: {  	_ =	shalt  }
0x5e: {  	_ =	shalt  }
0x5f: {  	_ =	shalt  }
0x60: {  	_ =	shalt  }
0x61: {  	_ =	shalt  }
0x62: {  	_ =	shalt  }
0x63: {  	_ =	shalt  }
0x64: {  	_ =	shalt  }
0x65: {  	_ =	shalt  }
0x66: {  	_ =	shalt  }
0x67: {  	_ =	shalt  }
0x68: {  	_ =	shalt  }
0x69: {  	_ =	shalt  }
0x6a: {  	_ =	shalt  }
0x6b: {  	_ =	shalt  }
0x6c: {  	_ =	shalt  }
0x6d: {  	_ =	shalt  }
0x6e: {  	_ =	shalt  }
0x6f: {  	_ =	shalt  }
0x70: {  	_ =	shalt  }
0x71: {  	_ =	shalt  }
0x72: {  	_ =	shalt  }
0x73: {  	_ =	shalt  }
0x74: {  	_ =	shalt  }
0x75: {  	_ =	shalt  }
0x76: {  	_ =	shalt  }
0x77: {  	_ =	shalt  }
0x78: {  	_ =	shalt  }
0x79: {  	_ =	shalt  }
0x7a: {  	_ =	shalt  }
0x7b: {  	_ =	shalt  }
0x7c: {  	_ =	shalt  }
0x7d: {  	_ =	shalt  }
0x7e: {  	_ =	shalt  }
0x7f: {  	_ =	shalt  }
0x80: {  	_ =	shalt  }
0x81: {  	_ =	shalt  }
0x82: {  	_ =	shalt  }
0x83: {  	_ =	shalt  }
0x84: {  	_ =	shalt  }
0x85: {  	_ =	shalt  }
0x86: {  	_ =	shalt  }
0x87: {  	_ =	shalt  }
.Lfunc_end0:
.L_simem_size_0:
called_computation.2_lowered:
.L_overlay_start_0:
0x88: {  	s2 =	sld [smem:$0x3FD9]  }
0x89: {  	s3 =	sld [smem:$0x3FFE];
	_ =	sdelay $0x1  }
0x8a: {  	s1 =	srdreg.scid  }
0x8b: {  	s0 =	sand.u32 $0x1, s1  }
0x8c: {  	s17 =	sshll.u32 s0, $0xA;
	s2 =	sadd.s32 s3, s2  }
0x8d: {  	s2 =	sadd.s32 s2, s17  }
0x8e: {  	[smem:$0x3FC2] =	sst s2  }
0x8f: {  	_ = 	snop  }
0x90: {  	s2 =	sld [smem:$0x3FD0];
	(tm) =	ssettm $0x1  }
0x91: {  	s18 =	sld [smem:$0x3FFB];
	_ =	sdelay $0x3  }
0x92: {  	_ =	strace s18  }
0x93: {  	s3 =	sld [smem:$0x3FFC];
	_ =	sdelay $0x3  }
0x94: {  	_ =	strace s3  }
0x95: {  	s3 =	sld [smem:$0x3FFD];
	_ =	sdelay $0x3  }
0x96: {  	_ =	strace s3  }
0x97: {  	_ =	strace $0x8FFFFFFF  }
0x98: {  	s19 =	sld [smem:$0x3FDB];
	_ =	sdelay $0x1  }
0x99: {  	s4 =	simm.s32 $_scs_section_size  }
0x9a: {  	s5 =	simm.s32 $_size__tile_overlayer_lowered;
	s6 =	simm.s32 $_tile_overlayer_lowered  }
0x9b: {  	s22 =	simm.s32 $0x1BFF;
	s21 =	sshll.u32 s6, $0x1;
	s3 =	sadd.s32 s4, s19  }
0x9c: {  	s7 =	simm.s32 $0x0;
	s20 =	sshll.u32 s5, $0x1;
	s5 =	sadd.s32 s21, s3  }
0x9d: {  	[timem:s7], [sflag:s22] =	dma.local [hbm:s5], s20  }
0x9e: {  	_ =	swait.ge [sflag:s22], s20  }
0x9f: {  	s4 =	ssub.s32 $0x0, s20;
	[sflag:s22] =	ssyncset.done $0x0  }
0xa0: {  	[sflag:s22] =	ssyncadd.s32 s4;
	_ =	sdelay $0x1  }
0xa1: {  	s23 =	simm.s32 $0x1B8B  }
0xa2: {  	_ =	swait.ge [sflag:s23], $0x1  }
0xa3: {  	[sflag:s23] =	ssyncset.done $0x0  }
0xa4: {  	s25 =	simm.s32 $0x1B8E;
	s24 =	sld [smem:$0x3FFE];
	[sflag:s23] =	ssyncadd.s32 $0xFFFFFFFF  }
0xa5: {  	s26 =	simm.s32 $execute0_lowered;
	[smem:$0x3FD2] =	sst s25  }
0xa6: {  	s5 =	sshll.u32 s26, $0x1;
	_ =	strace $0x8000004C;
	[dreg:$0x1] =	wrdreg $0xFFFFFFFF  }
0xa7: {  	s28 =	simm.s32 $_size_execute0_lowered;
	s3 =	sadd.s32 s3, s5;
	[dreg:$0x0] =	wrdreg $0x0  }
0xa8: {  	s5 =	sshll.u32 s28, $0x1;
	[dreg:$0x2] =	wrdreg s3  }
0xa9: {  	[dreg:$0x3] =	wrdreg s5  }
0xaa: {  	[dreg:$0x4] =	wrdreg $0xC0  }
0xab: {  	_ =	task [dreg:s7], $0x5FFFF  }
0xac: {  	[dreg:$0x1] =	wrdreg $0xFFFFFFFF  }
0xad: {  	[dreg:$0x0] =	wrdreg $0x60  }
0xae: {  	[dreg:$0x2] =	wrdreg s24  }
0xaf: {  	[dreg:$0x3] =	wrdreg s2  }
0xb0: {  	[dreg:$0x4] =	wrdreg $0x83400  }
0xb1: {  	[dreg:$0x5] =	wrdreg $0x9  }
0xb2: {  	_ =	task.clear_ibuf [dreg:s7], $0x6FFFF;
	_ =	strace $0x9000004C  }
0xb3: {  	s29 =	simm.s32 $0x9;
	_ =	strace $0x8000004E  }
0xb4: {  	_ =	swait.ge [sflag:s29], $0x1  }
0xb5: {  	[sflag:s29] =	ssyncadd.s32 $0xFFFFFFFF  }
0xb6: {  	_ =	strace $0x9000004E  }
0xb7: {  	_ =	sfence  }
0xb8: {  	s30 =	sld [smem:$0x0];
	_ =	sdelay $0x2  }
0xb9: {  	s31 =	sshll.u32 s1, $0xD;
	s1 =	sshrl.u32 s1, $0x2  }
0xba: {  	s3 =	sand.u32 $0x4000, s31;
	s1 =	sadd.s32 s1, s30  }
0xbb: {  	s0 =	sor.u32 s3, s0;
	s1 =	sshll.u32 s1, $0x11  }
0xbc: {  	s0 =	sor.u32 s1, s0  }
0xbd: {  	s0 =	sadd.s32 $0x8F2B, s0  }
0xbe: {  	[sflag:s0] =	ssyncadd.remote.s32 $0x1  }
0xbf: {  	_ =	sfence.sel $0xFFFF  }
0xc0: {  	[dreg:$0x0] =	wrdreg $0xFFFFFFFF;
	(pc) =	sbr.abs _section_cstart, $3  }
0xc1: {  	[dreg:$0x1] =	wrdreg $0xFFFFFFFF  }
0xc2: {  	_ =	task.clear_ibuf [dreg:s7], $0x2FFFF;
	_ =	strace $0x9FFFFFFF  }
0xc3: {  	(tm) =	ssettm $0x7FFFFFFF  }
tec
execute0_lowered:
.L_overlay_start_1:
0x0: {  	(tag) =	ssettag $0x1  }
0x1: {  	s0 =	rddreg [dreg:$0x0]  }
0x2: {  	s2 =	rddreg [dreg:$0x1]  }
0x3: {  	s1 =	rddreg [dreg:$0x2];
	s21 =	simm.s32 $0x0;
	s3 =	stileid.u32  }
0x4: {  	s7 =	srdreg.scid;
	s29 =	simm.s32 $0x4740;
	s31 =	simm.s32 $0x5B40  }
0x5: {  	s28 =	simm.s32 $0x1;
	s30 =	simm.s32 $0x3;
	s15 =	simm.s32 $0x1DB0  }
0x6: {  	[smem:$0x7FF] =	sst s21;
	s4 =	sadd.s32 $0x64E00, s0;
	s9 =	smul.u32 $0x9E00, s3  }
0x7: {  	s5 =	sadd.s32 $0x78800, s0;
	s6 =	sadd.s32 $0x3000, s0;
	s10 =	sand.u32 $0x1, s7  }
0x8: {  	s7 =	smul.u32 $0x4E20, s3;
	s8 =	sadd.s32 $0xCE00, s0;
	s19 =	sadd.s32 $0x94200, s1  }
0x9: {  	s20 =	sadd.s32 $0x77640, s0;
	_ =	strace $0x8000004D;
	[dreg:$0x8] =	wrdreg s19  }
0xa: {  	s24 =	sadd.s32 $0x8B040, s0;
	p1 =	seq.s32 s3, $0xF;
	[dreg:$0x9] =	wrdreg s20  }
0xb: {  	s12 =	ssub.s32 $0x2, s10;
	p0 =	seq.s32 s10, $0x1;
	[dreg:$0xd] =	wrdreg s24  }
0xc: {  	s24 =	simm.s32 $0x50;
	s19 =	simm.s32 $0x1EF0;
	s20 =	simm.s32 $0x0  }
0xd: {  	s11 =	sshrl.u32 s9, $0x3;
	s16 =	sshrl.u32 s7, $0x3;
	s9 =	sadd.s32 s9, s1  }
0xe: {  	s14 =	sshrl.u32 s12, $0x1;
	s17 =	sadd.s32 s6, s16;
	[dreg:$0x6] =	wrdreg s9  }
0xf: {  	s13 =	sadd.s32 s11, s0;
	s10 =	sadd.s32 s8, s16;
	[dreg:$0x4] =	wrdreg s17  }
0x10: {  	s12 =	ssub.s32 s12, s14;
	s18 =	sadd.s32 s4, s11;
	[dreg:$0x5] =	wrdreg s10  }
0x11: {  	s22 =	sadd.s32 s2, s11;
	s2 =	sadd.s32 $0x12840, s2;
	[dreg:$0x7] =	wrdreg s18  }
0x12: {  	s23 =	sadd.s32 s5, s11;
	s0 =	sadd.s32 $0x9EA40, s0;
	[dreg:$0xa] =	wrdreg s22  }
0x13: {  	s14 =	simm.s32 $0x4;
	s16 =	simm.s32 $0x1E00;
	[dreg:$0xb] =	wrdreg s2  }
.Ltmp0:
0x14: {  	[dreg:$0xc] =	wrdreg s23;
	s25 =	sadd.s32 $0x8C200, s13;
	(pc) =	sbr.rel .LBB2_1-.Ltmp0, $4  }
0x15: {  	[dreg:$0xf] =	wrdreg s0;
	s26 =	smax.u32 s12, $0x1;
	s22 =	simm.s32 $0x6  }
0x16: {  	s23 =	simm.s32 $0x6F40;
	s12 =	simm.s32 $0x2;
	s0 =	simm.s32 $0x5  }
0x17: {  	s17 =	simm.s32 $0x1E50;
	s18 =	simm.s32 $0x1EA0;
	[dreg:$0xe] =	wrdreg s25  }
0x18: {  	[dreg:$0x10] =	wrdreg s26;
	s25 =	simm.s32 $0x1F40;
	s26 =	simm.s32 $0x3340  }
.LBB2_12:
0x19: {  	s20 =	sadd.s32 $0x1, s20;
	s2 =	rddreg [dreg:$0x10]  }
0x1a: {  	p2 =	sne.s32 s20, s2  }
.Ltmp1:
0x1b: {  	_ = 	snop;
	(pc) =	sbr.rel @!p2 .LBB2_13-.Ltmp1, $2  }
0x1c: {  	_ =	sdelay $0x2  }
0x1d: {  	s21 =	simm.s32 $0x0  }
.LBB2_1:
0x1e: {  	s2 =	rddreg [dreg:$0x4]  }
0x1f: {  	[tilespmem:s21], [sflag:$0x6] =	stream.linear.gather [hbm4b:s2+s21], $0xFA0, $0x38;
	[tilespmem:$0x12140] =	vst v63  }
0x20: {  	_ =	swait.ge [sflag:s22], $0xFA0  }
0x21: {  	[sflag:s22] =	ssyncset.done $0x0  }
0x22: {  	s3 =	simm.s32 $0xFA0;
	s13 =	rddreg [dreg:$0x5];
	[sflag:s22] =	ssyncadd.s32 $0xFFFFF060  }
0x23: {  	[tilespmem:s3], [sflag:$0x6] =	stream.linear.gather [hbm4b:s13+s21], $0xFA0, $0x38;
	[tilespmem:$0x12140] =	vst v63  }
.Ltmp2:
0x24: {  	s2 =	stileid.u32;
	_ =	swait.ge [sflag:s22], $0xFA0;
	(pc) =	sbr.rel @!p0 .LBB2_2-.Ltmp2, $4  }
0x25: {  	s9 =	sshll.u32 @!p1 s2, $0x6;
	s2 =	rddreg [dreg:$0x8]  }
0x26: {  	s10 =	sshrl.u32 @p1 s2, $0x3;
	s2 =	rddreg [dreg:$0x6]  }
0x27: {  	[sflag:s22] =	ssyncset.done $0x0;
	s13 =	sshrl.u32 @!p1 s2, $0x3  }
0x28: {  	s9 =	sor.u32 @!p1 $0x1C06, s9;
	[sflag:s22] =	ssyncadd.s32 $0xFFFFF060;
	[dreg:$0x11] =	wrdreg s13  }
0x29: {  	[tilespmem:s25], [sflag:$0x1] =	stream.indirect.gather [hbm4b:s5+s24], $0x40, s21, s24, $0xb8;
	[tilespmem:$0x12140] =	vst v63  }
0x2a: {  	_ = 	snop  }
0x2b: {  	[tilespmem:s26], [sflag:$0x2] =	stream.indirect.gather [hbm4b:s5+s24], $0x40, s24, s24, $0xb8;
	[tilespmem:$0x12140] =	vst v63  }
0x2c: {  	s2 =	simm.s32 $0xA0  }
0x2d: {  	[tilespmem:s29], [sflag:$0x3] =	stream.indirect.gather [hbm4b:s5+s24], $0x40, s2, s24, $0xb8;
	[tilespmem:$0x12140] =	vst v63  }
0x2e: {  	s11 =	simm.s32 $0xF0  }
0x2f: {  	[tilespmem:s31], [sflag:$0x4] =	stream.indirect.gather [hbm4b:s5+s24], $0x40, s11, s24, $0xb8;
	[tilespmem:$0x12140] =	vst v63  }
0x30: {  	s21 =	simm.s32 $0x140;
	s3 =	rddreg [dreg:$0xd];
	s2 =	simm.s32 @p1 $0x1FC6  }
0x31: {  	[tilespmem:s23], [sflag:$0x5] =	stream.indirect.gather [hbm4b:s5+s24], $0x40, s21, s24, $0xb8;
	[tilespmem:$0x12140] =	vst v63  }
0x32: {  	[spmem:s10], [sflag:s2] =	dma.local @p1 [hbm:s3], $0x1040  }
0x33: {  	s2 =	simm.s32 @p1 $0x6  }
0x34: {  	_ =	swait.ge @p1 [sflag:s2], $0x1040  }
0x35: {  	[sflag:s2] =	ssyncset.done @p1 $0x0  }
0x36: {  	[sflag:s2] =	ssyncadd.s32 @p1 $0xFFFFEFC0;
	s2 =	rddreg [dreg:$0xc]  }
0x37: {  	[spmem:s13], [sflag:s9] =	dma.local @!p1 [hbm:s2], $0x13C0  }
0x38: {  	s2 =	simm.s32 @!p1 $0x6  }
0x39: {  	_ =	swait.ge @!p1 [sflag:s2], $0x13C0  }
0x3a: {  	[sflag:s2] =	ssyncset.done @!p1 $0x0  }
0x3b: {  	[sflag:s2] =	ssyncadd.s32 @!p1 $0xFFFFEC40  }
0x3c: {  	s11 =	simm.s32 $0x0;
	[bflag:$0x0] =	sbarrier.arrive $0xFFFF  }
.LBB2_8:
0x3d: {  	p2 =	seq.s32 s11, $0x0  }
0x3e: {  	s2 =	smul.u32 @!p2 $0xFA0, s11;
	_ =	sdelay $0x1  }
0x3f: {  	s2 =	sadd.s32 @!p2 s7, s2  }
0x40: {  	s2 =	sshrl.u32 @!p2 s2, $0x3  }
0x41: {  	s13 =	simm.s32 @!p2 $0x0;
	s3 =	sadd.s32 @!p2 s6, s2  }
0x42: {  	[tilespmem:s13], [sflag:$0x6] =	stream.linear.gather @!p2 [hbm4b:s3+s13], $0xFA0, $0x38;
	[tilespmem:$0x12140] =	vst v63  }
0x43: {  	s3 =	simm.s32 @!p2 $0x6  }
0x44: {  	_ =	swait.ge @!p2 [sflag:s3], $0xFA0  }
0x45: {  	[sflag:s3] =	ssyncset.done @!p2 $0x0  }
0x46: {  	s21 =	simm.s32 @!p2 $0xFA0;
	s2 =	sadd.s32 @!p2 s8, s2;
	[sflag:s3] =	ssyncadd.s32 @!p2 $0xFFFFF060  }
0x47: {  	[tilespmem:s21], [sflag:$0x6] =	stream.linear.gather @!p2 [hbm4b:s2+s13], $0xFA0, $0x38;
	[tilespmem:$0x12140] =	vst v63  }
0x48: {  	_ =	swait.ge @!p2 [sflag:s3], $0xFA0  }
0x49: {  	[sflag:s3] =	ssyncset.done @!p2 $0x0  }
0x4a: {  	s2 =	simm.s32 @!p2 $0x50;
	[sflag:s3] =	ssyncadd.s32 @!p2 $0xFFFFF060;
	s3 =	simm.s32 @!p2 $0x1F40  }
0x4b: {  	[tilespmem:s3], [sflag:$0x1] =	stream.indirect.gather @!p2 [hbm4b:s5+s2], $0x40, s13, s2, $0xb8;
	[tilespmem:$0x12140] =	vst v63  }
0x4c: {  	s3 =	simm.s32 @!p2 $0x3340  }
0x4d: {  	[tilespmem:s3], [sflag:$0x2] =	stream.indirect.gather @!p2 [hbm4b:s5+s2], $0x40, s2, s2, $0xb8;
	[tilespmem:$0x12140] =	vst v63  }
0x4e: {  	s13 =	simm.s32 @!p2 $0x4740;
	s3 =	simm.s32 @!p2 $0xA0  }
0x4f: {  	[tilespmem:s13], [sflag:$0x3] =	stream.indirect.gather @!p2 [hbm4b:s5+s2], $0x40, s3, s2, $0xb8;
	[tilespmem:$0x12140] =	vst v63  }
0x50: {  	s3 =	simm.s32 @!p2 $0xF0;
	s13 =	simm.s32 @!p2 $0x5B40  }
0x51: {  	[tilespmem:s13], [sflag:$0x4] =	stream.indirect.gather @!p2 [hbm4b:s5+s2], $0x40, s3, s2, $0xb8;
	[tilespmem:$0x12140] =	vst v63  }
0x52: {  	s3 =	simm.s32 @!p2 $0x140;
	s13 =	simm.s32 @!p2 $0x6F40  }
0x53: {  	[tilespmem:s13], [sflag:$0x5] =	stream.indirect.gather @!p2 [hbm4b:s5+s2], $0x40, s3, s2, $0xb8;
	[tilespmem:$0x12140] =	vst v63  }
0x54: {  	_ =	swait.ge [sflag:s28], $0x1400  }
0x55: {  	[sflag:s28] =	ssyncset.done $0x0  }
0x56: {  	s3 =	simm.s32 $0xFA0;
	[sflag:s28] =	ssyncadd.s32 $0xFFFFEC00  }
0x57: {  	[spmem:s1] =	stream.indirect.scatter.add.f32 [tilespmem:s25], [sflag:$0x6], $0x40, s3, s24, $0xb8;
	[tilespmem:$0x12140] =	vst v63  }
0x58: {  	_ =	swait.ge [sflag:s22], $0x1400  }
0x59: {  	[sflag:s22] =	ssyncset.done $0x0  }
0x5a: {  	s13 =	simm.s32 $0x190;
	[sflag:s22] =	ssyncadd.s32 $0xFFFFEC00  }
0x5b: {  	[tilespmem:s25], [sflag:$0x1] =	stream.indirect.gather [hbm4b:s5+s24], $0x40, s13, s24, $0xb8;
	[tilespmem:$0x12140] =	vst v63  }
0x5c: {  	_ =	swait.ge [sflag:s12], $0x1400  }
0x5d: {  	[sflag:s12] =	ssyncset.done $0x0  }
0x5e: {  	s21 =	simm.s32 $0xFF0;
	[sflag:s12] =	ssyncadd.s32 $0xFFFFEC00  }
0x5f: {  	[spmem:s1] =	stream.indirect.scatter.add.f32 [tilespmem:s26], [sflag:$0x6], $0x40, s21, s24, $0xb8;
	[tilespmem:$0x12140] =	vst v63  }
0x60: {  	_ =	swait.ge [sflag:s22], $0x1400  }
0x61: {  	[sflag:s22] =	ssyncset.done $0x0  }
0x62: {  	s3 =	simm.s32 $0x1E0;
	[sflag:s22] =	ssyncadd.s32 $0xFFFFEC00  }
0x63: {  	[tilespmem:s26], [sflag:$0x2] =	stream.indirect.gather [hbm4b:s5+s24], $0x40, s3, s24, $0xb8;
	[tilespmem:$0x12140] =	vst v63  }
0x64: {  	_ =	swait.ge [sflag:s30], $0x1400  }
0x65: {  	[sflag:s30] =	ssyncset.done $0x0  }
0x66: {  	s13 =	simm.s32 $0x1040;
	[sflag:s30] =	ssyncadd.s32 $0xFFFFEC00  }
0x67: {  	[spmem:s1] =	stream.indirect.scatter.add.f32 [tilespmem:s29], [sflag:$0x6], $0x40, s13, s24, $0xb8;
	[tilespmem:$0x12140] =	vst v63  }
0x68: {  	_ =	swait.ge [sflag:s22], $0x1400  }
0x69: {  	[sflag:s22] =	ssyncset.done $0x0  }
0x6a: {  	s21 =	simm.s32 $0x230;
	[sflag:s22] =	ssyncadd.s32 $0xFFFFEC00  }
0x6b: {  	[tilespmem:s29], [sflag:$0x3] =	stream.indirect.gather [hbm4b:s5+s24], $0x40, s21, s24, $0xb8;
	[tilespmem:$0x12140] =	vst v63  }
0x6c: {  	_ =	swait.ge [sflag:s14], $0x1400  }
0x6d: {  	[sflag:s14] =	ssyncset.done $0x0  }
0x6e: {  	s3 =	simm.s32 $0x1090;
	[sflag:s14] =	ssyncadd.s32 $0xFFFFEC00  }
0x6f: {  	[spmem:s1] =	stream.indirect.scatter.add.f32 [tilespmem:s31], [sflag:$0x6], $0x40, s3, s24, $0xb8;
	[tilespmem:$0x12140] =	vst v63  }
0x70: {  	_ =	swait.ge [sflag:s22], $0x1400  }
0x71: {  	[sflag:s22] =	ssyncset.done $0x0  }
0x72: {  	s13 =	simm.s32 $0x280;
	[sflag:s22] =	ssyncadd.s32 $0xFFFFEC00  }
0x73: {  	[tilespmem:s31], [sflag:$0x4] =	stream.indirect.gather [hbm4b:s5+s24], $0x40, s13, s24, $0xb8;
	[tilespmem:$0x12140] =	vst v63  }
0x74: {  	_ =	swait.ge [sflag:s0], $0x1400  }
0x75: {  	[sflag:s0] =	ssyncset.done $0x0  }
0x76: {  	s21 =	simm.s32 $0x10E0;
	[sflag:s0] =	ssyncadd.s32 $0xFFFFEC00  }
0x77: {  	[spmem:s1] =	stream.indirect.scatter.add.f32 [tilespmem:s23], [sflag:$0x6], $0x40, s21, s24, $0xb8;
	[tilespmem:$0x12140] =	vst v63  }
0x78: {  	_ =	swait.ge [sflag:s22], $0x1400  }
0x79: {  	[sflag:s22] =	ssyncset.done $0x0  }
0x7a: {  	s13 =	simm.s32 $0x640;
	s21 =	simm.s32 $0x2D0;
	[sflag:s22] =	ssyncadd.s32 $0xFFFFEC00  }
.LBB2_9:
0x7b: {  	[tilespmem:s23], [sflag:$0x5] =	stream.indirect.gather [hbm4b:s5+s24], $0x40, s21, s24, $0xb8;
	[tilespmem:$0x12140] =	vst v63  }
0x7c: {  	s2 =	smov.u32 s13  }
0x7d: {  	p2 =	sne.s32 s13, $0x3200;
	s13 =	sadd.s32 $0x640, s13;
	_ =	swait.ge [sflag:s28], $0x1400  }
0x7e: {  	s21 =	sshra.s32 s2, $0x2;
	[sflag:s28] =	ssyncset.done $0x0  }
0x7f: {  	s2 =	sadd.s32 $0xFA0, s21;
	[sflag:s28] =	ssyncadd.s32 $0xFFFFEC00  }
0x80: {  	[spmem:s1] =	stream.indirect.scatter.add.f32 [tilespmem:s25], [sflag:$0x6], $0x40, s2, s24, $0xb8;
	[tilespmem:$0x12140] =	vst v63  }
0x81: {  	_ =	swait.ge [sflag:s22], $0x1400  }
0x82: {  	[sflag:s22] =	ssyncset.done $0x0  }
0x83: {  	s2 =	sadd.s32 $0x190, s21;
	[sflag:s22] =	ssyncadd.s32 $0xFFFFEC00  }
0x84: {  	[tilespmem:s25], [sflag:$0x1] =	stream.indirect.gather [hbm4b:s5+s24], $0x40, s2, s24, $0xb8;
	[tilespmem:$0x12140] =	vst v63  }
0x85: {  	_ =	swait.ge [sflag:s12], $0x1400  }
0x86: {  	[sflag:s12] =	ssyncset.done $0x0  }
0x87: {  	s2 =	sadd.s32 $0xFF0, s21;
	[sflag:s12] =	ssyncadd.s32 $0xFFFFEC00  }
0x88: {  	[spmem:s1] =	stream.indirect.scatter.add.f32 [tilespmem:s26], [sflag:$0x6], $0x40, s2, s24, $0xb8;
	[tilespmem:$0x12140] =	vst v63  }
0x89: {  	_ =	swait.ge [sflag:s22], $0x1400  }
0x8a: {  	[sflag:s22] =	ssyncset.done $0x0  }
0x8b: {  	s2 =	sadd.s32 $0x1E0, s21;
	[sflag:s22] =	ssyncadd.s32 $0xFFFFEC00  }
0x8c: {  	[tilespmem:s26], [sflag:$0x2] =	stream.indirect.gather [hbm4b:s5+s24], $0x40, s2, s24, $0xb8;
	[tilespmem:$0x12140] =	vst v63  }
0x8d: {  	_ =	swait.ge [sflag:s30], $0x1400  }
0x8e: {  	[sflag:s30] =	ssyncset.done $0x0  }
0x8f: {  	s2 =	sadd.s32 $0x1040, s21;
	[sflag:s30] =	ssyncadd.s32 $0xFFFFEC00  }
0x90: {  	[spmem:s1] =	stream.indirect.scatter.add.f32 [tilespmem:s29], [sflag:$0x6], $0x40, s2, s24, $0xb8;
	[tilespmem:$0x12140] =	vst v63  }
0x91: {  	_ =	swait.ge [sflag:s22], $0x1400  }
0x92: {  	[sflag:s22] =	ssyncset.done $0x0  }
0x93: {  	s2 =	sadd.s32 $0x230, s21;
	[sflag:s22] =	ssyncadd.s32 $0xFFFFEC00  }
0x94: {  	[tilespmem:s29], [sflag:$0x3] =	stream.indirect.gather [hbm4b:s5+s24], $0x40, s2, s24, $0xb8;
	[tilespmem:$0x12140] =	vst v63  }
0x95: {  	_ =	swait.ge [sflag:s14], $0x1400  }
0x96: {  	[sflag:s14] =	ssyncset.done $0x0  }
0x97: {  	s2 =	sadd.s32 $0x1090, s21;
	[sflag:s14] =	ssyncadd.s32 $0xFFFFEC00  }
0x98: {  	[spmem:s1] =	stream.indirect.scatter.add.f32 [tilespmem:s31], [sflag:$0x6], $0x40, s2, s24, $0xb8;
	[tilespmem:$0x12140] =	vst v63  }
0x99: {  	_ =	swait.ge [sflag:s22], $0x1400  }
0x9a: {  	[sflag:s22] =	ssyncset.done $0x0  }
0x9b: {  	s2 =	sadd.s32 $0x280, s21;
	[sflag:s22] =	ssyncadd.s32 $0xFFFFEC00  }
0x9c: {  	[tilespmem:s31], [sflag:$0x4] =	stream.indirect.gather [hbm4b:s5+s24], $0x40, s2, s24, $0xb8;
	[tilespmem:$0x12140] =	vst v63  }
0x9d: {  	_ =	swait.ge [sflag:s0], $0x1400  }
0x9e: {  	[sflag:s0] =	ssyncset.done $0x0  }
.Ltmp3:
0x9f: {  	s2 =	sadd.s32 $0x10E0, s21;
	[sflag:s0] =	ssyncadd.s32 $0xFFFFEC00;
	(pc) =	sbr.rel @p2 .LBB2_9-.Ltmp3, $4  }
0xa0: {  	[spmem:s1] =	stream.indirect.scatter.add.f32 [tilespmem:s23], [sflag:$0x6], $0x40, s2, s24, $0xb8;
	[tilespmem:$0x12140] =	vst v63  }
0xa1: {  	_ =	swait.ge [sflag:s22], $0x1400  }
0xa2: {  	[sflag:s22] =	ssyncset.done $0x0  }
0xa3: {  	s21 =	sadd.s32 $0x2D0, s21;
	[sflag:s22] =	ssyncadd.s32 $0xFFFFEC00  }
0xa4: {  	[tilespmem:s23], [sflag:$0x5] =	stream.indirect.gather [hbm4b:s5+s24], $0x40, s21, s24, $0xb8;
	[tilespmem:$0x12140] =	vst v63  }
0xa5: {  	_ =	swait.ge [sflag:s28], $0x1400  }
0xa6: {  	[sflag:s28] =	ssyncset.done $0x0  }
0xa7: {  	[sflag:s28] =	ssyncadd.s32 $0xFFFFEC00  }
0xa8: {  	[spmem:s1] =	stream.indirect.scatter.add.f32 [tilespmem:s25], [sflag:$0x6], $0x40, s15, s24, $0xb8;
	[tilespmem:$0x12140] =	vst v63  }
0xa9: {  	_ =	swait.ge [sflag:s22], $0x1400  }
0xaa: {  	[sflag:s22] =	ssyncset.done $0x0  }
0xab: {  	[sflag:s22] =	ssyncadd.s32 $0xFFFFEC00  }
0xac: {  	_ =	swait.ge [sflag:s12], $0x1400  }
0xad: {  	[sflag:s12] =	ssyncset.done $0x0  }
0xae: {  	[sflag:s12] =	ssyncadd.s32 $0xFFFFEC00  }
0xaf: {  	[spmem:s1] =	stream.indirect.scatter.add.f32 [tilespmem:s26], [sflag:$0x6], $0x40, s16, s24, $0xb8;
	[tilespmem:$0x12140] =	vst v63  }
0xb0: {  	_ =	swait.ge [sflag:s22], $0x1400  }
0xb1: {  	[sflag:s22] =	ssyncset.done $0x0  }
0xb2: {  	[sflag:s22] =	ssyncadd.s32 $0xFFFFEC00  }
0xb3: {  	_ =	swait.ge [sflag:s30], $0x1400  }
0xb4: {  	[sflag:s30] =	ssyncset.done $0x0  }
0xb5: {  	[sflag:s30] =	ssyncadd.s32 $0xFFFFEC00  }
0xb6: {  	[spmem:s1] =	stream.indirect.scatter.add.f32 [tilespmem:s29], [sflag:$0x6], $0x40, s17, s24, $0xb8;
	[tilespmem:$0x12140] =	vst v63  }
0xb7: {  	_ =	swait.ge [sflag:s22], $0x1400  }
0xb8: {  	[sflag:s22] =	ssyncset.done $0x0  }
0xb9: {  	[sflag:s22] =	ssyncadd.s32 $0xFFFFEC00  }
0xba: {  	_ =	swait.ge [sflag:s14], $0x1400  }
0xbb: {  	[sflag:s14] =	ssyncset.done $0x0  }
0xbc: {  	[sflag:s14] =	ssyncadd.s32 $0xFFFFEC00  }
0xbd: {  	[spmem:s1] =	stream.indirect.scatter.add.f32 [tilespmem:s31], [sflag:$0x6], $0x40, s18, s24, $0xb8;
	[tilespmem:$0x12140] =	vst v63  }
0xbe: {  	_ =	swait.ge [sflag:s22], $0x1400  }
0xbf: {  	[sflag:s22] =	ssyncset.done $0x0  }
0xc0: {  	[sflag:s22] =	ssyncadd.s32 $0xFFFFEC00  }
0xc1: {  	s11 =	sadd.s32 $0x1, s11;
	_ =	swait.ge [sflag:s0], $0x1400  }
0xc2: {  	p2 =	sne.s32 s11, $0x5;
	[sflag:s0] =	ssyncset.done $0x0  }
.Ltmp4:
0xc3: {  	[sflag:s0] =	ssyncadd.s32 $0xFFFFEC00;
	(pc) =	sbr.rel @p2 .LBB2_8-.Ltmp4, $4  }
0xc4: {  	[spmem:s1] =	stream.indirect.scatter.add.f32 [tilespmem:s23], [sflag:$0x6], $0x40, s19, s24, $0xb8;
	[tilespmem:$0x12140] =	vst v63  }
0xc5: {  	_ =	swait.ge [sflag:s22], $0x1400  }
0xc6: {  	[sflag:s22] =	ssyncset.done $0x0  }
0xc7: {  	[sflag:s22] =	ssyncadd.s32 $0xFFFFEC00  }
0xc8: {  	[bflag:$0x0] =	sbarrier.arrive $0xFFFF  }
0xc9: {  	s2 =	simm.s32 @p1 $0x1FC6;
	s3 =	rddreg [dreg:$0xf]  }
0xca: {  	[hbm:s3], [sflag:s2] =	dma.local @p1 [spmem:s10], $0x1040  }
0xcb: {  	s2 =	simm.s32 @p1 $0x6  }
0xcc: {  	_ =	swait.ge @p1 [sflag:s2], $0x1040  }
0xcd: {  	[sflag:s2] =	ssyncset.done @p1 $0x0;
	s3 =	rddreg [dreg:$0x11]  }
0xce: {  	[sflag:s2] =	ssyncadd.s32 @p1 $0xFFFFEFC0;
	s2 =	rddreg [dreg:$0xe]  }
0xcf: {  	[hbm:s2], [sflag:s9] =	dma.local @!p1 [spmem:s3], $0x13C0  }
.Ltmp5:
0xd0: {  	_ = 	snop;
	(pc) =	sbr.rel .LBB2_12-.Ltmp5, $4  }
0xd1: {  	s2 =	simm.s32 @!p1 $0x6  }
0xd2: {  	_ =	swait.ge @!p1 [sflag:s2], $0x13C0  }
0xd3: {  	[sflag:s2] =	ssyncset.done @!p1 $0x0  }
0xd4: {  	[sflag:s2] =	ssyncadd.s32 @!p1 $0xFFFFEC40  }
.LBB2_2:
0xd5: {  	[tilespmem:s25], [sflag:$0x1] =	stream.indirect.gather [hbm4b:s4+s24], $0x40, s21, s24, $0xb8;
	[tilespmem:$0x12140] =	vst v63  }
0xd6: {  	_ = 	snop  }
0xd7: {  	[tilespmem:s26], [sflag:$0x2] =	stream.indirect.gather [hbm4b:s4+s24], $0x40, s24, s24, $0xb8;
	[tilespmem:$0x12140] =	vst v63  }
0xd8: {  	s2 =	simm.s32 $0xA0  }
0xd9: {  	[tilespmem:s29], [sflag:$0x3] =	stream.indirect.gather [hbm4b:s4+s24], $0x40, s2, s24, $0xb8;
	[tilespmem:$0x12140] =	vst v63  }
0xda: {  	s11 =	simm.s32 $0xF0  }
0xdb: {  	[tilespmem:s31], [sflag:$0x4] =	stream.indirect.gather [hbm4b:s4+s24], $0x40, s11, s24, $0xb8;
	[tilespmem:$0x12140] =	vst v63  }
0xdc: {  	s21 =	simm.s32 $0x140;
	s2 =	rddreg [dreg:$0x9];
	s11 =	simm.s32 @p1 $0x1FC6  }
0xdd: {  	[tilespmem:s23], [sflag:$0x5] =	stream.indirect.gather [hbm4b:s4+s24], $0x40, s21, s24, $0xb8;
	[tilespmem:$0x12140] =	vst v63  }
0xde: {  	[spmem:s10], [sflag:s11] =	dma.local @p1 [hbm:s2], $0x1040  }
0xdf: {  	s11 =	simm.s32 @p1 $0x6  }
0xe0: {  	_ =	swait.ge @p1 [sflag:s11], $0x1040  }
0xe1: {  	[sflag:s11] =	ssyncset.done @p1 $0x0  }
0xe2: {  	s2 =	rddreg [dreg:$0x7];
	[sflag:s11] =	ssyncadd.s32 @p1 $0xFFFFEFC0;
	s11 =	simm.s32 @!p1 $0x6  }
0xe3: {  	[spmem:s13], [sflag:s9] =	dma.local @!p1 [hbm:s2], $0x13C0  }
0xe4: {  	_ =	swait.ge @!p1 [sflag:s11], $0x13C0  }
0xe5: {  	[sflag:s11] =	ssyncset.done @!p1 $0x0  }
0xe6: {  	[sflag:s11] =	ssyncadd.s32 @!p1 $0xFFFFEC40  }
0xe7: {  	s11 =	simm.s32 $0x0;
	[bflag:$0x0] =	sbarrier.arrive $0xFFFF  }
.LBB2_3:
0xe8: {  	p2 =	seq.s32 s11, $0x0  }
0xe9: {  	s13 =	smul.u32 @!p2 $0xFA0, s11;
	_ =	sdelay $0x1  }
0xea: {  	s13 =	sadd.s32 @!p2 s7, s13  }
0xeb: {  	s13 =	sshrl.u32 @!p2 s13, $0x3  }
0xec: {  	s3 =	simm.s32 @!p2 $0x0;
	s21 =	sadd.s32 @!p2 s6, s13  }
0xed: {  	[tilespmem:s3], [sflag:$0x6] =	stream.linear.gather @!p2 [hbm4b:s21+s3], $0xFA0, $0x38;
	[tilespmem:$0x12140] =	vst v63  }
0xee: {  	s21 =	simm.s32 @!p2 $0x6  }
0xef: {  	_ =	swait.ge @!p2 [sflag:s21], $0xFA0  }
0xf0: {  	[sflag:s21] =	ssyncset.done @!p2 $0x0  }
0xf1: {  	s2 =	simm.s32 @!p2 $0xFA0;
	s13 =	sadd.s32 @!p2 s8, s13;
	[sflag:s21] =	ssyncadd.s32 @!p2 $0xFFFFF060  }
0xf2: {  	[tilespmem:s2], [sflag:$0x6] =	stream.linear.gather @!p2 [hbm4b:s13+s3], $0xFA0, $0x38;
	[tilespmem:$0x12140] =	vst v63  }
0xf3: {  	_ =	swait.ge @!p2 [sflag:s21], $0xFA0  }
0xf4: {  	[sflag:s21] =	ssyncset.done @!p2 $0x0  }
0xf5: {  	s2 =	simm.s32 @!p2 $0x50;
	s13 =	simm.s32 @!p2 $0x1F40;
	[sflag:s21] =	ssyncadd.s32 @!p2 $0xFFFFF060  }
0xf6: {  	[tilespmem:s13], [sflag:$0x1] =	stream.indirect.gather @!p2 [hbm4b:s4+s2], $0x40, s3, s2, $0xb8;
	[tilespmem:$0x12140] =	vst v63  }
0xf7: {  	s3 =	simm.s32 @!p2 $0x3340  }
0xf8: {  	[tilespmem:s3], [sflag:$0x2] =	stream.indirect.gather @!p2 [hbm4b:s4+s2], $0x40, s2, s2, $0xb8;
	[tilespmem:$0x12140] =	vst v63  }
0xf9: {  	s13 =	simm.s32 @!p2 $0x4740;
	s3 =	simm.s32 @!p2 $0xA0  }
0xfa: {  	[tilespmem:s13], [sflag:$0x3] =	stream.indirect.gather @!p2 [hbm4b:s4+s2], $0x40, s3, s2, $0xb8;
	[tilespmem:$0x12140] =	vst v63  }
0xfb: {  	s3 =	simm.s32 @!p2 $0xF0;
	s13 =	simm.s32 @!p2 $0x5B40  }
0xfc: {  	[tilespmem:s13], [sflag:$0x4] =	stream.indirect.gather @!p2 [hbm4b:s4+s2], $0x40, s3, s2, $0xb8;
	[tilespmem:$0x12140] =	vst v63  }
0xfd: {  	s3 =	simm.s32 @!p2 $0x140;
	s13 =	simm.s32 @!p2 $0x6F40  }
0xfe: {  	[tilespmem:s13], [sflag:$0x5] =	stream.indirect.gather @!p2 [hbm4b:s4+s2], $0x40, s3, s2, $0xb8;
	[tilespmem:$0x12140] =	vst v63  }
0xff: {  	_ =	swait.ge [sflag:s28], $0x1400  }
0x100: {  	[sflag:s28] =	ssyncset.done $0x0  }
0x101: {  	s3 =	simm.s32 $0xFA0;
	[sflag:s28] =	ssyncadd.s32 $0xFFFFEC00  }
0x102: {  	[spmem:s1] =	stream.indirect.scatter.add.f32 [tilespmem:s25], [sflag:$0x6], $0x40, s3, s24, $0xb8;
	[tilespmem:$0x12140] =	vst v63  }
0x103: {  	_ =	swait.ge [sflag:s22], $0x1400  }
0x104: {  	[sflag:s22] =	ssyncset.done $0x0  }
0x105: {  	s13 =	simm.s32 $0x190;
	[sflag:s22] =	ssyncadd.s32 $0xFFFFEC00  }
0x106: {  	[tilespmem:s25], [sflag:$0x1] =	stream.indirect.gather [hbm4b:s4+s24], $0x40, s13, s24, $0xb8;
	[tilespmem:$0x12140] =	vst v63  }
0x107: {  	_ =	swait.ge [sflag:s12], $0x1400  }
0x108: {  	[sflag:s12] =	ssyncset.done $0x0  }
0x109: {  	s21 =	simm.s32 $0xFF0;
	[sflag:s12] =	ssyncadd.s32 $0xFFFFEC00  }
0x10a: {  	[spmem:s1] =	stream.indirect.scatter.add.f32 [tilespmem:s26], [sflag:$0x6], $0x40, s21, s24, $0xb8;
	[tilespmem:$0x12140] =	vst v63  }
0x10b: {  	_ =	swait.ge [sflag:s22], $0x1400  }
0x10c: {  	[sflag:s22] =	ssyncset.done $0x0  }
0x10d: {  	s3 =	simm.s32 $0x1E0;
	[sflag:s22] =	ssyncadd.s32 $0xFFFFEC00  }
0x10e: {  	[tilespmem:s26], [sflag:$0x2] =	stream.indirect.gather [hbm4b:s4+s24], $0x40, s3, s24, $0xb8;
	[tilespmem:$0x12140] =	vst v63  }
0x10f: {  	_ =	swait.ge [sflag:s30], $0x1400  }
0x110: {  	[sflag:s30] =	ssyncset.done $0x0  }
0x111: {  	s13 =	simm.s32 $0x1040;
	[sflag:s30] =	ssyncadd.s32 $0xFFFFEC00  }
0x112: {  	[spmem:s1] =	stream.indirect.scatter.add.f32 [tilespmem:s29], [sflag:$0x6], $0x40, s13, s24, $0xb8;
	[tilespmem:$0x12140] =	vst v63  }
0x113: {  	_ =	swait.ge [sflag:s22], $0x1400  }
0x114: {  	[sflag:s22] =	ssyncset.done $0x0  }
0x115: {  	s21 =	simm.s32 $0x230;
	[sflag:s22] =	ssyncadd.s32 $0xFFFFEC00  }
0x116: {  	[tilespmem:s29], [sflag:$0x3] =	stream.indirect.gather [hbm4b:s4+s24], $0x40, s21, s24, $0xb8;
	[tilespmem:$0x12140] =	vst v63  }
0x117: {  	_ =	swait.ge [sflag:s14], $0x1400  }
0x118: {  	[sflag:s14] =	ssyncset.done $0x0  }
0x119: {  	s3 =	simm.s32 $0x1090;
	[sflag:s14] =	ssyncadd.s32 $0xFFFFEC00  }
0x11a: {  	[spmem:s1] =	stream.indirect.scatter.add.f32 [tilespmem:s31], [sflag:$0x6], $0x40, s3, s24, $0xb8;
	[tilespmem:$0x12140] =	vst v63  }
0x11b: {  	_ =	swait.ge [sflag:s22], $0x1400  }
0x11c: {  	[sflag:s22] =	ssyncset.done $0x0  }
0x11d: {  	s13 =	simm.s32 $0x280;
	[sflag:s22] =	ssyncadd.s32 $0xFFFFEC00  }
0x11e: {  	[tilespmem:s31], [sflag:$0x4] =	stream.indirect.gather [hbm4b:s4+s24], $0x40, s13, s24, $0xb8;
	[tilespmem:$0x12140] =	vst v63  }
0x11f: {  	_ =	swait.ge [sflag:s0], $0x1400  }
0x120: {  	[sflag:s0] =	ssyncset.done $0x0  }
0x121: {  	s21 =	simm.s32 $0x10E0;
	[sflag:s0] =	ssyncadd.s32 $0xFFFFEC00  }
0x122: {  	[spmem:s1] =	stream.indirect.scatter.add.f32 [tilespmem:s23], [sflag:$0x6], $0x40, s21, s24, $0xb8;
	[tilespmem:$0x12140] =	vst v63  }
0x123: {  	_ =	swait.ge [sflag:s22], $0x1400  }
0x124: {  	[sflag:s22] =	ssyncset.done $0x0  }
0x125: {  	s13 =	simm.s32 $0x640;
	s21 =	simm.s32 $0x2D0;
	[sflag:s22] =	ssyncadd.s32 $0xFFFFEC00  }
.LBB2_4:
0x126: {  	[tilespmem:s23], [sflag:$0x5] =	stream.indirect.gather [hbm4b:s4+s24], $0x40, s21, s24, $0xb8;
	[tilespmem:$0x12140] =	vst v63  }
0x127: {  	s2 =	smov.u32 s13  }
0x128: {  	p2 =	sne.s32 s13, $0x3200;
	s13 =	sadd.s32 $0x640, s13;
	_ =	swait.ge [sflag:s28], $0x1400  }
0x129: {  	s21 =	sshra.s32 s2, $0x2;
	[sflag:s28] =	ssyncset.done $0x0  }
0x12a: {  	s2 =	sadd.s32 $0xFA0, s21;
	[sflag:s28] =	ssyncadd.s32 $0xFFFFEC00  }
0x12b: {  	[spmem:s1] =	stream.indirect.scatter.add.f32 [tilespmem:s25], [sflag:$0x6], $0x40, s2, s24, $0xb8;
	[tilespmem:$0x12140] =	vst v63  }
0x12c: {  	_ =	swait.ge [sflag:s22], $0x1400  }
0x12d: {  	[sflag:s22] =	ssyncset.done $0x0  }
0x12e: {  	s2 =	sadd.s32 $0x190, s21;
	[sflag:s22] =	ssyncadd.s32 $0xFFFFEC00  }
0x12f: {  	[tilespmem:s25], [sflag:$0x1] =	stream.indirect.gather [hbm4b:s4+s24], $0x40, s2, s24, $0xb8;
	[tilespmem:$0x12140] =	vst v63  }
0x130: {  	_ =	swait.ge [sflag:s12], $0x1400  }
0x131: {  	[sflag:s12] =	ssyncset.done $0x0  }
0x132: {  	s2 =	sadd.s32 $0xFF0, s21;
	[sflag:s12] =	ssyncadd.s32 $0xFFFFEC00  }
0x133: {  	[spmem:s1] =	stream.indirect.scatter.add.f32 [tilespmem:s26], [sflag:$0x6], $0x40, s2, s24, $0xb8;
	[tilespmem:$0x12140] =	vst v63  }
0x134: {  	_ =	swait.ge [sflag:s22], $0x1400  }
0x135: {  	[sflag:s22] =	ssyncset.done $0x0  }
0x136: {  	s2 =	sadd.s32 $0x1E0, s21;
	[sflag:s22] =	ssyncadd.s32 $0xFFFFEC00  }
0x137: {  	[tilespmem:s26], [sflag:$0x2] =	stream.indirect.gather [hbm4b:s4+s24], $0x40, s2, s24, $0xb8;
	[tilespmem:$0x12140] =	vst v63  }
0x138: {  	_ =	swait.ge [sflag:s30], $0x1400  }
0x139: {  	[sflag:s30] =	ssyncset.done $0x0  }
0x13a: {  	s2 =	sadd.s32 $0x1040, s21;
	[sflag:s30] =	ssyncadd.s32 $0xFFFFEC00  }
0x13b: {  	[spmem:s1] =	stream.indirect.scatter.add.f32 [tilespmem:s29], [sflag:$0x6], $0x40, s2, s24, $0xb8;
	[tilespmem:$0x12140] =	vst v63  }
0x13c: {  	_ =	swait.ge [sflag:s22], $0x1400  }
0x13d: {  	[sflag:s22] =	ssyncset.done $0x0  }
0x13e: {  	s2 =	sadd.s32 $0x230, s21;
	[sflag:s22] =	ssyncadd.s32 $0xFFFFEC00  }
0x13f: {  	[tilespmem:s29], [sflag:$0x3] =	stream.indirect.gather [hbm4b:s4+s24], $0x40, s2, s24, $0xb8;
	[tilespmem:$0x12140] =	vst v63  }
0x140: {  	_ =	swait.ge [sflag:s14], $0x1400  }
0x141: {  	[sflag:s14] =	ssyncset.done $0x0  }
0x142: {  	s2 =	sadd.s32 $0x1090, s21;
	[sflag:s14] =	ssyncadd.s32 $0xFFFFEC00  }
0x143: {  	[spmem:s1] =	stream.indirect.scatter.add.f32 [tilespmem:s31], [sflag:$0x6], $0x40, s2, s24, $0xb8;
	[tilespmem:$0x12140] =	vst v63  }
0x144: {  	_ =	swait.ge [sflag:s22], $0x1400  }
0x145: {  	[sflag:s22] =	ssyncset.done $0x0  }
0x146: {  	s2 =	sadd.s32 $0x280, s21;
	[sflag:s22] =	ssyncadd.s32 $0xFFFFEC00  }
0x147: {  	[tilespmem:s31], [sflag:$0x4] =	stream.indirect.gather [hbm4b:s4+s24], $0x40, s2, s24, $0xb8;
	[tilespmem:$0x12140] =	vst v63  }
0x148: {  	_ =	swait.ge [sflag:s0], $0x1400  }
0x149: {  	[sflag:s0] =	ssyncset.done $0x0  }
.Ltmp6:
0x14a: {  	s2 =	sadd.s32 $0x10E0, s21;
	[sflag:s0] =	ssyncadd.s32 $0xFFFFEC00;
	(pc) =	sbr.rel @p2 .LBB2_4-.Ltmp6, $4  }
0x14b: {  	[spmem:s1] =	stream.indirect.scatter.add.f32 [tilespmem:s23], [sflag:$0x6], $0x40, s2, s24, $0xb8;
	[tilespmem:$0x12140] =	vst v63  }
0x14c: {  	_ =	swait.ge [sflag:s22], $0x1400  }
0x14d: {  	[sflag:s22] =	ssyncset.done $0x0  }
0x14e: {  	s21 =	sadd.s32 $0x2D0, s21;
	[sflag:s22] =	ssyncadd.s32 $0xFFFFEC00  }
0x14f: {  	[tilespmem:s23], [sflag:$0x5] =	stream.indirect.gather [hbm4b:s4+s24], $0x40, s21, s24, $0xb8;
	[tilespmem:$0x12140] =	vst v63  }
0x150: {  	_ =	swait.ge [sflag:s28], $0x1400  }
0x151: {  	[sflag:s28] =	ssyncset.done $0x0  }
0x152: {  	[sflag:s28] =	ssyncadd.s32 $0xFFFFEC00  }
0x153: {  	[spmem:s1] =	stream.indirect.scatter.add.f32 [tilespmem:s25], [sflag:$0x6], $0x40, s15, s24, $0xb8;
	[tilespmem:$0x12140] =	vst v63  }
0x154: {  	_ =	swait.ge [sflag:s22], $0x1400  }
0x155: {  	[sflag:s22] =	ssyncset.done $0x0  }
0x156: {  	[sflag:s22] =	ssyncadd.s32 $0xFFFFEC00  }
0x157: {  	_ =	swait.ge [sflag:s12], $0x1400  }
0x158: {  	[sflag:s12] =	ssyncset.done $0x0  }
0x159: {  	[sflag:s12] =	ssyncadd.s32 $0xFFFFEC00  }
0x15a: {  	[spmem:s1] =	stream.indirect.scatter.add.f32 [tilespmem:s26], [sflag:$0x6], $0x40, s16, s24, $0xb8;
	[tilespmem:$0x12140] =	vst v63  }
0x15b: {  	_ =	swait.ge [sflag:s22], $0x1400  }
0x15c: {  	[sflag:s22] =	ssyncset.done $0x0  }
0x15d: {  	[sflag:s22] =	ssyncadd.s32 $0xFFFFEC00  }
0x15e: {  	_ =	swait.ge [sflag:s30], $0x1400  }
0x15f: {  	[sflag:s30] =	ssyncset.done $0x0  }
0x160: {  	[sflag:s30] =	ssyncadd.s32 $0xFFFFEC00  }
0x161: {  	[spmem:s1] =	stream.indirect.scatter.add.f32 [tilespmem:s29], [sflag:$0x6], $0x40, s17, s24, $0xb8;
	[tilespmem:$0x12140] =	vst v63  }
0x162: {  	_ =	swait.ge [sflag:s22], $0x1400  }
0x163: {  	[sflag:s22] =	ssyncset.done $0x0  }
0x164: {  	[sflag:s22] =	ssyncadd.s32 $0xFFFFEC00  }
0x165: {  	_ =	swait.ge [sflag:s14], $0x1400  }
0x166: {  	[sflag:s14] =	ssyncset.done $0x0  }
0x167: {  	[sflag:s14] =	ssyncadd.s32 $0xFFFFEC00  }
0x168: {  	[spmem:s1] =	stream.indirect.scatter.add.f32 [tilespmem:s31], [sflag:$0x6], $0x40, s18, s24, $0xb8;
	[tilespmem:$0x12140] =	vst v63  }
0x169: {  	_ =	swait.ge [sflag:s22], $0x1400  }
0x16a: {  	[sflag:s22] =	ssyncset.done $0x0  }
0x16b: {  	[sflag:s22] =	ssyncadd.s32 $0xFFFFEC00  }
0x16c: {  	s11 =	sadd.s32 $0x1, s11;
	_ =	swait.ge [sflag:s0], $0x1400  }
0x16d: {  	p2 =	sne.s32 s11, $0x5;
	[sflag:s0] =	ssyncset.done $0x0  }
.Ltmp7:
0x16e: {  	[sflag:s0] =	ssyncadd.s32 $0xFFFFEC00;
	(pc) =	sbr.rel @p2 .LBB2_3-.Ltmp7, $4  }
0x16f: {  	[spmem:s1] =	stream.indirect.scatter.add.f32 [tilespmem:s23], [sflag:$0x6], $0x40, s19, s24, $0xb8;
	[tilespmem:$0x12140] =	vst v63  }
0x170: {  	_ =	swait.ge [sflag:s22], $0x1400  }
0x171: {  	[sflag:s22] =	ssyncset.done $0x0  }
0x172: {  	[sflag:s22] =	ssyncadd.s32 $0xFFFFEC00  }
0x173: {  	[bflag:$0x0] =	sbarrier.arrive $0xFFFF  }
0x174: {  	s2 =	simm.s32 @p1 $0x1FC6;
	s3 =	rddreg [dreg:$0xb]  }
0x175: {  	[hbm:s3], [sflag:s2] =	dma.local @p1 [spmem:s10], $0x1040  }
0x176: {  	s2 =	simm.s32 @p1 $0x6  }
0x177: {  	_ =	swait.ge @p1 [sflag:s2], $0x1040  }
0x178: {  	[sflag:s2] =	ssyncset.done @p1 $0x0;
	s3 =	rddreg [dreg:$0x11]  }
0x179: {  	[sflag:s2] =	ssyncadd.s32 @p1 $0xFFFFEFC0;
	s2 =	rddreg [dreg:$0xa]  }
0x17a: {  	[hbm:s2], [sflag:s9] =	dma.local @!p1 [spmem:s3], $0x13C0  }
.Ltmp8:
0x17b: {  	_ = 	snop;
	(pc) =	sbr.rel .LBB2_12-.Ltmp8, $4  }
0x17c: {  	s2 =	simm.s32 @!p1 $0x6  }
0x17d: {  	_ =	swait.ge @!p1 [sflag:s2], $0x13C0  }
0x17e: {  	[sflag:s2] =	ssyncset.done @!p1 $0x0  }
0x17f: {  	[sflag:s2] =	ssyncadd.s32 @!p1 $0xFFFFEC40  }
.LBB2_13:
0x180: {  	_ =	sfence.sel $0x180000  }
0x181: {  	[bflag:$0x0] =	sbarrier.arrive $0xFFFF  }
0x182: {  	_ =	strace $0x9000004D  }
0x183: {  	s0 =	stileid.u32;
	[bflag:$0x2] =	sbarrier.arrive $0xFFFF  }
0x184: {  	p0 =	sne.s32 s0, $0x0;
	s0 =	rddreg [dreg:$0x3]  }
0x185: {  	s0 =	sadd.s32 @!p0 $0x100000, s0  }
0x186: {  	[sflag:s0] =	ssyncadd.tile.s32 @!p0 $0x1;
	_ =	shalt  }
.Lfunc_end2:
_tile_overlayer_lowered:
.L_overlay_start_2:
0x187: {  	(tag) =	ssettag $0x2  }
0x188: {  	s0 =	rddreg [dreg:$0x0];
	s2 =	stileid.u32  }
0x189: {  	s1 =	rddreg [dreg:$0x1];
	p0 =	sne.s32 s2, $0x0  }
0x18a: {  	s3 =	rddreg [dreg:$0x2];
	[bflag:$0x3] =	sbarrier.arrive $0xFFFF;
	s2 =	simm.s32 @!p0 $0x1C06  }
0x18b: {  	[timem:s3], [sflag:s2] =	dma.local @!p0 [hbm:s0], s1  }
0x18c: {  	s0 =	simm.s32 @!p0 $0x6  }
0x18d: {  	_ =	swait.ge @!p0 [sflag:s0], s1  }
0x18e: {  	s1 =	ssub.s32 @!p0 $0x0, s1;
	[sflag:s0] =	ssyncset.done @!p0 $0x0  }
0x18f: {  	[sflag:s0] =	ssyncadd.s32 @!p0 s1  }
0x190: {  	[bflag:$0x3] =	sbarrier.arrive $0xFFFF  }
0x191: {  	_ =	shalt  }

// kernel: kernel.8.cloned.1.call-start
scs
__scs_entry_jumppad:
0x0: {  	(pc) =	sbr.rel $0x88, $3  }
0x1: {  	(tag) =	ssettag $0x0;
	lr =	simm.s32 $0x1  }
0x2: {  	[smem:$0x3F9B] =	sst lr;
	_ =	strace $0xD0000000  }
0x3: {  	_ = 	snop  }
0x4: {  	_ = 	snop  }
0x5: {  	_ = 	snop  }
0x6: {  	_ = 	snop  }
0x7: {  	_ = 	snop  }
__scs_overlays_trampoline_lowered:
0x8: {  	[smem:$0x3FAA] =	sst s0  }
0x9: {  	[smem:$0x3FAB] =	sst s1  }
0xa: {  	[smem:$0x3FAC] =	sst s2  }
0xb: {  	[smem:$0x3FAD] =	sst s3  }
0xc: {  	[smem:$0x3FAE] =	sst s4  }
0xd: {  	[smem:$0x3FAF] =	sst s5  }
0xe: {  	[smem:$0x3FB0] =	sst s6  }
0xf: {  	[smem:$0x3FB1] =	sst s7  }
0x10: {  	[smem:$0x3FB2] =	sst s8  }
0x11: {  	[smem:$0x3FB3] =	sst s9;
	s0 =	simm.s32 @!p0 $0x0  }
0x12: {  	s1 =	sld [smem:$0x3F99];
	s0 =	simm.s32 @p0 $0x1  }
0x13: {  	[smem:$0x3FB4] =	sst s0;
	s0 =	simm.s32 @!p1 $0x0  }
0x14: {  	s2 =	sld [smem:$0x3F98];
	s0 =	simm.s32 @p1 $0x1  }
0x15: {  	[smem:$0x3FB5] =	sst s0;
	s0 =	simm.s32 @!p2 $0x0  }
0x16: {  	s3 =	sld [smem:$0x3FDB];
	s0 =	simm.s32 @p2 $0x1  }
0x17: {  	s4 =	simm.s32 $0x1BF5;
	[smem:$0x3FB7] =	sst s0  }
0x18: {  	s0 =	sld [smem:$0x3F9A];
	_ =	swait.ge [sflag:s4], $0x0  }
0x19: {  	s7 =	sld [smem:$0x3F9B]  }
0x1a: {  	s8 =	sadd.s32 $0xFFFFE003, lr  }
0x1b: {  	s9 =	sadd.s32 $0xFFFFFEF7, lr;
	s5 =	simm.s32 $0xFFFFFFFF;
	p2 =	slt.u32 s8, $0xFFFFF086  }
0x1c: {  	p1 =	slt.u32 s9, $0xF7A;
	s5 =	simm.s32 @!p2 $0x0  }
0x1d: {  	s5 =	simm.s32 @p1 $0x1;
	p0 =	seq.s32 s7, s2  }
0x1e: {  	s7 =	smul.u32 @!p0 $0xF7A, s2;
	p2 =	seq.s32 @!p0 s5, $0x0  }
0x1f: {  	s9 =	smul.u32 $0xF7A, s1;
	s8 =	simm.s32 @!p0 $0x1BF5;
	p2 =	por !p2, p0  }
0x20: {  	[sflag:s8] =	ssyncset.s32 @!p0 $0xFFFFF086;
	s6 =	sadd.s32 @!p0 s3, s7;
	s7 =	simm.s32 @!p0 $0x108  }
0x21: {  	s3 =	sadd.s32 s3, s9;
	s6 =	sadd.s32 @!p0 $0x88, s6;
	s7 =	simm.s32 @p2 $0x1082  }
0x22: {  	[simem:s7], [sflag:s8] =	dma.local @!p0 [hbm:s6], $0xF7A  }
0x23: {  	s9 =	sor.u32 $0xD0000000, s2;
	s6 =	simm.s32 $0x108;
	_ =	swait.ge @!p0 [sflag:s8], $0x0  }
0x24: {  	s3 =	sadd.s32 $0x88, s3;
	s6 =	simm.s32 @!p1 $0x1082;
	[sflag:s4] =	ssyncset.s32 $0xFFFFF086  }
0x25: {  	[simem:s6], [sflag:s4] =	dma.local [hbm:s3], $0xF7A  }
0x26: {  	[smem:$0x3F9B] =	sst s1;
	(tag) =	ssettag s2;
	_ =	strace s9  }
0x27: {  	s1 =	sld [smem:$0x3FAB]  }
0x28: {  	s2 =	sld [smem:$0x3FAC]  }
0x29: {  	s4 =	sld [smem:$0x3FAE]  }
0x2a: {  	p0 =	seq.s32 s5, $0x0;
	s5 =	sld [smem:$0x3FAF]  }
0x2b: {  	s6 =	sld [smem:$0x3FB0]  }
0x2c: {  	s7 =	sld [smem:$0x3FB1]  }
0x2d: {  	s3 =	simm.s32 $0x108;
	s8 =	sld [smem:$0x3FB2]  }
0x2e: {  	s3 =	simm.s32 @!p0 $0x1082;
	s9 =	sld [smem:$0x3FB3]  }
0x2f: {  	lr =	sadd.s32 s0, s3;
	s0 =	sld [smem:$0x3FAA]  }
0x30: {  	s3 =	sld [smem:$0x3FAD]  }
0x31: {  	[smem:$0x3FB6] =	sst s10  }
0x32: {  	s10 =	sld [smem:$0x3FB4];
	_ =	sdelay $0x3  }
0x33: {  	p0 =	seq.s32 s10, $0x1;
	s10 =	sld [smem:$0x3FB6];
	_ =	sdelay $0x3  }
0x34: {  	[smem:$0x3FB6] =	sst s10  }
0x35: {  	s10 =	sld [smem:$0x3FB5];
	_ =	sdelay $0x3  }
0x36: {  	p1 =	seq.s32 s10, $0x1;
	s10 =	sld [smem:$0x3FB6];
	_ =	sdelay $0x3  }
0x37: {  	[smem:$0x3FB6] =	sst s10  }
0x38: {  	s10 =	sld [smem:$0x3FB7]  }
0x39: {  	_ = 	snop;
	(pc) =	sbr.ind lr, $3  }
0x3a: {  	_ = 	snop  }
0x3b: {  	_ = 	snop  }
0x3c: {  	p2 =	seq.s32 s10, $0x1;
	s10 =	sld [smem:$0x3FB6]  }
0x3d: {  	_ =	shalt  }
0x3e: {  	_ =	shalt  }
0x3f: {  	_ =	shalt  }
0x40: {  	_ =	shalt  }
0x41: {  	_ =	shalt  }
0x42: {  	_ =	shalt  }
0x43: {  	_ =	shalt  }
0x44: {  	_ =	shalt  }
0x45: {  	_ =	shalt  }
0x46: {  	_ =	shalt  }
0x47: {  	_ =	shalt  }
0x48: {  	_ =	shalt  }
0x49: {  	_ =	shalt  }
0x4a: {  	_ =	shalt  }
0x4b: {  	_ =	shalt  }
0x4c: {  	_ =	shalt  }
0x4d: {  	_ =	shalt  }
0x4e: {  	_ =	shalt  }
0x4f: {  	_ =	shalt  }
0x50: {  	_ =	shalt  }
0x51: {  	_ =	shalt  }
0x52: {  	_ =	shalt  }
0x53: {  	_ =	shalt  }
0x54: {  	_ =	shalt  }
0x55: {  	_ =	shalt  }
0x56: {  	_ =	shalt  }
0x57: {  	_ =	shalt  }
0x58: {  	_ =	shalt  }
0x59: {  	_ =	shalt  }
0x5a: {  	_ =	shalt  }
0x5b: {  	_ =	shalt  }
0x5c: {  	_ =	shalt  }
0x5d: {  	_ =	shalt  }
0x5e: {  	_ =	shalt  }
0x5f: {  	_ =	shalt  }
0x60: {  	_ =	shalt  }
0x61: {  	_ =	shalt  }
0x62: {  	_ =	shalt  }
0x63: {  	_ =	shalt  }
0x64: {  	_ =	shalt  }
0x65: {  	_ =	shalt  }
0x66: {  	_ =	shalt  }
0x67: {  	_ =	shalt  }
0x68: {  	_ =	shalt  }
0x69: {  	_ =	shalt  }
0x6a: {  	_ =	shalt  }
0x6b: {  	_ =	shalt  }
0x6c: {  	_ =	shalt  }
0x6d: {  	_ =	shalt  }
0x6e: {  	_ =	shalt  }
0x6f: {  	_ =	shalt  }
0x70: {  	_ =	shalt  }
0x71: {  	_ =	shalt  }
0x72: {  	_ =	shalt  }
0x73: {  	_ =	shalt  }
0x74: {  	_ =	shalt  }
0x75: {  	_ =	shalt  }
0x76: {  	_ =	shalt  }
0x77: {  	_ =	shalt  }
0x78: {  	_ =	shalt  }
0x79: {  	_ =	shalt  }
0x7a: {  	_ =	shalt  }
0x7b: {  	_ =	shalt  }
0x7c: {  	_ =	shalt  }
0x7d: {  	_ =	shalt  }
0x7e: {  	_ =	shalt  }
0x7f: {  	_ =	shalt  }
0x80: {  	_ =	shalt  }
0x81: {  	_ =	shalt  }
0x82: {  	_ =	shalt  }
0x83: {  	_ =	shalt  }
0x84: {  	_ =	shalt  }
0x85: {  	_ =	shalt  }
0x86: {  	_ =	shalt  }
0x87: {  	_ =	shalt  }
.Lfunc_end0:
.L_simem_size_0:
called_computation_lowered:
.L_overlay_start_0:
0x88: {  	s2 =	sld [smem:$0x3FD9]  }
0x89: {  	s3 =	sld [smem:$0x3FFE];
	_ =	sdelay $0x1  }
0x8a: {  	s1 =	srdreg.scid  }
0x8b: {  	s0 =	sand.u32 $0x1, s1  }
0x8c: {  	s17 =	sshll.u32 s0, $0xA;
	s2 =	sadd.s32 s3, s2  }
0x8d: {  	s2 =	sadd.s32 s2, s17  }
0x8e: {  	[smem:$0x3FC2] =	sst s2  }
0x8f: {  	_ = 	snop  }
0x90: {  	s2 =	sld [smem:$0x3FD0];
	(tm) =	ssettm $0x1  }
0x91: {  	s18 =	sld [smem:$0x3FFB];
	_ =	sdelay $0x3  }
0x92: {  	_ =	strace s18  }
0x93: {  	s3 =	sld [smem:$0x3FFC];
	_ =	sdelay $0x3  }
0x94: {  	_ =	strace s3  }
0x95: {  	s3 =	sld [smem:$0x3FFD];
	_ =	sdelay $0x3  }
0x96: {  	_ =	strace s3  }
0x97: {  	_ =	strace $0x8FFFFFFF  }
0x98: {  	s19 =	sld [smem:$0x3FDB];
	_ =	sdelay $0x1  }
0x99: {  	s4 =	simm.s32 $_scs_section_size  }
0x9a: {  	s5 =	simm.s32 $_size__tile_overlayer_lowered;
	s6 =	simm.s32 $_tile_overlayer_lowered  }
0x9b: {  	s22 =	simm.s32 $0x1BFF;
	s21 =	sshll.u32 s6, $0x1;
	s3 =	sadd.s32 s4, s19  }
0x9c: {  	s7 =	simm.s32 $0x0;
	s20 =	sshll.u32 s5, $0x1;
	s5 =	sadd.s32 s21, s3  }
0x9d: {  	[timem:s7], [sflag:s22] =	dma.local [hbm:s5], s20  }
0x9e: {  	_ =	swait.ge [sflag:s22], s20  }
0x9f: {  	s4 =	ssub.s32 $0x0, s20;
	[sflag:s22] =	ssyncset.done $0x0  }
0xa0: {  	[sflag:s22] =	ssyncadd.s32 s4;
	_ =	sdelay $0x1  }
0xa1: {  	s23 =	simm.s32 $0x1B8B  }
0xa2: {  	_ =	swait.ge [sflag:s23], $0x1  }
0xa3: {  	[sflag:s23] =	ssyncset.done $0x0  }
0xa4: {  	s25 =	simm.s32 $0x1B8E;
	s24 =	sld [smem:$0x3FFE];
	[sflag:s23] =	ssyncadd.s32 $0xFFFFFFFF  }
0xa5: {  	s26 =	simm.s32 $execute0_lowered;
	[smem:$0x3FD2] =	sst s25  }
0xa6: {  	s5 =	sshll.u32 s26, $0x1;
	_ =	strace $0x80000046;
	[dreg:$0x1] =	wrdreg $0xFFFFFFFF  }
0xa7: {  	s28 =	simm.s32 $_size_execute0_lowered;
	s3 =	sadd.s32 s3, s5;
	[dreg:$0x0] =	wrdreg $0x0  }
0xa8: {  	s5 =	sshll.u32 s28, $0x1;
	[dreg:$0x2] =	wrdreg s3  }
0xa9: {  	[dreg:$0x3] =	wrdreg s5  }
0xaa: {  	[dreg:$0x4] =	wrdreg $0xC0  }
0xab: {  	_ =	task [dreg:s7], $0x5FFFF  }
0xac: {  	[dreg:$0x1] =	wrdreg $0xFFFFFFFF  }
0xad: {  	[dreg:$0x0] =	wrdreg $0x60  }
0xae: {  	[dreg:$0x2] =	wrdreg s24  }
0xaf: {  	[dreg:$0x3] =	wrdreg s2  }
0xb0: {  	[dreg:$0x4] =	wrdreg $0x12700  }
0xb1: {  	[dreg:$0x5] =	wrdreg $0x9  }
0xb2: {  	_ =	task.clear_ibuf [dreg:s7], $0x6FFFF;
	_ =	strace $0x90000046  }
0xb3: {  	s29 =	simm.s32 $0x9;
	_ =	strace $0x80000048  }
0xb4: {  	_ =	swait.ge [sflag:s29], $0x1  }
0xb5: {  	[sflag:s29] =	ssyncadd.s32 $0xFFFFFFFF  }
0xb6: {  	_ =	strace $0x90000048  }
0xb7: {  	_ =	sfence  }
0xb8: {  	s30 =	sld [smem:$0x0];
	_ =	sdelay $0x2  }
0xb9: {  	s31 =	sshll.u32 s1, $0xD;
	s1 =	sshrl.u32 s1, $0x2  }
0xba: {  	s3 =	sand.u32 $0x4000, s31;
	s1 =	sadd.s32 s1, s30  }
0xbb: {  	s0 =	sor.u32 s3, s0;
	s1 =	sshll.u32 s1, $0x11  }
0xbc: {  	s0 =	sor.u32 s1, s0  }
0xbd: {  	s0 =	sadd.s32 $0x8F2B, s0  }
0xbe: {  	[sflag:s0] =	ssyncadd.remote.s32 $0x1  }
0xbf: {  	_ =	sfence.sel $0xFFFF  }
0xc0: {  	[dreg:$0x0] =	wrdreg $0xFFFFFFFF;
	(pc) =	sbr.abs _section_cstart, $3  }
0xc1: {  	[dreg:$0x1] =	wrdreg $0xFFFFFFFF  }
0xc2: {  	_ =	task.clear_ibuf [dreg:s7], $0x2FFFF;
	_ =	strace $0x9FFFFFFF  }
0xc3: {  	(tm) =	ssettm $0x7FFFFFFF  }
tec
execute0_lowered:
.L_overlay_start_1:
0x0: {  	(tag) =	ssettag $0x1  }
0x1: {  	s5 =	rddreg [dreg:$0x0]  }
0x2: {  	s9 =	rddreg [dreg:$0x1]  }
0x3: {  	s2 =	rddreg [dreg:$0x2]  }
0x4: {  	s0 =	rddreg [dreg:$0x3];
	s4 =	srdreg.scid  }
0x5: {  	s1 =	stileid.u32;
	s3 =	simm.s32 $0x0;
	s12 =	simm.s32 $0x2  }
0x6: {  	s13 =	simm.s32 $0x50;
	s14 =	simm.s32 $0xFA0;
	s15 =	simm.s32 $0x1  }
0x7: {  	s18 =	simm.s32 $0x0;
	s4 =	sand.u32 $0x1, s4;
	s6 =	smul.u32 $0x280, s1  }
0x8: {  	[smem:$0x7FF] =	sst s3;
	s5 =	sadd.s32 $0xCE00, s5;
	s7 =	ssub.s32 $0x2, s4  }
0x9: {  	s16 =	sshll.u32 s1, $0x6;
	s8 =	smul.u32 $0x2800, s4;
	s10 =	sshrl.u32 s7, $0x1  }
0xa: {  	_ =	strace $0x80000047;
	s16 =	sor.u32 $0x1C02, s16;
	s10 =	ssub.s32 s7, s10  }
0xb: {  	s8 =	sadd.s32 s6, s8;
	s6 =	sadd.s32 s6, s2;
	s7 =	smul.u32 $0x4E20, s1  }
0xc: {  	s11 =	sshrl.u32 s8, $0x3;
	s8 =	smul.u32 $0x19, s4;
	s10 =	smax.u32 s10, $0x1  }
0xd: {  	v0 =	vimm.f32 $1.000000000e+00;
	v1 =	vimm.f32 $0.0e+00;
	s17 =	sshrl.u32 s6, $0x3;
	s9 =	sadd.s32 s9, s11;
	s11 =	simm.s32 $0xFF0  }
.LBB2_1:
0xe: {  	[tilespmem:$0xFA0] =	vst v0  }
0xf: {  	[tilespmem:$0xFB0] =	vst v0  }
0x10: {  	[tilespmem:$0xFC0] =	vst v0  }
0x11: {  	[tilespmem:$0xFD0] =	vst v0  }
0x12: {  	[tilespmem:$0xFE0] =	vst v0  }
0x13: {  	[tilespmem:$0xFF0] =	vst v1  }
0x14: {  	[tilespmem:$0x1000] =	vst v1  }
0x15: {  	[tilespmem:$0x1010] =	vst v1  }
0x16: {  	[tilespmem:$0x1020] =	vst v1  }
0x17: {  	[tilespmem:$0x1030] =	vst v1  }
0x18: {  	[tilespmem:$0x1040] =	vst v1  }
0x19: {  	[tilespmem:$0x1050] =	vst v1  }
0x1a: {  	[tilespmem:$0x1060] =	vst v1  }
0x1b: {  	[tilespmem:$0x1070] =	vst v1  }
0x1c: {  	[tilespmem:$0x1080] =	vst v1  }
0x1d: {  	[tilespmem:$0x1090] =	vst v1  }
0x1e: {  	[tilespmem:$0x10A0] =	vst v1  }
0x1f: {  	[tilespmem:$0x10B0] =	vst v1  }
0x20: {  	[tilespmem:$0x10C0] =	vst v1  }
0x21: {  	[tilespmem:$0x10D0] =	vst v1  }
0x22: {  	[tilespmem:$0x10E0] =	vst v1  }
0x23: {  	[tilespmem:$0x10F0] =	vst v1  }
0x24: {  	[tilespmem:$0x1100] =	vst v1  }
0x25: {  	[tilespmem:$0x1110] =	vst v1  }
0x26: {  	[tilespmem:$0x1120] =	vst v1  }
0x27: {  	[tilespmem:$0x1130] =	vst v1  }
0x28: {  	[tilespmem:$0x1140] =	vst v1  }
0x29: {  	[tilespmem:$0x1150] =	vst v1  }
0x2a: {  	[tilespmem:$0x1160] =	vst v1  }
0x2b: {  	[tilespmem:$0x1170] =	vst v1  }
0x2c: {  	[tilespmem:$0x1180] =	vst v1  }
0x2d: {  	[tilespmem:$0x1190] =	vst v1  }
0x2e: {  	[tilespmem:$0x11A0] =	vst v1  }
0x2f: {  	[tilespmem:$0x11B0] =	vst v1  }
0x30: {  	[tilespmem:$0x11C0] =	vst v1  }
0x31: {  	[tilespmem:$0x11D0] =	vst v1  }
0x32: {  	[tilespmem:$0x11E0] =	vst v1  }
0x33: {  	[tilespmem:$0x11F0] =	vst v1  }
0x34: {  	[tilespmem:$0x1200] =	vst v1  }
0x35: {  	[tilespmem:$0x1210] =	vst v1  }
0x36: {  	[tilespmem:$0x1220] =	vst v1  }
0x37: {  	[tilespmem:$0x1230] =	vst v1  }
0x38: {  	[tilespmem:$0x1240] =	vst v1  }
0x39: {  	[tilespmem:$0x1250] =	vst v1  }
0x3a: {  	[tilespmem:$0x1260] =	vst v1  }
0x3b: {  	[spmem:s6] =	stream.linear.scatter [tilespmem:s11], [sflag:$0x2], $0x280, $0x38;
	[tilespmem:$0x14F0] =	vst v63  }
.Ltmp0:
0x3c: {  	_ =	swait.ge [sflag:s12], $0x280;
	(pc) =	sbr.rel .LBB2_2-.Ltmp0, $4  }
0x3d: {  	[sflag:s12] =	ssyncset.done $0x0  }
0x3e: {  	[sflag:s12] =	ssyncadd.s32 $0xFFFFFD80  }
0x3f: {  	[bflag:$0x0] =	sbarrier.arrive $0xFFFF  }
0x40: {  	s19 =	simm.s32 $0x0  }
.LBB2_6:
0x41: {  	_ =	swait.ge [sflag:s15], $0xFA0  }
0x42: {  	[sflag:s15] =	ssyncset.done $0x0  }
0x43: {  	[sflag:s15] =	ssyncadd.s32 $0xFFFFF060  }
.LBB2_7:
0x44: {  	s19 =	sadd.s32 $0x1, s19  }
.LBB2_2:
0x45: {  	p0 =	seq.s32 s19, $0x4;
	s20 =	sand.u32 $0x1, s19  }
0x46: {  	p1 =	sne.s32 @!p0 s20, s4  }
0x47: {  	p1 =	por p0, !p1  }
.Ltmp1:
0x48: {  	_ = 	snop;
	(pc) =	sbr.rel @!p1 .LBB2_7-.Ltmp1, $1  }
0x49: {  	_ =	sdelay $0x3  }
0x4a: {  	s20 =	smul.u32 $0xFA0, s19;
	_ =	sdelay $0x1  }
0x4b: {  	s20 =	sadd.s32 s7, s20  }
0x4c: {  	s21 =	simm.s32 $0x19;
	s20 =	sshrl.u32 s20, $0x3  }
0x4d: {  	s21 =	simm.s32 @!p0 $0x32;
	s20 =	sadd.s32 s5, s20  }
0x4e: {  	[tilespmem:s3], [sflag:$0x2] =	stream.linear.gather [hbm4b:s20+s3], $0xFA0, $0x38;
	[tilespmem:$0x14F0] =	vst v63  }
0x4f: {  	p1 =	sne.s32 s21, $0x1;
	s20 =	smov.u32 s8  }
.Ltmp2:
0x50: {  	s20 =	simm.s32 @!p0 $0x0;
	(pc) =	sbr.rel @!p1 .LBB2_5-.Ltmp2, $4  }
0x51: {  	_ =	swait.ge [sflag:s12], $0xFA0;
	s20 =	smul.u32 $0x140, s20  }
0x52: {  	[sflag:s12] =	ssyncset.done $0x0  }
0x53: {  	s21 =	sadd.s32 $0xFFFFFFFF, s21;
	[sflag:s12] =	ssyncadd.s32 $0xFFFFF060;
	s20 =	sshrl.u32 s20, $0x2  }
0x54: {  	[spmem:s2] =	stream.indirect.scatter.add.f32 [tilespmem:s14], [sflag:$0x1], $0x1, s20, s13, $0xb8;
	[tilespmem:$0x14F0] =	vst v63  }
.LBB2_4:
0x55: {  	p1 =	sne.s32 s21, $0x1  }
.Ltmp3:
0x56: {  	_ = 	snop;
	(pc) =	sbr.rel @p1 .LBB2_4-.Ltmp3, $3  }
0x57: {  	_ = 	snop  }
0x58: {  	s21 =	sadd.s32 $0xFFFFFFFF, s21;
	s20 =	sadd.s32 $0x50, s20;
	_ =	sdelay $0x1  }
0x59: {  	[spmem:s2] =	stream.indirect.scatter.add.f32 [tilespmem:s14], [sflag:$0x1], $0x1, s20, s13, $0xb8;
	[tilespmem:$0x14F0] =	vst v63  }
.LBB2_5:
.Ltmp4:
0x5a: {  	(pc) =	sbr.rel @!p0 .LBB2_6-.Ltmp4, $1  }
0x5b: {  	_ =	sdelay $0x3  }
0x5c: {  	_ =	swait.ge [sflag:s15], $0x7D0  }
0x5d: {  	s18 =	sadd.s32 $0x1, s18;
	[sflag:s15] =	ssyncset.done $0x0  }
0x5e: {  	p0 =	sne.s32 s18, s10;
	[sflag:s15] =	ssyncadd.s32 $0xFFFFF830  }
.Ltmp5:
0x5f: {  	[bflag:$0x0] =	sbarrier.arrive $0xFFFF;
	(pc) =	sbr.rel @p0 .LBB2_1-.Ltmp5, $4  }
0x60: {  	[hbm:s9], [sflag:s16] =	dma.local [spmem:s17], $0x50  }
0x61: {  	_ =	swait.ge [sflag:s12], $0x50  }
0x62: {  	[sflag:s12] =	ssyncset.done $0x0  }
0x63: {  	[sflag:s12] =	ssyncadd.s32 $0xFFFFFFB0  }
0x64: {  	_ =	sfence.sel $0x180000  }
0x65: {  	[bflag:$0x0] =	sbarrier.arrive $0xFFFF  }
0x66: {  	p0 =	sne.s32 s1, $0x0;
	_ =	strace $0x90000047  }
0x67: {  	s0 =	sadd.s32 @!p0 $0x100000, s0;
	[bflag:$0x2] =	sbarrier.arrive $0xFFFF  }
0x68: {  	[sflag:s0] =	ssyncadd.tile.s32 @!p0 $0x1;
	_ =	shalt  }
.Lfunc_end2:
_tile_overlayer_lowered:
.L_overlay_start_2:
0x69: {  	(tag) =	ssettag $0x2  }
0x6a: {  	s0 =	rddreg [dreg:$0x0];
	s2 =	stileid.u32  }
0x6b: {  	s1 =	rddreg [dreg:$0x1];
	p0 =	sne.s32 s2, $0x0  }
0x6c: {  	s3 =	rddreg [dreg:$0x2];
	[bflag:$0x3] =	sbarrier.arrive $0xFFFF;
	s2 =	simm.s32 @!p0 $0x1C02  }
0x6d: {  	[timem:s3], [sflag:s2] =	dma.local @!p0 [hbm:s0], s1  }
0x6e: {  	s0 =	simm.s32 @!p0 $0x2  }
0x6f: {  	_ =	swait.ge @!p0 [sflag:s0], s1  }
0x70: {  	s1 =	ssub.s32 @!p0 $0x0, s1;
	[sflag:s0] =	ssyncset.done @!p0 $0x0  }
0x71: {  	[sflag:s0] =	ssyncadd.s32 @!p0 s1  }
0x72: {  	[bflag:$0x3] =	sbarrier.arrive $0xFFFF  }
0x73: {  	_ =	shalt  }

</sc_bundles>
